<compile_context>
chip_gen: v7x
topology: tpu7x:2x2x1
jax: 0.10.2.dev20260603
libtpu: 0.0.44.dev20260713+nightly
codegen_flags: <defaults>
</compile_context>

<pallas_src>
import functools

import jax
import jax.numpy as jnp
from jax import lax
from jax.experimental import pallas as pl
from jax.experimental.pallas import tpu as pltpu
from jax.experimental.pallas import tpu_sc as plsc

N = 10000
NPAD = 10240
E = 320000
LANES = 128
CH = 160
GRP = 16
EPT = CH * LANES
EPAD = 16 * EPT
CHD = CH // 2
D = 128
DEGW = 128
DGRP = 8
DNG = CHD // DGRP
RPT = NPAD // 16
BLK = 256

@functools.cache
def _sc_kernels():
    mesh = plsc.VectorSubcoreMesh(
        core_axis_name="c", subcore_axis_name="s", num_cores=2, num_subcores=16
    )

    @functools.partial(
        pl.kernel,
        out_type=jax.ShapeDtypeStruct((2 * NPAD, DEGW), jnp.float32),
        mesh=mesh,
        scratch_types=[
            pltpu.VMEM((DGRP, LANES), jnp.int32),
            pltpu.VMEM((LANES, DEGW), jnp.float32),
            pltpu.VMEM_SHARED((NPAD, DEGW), jnp.float32),
            pltpu.SemaphoreType.DMA,
        ],
    )
    def sc_degree(dst_hbm, out_hbm, didx, ones_v, acc, ssem):
        c = lax.axis_index("c")
        s = lax.axis_index("s")

        def fill_zeros(i, _):
            ones_v[i // 8, pl.ds((i % 8) * 16, 16)] = jnp.zeros(
                (16,), jnp.float32
            )
            return 0

        lax.fori_loop(0, LANES * 8, fill_zeros, 0)
        for k in range(RPT // LANES):
            pltpu.sync_copy(ones_v, acc.at[pl.ds(s * RPT + k * LANES, LANES)])
        plsc.subcore_barrier()

        def fill_ones(i, _):
            ones_v[i // 8, pl.ds((i % 8) * 16, 16)] = jnp.full(
                (16,), 1.0, jnp.float32
            )
            return 0

        lax.fori_loop(0, LANES * 8, fill_ones, 0)

        def group(i, _):
            pltpu.sync_copy(
                dst_hbm.at[pl.ds(s * CH + c * CHD + i * DGRP, DGRP)], didx
            )
            descs = [
                pltpu.async_copy(ones_v, acc.at[didx.at[j]], ssem, add=True)
                for j in range(DGRP)
            ]
            for d in descs:
                d.wait()
            return 0

        lax.fori_loop(0, DNG, group, 0)
        plsc.subcore_barrier()
        for k in range(RPT // LANES):
            pltpu.sync_copy(
                acc.at[pl.ds(s * RPT + k * LANES, LANES)],
                out_hbm.at[pl.ds(c * NPAD + s * RPT + k * LANES, LANES)],
            )

    @functools.partial(
        pl.kernel,
        out_type=jax.ShapeDtypeStruct((2 * NPAD, D), jnp.float32),
        mesh=mesh,
        scratch_types=[
            pltpu.VMEM((GRP, LANES), jnp.int32),
            pltpu.VMEM((GRP, LANES), jnp.int32),
            pltpu.VMEM((LANES, D), jnp.float32),
            pltpu.VMEM((LANES, D), jnp.float32),
            pltpu.VMEM_SHARED((NPAD, D), jnp.float32),
            pltpu.SemaphoreType.DMA,
            pltpu.SemaphoreType.DMA,
            pltpu.SemaphoreType.DMA,
            pltpu.SemaphoreType.DMA,
            pltpu.SemaphoreType.DMA,
        ],
    )
    def sc_aggregate(table_hbm, src_hbm, dst_hbm, out_hbm,
                     sidx, didx, rbufa, rbufb, acc,
                     isem, gsema, gsemb, ssema, ssemb):
        c = lax.axis_index("c")
        s = lax.axis_index("s")
        w = c * 16 + s
        rbuf = (rbufa, rbufb)
        gsem = (gsema, gsemb)
        ssem = (ssema, ssemb)

        def fz(i, _):
            rbufa[i // 8, pl.ds((i % 8) * 16, 16)] = jnp.zeros(
                (16,), jnp.float32
            )
            return 0

        lax.fori_loop(0, LANES * 8, fz, 0)
        for k in range(RPT // LANES):
            pltpu.sync_copy(rbufa, acc.at[pl.ds(s * RPT + k * LANES, LANES)])
        plsc.subcore_barrier()

        ng = CH // GRP
        pltpu.async_copy(src_hbm.at[pl.ds(w * CH, GRP)], sidx, isem)
        pltpu.async_copy(dst_hbm.at[pl.ds(s * CH, GRP)], didx, isem)

        def group(i, _):
            pltpu.make_async_copy(
                src_hbm.at[pl.ds(0, GRP)], sidx, isem
            ).wait()
            pltpu.make_async_copy(
                dst_hbm.at[pl.ds(0, GRP)], didx, isem
            ).wait()
            nxt = lax.rem(i + 1, ng)
            gat = [None] * GRP
            sca = [None] * GRP
            gat[0] = pltpu.async_copy(table_hbm.at[sidx.at[0]], rbufa, gsema)
            gat[1] = pltpu.async_copy(table_hbm.at[sidx.at[1]], rbufb, gsemb)
            for j in range(GRP):
                b = j % 2
                gat[j].wait()
                if j == GRP - 1:
                    pltpu.async_copy(
                        src_hbm.at[pl.ds(w * CH + nxt * GRP, GRP)], sidx, isem
                    )
                sca[j] = pltpu.async_copy(
                    rbuf[b], acc.at[didx.at[j]], ssem[b], add=True
                )
                if j + 2 < GRP:
                    sca[j].wait()
                    gat[j + 2] = pltpu.async_copy(
                        table_hbm.at[sidx.at[j + 2]], rbuf[b], gsem[b]
                    )
            sca[GRP - 2].wait()
            sca[GRP - 1].wait()
            pltpu.async_copy(
                dst_hbm.at[pl.ds(s * CH + nxt * GRP, GRP)], didx, isem
            )
            return 0

        lax.fori_loop(0, ng, group, 0)
        pltpu.make_async_copy(src_hbm.at[pl.ds(0, GRP)], sidx, isem).wait()
        pltpu.make_async_copy(dst_hbm.at[pl.ds(0, GRP)], didx, isem).wait()
        plsc.subcore_barrier()
        for k in range(RPT // LANES):
            pltpu.sync_copy(
                acc.at[pl.ds(s * RPT + k * LANES, LANES)],
                out_hbm.at[pl.ds(c * NPAD + s * RPT + k * LANES, LANES)],
            )

    return sc_degree, sc_aggregate


def _tc1_body(x_ref, w_ref, deg_ref, out_ref):
    xw = jnp.dot(x_ref[...], w_ref[...], preferred_element_type=jnp.float32)
    deg = deg_ref[0] + deg_ref[1] + 1.0
    dinv = lax.rsqrt(deg)[:, 0:1]
    xs = xw * dinv
    out_ref[0] = xs[:, :D]
    out_ref[1] = xs[:, D:]


def _tc2_body(agg_ref, xs_ref, deg_ref, w_ref, b_ref, out_ref):
    a = jnp.concatenate(
        [agg_ref[0] + xs_ref[0], agg_ref[1] + xs_ref[1]], axis=1
    )
    deg = deg_ref[0] + deg_ref[1] + 1.0
    dinv = lax.rsqrt(deg)[:, 0:1]
    h = jnp.maximum(a * dinv + b_ref[...], 0.0)
    hw = jnp.dot(h, w_ref[...], preferred_element_type=jnp.float32)
    hs = hw * dinv
    out_ref[0] = hs[:, :D]
    out_ref[1] = hs[:, D:]


def _tc3_body(agg_ref, xs_ref, deg_ref, b_ref, wfc_ref, bfc_ref, out_ref):
    a = jnp.concatenate(
        [agg_ref[0] + xs_ref[0], agg_ref[1] + xs_ref[1]], axis=1
    )
    deg = deg_ref[0] + deg_ref[1] + 1.0
    dinv = lax.rsqrt(deg)[:, 0:1]
    h = jnp.maximum(a * dinv + b_ref[...], 0.0)
    out_ref[...] = (
        jnp.dot(h, wfc_ref[...], preferred_element_type=jnp.float32)
        + bfc_ref[...]
    )


_GRID = (NPAD // BLK,)


def _row_spec(shape):
    nd = len(shape)
    if nd == 2:
        return pl.BlockSpec((BLK, shape[1]), lambda i: (i, 0))
    return pl.BlockSpec((shape[0], BLK, shape[2]), lambda i: (0, i, 0))


def _full_spec(shape):
    return pl.BlockSpec(shape, lambda i: (0,) * len(shape))


def _tc1(xpad, W1, deg2):
    return pl.pallas_call(
        _tc1_body,
        grid=_GRID,
        in_specs=[
            _row_spec((NPAD, 128)),
            _full_spec((128, 256)),
            _row_spec((2, NPAD, DEGW)),
        ],
        out_specs=_row_spec((2, NPAD, D)),
        out_shape=jax.ShapeDtypeStruct((2, NPAD, D), jnp.float32),
    )(xpad, W1, deg2)


def _tc2(agg1, xw1s, deg2, W2, b1):
    return pl.pallas_call(
        _tc2_body,
        grid=_GRID,
        in_specs=[
            _row_spec((2, NPAD, D)),
            _row_spec((2, NPAD, D)),
            _row_spec((2, NPAD, DEGW)),
            _full_spec((256, 256)),
            _full_spec((1, 256)),
        ],
        out_specs=_row_spec((2, NPAD, D)),
        out_shape=jax.ShapeDtypeStruct((2, NPAD, D), jnp.float32),
    )(agg1, xw1s, deg2, W2, b1)


def _tc3(agg2, h1s, deg2, b2, Wfc, bfc):
    return pl.pallas_call(
        _tc3_body,
        grid=_GRID,
        in_specs=[
            _row_spec((2, NPAD, D)),
            _row_spec((2, NPAD, D)),
            _row_spec((2, NPAD, DEGW)),
            _full_spec((1, 256)),
            _full_spec((256, 128)),
            _full_spec((1, 128)),
        ],
        out_specs=_row_spec((NPAD, 128)),
        out_shape=jax.ShapeDtypeStruct((NPAD, 128), jnp.float32),
    )(agg2, h1s, deg2, b2, Wfc, bfc)


def kernel(x, edge_index, W1, b1, W2, b2, Wfc, bfc):
    src = edge_index[0].astype(jnp.int32)
    dst = edge_index[1].astype(jnp.int32)
    pad = EPAD - E
    srcp = jnp.concatenate([src, jnp.zeros((pad,), jnp.int32)])
    dstp = jnp.concatenate([dst, jnp.full((pad,), N, jnp.int32)])
    src2 = jnp.concatenate([srcp, srcp + NPAD]).reshape(32 * CH, LANES)
    dstf = dstp.reshape(16 * CH, LANES)
    xpad = jnp.pad(x, ((0, NPAD - N), (0, 0)))

    sc_degree, sc_aggregate = _sc_kernels()
    deg2 = sc_degree(dstf).reshape(2, NPAD, DEGW)
    xw1s = _tc1(xpad, W1, deg2)
    agg1 = sc_aggregate(xw1s.reshape(2 * NPAD, D), src2, dstf)
    h1s = _tc2(agg1.reshape(2, NPAD, D), xw1s, deg2, W2, b1.reshape(1, 256))
    agg2 = sc_aggregate(h1s.reshape(2 * NPAD, D), src2, dstf)
    out = _tc3(
        agg2.reshape(2, NPAD, D),
        h1s,
        deg2,
        b2.reshape(1, 256),
        Wfc,
        bfc.reshape(1, 128),
    )
    return out[:N]

# --- scband reference (transcript-rebuilt; emitter-appended) ---
"""Pipeline reference for scband-gnn-3539053052090 (READ-ONLY COPY).

The authoritative reference and input builder live on the scoring server;
editing this copy changes nothing except your own understanding.
"""

import jax, jax.numpy as jnp
import numpy as np

N_NODES = 10000
N_EDGES = 320000
IN_CH = 128
HID_CH = 256
OUT_CH = 128


def gcn_conv(x, src, dst, W, b, num_nodes):
    # x @ W first (PyG GCNConv applies linear before propagation)
    xw = x @ W
    # add self loops
    loop = jnp.arange(num_nodes, dtype=src.dtype)
    src_sl = jnp.concatenate([src, loop])
    dst_sl = jnp.concatenate([dst, loop])
    # symmetric normalization: deg computed on dst with self loops
    ones = jnp.ones_like(src_sl, dtype=xw.dtype)
    deg = jax.ops.segment_sum(ones, dst_sl, num_segments=num_nodes)
    deg_inv_sqrt = jnp.where(deg > 0, jax.lax.rsqrt(jnp.maximum(deg, 1e-12)), 0.0)
    norm = deg_inv_sqrt[src_sl] * deg_inv_sqrt[dst_sl]
    msg = xw[src_sl] * norm[:, None]
    out = jax.ops.segment_sum(msg, dst_sl, num_segments=num_nodes)
    return out + b


def setup_inputs(seed: int = 0) -> dict:
    key = jax.random.key(seed)
    k = jax.random.split(key, 8)
    x = jax.random.normal(k[0], (N_NODES, IN_CH), dtype=jnp.float32)
    edge_index = jax.random.randint(k[1], (2, N_EDGES), 0, N_NODES, dtype=jnp.int64)
    W1 = jax.random.normal(k[2], (IN_CH, HID_CH), dtype=jnp.float32) * (1.0 / np.sqrt(IN_CH))
    b1 = jnp.zeros((HID_CH,), dtype=jnp.float32)
    W2 = jax.random.normal(k[3], (HID_CH, HID_CH), dtype=jnp.float32) * (1.0 / np.sqrt(HID_CH))
    b2 = jnp.zeros((HID_CH,), dtype=jnp.float32)
    Wfc = jax.random.normal(k[4], (HID_CH, OUT_CH), dtype=jnp.float32) * (1.0 / np.sqrt(HID_CH))
    bfc = jnp.zeros((OUT_CH,), dtype=jnp.float32)
    return {"x": x, "edge_index": edge_index, "W1": W1, "b1": b1, "W2": W2, "b2": b2, "Wfc": Wfc, "bfc": bfc}


def reference(x, edge_index, W1, b1, W2, b2, Wfc, bfc):
    src = edge_index[0]
    dst = edge_index[1]
    h = gcn_conv(x, src, dst, W1, b1, N_NODES)
    h = jax.nn.relu(h)
    # dropout is identity in eval mode
    h = gcn_conv(h, src, dst, W2, b2, N_NODES)
    h = jax.nn.relu(h)
    out = h @ Wfc + bfc
    return out

if __name__ == "__main__":
    import jax
    _d = setup_inputs()
    print(jax.jit(kernel)(*tuple(_d.values())))

</pallas_src>

<mosaic_0001>
#map = affine_map<(d0, d1) -> (0, 0)>
module attributes {stable_mosaic.version = 14 : i64} {
  func.func @sc_degree(%arg0: i32, %arg1: i32, %arg2: memref<2560x128xi32, #tpu.memory_space<hbm>>, %arg3: memref<20480x128xf32, #tpu.memory_space<hbm>>, %arg4: memref<8x128xi32, #tpu.memory_space<vmem>>, %arg5: memref<128x128xf32, #tpu.memory_space<vmem>>, %arg6: memref<10240x128xf32, #tpu.memory_space<vmem_shared>>, %arg7: memref<!tpu.dma_semaphore, #tpu.memory_space<semaphore_mem>>) attributes {dimension_semantics = [#tpu.dimension_semantics<core_parallel>, #tpu.dimension_semantics<subcore_parallel>], iteration_bounds = array<i64: 2, 16>, scalar_prefetch = 0 : i64, scratch_operands = 4 : i64, tpu.core_type = #tpu.core_type<sc_vector_subcore>, window_params = [{transform_indices = #map}, {transform_indices = #map}]} {
    %scan3A = arith.constant 0 : i32
    %scan3A_0 = arith.constant 0 : i32
    %scan3A_1 = arith.constant 1024 : i32
    %scan3A_2 = arith.addi %scan3A_0, %scan3A_1 : i32
    %scan3A_3 = arith.constant 1 : i32
    %scan3A_4 = scf.for %scan3A_94 = %scan3A_0 to %scan3A_2 step %scan3A_3 iter_args(%scan3A_95 = %scan3A) -> (i32)  : i32 {
      %broadcast_in_dim3A = arith.constant 0.000000e+00 : f32
      %broadcast_in_dim3A_96 = vector.broadcast %broadcast_in_dim3A : f32 to vector<16xf32>
      %jit3A = arith.constant 8 : i32
      %div3A = arith.divsi %scan3A_94, %jit3A : i32
      %sign3A = arith.constant 0 : i32
      %sign3A_97 = arith.cmpi sgt, %scan3A_94, %sign3A : i32
      %sign3A_98 = arith.extui %sign3A_97 : i1 to i32
      %sign3A_99 = arith.constant 0 : i32
      %sign3A_100 = arith.cmpi slt, %scan3A_94, %sign3A_99 : i32
      %sign3A_101 = arith.extui %sign3A_100 : i1 to i32
      %sign3A_102 = arith.subi %sign3A_98, %sign3A_101 : i32
      %sign3A_103 = arith.constant 0 : i32
      %sign3A_104 = arith.cmpi sgt, %jit3A, %sign3A_103 : i32
      %sign3A_105 = arith.extui %sign3A_104 : i1 to i32
      %sign3A_106 = arith.constant 0 : i32
      %sign3A_107 = arith.cmpi slt, %jit3A, %sign3A_106 : i32
      %sign3A_108 = arith.extui %sign3A_107 : i1 to i32
      %sign3A_109 = arith.subi %sign3A_105, %sign3A_108 : i32
      %ne3A = arith.cmpi ne, %sign3A_102, %sign3A_109 : i32
      %rem3A = arith.remsi %scan3A_94, %jit3A : i32
      %ne3A_110 = arith.constant 0 : i32
      %ne3A_111 = arith.cmpi ne, %rem3A, %ne3A_110 : i32
      %and3A = arith.andi %ne3A, %ne3A_111 : i1
      %sub3A = arith.constant 1 : i32
      %sub3A_112 = arith.subi %div3A, %sub3A : i32
      %select_n3A = arith.select %and3A, %sub3A_112, %div3A : i32
      %jit3A_113 = arith.constant 8 : i32
      %eq3A = arith.constant 0 : i32
      %eq3A_114 = arith.cmpi eq, %jit3A_113, %eq3A : i32
      %jit3A_115 = arith.constant 1 : i32
      %select_n3A_116 = arith.select %eq3A_114, %jit3A_115, %jit3A_113 : i32
      %rem3A_117 = arith.remsi %scan3A_94, %select_n3A_116 : i32
      %ne3A_118 = arith.constant 0 : i32
      %ne3A_119 = arith.cmpi ne, %rem3A_117, %ne3A_118 : i32
      %lt3A = arith.constant 0 : i32
      %lt3A_120 = arith.cmpi slt, %rem3A_117, %lt3A : i32
      %lt3A_121 = arith.constant 0 : i32
      %lt3A_122 = arith.cmpi slt, %select_n3A_116, %lt3A_121 : i32
      %ne3A_123 = arith.xori %lt3A_120, %lt3A_122 : i1
      %and3A_124 = arith.andi %ne3A_123, %ne3A_119 : i1
      %add3A_125 = arith.addi %rem3A_117, %select_n3A_116 : i32
      %select_n3A_126 = arith.select %and3A_124, %add3A_125, %rem3A_117 : i32
      %mul3A_127 = arith.constant 16 : i32
      %mul3A_128 = arith.muli %select_n3A_126, %mul3A_127 : i32
      %swap3A = arith.index_cast %select_n3A : i32 to index
      %swap3A_129 = arith.index_cast %mul3A_128 : i32 to index
      %swap3A_130 = tpu.vector_load %arg5[%swap3A, %swap3A_129] {strides = array<i32>} : memref<128x128xf32, #tpu.memory_space<vmem>>, vector<1x16xf32>,
      %swap3A_131 = vector.shape_cast %swap3A_130 : vector<1x16xf32> to vector<16xf32>
      %swap3A_132 = vector.shape_cast %broadcast_in_dim3A_96 : vector<16xf32> to vector<1x16xf32>
      tpu.vector_store %arg5[%swap3A, %swap3A_129], %swap3A_132 {strides = array<i32>} : memref<128x128xf32, #tpu.memory_space<vmem>>, vector<1x16xf32>,
      %scan3A_133 = arith.constant 0 : i32
      scf.yield %scan3A_133 : i32
    }
    %scan3A_5 = arith.constant 1024 : i32
    %mul3A = arith.constant 640 : i32
    %mul3A_6 = arith.muli %arg1, %mul3A : i32
    %add3A = arith.constant 0 : i32
    %add3A_7 = arith.addi %mul3A_6, %add3A : i32
    "tpu.region"() ({
      %run_scoped3A = tpu.sem_alloc : memref<!tpu.dma_semaphore, #tpu.memory_space<semaphore_mem>>
      %dma_start3A = arith.constant 0 : i32
      %dma_start3A_94 = tpu.memref_slice %arg6[%add3A_7, %dma_start3A] : memref<10240x128xf32, #tpu.memory_space<vmem_shared>> -> memref<128x128xf32, #tpu.memory_space<vmem_shared>>
      %dma_start3A_95 = arith.constant 0 : i32
      %dma_start3A_96 = tpu.memref_slice %arg6[%add3A_7, %dma_start3A_95] : memref<10240x128xf32, #tpu.memory_space<vmem_shared>> -> memref<128x128xf32, #tpu.memory_space<vmem_shared>>
      tpu.enqueue_dma source(%arg5 : memref<128x128xf32, #tpu.memory_space<vmem>>) target(%dma_start3A_96 : memref<128x128xf32, #tpu.memory_space<vmem_shared>>) target_semaphore(%run_scoped3A : memref<!tpu.dma_semaphore, #tpu.memory_space<semaphore_mem>>)
      %dma_wait3A = arith.constant 0 : i32
      %dma_wait3A_97 = tpu.memref_slice %arg6[%add3A_7, %dma_wait3A] : memref<10240x128xf32, #tpu.memory_space<vmem_shared>> -> memref<128x128xf32, #tpu.memory_space<vmem_shared>>
      %dma_wait3A_98 = arith.constant 0 : i32
      %dma_wait3A_99 = tpu.memref_slice %arg6[%add3A_7, %dma_wait3A_98] : memref<10240x128xf32, #tpu.memory_space<vmem_shared>> -> memref<128x128xf32, #tpu.memory_space<vmem_shared>>
      tpu.wait_dma2 semaphore(%run_scoped3A : memref<!tpu.dma_semaphore, #tpu.memory_space<semaphore_mem>>) src(%arg5 : memref<128x128xf32, #tpu.memory_space<vmem>>) dst(%dma_wait3A_99 : memref<128x128xf32, #tpu.memory_space<vmem_shared>>)
      tpu.yield
    }) : () -> ()
    %mul3A_8 = arith.constant 640 : i32
    %mul3A_9 = arith.muli %arg1, %mul3A_8 : i32
    %add3A_10 = arith.constant 128 : i32
    %add3A_11 = arith.addi %mul3A_9, %add3A_10 : i32
    "tpu.region"() ({
      %run_scoped3A = tpu.sem_alloc : memref<!tpu.dma_semaphore, #tpu.memory_space<semaphore_mem>>
      %dma_start3A = arith.constant 0 : i32
      %dma_start3A_94 = tpu.memref_slice %arg6[%add3A_11, %dma_start3A] : memref<10240x128xf32, #tpu.memory_space<vmem_shared>> -> memref<128x128xf32, #tpu.memory_space<vmem_shared>>
      %dma_start3A_95 = arith.constant 0 : i32
      %dma_start3A_96 = tpu.memref_slice %arg6[%add3A_11, %dma_start3A_95] : memref<10240x128xf32, #tpu.memory_space<vmem_shared>> -> memref<128x128xf32, #tpu.memory_space<vmem_shared>>
      tpu.enqueue_dma source(%arg5 : memref<128x128xf32, #tpu.memory_space<vmem>>) target(%dma_start3A_96 : memref<128x128xf32, #tpu.memory_space<vmem_shared>>) target_semaphore(%run_scoped3A : memref<!tpu.dma_semaphore, #tpu.memory_space<semaphore_mem>>)
      %dma_wait3A = arith.constant 0 : i32
      %dma_wait3A_97 = tpu.memref_slice %arg6[%add3A_11, %dma_wait3A] : memref<10240x128xf32, #tpu.memory_space<vmem_shared>> -> memref<128x128xf32, #tpu.memory_space<vmem_shared>>
      %dma_wait3A_98 = arith.constant 0 : i32
      %dma_wait3A_99 = tpu.memref_slice %arg6[%add3A_11, %dma_wait3A_98] : memref<10240x128xf32, #tpu.memory_space<vmem_shared>> -> memref<128x128xf32, #tpu.memory_space<vmem_shared>>
      tpu.wait_dma2 semaphore(%run_scoped3A : memref<!tpu.dma_semaphore, #tpu.memory_space<semaphore_mem>>) src(%arg5 : memref<128x128xf32, #tpu.memory_space<vmem>>) dst(%dma_wait3A_99 : memref<128x128xf32, #tpu.memory_space<vmem_shared>>)
      tpu.yield
    }) : () -> ()
    %mul3A_12 = arith.constant 640 : i32
    %mul3A_13 = arith.muli %arg1, %mul3A_12 : i32
    %add3A_14 = arith.constant 256 : i32
    %add3A_15 = arith.addi %mul3A_13, %add3A_14 : i32
    "tpu.region"() ({
      %run_scoped3A = tpu.sem_alloc : memref<!tpu.dma_semaphore, #tpu.memory_space<semaphore_mem>>
      %dma_start3A = arith.constant 0 : i32
      %dma_start3A_94 = tpu.memref_slice %arg6[%add3A_15, %dma_start3A] : memref<10240x128xf32, #tpu.memory_space<vmem_shared>> -> memref<128x128xf32, #tpu.memory_space<vmem_shared>>
      %dma_start3A_95 = arith.constant 0 : i32
      %dma_start3A_96 = tpu.memref_slice %arg6[%add3A_15, %dma_start3A_95] : memref<10240x128xf32, #tpu.memory_space<vmem_shared>> -> memref<128x128xf32, #tpu.memory_space<vmem_shared>>
      tpu.enqueue_dma source(%arg5 : memref<128x128xf32, #tpu.memory_space<vmem>>) target(%dma_start3A_96 : memref<128x128xf32, #tpu.memory_space<vmem_shared>>) target_semaphore(%run_scoped3A : memref<!tpu.dma_semaphore, #tpu.memory_space<semaphore_mem>>)
      %dma_wait3A = arith.constant 0 : i32
      %dma_wait3A_97 = tpu.memref_slice %arg6[%add3A_15, %dma_wait3A] : memref<10240x128xf32, #tpu.memory_space<vmem_shared>> -> memref<128x128xf32, #tpu.memory_space<vmem_shared>>
      %dma_wait3A_98 = arith.constant 0 : i32
      %dma_wait3A_99 = tpu.memref_slice %arg6[%add3A_15, %dma_wait3A_98] : memref<10240x128xf32, #tpu.memory_space<vmem_shared>> -> memref<128x128xf32, #tpu.memory_space<vmem_shared>>
      tpu.wait_dma2 semaphore(%run_scoped3A : memref<!tpu.dma_semaphore, #tpu.memory_space<semaphore_mem>>) src(%arg5 : memref<128x128xf32, #tpu.memory_space<vmem>>) dst(%dma_wait3A_99 : memref<128x128xf32, #tpu.memory_space<vmem_shared>>)
      tpu.yield
    }) : () -> ()
    %mul3A_16 = arith.constant 640 : i32
    %mul3A_17 = arith.muli %arg1, %mul3A_16 : i32
    %add3A_18 = arith.constant 384 : i32
    %add3A_19 = arith.addi %mul3A_17, %add3A_18 : i32
    "tpu.region"() ({
      %run_scoped3A = tpu.sem_alloc : memref<!tpu.dma_semaphore, #tpu.memory_space<semaphore_mem>>
      %dma_start3A = arith.constant 0 : i32
      %dma_start3A_94 = tpu.memref_slice %arg6[%add3A_19, %dma_start3A] : memref<10240x128xf32, #tpu.memory_space<vmem_shared>> -> memref<128x128xf32, #tpu.memory_space<vmem_shared>>
      %dma_start3A_95 = arith.constant 0 : i32
      %dma_start3A_96 = tpu.memref_slice %arg6[%add3A_19, %dma_start3A_95] : memref<10240x128xf32, #tpu.memory_space<vmem_shared>> -> memref<128x128xf32, #tpu.memory_space<vmem_shared>>
      tpu.enqueue_dma source(%arg5 : memref<128x128xf32, #tpu.memory_space<vmem>>) target(%dma_start3A_96 : memref<128x128xf32, #tpu.memory_space<vmem_shared>>) target_semaphore(%run_scoped3A : memref<!tpu.dma_semaphore, #tpu.memory_space<semaphore_mem>>)
      %dma_wait3A = arith.constant 0 : i32
      %dma_wait3A_97 = tpu.memref_slice %arg6[%add3A_19, %dma_wait3A] : memref<10240x128xf32, #tpu.memory_space<vmem_shared>> -> memref<128x128xf32, #tpu.memory_space<vmem_shared>>
      %dma_wait3A_98 = arith.constant 0 : i32
      %dma_wait3A_99 = tpu.memref_slice %arg6[%add3A_19, %dma_wait3A_98] : memref<10240x128xf32, #tpu.memory_space<vmem_shared>> -> memref<128x128xf32, #tpu.memory_space<vmem_shared>>
      tpu.wait_dma2 semaphore(%run_scoped3A : memref<!tpu.dma_semaphore, #tpu.memory_space<semaphore_mem>>) src(%arg5 : memref<128x128xf32, #tpu.memory_space<vmem>>) dst(%dma_wait3A_99 : memref<128x128xf32, #tpu.memory_space<vmem_shared>>)
      tpu.yield
    }) : () -> ()
    %mul3A_20 = arith.constant 640 : i32
    %mul3A_21 = arith.muli %arg1, %mul3A_20 : i32
    %add3A_22 = arith.constant 512 : i32
    %add3A_23 = arith.addi %mul3A_21, %add3A_22 : i32
    "tpu.region"() ({
      %run_scoped3A = tpu.sem_alloc : memref<!tpu.dma_semaphore, #tpu.memory_space<semaphore_mem>>
      %dma_start3A = arith.constant 0 : i32
      %dma_start3A_94 = tpu.memref_slice %arg6[%add3A_23, %dma_start3A] : memref<10240x128xf32, #tpu.memory_space<vmem_shared>> -> memref<128x128xf32, #tpu.memory_space<vmem_shared>>
      %dma_start3A_95 = arith.constant 0 : i32
      %dma_start3A_96 = tpu.memref_slice %arg6[%add3A_23, %dma_start3A_95] : memref<10240x128xf32, #tpu.memory_space<vmem_shared>> -> memref<128x128xf32, #tpu.memory_space<vmem_shared>>
      tpu.enqueue_dma source(%arg5 : memref<128x128xf32, #tpu.memory_space<vmem>>) target(%dma_start3A_96 : memref<128x128xf32, #tpu.memory_space<vmem_shared>>) target_semaphore(%run_scoped3A : memref<!tpu.dma_semaphore, #tpu.memory_space<semaphore_mem>>)
      %dma_wait3A = arith.constant 0 : i32
      %dma_wait3A_97 = tpu.memref_slice %arg6[%add3A_23, %dma_wait3A] : memref<10240x128xf32, #tpu.memory_space<vmem_shared>> -> memref<128x128xf32, #tpu.memory_space<vmem_shared>>
      %dma_wait3A_98 = arith.constant 0 : i32
      %dma_wait3A_99 = tpu.memref_slice %arg6[%add3A_23, %dma_wait3A_98] : memref<10240x128xf32, #tpu.memory_space<vmem_shared>> -> memref<128x128xf32, #tpu.memory_space<vmem_shared>>
      tpu.wait_dma2 semaphore(%run_scoped3A : memref<!tpu.dma_semaphore, #tpu.memory_space<semaphore_mem>>) src(%arg5 : memref<128x128xf32, #tpu.memory_space<vmem>>) dst(%dma_wait3A_99 : memref<128x128xf32, #tpu.memory_space<vmem_shared>>)
      tpu.yield
    }) : () -> ()
    %barrier3A = arith.constant 0 : index
    tpu.barrier barrier_id(%barrier3A)
    %scan3A_24 = arith.constant 0 : i32
    %scan3A_25 = arith.constant 0 : i32
    %scan3A_26 = arith.constant 1024 : i32
    %scan3A_27 = arith.addi %scan3A_25, %scan3A_26 : i32
    %scan3A_28 = arith.constant 1 : i32
    %scan3A_29 = scf.for %scan3A_94 = %scan3A_25 to %scan3A_27 step %scan3A_28 iter_args(%scan3A_95 = %scan3A_24) -> (i32)  : i32 {
      %broadcast_in_dim3A = arith.constant 1.000000e+00 : f32
      %broadcast_in_dim3A_96 = vector.broadcast %broadcast_in_dim3A : f32 to vector<16xf32>
      %jit3A = arith.constant 8 : i32
      %div3A = arith.divsi %scan3A_94, %jit3A : i32
      %sign3A = arith.constant 0 : i32
      %sign3A_97 = arith.cmpi sgt, %scan3A_94, %sign3A : i32
      %sign3A_98 = arith.extui %sign3A_97 : i1 to i32
      %sign3A_99 = arith.constant 0 : i32
      %sign3A_100 = arith.cmpi slt, %scan3A_94, %sign3A_99 : i32
      %sign3A_101 = arith.extui %sign3A_100 : i1 to i32
      %sign3A_102 = arith.subi %sign3A_98, %sign3A_101 : i32
      %sign3A_103 = arith.constant 0 : i32
      %sign3A_104 = arith.cmpi sgt, %jit3A, %sign3A_103 : i32
      %sign3A_105 = arith.extui %sign3A_104 : i1 to i32
      %sign3A_106 = arith.constant 0 : i32
      %sign3A_107 = arith.cmpi slt, %jit3A, %sign3A_106 : i32
      %sign3A_108 = arith.extui %sign3A_107 : i1 to i32
      %sign3A_109 = arith.subi %sign3A_105, %sign3A_108 : i32
      %ne3A = arith.cmpi ne, %sign3A_102, %sign3A_109 : i32
      %rem3A = arith.remsi %scan3A_94, %jit3A : i32
      %ne3A_110 = arith.constant 0 : i32
      %ne3A_111 = arith.cmpi ne, %rem3A, %ne3A_110 : i32
      %and3A = arith.andi %ne3A, %ne3A_111 : i1
      %sub3A = arith.constant 1 : i32
      %sub3A_112 = arith.subi %div3A, %sub3A : i32
      %select_n3A = arith.select %and3A, %sub3A_112, %div3A : i32
      %jit3A_113 = arith.constant 8 : i32
      %eq3A = arith.constant 0 : i32
      %eq3A_114 = arith.cmpi eq, %jit3A_113, %eq3A : i32
      %jit3A_115 = arith.constant 1 : i32
      %select_n3A_116 = arith.select %eq3A_114, %jit3A_115, %jit3A_113 : i32
      %rem3A_117 = arith.remsi %scan3A_94, %select_n3A_116 : i32
      %ne3A_118 = arith.constant 0 : i32
      %ne3A_119 = arith.cmpi ne, %rem3A_117, %ne3A_118 : i32
      %lt3A = arith.constant 0 : i32
      %lt3A_120 = arith.cmpi slt, %rem3A_117, %lt3A : i32
      %lt3A_121 = arith.constant 0 : i32
      %lt3A_122 = arith.cmpi slt, %select_n3A_116, %lt3A_121 : i32
      %ne3A_123 = arith.xori %lt3A_120, %lt3A_122 : i1
      %and3A_124 = arith.andi %ne3A_123, %ne3A_119 : i1
      %add3A_125 = arith.addi %rem3A_117, %select_n3A_116 : i32
      %select_n3A_126 = arith.select %and3A_124, %add3A_125, %rem3A_117 : i32
      %mul3A_127 = arith.constant 16 : i32
      %mul3A_128 = arith.muli %select_n3A_126, %mul3A_127 : i32
      %swap3A = arith.index_cast %select_n3A : i32 to index
      %swap3A_129 = arith.index_cast %mul3A_128 : i32 to index
      %swap3A_130 = tpu.vector_load %arg5[%swap3A, %swap3A_129] {strides = array<i32>} : memref<128x128xf32, #tpu.memory_space<vmem>>, vector<1x16xf32>,
      %swap3A_131 = vector.shape_cast %swap3A_130 : vector<1x16xf32> to vector<16xf32>
      %swap3A_132 = vector.shape_cast %broadcast_in_dim3A_96 : vector<16xf32> to vector<1x16xf32>
      tpu.vector_store %arg5[%swap3A, %swap3A_129], %swap3A_132 {strides = array<i32>} : memref<128x128xf32, #tpu.memory_space<vmem>>, vector<1x16xf32>,
      %scan3A_133 = arith.constant 0 : i32
      scf.yield %scan3A_133 : i32
    }
    %scan3A_30 = arith.constant 1024 : i32
    %scan3A_31 = arith.constant 0 : i32
    %scan3A_32 = arith.constant 0 : i32
    %scan3A_33 = arith.constant 10 : i32
    %scan3A_34 = arith.addi %scan3A_32, %scan3A_33 : i32
    %scan3A_35 = arith.constant 1 : i32
    %scan3A_36 = scf.for %scan3A_94 = %scan3A_32 to %scan3A_34 step %scan3A_35 iter_args(%scan3A_95 = %scan3A_31) -> (i32)  : i32 {
      %mul3A_96 = arith.constant 160 : i32
      %mul3A_97 = arith.muli %arg1, %mul3A_96 : i32
      %mul3A_98 = arith.constant 80 : i32
      %mul3A_99 = arith.muli %arg0, %mul3A_98 : i32
      %add3A_100 = arith.addi %mul3A_97, %mul3A_99 : i32
      %mul3A_101 = arith.constant 8 : i32
      %mul3A_102 = arith.muli %scan3A_94, %mul3A_101 : i32
      %add3A_103 = arith.addi %add3A_100, %mul3A_102 : i32
      "tpu.region"() ({
        %run_scoped3A = tpu.sem_alloc : memref<!tpu.dma_semaphore, #tpu.memory_space<semaphore_mem>>
        %dma_start3A_215 = arith.constant 0 : i32
        %dma_start3A_216 = tpu.memref_slice %arg2[%add3A_103, %dma_start3A_215] : memref<2560x128xi32, #tpu.memory_space<hbm>> -> memref<8x128xi32, #tpu.memory_space<hbm>>
        %dma_start3A_217 = arith.constant 0 : i32
        %dma_start3A_218 = tpu.memref_slice %arg2[%add3A_103, %dma_start3A_217] : memref<2560x128xi32, #tpu.memory_space<hbm>> -> memref<8x128xi32, #tpu.memory_space<hbm>>
        tpu.enqueue_dma source(%dma_start3A_218 : memref<8x128xi32, #tpu.memory_space<hbm>>) target(%arg4 : memref<8x128xi32, #tpu.memory_space<vmem>>) target_semaphore(%run_scoped3A : memref<!tpu.dma_semaphore, #tpu.memory_space<semaphore_mem>>)
        %dma_wait3A_219 = arith.constant 0 : i32
        %dma_wait3A_220 = tpu.memref_slice %arg2[%add3A_103, %dma_wait3A_219] : memref<2560x128xi32, #tpu.memory_space<hbm>> -> memref<8x128xi32, #tpu.memory_space<hbm>>
        %dma_wait3A_221 = arith.constant 0 : i32
        %dma_wait3A_222 = tpu.memref_slice %arg2[%add3A_103, %dma_wait3A_221] : memref<2560x128xi32, #tpu.memory_space<hbm>> -> memref<8x128xi32, #tpu.memory_space<hbm>>
        tpu.wait_dma2 semaphore(%run_scoped3A : memref<!tpu.dma_semaphore, #tpu.memory_space<semaphore_mem>>) src(%dma_wait3A_222 : memref<8x128xi32, #tpu.memory_space<hbm>>) dst(%arg4 : memref<8x128xi32, #tpu.memory_space<vmem>>)
        tpu.yield
      }) : () -> ()
      %dma_start3A = arith.constant 0 : i32
      %dma_start3A_104 = arith.constant 0 : i32
      %dma_start3A_105 = tpu.memref_slice %arg4[%dma_start3A, %dma_start3A_104] : memref<8x128xi32, #tpu.memory_space<vmem>> -> memref<1x128xi32, #tpu.memory_space<vmem>>
      %dma_start3A_106 = tpu.memref_squeeze %dma_start3A_105 : memref<1x128xi32, #tpu.memory_space<vmem>> -> memref<128xi32, #tpu.memory_space<vmem>>
      %dma_start3A_107 = arith.constant 0 : i32
      %dma_start3A_108 = arith.constant 0 : i32
      %dma_start3A_109 = tpu.memref_slice %arg6[%dma_start3A_107, %dma_start3A_108] : memref<10240x128xf32, #tpu.memory_space<vmem_shared>> -> memref<10240x128xf32, #tpu.memory_space<vmem_shared>>
      tpu.enqueue_indirect_dma source(%arg5 : memref<128x128xf32, #tpu.memory_space<vmem>>) target(%dma_start3A_109 : memref<10240x128xf32, #tpu.memory_space<vmem_shared>>) offsets(%dma_start3A_106 : memref<128xi32, #tpu.memory_space<vmem>>) semaphore(%arg7 : memref<!tpu.dma_semaphore, #tpu.memory_space<semaphore_mem>>) {add = true}
      %dma_start3A_110 = arith.constant 1 : i32
      %dma_start3A_111 = arith.constant 0 : i32
      %dma_start3A_112 = tpu.memref_slice %arg4[%dma_start3A_110, %dma_start3A_111] : memref<8x128xi32, #tpu.memory_space<vmem>> -> memref<1x128xi32, #tpu.memory_space<vmem>>
      %dma_start3A_113 = tpu.memref_squeeze %dma_start3A_112 : memref<1x128xi32, #tpu.memory_space<vmem>> -> memref<128xi32, #tpu.memory_space<vmem>>
      %dma_start3A_114 = arith.constant 0 : i32
      %dma_start3A_115 = arith.constant 0 : i32
      %dma_start3A_116 = tpu.memref_slice %arg6[%dma_start3A_114, %dma_start3A_115] : memref<10240x128xf32, #tpu.memory_space<vmem_shared>> -> memref<10240x128xf32, #tpu.memory_space<vmem_shared>>
      tpu.enqueue_indirect_dma source(%arg5 : memref<128x128xf32, #tpu.memory_space<vmem>>) target(%dma_start3A_116 : memref<10240x128xf32, #tpu.memory_space<vmem_shared>>) offsets(%dma_start3A_113 : memref<128xi32, #tpu.memory_space<vmem>>) semaphore(%arg7 : memref<!tpu.dma_semaphore, #tpu.memory_space<semaphore_mem>>) {add = true}
      %dma_start3A_117 = arith.constant 2 : i32
      %dma_start3A_118 = arith.constant 0 : i32
      %dma_start3A_119 = tpu.memref_slice %arg4[%dma_start3A_117, %dma_start3A_118] : memref<8x128xi32, #tpu.memory_space<vmem>> -> memref<1x128xi32, #tpu.memory_space<vmem>>
      %dma_start3A_120 = tpu.memref_squeeze %dma_start3A_119 : memref<1x128xi32, #tpu.memory_space<vmem>> -> memref<128xi32, #tpu.memory_space<vmem>>
      %dma_start3A_121 = arith.constant 0 : i32
      %dma_start3A_122 = arith.constant 0 : i32
      %dma_start3A_123 = tpu.memref_slice %arg6[%dma_start3A_121, %dma_start3A_122] : memref<10240x128xf32, #tpu.memory_space<vmem_shared>> -> memref<10240x128xf32, #tpu.memory_space<vmem_shared>>
      tpu.enqueue_indirect_dma source(%arg5 : memref<128x128xf32, #tpu.memory_space<vmem>>) target(%dma_start3A_123 : memref<10240x128xf32, #tpu.memory_space<vmem_shared>>) offsets(%dma_start3A_120 : memref<128xi32, #tpu.memory_space<vmem>>) semaphore(%arg7 : memref<!tpu.dma_semaphore, #tpu.memory_space<semaphore_mem>>) {add = true}
      %dma_start3A_124 = arith.constant 3 : i32
      %dma_start3A_125 = arith.constant 0 : i32
      %dma_start3A_126 = tpu.memref_slice %arg4[%dma_start3A_124, %dma_start3A_125] : memref<8x128xi32, #tpu.memory_space<vmem>> -> memref<1x128xi32, #tpu.memory_space<vmem>>
      %dma_start3A_127 = tpu.memref_squeeze %dma_start3A_126 : memref<1x128xi32, #tpu.memory_space<vmem>> -> memref<128xi32, #tpu.memory_space<vmem>>
      %dma_start3A_128 = arith.constant 0 : i32
      %dma_start3A_129 = arith.constant 0 : i32
      %dma_start3A_130 = tpu.memref_slice %arg6[%dma_start3A_128, %dma_start3A_129] : memref<10240x128xf32, #tpu.memory_space<vmem_shared>> -> memref<10240x128xf32, #tpu.memory_space<vmem_shared>>
      tpu.enqueue_indirect_dma source(%arg5 : memref<128x128xf32, #tpu.memory_space<vmem>>) target(%dma_start3A_130 : memref<10240x128xf32, #tpu.memory_space<vmem_shared>>) offsets(%dma_start3A_127 : memref<128xi32, #tpu.memory_space<vmem>>) semaphore(%arg7 : memref<!tpu.dma_semaphore, #tpu.memory_space<semaphore_mem>>) {add = true}
      %dma_start3A_131 = arith.constant 4 : i32
      %dma_start3A_132 = arith.constant 0 : i32
      %dma_start3A_133 = tpu.memref_slice %arg4[%dma_start3A_131, %dma_start3A_132] : memref<8x128xi32, #tpu.memory_space<vmem>> -> memref<1x128xi32, #tpu.memory_space<vmem>>
      %dma_start3A_134 = tpu.memref_squeeze %dma_start3A_133 : memref<1x128xi32, #tpu.memory_space<vmem>> -> memref<128xi32, #tpu.memory_space<vmem>>
      %dma_start3A_135 = arith.constant 0 : i32
      %dma_start3A_136 = arith.constant 0 : i32
      %dma_start3A_137 = tpu.memref_slice %arg6[%dma_start3A_135, %dma_start3A_136] : memref<10240x128xf32, #tpu.memory_space<vmem_shared>> -> memref<10240x128xf32, #tpu.memory_space<vmem_shared>>
      tpu.enqueue_indirect_dma source(%arg5 : memref<128x128xf32, #tpu.memory_space<vmem>>) target(%dma_start3A_137 : memref<10240x128xf32, #tpu.memory_space<vmem_shared>>) offsets(%dma_start3A_134 : memref<128xi32, #tpu.memory_space<vmem>>) semaphore(%arg7 : memref<!tpu.dma_semaphore, #tpu.memory_space<semaphore_mem>>) {add = true}
      %dma_start3A_138 = arith.constant 5 : i32
      %dma_start3A_139 = arith.constant 0 : i32
      %dma_start3A_140 = tpu.memref_slice %arg4[%dma_start3A_138, %dma_start3A_139] : memref<8x128xi32, #tpu.memory_space<vmem>> -> memref<1x128xi32, #tpu.memory_space<vmem>>
      %dma_start3A_141 = tpu.memref_squeeze %dma_start3A_140 : memref<1x128xi32, #tpu.memory_space<vmem>> -> memref<128xi32, #tpu.memory_space<vmem>>
      %dma_start3A_142 = arith.constant 0 : i32
      %dma_start3A_143 = arith.constant 0 : i32
      %dma_start3A_144 = tpu.memref_slice %arg6[%dma_start3A_142, %dma_start3A_143] : memref<10240x128xf32, #tpu.memory_space<vmem_shared>> -> memref<10240x128xf32, #tpu.memory_space<vmem_shared>>
      tpu.enqueue_indirect_dma source(%arg5 : memref<128x128xf32, #tpu.memory_space<vmem>>) target(%dma_start3A_144 : memref<10240x128xf32, #tpu.memory_space<vmem_shared>>) offsets(%dma_start3A_141 : memref<128xi32, #tpu.memory_space<vmem>>) semaphore(%arg7 : memref<!tpu.dma_semaphore, #tpu.memory_space<semaphore_mem>>) {add = true}
      %dma_start3A_145 = arith.constant 6 : i32
      %dma_start3A_146 = arith.constant 0 : i32
      %dma_start3A_147 = tpu.memref_slice %arg4[%dma_start3A_145, %dma_start3A_146] : memref<8x128xi32, #tpu.memory_space<vmem>> -> memref<1x128xi32, #tpu.memory_space<vmem>>
      %dma_start3A_148 = tpu.memref_squeeze %dma_start3A_147 : memref<1x128xi32, #tpu.memory_space<vmem>> -> memref<128xi32, #tpu.memory_space<vmem>>
      %dma_start3A_149 = arith.constant 0 : i32
      %dma_start3A_150 = arith.constant 0 : i32
      %dma_start3A_151 = tpu.memref_slice %arg6[%dma_start3A_149, %dma_start3A_150] : memref<10240x128xf32, #tpu.memory_space<vmem_shared>> -> memref<10240x128xf32, #tpu.memory_space<vmem_shared>>
      tpu.enqueue_indirect_dma source(%arg5 : memref<128x128xf32, #tpu.memory_space<vmem>>) target(%dma_start3A_151 : memref<10240x128xf32, #tpu.memory_space<vmem_shared>>) offsets(%dma_start3A_148 : memref<128xi32, #tpu.memory_space<vmem>>) semaphore(%arg7 : memref<!tpu.dma_semaphore, #tpu.memory_space<semaphore_mem>>) {add = true}
      %dma_start3A_152 = arith.constant 7 : i32
      %dma_start3A_153 = arith.constant 0 : i32
      %dma_start3A_154 = tpu.memref_slice %arg4[%dma_start3A_152, %dma_start3A_153] : memref<8x128xi32, #tpu.memory_space<vmem>> -> memref<1x128xi32, #tpu.memory_space<vmem>>
      %dma_start3A_155 = tpu.memref_squeeze %dma_start3A_154 : memref<1x128xi32, #tpu.memory_space<vmem>> -> memref<128xi32, #tpu.memory_space<vmem>>
      %dma_start3A_156 = arith.constant 0 : i32
      %dma_start3A_157 = arith.constant 0 : i32
      %dma_start3A_158 = tpu.memref_slice %arg6[%dma_start3A_156, %dma_start3A_157] : memref<10240x128xf32, #tpu.memory_space<vmem_shared>> -> memref<10240x128xf32, #tpu.memory_space<vmem_shared>>
      tpu.enqueue_indirect_dma source(%arg5 : memref<128x128xf32, #tpu.memory_space<vmem>>) target(%dma_start3A_158 : memref<10240x128xf32, #tpu.memory_space<vmem_shared>>) offsets(%dma_start3A_155 : memref<128xi32, #tpu.memory_space<vmem>>) semaphore(%arg7 : memref<!tpu.dma_semaphore, #tpu.memory_space<semaphore_mem>>) {add = true}
      %dma_wait3A = arith.constant 0 : i32
      %dma_wait3A_159 = arith.constant 0 : i32
      %dma_wait3A_160 = tpu.memref_slice %arg4[%dma_wait3A, %dma_wait3A_159] : memref<8x128xi32, #tpu.memory_space<vmem>> -> memref<1x128xi32, #tpu.memory_space<vmem>>
      %dma_wait3A_161 = tpu.memref_squeeze %dma_wait3A_160 : memref<1x128xi32, #tpu.memory_space<vmem>> -> memref<128xi32, #tpu.memory_space<vmem>>
      %dma_wait3A_162 = arith.constant 0 : i32
      %dma_wait3A_163 = arith.constant 0 : i32
      %dma_wait3A_164 = tpu.memref_slice %arg6[%dma_wait3A_162, %dma_wait3A_163] : memref<10240x128xf32, #tpu.memory_space<vmem_shared>> -> memref<10240x128xf32, #tpu.memory_space<vmem_shared>>
      tpu.wait_indirect_dma semaphore(%arg7 : memref<!tpu.dma_semaphore, #tpu.memory_space<semaphore_mem>>) src(%arg5 : memref<128x128xf32, #tpu.memory_space<vmem>>) dst(%dma_wait3A_164 : memref<10240x128xf32, #tpu.memory_space<vmem_shared>>)
      %dma_wait3A_165 = arith.constant 1 : i32
      %dma_wait3A_166 = arith.constant 0 : i32
      %dma_wait3A_167 = tpu.memref_slice %arg4[%dma_wait3A_165, %dma_wait3A_166] : memref<8x128xi32, #tpu.memory_space<vmem>> -> memref<1x128xi32, #tpu.memory_space<vmem>>
      %dma_wait3A_168 = tpu.memref_squeeze %dma_wait3A_167 : memref<1x128xi32, #tpu.memory_space<vmem>> -> memref<128xi32, #tpu.memory_space<vmem>>
      %dma_wait3A_169 = arith.constant 0 : i32
      %dma_wait3A_170 = arith.constant 0 : i32
      %dma_wait3A_171 = tpu.memref_slice %arg6[%dma_wait3A_169, %dma_wait3A_170] : memref<10240x128xf32, #tpu.memory_space<vmem_shared>> -> memref<10240x128xf32, #tpu.memory_space<vmem_shared>>
      tpu.wait_indirect_dma semaphore(%arg7 : memref<!tpu.dma_semaphore, #tpu.memory_space<semaphore_mem>>) src(%arg5 : memref<128x128xf32, #tpu.memory_space<vmem>>) dst(%dma_wait3A_171 : memref<10240x128xf32, #tpu.memory_space<vmem_shared>>)
      %dma_wait3A_172 = arith.constant 2 : i32
      %dma_wait3A_173 = arith.constant 0 : i32
      %dma_wait3A_174 = tpu.memref_slice %arg4[%dma_wait3A_172, %dma_wait3A_173] : memref<8x128xi32, #tpu.memory_space<vmem>> -> memref<1x128xi32, #tpu.memory_space<vmem>>
      %dma_wait3A_175 = tpu.memref_squeeze %dma_wait3A_174 : memref<1x128xi32, #tpu.memory_space<vmem>> -> memref<128xi32, #tpu.memory_space<vmem>>
      %dma_wait3A_176 = arith.constant 0 : i32
      %dma_wait3A_177 = arith.constant 0 : i32
      %dma_wait3A_178 = tpu.memref_slice %arg6[%dma_wait3A_176, %dma_wait3A_177] : memref<10240x128xf32, #tpu.memory_space<vmem_shared>> -> memref<10240x128xf32, #tpu.memory_space<vmem_shared>>
      tpu.wait_indirect_dma semaphore(%arg7 : memref<!tpu.dma_semaphore, #tpu.memory_space<semaphore_mem>>) src(%arg5 : memref<128x128xf32, #tpu.memory_space<vmem>>) dst(%dma_wait3A_178 : memref<10240x128xf32, #tpu.memory_space<vmem_shared>>)
      %dma_wait3A_179 = arith.constant 3 : i32
      %dma_wait3A_180 = arith.constant 0 : i32
      %dma_wait3A_181 = tpu.memref_slice %arg4[%dma_wait3A_179, %dma_wait3A_180] : memref<8x128xi32, #tpu.memory_space<vmem>> -> memref<1x128xi32, #tpu.memory_space<vmem>>
      %dma_wait3A_182 = tpu.memref_squeeze %dma_wait3A_181 : memref<1x128xi32, #tpu.memory_space<vmem>> -> memref<128xi32, #tpu.memory_space<vmem>>
      %dma_wait3A_183 = arith.constant 0 : i32
      %dma_wait3A_184 = arith.constant 0 : i32
      %dma_wait3A_185 = tpu.memref_slice %arg6[%dma_wait3A_183, %dma_wait3A_184] : memref<10240x128xf32, #tpu.memory_space<vmem_shared>> -> memref<10240x128xf32, #tpu.memory_space<vmem_shared>>
      tpu.wait_indirect_dma semaphore(%arg7 : memref<!tpu.dma_semaphore, #tpu.memory_space<semaphore_mem>>) src(%arg5 : memref<128x128xf32, #tpu.memory_space<vmem>>) dst(%dma_wait3A_185 : memref<10240x128xf32, #tpu.memory_space<vmem_shared>>)
      %dma_wait3A_186 = arith.constant 4 : i32
      %dma_wait3A_187 = arith.constant 0 : i32
      %dma_wait3A_188 = tpu.memref_slice %arg4[%dma_wait3A_186, %dma_wait3A_187] : memref<8x128xi32, #tpu.memory_space<vmem>> -> memref<1x128xi32, #tpu.memory_space<vmem>>
      %dma_wait3A_189 = tpu.memref_squeeze %dma_wait3A_188 : memref<1x128xi32, #tpu.memory_space<vmem>> -> memref<128xi32, #tpu.memory_space<vmem>>
      %dma_wait3A_190 = arith.constant 0 : i32
      %dma_wait3A_191 = arith.constant 0 : i32
      %dma_wait3A_192 = tpu.memref_slice %arg6[%dma_wait3A_190, %dma_wait3A_191] : memref<10240x128xf32, #tpu.memory_space<vmem_shared>> -> memref<10240x128xf32, #tpu.memory_space<vmem_shared>>
      tpu.wait_indirect_dma semaphore(%arg7 : memref<!tpu.dma_semaphore, #tpu.memory_space<semaphore_mem>>) src(%arg5 : memref<128x128xf32, #tpu.memory_space<vmem>>) dst(%dma_wait3A_192 : memref<10240x128xf32, #tpu.memory_space<vmem_shared>>)
      %dma_wait3A_193 = arith.constant 5 : i32
      %dma_wait3A_194 = arith.constant 0 : i32
      %dma_wait3A_195 = tpu.memref_slice %arg4[%dma_wait3A_193, %dma_wait3A_194] : memref<8x128xi32, #tpu.memory_space<vmem>> -> memref<1x128xi32, #tpu.memory_space<vmem>>
      %dma_wait3A_196 = tpu.memref_squeeze %dma_wait3A_195 : memref<1x128xi32, #tpu.memory_space<vmem>> -> memref<128xi32, #tpu.memory_space<vmem>>
      %dma_wait3A_197 = arith.constant 0 : i32
      %dma_wait3A_198 = arith.constant 0 : i32
      %dma_wait3A_199 = tpu.memref_slice %arg6[%dma_wait3A_197, %dma_wait3A_198] : memref<10240x128xf32, #tpu.memory_space<vmem_shared>> -> memref<10240x128xf32, #tpu.memory_space<vmem_shared>>
      tpu.wait_indirect_dma semaphore(%arg7 : memref<!tpu.dma_semaphore, #tpu.memory_space<semaphore_mem>>) src(%arg5 : memref<128x128xf32, #tpu.memory_space<vmem>>) dst(%dma_wait3A_199 : memref<10240x128xf32, #tpu.memory_space<vmem_shared>>)
      %dma_wait3A_200 = arith.constant 6 : i32
      %dma_wait3A_201 = arith.constant 0 : i32
      %dma_wait3A_202 = tpu.memref_slice %arg4[%dma_wait3A_200, %dma_wait3A_201] : memref<8x128xi32, #tpu.memory_space<vmem>> -> memref<1x128xi32, #tpu.memory_space<vmem>>
      %dma_wait3A_203 = tpu.memref_squeeze %dma_wait3A_202 : memref<1x128xi32, #tpu.memory_space<vmem>> -> memref<128xi32, #tpu.memory_space<vmem>>
      %dma_wait3A_204 = arith.constant 0 : i32
      %dma_wait3A_205 = arith.constant 0 : i32
      %dma_wait3A_206 = tpu.memref_slice %arg6[%dma_wait3A_204, %dma_wait3A_205] : memref<10240x128xf32, #tpu.memory_space<vmem_shared>> -> memref<10240x128xf32, #tpu.memory_space<vmem_shared>>
      tpu.wait_indirect_dma semaphore(%arg7 : memref<!tpu.dma_semaphore, #tpu.memory_space<semaphore_mem>>) src(%arg5 : memref<128x128xf32, #tpu.memory_space<vmem>>) dst(%dma_wait3A_206 : memref<10240x128xf32, #tpu.memory_space<vmem_shared>>)
      %dma_wait3A_207 = arith.constant 7 : i32
      %dma_wait3A_208 = arith.constant 0 : i32
      %dma_wait3A_209 = tpu.memref_slice %arg4[%dma_wait3A_207, %dma_wait3A_208] : memref<8x128xi32, #tpu.memory_space<vmem>> -> memref<1x128xi32, #tpu.memory_space<vmem>>
      %dma_wait3A_210 = tpu.memref_squeeze %dma_wait3A_209 : memref<1x128xi32, #tpu.memory_space<vmem>> -> memref<128xi32, #tpu.memory_space<vmem>>
      %dma_wait3A_211 = arith.constant 0 : i32
      %dma_wait3A_212 = arith.constant 0 : i32
      %dma_wait3A_213 = tpu.memref_slice %arg6[%dma_wait3A_211, %dma_wait3A_212] : memref<10240x128xf32, #tpu.memory_space<vmem_shared>> -> memref<10240x128xf32, #tpu.memory_space<vmem_shared>>
      tpu.wait_indirect_dma semaphore(%arg7 : memref<!tpu.dma_semaphore, #tpu.memory_space<semaphore_mem>>) src(%arg5 : memref<128x128xf32, #tpu.memory_space<vmem>>) dst(%dma_wait3A_213 : memref<10240x128xf32, #tpu.memory_space<vmem_shared>>)
      %scan3A_214 = arith.constant 0 : i32
      scf.yield %scan3A_214 : i32
    }
    %scan3A_37 = arith.constant 10 : i32
    %barrier3A_38 = arith.constant 0 : index
    tpu.barrier barrier_id(%barrier3A_38)
    %mul3A_39 = arith.constant 640 : i32
    %mul3A_40 = arith.muli %arg1, %mul3A_39 : i32
    %add3A_41 = arith.constant 0 : i32
    %add3A_42 = arith.addi %mul3A_40, %add3A_41 : i32
    %mul3A_43 = arith.constant 10240 : i32
    %mul3A_44 = arith.muli %arg0, %mul3A_43 : i32
    %mul3A_45 = arith.constant 640 : i32
    %mul3A_46 = arith.muli %arg1, %mul3A_45 : i32
    %add3A_47 = arith.addi %mul3A_44, %mul3A_46 : i32
    %add3A_48 = arith.constant 0 : i32
    %add3A_49 = arith.addi %add3A_47, %add3A_48 : i32
    "tpu.region"() ({
      %run_scoped3A = tpu.sem_alloc : memref<!tpu.dma_semaphore, #tpu.memory_space<semaphore_mem>>
      %dma_start3A = arith.constant 0 : i32
      %dma_start3A_94 = tpu.memref_slice %arg3[%add3A_49, %dma_start3A] : memref<20480x128xf32, #tpu.memory_space<hbm>> -> memref<128x128xf32, #tpu.memory_space<hbm>>
      %dma_start3A_95 = arith.constant 0 : i32
      %dma_start3A_96 = tpu.memref_slice %arg6[%add3A_42, %dma_start3A_95] : memref<10240x128xf32, #tpu.memory_space<vmem_shared>> -> memref<128x128xf32, #tpu.memory_space<vmem_shared>>
      tpu.enqueue_dma source(%dma_start3A_96 : memref<128x128xf32, #tpu.memory_space<vmem_shared>>) target(%dma_start3A_94 : memref<128x128xf32, #tpu.memory_space<hbm>>) target_semaphore(%run_scoped3A : memref<!tpu.dma_semaphore, #tpu.memory_space<semaphore_mem>>)
      %dma_wait3A = arith.constant 0 : i32
      %dma_wait3A_97 = tpu.memref_slice %arg3[%add3A_49, %dma_wait3A] : memref<20480x128xf32, #tpu.memory_space<hbm>> -> memref<128x128xf32, #tpu.memory_space<hbm>>
      %dma_wait3A_98 = arith.constant 0 : i32
      %dma_wait3A_99 = tpu.memref_slice %arg6[%add3A_42, %dma_wait3A_98] : memref<10240x128xf32, #tpu.memory_space<vmem_shared>> -> memref<128x128xf32, #tpu.memory_space<vmem_shared>>
      tpu.wait_dma2 semaphore(%run_scoped3A : memref<!tpu.dma_semaphore, #tpu.memory_space<semaphore_mem>>) src(%dma_wait3A_99 : memref<128x128xf32, #tpu.memory_space<vmem_shared>>) dst(%dma_wait3A_97 : memref<128x128xf32, #tpu.memory_space<hbm>>)
      tpu.yield
    }) : () -> ()
    %mul3A_50 = arith.constant 640 : i32
    %mul3A_51 = arith.muli %arg1, %mul3A_50 : i32
    %add3A_52 = arith.constant 128 : i32
    %add3A_53 = arith.addi %mul3A_51, %add3A_52 : i32
    %mul3A_54 = arith.constant 10240 : i32
    %mul3A_55 = arith.muli %arg0, %mul3A_54 : i32
    %mul3A_56 = arith.constant 640 : i32
    %mul3A_57 = arith.muli %arg1, %mul3A_56 : i32
    %add3A_58 = arith.addi %mul3A_55, %mul3A_57 : i32
    %add3A_59 = arith.constant 128 : i32
    %add3A_60 = arith.addi %add3A_58, %add3A_59 : i32
    "tpu.region"() ({
      %run_scoped3A = tpu.sem_alloc : memref<!tpu.dma_semaphore, #tpu.memory_space<semaphore_mem>>
      %dma_start3A = arith.constant 0 : i32
      %dma_start3A_94 = tpu.memref_slice %arg3[%add3A_60, %dma_start3A] : memref<20480x128xf32, #tpu.memory_space<hbm>> -> memref<128x128xf32, #tpu.memory_space<hbm>>
      %dma_start3A_95 = arith.constant 0 : i32
      %dma_start3A_96 = tpu.memref_slice %arg6[%add3A_53, %dma_start3A_95] : memref<10240x128xf32, #tpu.memory_space<vmem_shared>> -> memref<128x128xf32, #tpu.memory_space<vmem_shared>>
      tpu.enqueue_dma source(%dma_start3A_96 : memref<128x128xf32, #tpu.memory_space<vmem_shared>>) target(%dma_start3A_94 : memref<128x128xf32, #tpu.memory_space<hbm>>) target_semaphore(%run_scoped3A : memref<!tpu.dma_semaphore, #tpu.memory_space<semaphore_mem>>)
      %dma_wait3A = arith.constant 0 : i32
      %dma_wait3A_97 = tpu.memref_slice %arg3[%add3A_60, %dma_wait3A] : memref<20480x128xf32, #tpu.memory_space<hbm>> -> memref<128x128xf32, #tpu.memory_space<hbm>>
      %dma_wait3A_98 = arith.constant 0 : i32
      %dma_wait3A_99 = tpu.memref_slice %arg6[%add3A_53, %dma_wait3A_98] : memref<10240x128xf32, #tpu.memory_space<vmem_shared>> -> memref<128x128xf32, #tpu.memory_space<vmem_shared>>
      tpu.wait_dma2 semaphore(%run_scoped3A : memref<!tpu.dma_semaphore, #tpu.memory_space<semaphore_mem>>) src(%dma_wait3A_99 : memref<128x128xf32, #tpu.memory_space<vmem_shared>>) dst(%dma_wait3A_97 : memref<128x128xf32, #tpu.memory_space<hbm>>)
      tpu.yield
    }) : () -> ()
    %mul3A_61 = arith.constant 640 : i32
    %mul3A_62 = arith.muli %arg1, %mul3A_61 : i32
    %add3A_63 = arith.constant 256 : i32
    %add3A_64 = arith.addi %mul3A_62, %add3A_63 : i32
    %mul3A_65 = arith.constant 10240 : i32
    %mul3A_66 = arith.muli %arg0, %mul3A_65 : i32
    %mul3A_67 = arith.constant 640 : i32
    %mul3A_68 = arith.muli %arg1, %mul3A_67 : i32
    %add3A_69 = arith.addi %mul3A_66, %mul3A_68 : i32
    %add3A_70 = arith.constant 256 : i32
    %add3A_71 = arith.addi %add3A_69, %add3A_70 : i32
    "tpu.region"() ({
      %run_scoped3A = tpu.sem_alloc : memref<!tpu.dma_semaphore, #tpu.memory_space<semaphore_mem>>
      %dma_start3A = arith.constant 0 : i32
      %dma_start3A_94 = tpu.memref_slice %arg3[%add3A_71, %dma_start3A] : memref<20480x128xf32, #tpu.memory_space<hbm>> -> memref<128x128xf32, #tpu.memory_space<hbm>>
      %dma_start3A_95 = arith.constant 0 : i32
      %dma_start3A_96 = tpu.memref_slice %arg6[%add3A_64, %dma_start3A_95] : memref<10240x128xf32, #tpu.memory_space<vmem_shared>> -> memref<128x128xf32, #tpu.memory_space<vmem_shared>>
      tpu.enqueue_dma source(%dma_start3A_96 : memref<128x128xf32, #tpu.memory_space<vmem_shared>>) target(%dma_start3A_94 : memref<128x128xf32, #tpu.memory_space<hbm>>) target_semaphore(%run_scoped3A : memref<!tpu.dma_semaphore, #tpu.memory_space<semaphore_mem>>)
      %dma_wait3A = arith.constant 0 : i32
      %dma_wait3A_97 = tpu.memref_slice %arg3[%add3A_71, %dma_wait3A] : memref<20480x128xf32, #tpu.memory_space<hbm>> -> memref<128x128xf32, #tpu.memory_space<hbm>>
      %dma_wait3A_98 = arith.constant 0 : i32
      %dma_wait3A_99 = tpu.memref_slice %arg6[%add3A_64, %dma_wait3A_98] : memref<10240x128xf32, #tpu.memory_space<vmem_shared>> -> memref<128x128xf32, #tpu.memory_space<vmem_shared>>
      tpu.wait_dma2 semaphore(%run_scoped3A : memref<!tpu.dma_semaphore, #tpu.memory_space<semaphore_mem>>) src(%dma_wait3A_99 : memref<128x128xf32, #tpu.memory_space<vmem_shared>>) dst(%dma_wait3A_97 : memref<128x128xf32, #tpu.memory_space<hbm>>)
      tpu.yield
    }) : () -> ()
    %mul3A_72 = arith.constant 640 : i32
    %mul3A_73 = arith.muli %arg1, %mul3A_72 : i32
    %add3A_74 = arith.constant 384 : i32
    %add3A_75 = arith.addi %mul3A_73, %add3A_74 : i32
    %mul3A_76 = arith.constant 10240 : i32
    %mul3A_77 = arith.muli %arg0, %mul3A_76 : i32
    %mul3A_78 = arith.constant 640 : i32
    %mul3A_79 = arith.muli %arg1, %mul3A_78 : i32
    %add3A_80 = arith.addi %mul3A_77, %mul3A_79 : i32
    %add3A_81 = arith.constant 384 : i32
    %add3A_82 = arith.addi %add3A_80, %add3A_81 : i32
    "tpu.region"() ({
      %run_scoped3A = tpu.sem_alloc : memref<!tpu.dma_semaphore, #tpu.memory_space<semaphore_mem>>
      %dma_start3A = arith.constant 0 : i32
      %dma_start3A_94 = tpu.memref_slice %arg3[%add3A_82, %dma_start3A] : memref<20480x128xf32, #tpu.memory_space<hbm>> -> memref<128x128xf32, #tpu.memory_space<hbm>>
      %dma_start3A_95 = arith.constant 0 : i32
      %dma_start3A_96 = tpu.memref_slice %arg6[%add3A_75, %dma_start3A_95] : memref<10240x128xf32, #tpu.memory_space<vmem_shared>> -> memref<128x128xf32, #tpu.memory_space<vmem_shared>>
      tpu.enqueue_dma source(%dma_start3A_96 : memref<128x128xf32, #tpu.memory_space<vmem_shared>>) target(%dma_start3A_94 : memref<128x128xf32, #tpu.memory_space<hbm>>) target_semaphore(%run_scoped3A : memref<!tpu.dma_semaphore, #tpu.memory_space<semaphore_mem>>)
      %dma_wait3A = arith.constant 0 : i32
      %dma_wait3A_97 = tpu.memref_slice %arg3[%add3A_82, %dma_wait3A] : memref<20480x128xf32, #tpu.memory_space<hbm>> -> memref<128x128xf32, #tpu.memory_space<hbm>>
      %dma_wait3A_98 = arith.constant 0 : i32
      %dma_wait3A_99 = tpu.memref_slice %arg6[%add3A_75, %dma_wait3A_98] : memref<10240x128xf32, #tpu.memory_space<vmem_shared>> -> memref<128x128xf32, #tpu.memory_space<vmem_shared>>
      tpu.wait_dma2 semaphore(%run_scoped3A : memref<!tpu.dma_semaphore, #tpu.memory_space<semaphore_mem>>) src(%dma_wait3A_99 : memref<128x128xf32, #tpu.memory_space<vmem_shared>>) dst(%dma_wait3A_97 : memref<128x128xf32, #tpu.memory_space<hbm>>)
      tpu.yield
    }) : () -> ()
    %mul3A_83 = arith.constant 640 : i32
    %mul3A_84 = arith.muli %arg1, %mul3A_83 : i32
    %add3A_85 = arith.constant 512 : i32
    %add3A_86 = arith.addi %mul3A_84, %add3A_85 : i32
    %mul3A_87 = arith.constant 10240 : i32
    %mul3A_88 = arith.muli %arg0, %mul3A_87 : i32
    %mul3A_89 = arith.constant 640 : i32
    %mul3A_90 = arith.muli %arg1, %mul3A_89 : i32
    %add3A_91 = arith.addi %mul3A_88, %mul3A_90 : i32
    %add3A_92 = arith.constant 512 : i32
    %add3A_93 = arith.addi %add3A_91, %add3A_92 : i32
    "tpu.region"() ({
      %run_scoped3A = tpu.sem_alloc : memref<!tpu.dma_semaphore, #tpu.memory_space<semaphore_mem>>
      %dma_start3A = arith.constant 0 : i32
      %dma_start3A_94 = tpu.memref_slice %arg3[%add3A_93, %dma_start3A] : memref<20480x128xf32, #tpu.memory_space<hbm>> -> memref<128x128xf32, #tpu.memory_space<hbm>>
      %dma_start3A_95 = arith.constant 0 : i32
      %dma_start3A_96 = tpu.memref_slice %arg6[%add3A_86, %dma_start3A_95] : memref<10240x128xf32, #tpu.memory_space<vmem_shared>> -> memref<128x128xf32, #tpu.memory_space<vmem_shared>>
      tpu.enqueue_dma source(%dma_start3A_96 : memref<128x128xf32, #tpu.memory_space<vmem_shared>>) target(%dma_start3A_94 : memref<128x128xf32, #tpu.memory_space<hbm>>) target_semaphore(%run_scoped3A : memref<!tpu.dma_semaphore, #tpu.memory_space<semaphore_mem>>)
      %dma_wait3A = arith.constant 0 : i32
      %dma_wait3A_97 = tpu.memref_slice %arg3[%add3A_93, %dma_wait3A] : memref<20480x128xf32, #tpu.memory_space<hbm>> -> memref<128x128xf32, #tpu.memory_space<hbm>>
      %dma_wait3A_98 = arith.constant 0 : i32
      %dma_wait3A_99 = tpu.memref_slice %arg6[%add3A_86, %dma_wait3A_98] : memref<10240x128xf32, #tpu.memory_space<vmem_shared>> -> memref<128x128xf32, #tpu.memory_space<vmem_shared>>
      tpu.wait_dma2 semaphore(%run_scoped3A : memref<!tpu.dma_semaphore, #tpu.memory_space<semaphore_mem>>) src(%dma_wait3A_99 : memref<128x128xf32, #tpu.memory_space<vmem_shared>>) dst(%dma_wait3A_97 : memref<128x128xf32, #tpu.memory_space<hbm>>)
      tpu.yield
    }) : () -> ()
    return
  }
}

#map = affine_map<(d0, d1) -> (0, 0)>
module attributes {stable_mosaic.version = 14 : i64} {
  func.func @sc_aggregate(%arg0: i32, %arg1: i32, %arg2: memref<20480x128xf32, #tpu.memory_space<hbm>>, %arg3: memref<5120x128xi32, #tpu.memory_space<hbm>>, %arg4: memref<2560x128xi32, #tpu.memory_space<hbm>>, %arg5: memref<20480x128xf32, #tpu.memory_space<hbm>>, %arg6: memref<16x128xi32, #tpu.memory_space<vmem>>, %arg7: memref<16x128xi32, #tpu.memory_space<vmem>>, %arg8: memref<128x128xf32, #tpu.memory_space<vmem>>, %arg9: memref<128x128xf32, #tpu.memory_space<vmem>>, %arg10: memref<10240x128xf32, #tpu.memory_space<vmem_shared>>, %arg11: memref<!tpu.dma_semaphore, #tpu.memory_space<semaphore_mem>>, %arg12: memref<!tpu.dma_semaphore, #tpu.memory_space<semaphore_mem>>, %arg13: memref<!tpu.dma_semaphore, #tpu.memory_space<semaphore_mem>>, %arg14: memref<!tpu.dma_semaphore, #tpu.memory_space<semaphore_mem>>, %arg15: memref<!tpu.dma_semaphore, #tpu.memory_space<semaphore_mem>>) attributes {dimension_semantics = [#tpu.dimension_semantics<core_parallel>, #tpu.dimension_semantics<subcore_parallel>], iteration_bounds = array<i64: 2, 16>, scalar_prefetch = 0 : i64, scratch_operands = 10 : i64, tpu.core_type = #tpu.core_type<sc_vector_subcore>, window_params = [{transform_indices = #map}, {transform_indices = #map}, {transform_indices = #map}, {transform_indices = #map}]} {
    %mul3A = arith.constant 16 : i32
    %mul3A_0 = arith.muli %arg0, %mul3A : i32
    %add3A = arith.addi %mul3A_0, %arg1 : i32
    %scan3A = arith.constant 0 : i32
    %scan3A_1 = arith.constant 0 : i32
    %scan3A_2 = arith.constant 1024 : i32
    %scan3A_3 = arith.addi %scan3A_1, %scan3A_2 : i32
    %scan3A_4 = arith.constant 1 : i32
    %scan3A_5 = scf.for %scan3A_112 = %scan3A_1 to %scan3A_3 step %scan3A_4 iter_args(%scan3A_113 = %scan3A) -> (i32)  : i32 {
      %broadcast_in_dim3A = arith.constant 0.000000e+00 : f32
      %broadcast_in_dim3A_114 = vector.broadcast %broadcast_in_dim3A : f32 to vector<16xf32>
      %jit3A = arith.constant 8 : i32
      %div3A = arith.divsi %scan3A_112, %jit3A : i32
      %sign3A = arith.constant 0 : i32
      %sign3A_115 = arith.cmpi sgt, %scan3A_112, %sign3A : i32
      %sign3A_116 = arith.extui %sign3A_115 : i1 to i32
      %sign3A_117 = arith.constant 0 : i32
      %sign3A_118 = arith.cmpi slt, %scan3A_112, %sign3A_117 : i32
      %sign3A_119 = arith.extui %sign3A_118 : i1 to i32
      %sign3A_120 = arith.subi %sign3A_116, %sign3A_119 : i32
      %sign3A_121 = arith.constant 0 : i32
      %sign3A_122 = arith.cmpi sgt, %jit3A, %sign3A_121 : i32
      %sign3A_123 = arith.extui %sign3A_122 : i1 to i32
      %sign3A_124 = arith.constant 0 : i32
      %sign3A_125 = arith.cmpi slt, %jit3A, %sign3A_124 : i32
      %sign3A_126 = arith.extui %sign3A_125 : i1 to i32
      %sign3A_127 = arith.subi %sign3A_123, %sign3A_126 : i32
      %ne3A = arith.cmpi ne, %sign3A_120, %sign3A_127 : i32
      %rem3A = arith.remsi %scan3A_112, %jit3A : i32
      %ne3A_128 = arith.constant 0 : i32
      %ne3A_129 = arith.cmpi ne, %rem3A, %ne3A_128 : i32
      %and3A = arith.andi %ne3A, %ne3A_129 : i1
      %sub3A = arith.constant 1 : i32
      %sub3A_130 = arith.subi %div3A, %sub3A : i32
      %select_n3A = arith.select %and3A, %sub3A_130, %div3A : i32
      %jit3A_131 = arith.constant 8 : i32
      %eq3A = arith.constant 0 : i32
      %eq3A_132 = arith.cmpi eq, %jit3A_131, %eq3A : i32
      %jit3A_133 = arith.constant 1 : i32
      %select_n3A_134 = arith.select %eq3A_132, %jit3A_133, %jit3A_131 : i32
      %rem3A_135 = arith.remsi %scan3A_112, %select_n3A_134 : i32
      %ne3A_136 = arith.constant 0 : i32
      %ne3A_137 = arith.cmpi ne, %rem3A_135, %ne3A_136 : i32
      %lt3A = arith.constant 0 : i32
      %lt3A_138 = arith.cmpi slt, %rem3A_135, %lt3A : i32
      %lt3A_139 = arith.constant 0 : i32
      %lt3A_140 = arith.cmpi slt, %select_n3A_134, %lt3A_139 : i32
      %ne3A_141 = arith.xori %lt3A_138, %lt3A_140 : i1
      %and3A_142 = arith.andi %ne3A_141, %ne3A_137 : i1
      %add3A_143 = arith.addi %rem3A_135, %select_n3A_134 : i32
      %select_n3A_144 = arith.select %and3A_142, %add3A_143, %rem3A_135 : i32
      %mul3A_145 = arith.constant 16 : i32
      %mul3A_146 = arith.muli %select_n3A_144, %mul3A_145 : i32
      %swap3A = arith.index_cast %select_n3A : i32 to index
      %swap3A_147 = arith.index_cast %mul3A_146 : i32 to index
      %swap3A_148 = tpu.vector_load %arg8[%swap3A, %swap3A_147] {strides = array<i32>} : memref<128x128xf32, #tpu.memory_space<vmem>>, vector<1x16xf32>,
      %swap3A_149 = vector.shape_cast %swap3A_148 : vector<1x16xf32> to vector<16xf32>
      %swap3A_150 = vector.shape_cast %broadcast_in_dim3A_114 : vector<16xf32> to vector<1x16xf32>
      tpu.vector_store %arg8[%swap3A, %swap3A_147], %swap3A_150 {strides = array<i32>} : memref<128x128xf32, #tpu.memory_space<vmem>>, vector<1x16xf32>,
      %scan3A_151 = arith.constant 0 : i32
      scf.yield %scan3A_151 : i32
    }
    %scan3A_6 = arith.constant 1024 : i32
    %mul3A_7 = arith.constant 640 : i32
    %mul3A_8 = arith.muli %arg1, %mul3A_7 : i32
    %add3A_9 = arith.constant 0 : i32
    %add3A_10 = arith.addi %mul3A_8, %add3A_9 : i32
    "tpu.region"() ({
      %run_scoped3A = tpu.sem_alloc : memref<!tpu.dma_semaphore, #tpu.memory_space<semaphore_mem>>
      %dma_start3A_112 = arith.constant 0 : i32
      %dma_start3A_113 = tpu.memref_slice %arg10[%add3A_10, %dma_start3A_112] : memref<10240x128xf32, #tpu.memory_space<vmem_shared>> -> memref<128x128xf32, #tpu.memory_space<vmem_shared>>
      %dma_start3A_114 = arith.constant 0 : i32
      %dma_start3A_115 = tpu.memref_slice %arg10[%add3A_10, %dma_start3A_114] : memref<10240x128xf32, #tpu.memory_space<vmem_shared>> -> memref<128x128xf32, #tpu.memory_space<vmem_shared>>
      tpu.enqueue_dma source(%arg8 : memref<128x128xf32, #tpu.memory_space<vmem>>) target(%dma_start3A_115 : memref<128x128xf32, #tpu.memory_space<vmem_shared>>) target_semaphore(%run_scoped3A : memref<!tpu.dma_semaphore, #tpu.memory_space<semaphore_mem>>)
      %dma_wait3A_116 = arith.constant 0 : i32
      %dma_wait3A_117 = tpu.memref_slice %arg10[%add3A_10, %dma_wait3A_116] : memref<10240x128xf32, #tpu.memory_space<vmem_shared>> -> memref<128x128xf32, #tpu.memory_space<vmem_shared>>
      %dma_wait3A_118 = arith.constant 0 : i32
      %dma_wait3A_119 = tpu.memref_slice %arg10[%add3A_10, %dma_wait3A_118] : memref<10240x128xf32, #tpu.memory_space<vmem_shared>> -> memref<128x128xf32, #tpu.memory_space<vmem_shared>>
      tpu.wait_dma2 semaphore(%run_scoped3A : memref<!tpu.dma_semaphore, #tpu.memory_space<semaphore_mem>>) src(%arg8 : memref<128x128xf32, #tpu.memory_space<vmem>>) dst(%dma_wait3A_119 : memref<128x128xf32, #tpu.memory_space<vmem_shared>>)
      tpu.yield
    }) : () -> ()
    %mul3A_11 = arith.constant 640 : i32
    %mul3A_12 = arith.muli %arg1, %mul3A_11 : i32
    %add3A_13 = arith.constant 128 : i32
    %add3A_14 = arith.addi %mul3A_12, %add3A_13 : i32
    "tpu.region"() ({
      %run_scoped3A = tpu.sem_alloc : memref<!tpu.dma_semaphore, #tpu.memory_space<semaphore_mem>>
      %dma_start3A_112 = arith.constant 0 : i32
      %dma_start3A_113 = tpu.memref_slice %arg10[%add3A_14, %dma_start3A_112] : memref<10240x128xf32, #tpu.memory_space<vmem_shared>> -> memref<128x128xf32, #tpu.memory_space<vmem_shared>>
      %dma_start3A_114 = arith.constant 0 : i32
      %dma_start3A_115 = tpu.memref_slice %arg10[%add3A_14, %dma_start3A_114] : memref<10240x128xf32, #tpu.memory_space<vmem_shared>> -> memref<128x128xf32, #tpu.memory_space<vmem_shared>>
      tpu.enqueue_dma source(%arg8 : memref<128x128xf32, #tpu.memory_space<vmem>>) target(%dma_start3A_115 : memref<128x128xf32, #tpu.memory_space<vmem_shared>>) target_semaphore(%run_scoped3A : memref<!tpu.dma_semaphore, #tpu.memory_space<semaphore_mem>>)
      %dma_wait3A_116 = arith.constant 0 : i32
      %dma_wait3A_117 = tpu.memref_slice %arg10[%add3A_14, %dma_wait3A_116] : memref<10240x128xf32, #tpu.memory_space<vmem_shared>> -> memref<128x128xf32, #tpu.memory_space<vmem_shared>>
      %dma_wait3A_118 = arith.constant 0 : i32
      %dma_wait3A_119 = tpu.memref_slice %arg10[%add3A_14, %dma_wait3A_118] : memref<10240x128xf32, #tpu.memory_space<vmem_shared>> -> memref<128x128xf32, #tpu.memory_space<vmem_shared>>
      tpu.wait_dma2 semaphore(%run_scoped3A : memref<!tpu.dma_semaphore, #tpu.memory_space<semaphore_mem>>) src(%arg8 : memref<128x128xf32, #tpu.memory_space<vmem>>) dst(%dma_wait3A_119 : memref<128x128xf32, #tpu.memory_space<vmem_shared>>)
      tpu.yield
    }) : () -> ()
    %mul3A_15 = arith.constant 640 : i32
    %mul3A_16 = arith.muli %arg1, %mul3A_15 : i32
    %add3A_17 = arith.constant 256 : i32
    %add3A_18 = arith.addi %mul3A_16, %add3A_17 : i32
    "tpu.region"() ({
      %run_scoped3A = tpu.sem_alloc : memref<!tpu.dma_semaphore, #tpu.memory_space<semaphore_mem>>
      %dma_start3A_112 = arith.constant 0 : i32
      %dma_start3A_113 = tpu.memref_slice %arg10[%add3A_18, %dma_start3A_112] : memref<10240x128xf32, #tpu.memory_space<vmem_shared>> -> memref<128x128xf32, #tpu.memory_space<vmem_shared>>
      %dma_start3A_114 = arith.constant 0 : i32
      %dma_start3A_115 = tpu.memref_slice %arg10[%add3A_18, %dma_start3A_114] : memref<10240x128xf32, #tpu.memory_space<vmem_shared>> -> memref<128x128xf32, #tpu.memory_space<vmem_shared>>
      tpu.enqueue_dma source(%arg8 : memref<128x128xf32, #tpu.memory_space<vmem>>) target(%dma_start3A_115 : memref<128x128xf32, #tpu.memory_space<vmem_shared>>) target_semaphore(%run_scoped3A : memref<!tpu.dma_semaphore, #tpu.memory_space<semaphore_mem>>)
      %dma_wait3A_116 = arith.constant 0 : i32
      %dma_wait3A_117 = tpu.memref_slice %arg10[%add3A_18, %dma_wait3A_116] : memref<10240x128xf32, #tpu.memory_space<vmem_shared>> -> memref<128x128xf32, #tpu.memory_space<vmem_shared>>
      %dma_wait3A_118 = arith.constant 0 : i32
      %dma_wait3A_119 = tpu.memref_slice %arg10[%add3A_18, %dma_wait3A_118] : memref<10240x128xf32, #tpu.memory_space<vmem_shared>> -> memref<128x128xf32, #tpu.memory_space<vmem_shared>>
      tpu.wait_dma2 semaphore(%run_scoped3A : memref<!tpu.dma_semaphore, #tpu.memory_space<semaphore_mem>>) src(%arg8 : memref<128x128xf32, #tpu.memory_space<vmem>>) dst(%dma_wait3A_119 : memref<128x128xf32, #tpu.memory_space<vmem_shared>>)
      tpu.yield
    }) : () -> ()
    %mul3A_19 = arith.constant 640 : i32
    %mul3A_20 = arith.muli %arg1, %mul3A_19 : i32
    %add3A_21 = arith.constant 384 : i32
    %add3A_22 = arith.addi %mul3A_20, %add3A_21 : i32
    "tpu.region"() ({
      %run_scoped3A = tpu.sem_alloc : memref<!tpu.dma_semaphore, #tpu.memory_space<semaphore_mem>>
      %dma_start3A_112 = arith.constant 0 : i32
      %dma_start3A_113 = tpu.memref_slice %arg10[%add3A_22, %dma_start3A_112] : memref<10240x128xf32, #tpu.memory_space<vmem_shared>> -> memref<128x128xf32, #tpu.memory_space<vmem_shared>>
      %dma_start3A_114 = arith.constant 0 : i32
      %dma_start3A_115 = tpu.memref_slice %arg10[%add3A_22, %dma_start3A_114] : memref<10240x128xf32, #tpu.memory_space<vmem_shared>> -> memref<128x128xf32, #tpu.memory_space<vmem_shared>>
      tpu.enqueue_dma source(%arg8 : memref<128x128xf32, #tpu.memory_space<vmem>>) target(%dma_start3A_115 : memref<128x128xf32, #tpu.memory_space<vmem_shared>>) target_semaphore(%run_scoped3A : memref<!tpu.dma_semaphore, #tpu.memory_space<semaphore_mem>>)
      %dma_wait3A_116 = arith.constant 0 : i32
      %dma_wait3A_117 = tpu.memref_slice %arg10[%add3A_22, %dma_wait3A_116] : memref<10240x128xf32, #tpu.memory_space<vmem_shared>> -> memref<128x128xf32, #tpu.memory_space<vmem_shared>>
      %dma_wait3A_118 = arith.constant 0 : i32
      %dma_wait3A_119 = tpu.memref_slice %arg10[%add3A_22, %dma_wait3A_118] : memref<10240x128xf32, #tpu.memory_space<vmem_shared>> -> memref<128x128xf32, #tpu.memory_space<vmem_shared>>
      tpu.wait_dma2 semaphore(%run_scoped3A : memref<!tpu.dma_semaphore, #tpu.memory_space<semaphore_mem>>) src(%arg8 : memref<128x128xf32, #tpu.memory_space<vmem>>) dst(%dma_wait3A_119 : memref<128x128xf32, #tpu.memory_space<vmem_shared>>)
      tpu.yield
    }) : () -> ()
    %mul3A_23 = arith.constant 640 : i32
    %mul3A_24 = arith.muli %arg1, %mul3A_23 : i32
    %add3A_25 = arith.constant 512 : i32
    %add3A_26 = arith.addi %mul3A_24, %add3A_25 : i32
    "tpu.region"() ({
      %run_scoped3A = tpu.sem_alloc : memref<!tpu.dma_semaphore, #tpu.memory_space<semaphore_mem>>
      %dma_start3A_112 = arith.constant 0 : i32
      %dma_start3A_113 = tpu.memref_slice %arg10[%add3A_26, %dma_start3A_112] : memref<10240x128xf32, #tpu.memory_space<vmem_shared>> -> memref<128x128xf32, #tpu.memory_space<vmem_shared>>
      %dma_start3A_114 = arith.constant 0 : i32
      %dma_start3A_115 = tpu.memref_slice %arg10[%add3A_26, %dma_start3A_114] : memref<10240x128xf32, #tpu.memory_space<vmem_shared>> -> memref<128x128xf32, #tpu.memory_space<vmem_shared>>
      tpu.enqueue_dma source(%arg8 : memref<128x128xf32, #tpu.memory_space<vmem>>) target(%dma_start3A_115 : memref<128x128xf32, #tpu.memory_space<vmem_shared>>) target_semaphore(%run_scoped3A : memref<!tpu.dma_semaphore, #tpu.memory_space<semaphore_mem>>)
      %dma_wait3A_116 = arith.constant 0 : i32
      %dma_wait3A_117 = tpu.memref_slice %arg10[%add3A_26, %dma_wait3A_116] : memref<10240x128xf32, #tpu.memory_space<vmem_shared>> -> memref<128x128xf32, #tpu.memory_space<vmem_shared>>
      %dma_wait3A_118 = arith.constant 0 : i32
      %dma_wait3A_119 = tpu.memref_slice %arg10[%add3A_26, %dma_wait3A_118] : memref<10240x128xf32, #tpu.memory_space<vmem_shared>> -> memref<128x128xf32, #tpu.memory_space<vmem_shared>>
      tpu.wait_dma2 semaphore(%run_scoped3A : memref<!tpu.dma_semaphore, #tpu.memory_space<semaphore_mem>>) src(%arg8 : memref<128x128xf32, #tpu.memory_space<vmem>>) dst(%dma_wait3A_119 : memref<128x128xf32, #tpu.memory_space<vmem_shared>>)
      tpu.yield
    }) : () -> ()
    %barrier3A = arith.constant 0 : index
    tpu.barrier barrier_id(%barrier3A)
    %mul3A_27 = arith.constant 160 : i32
    %mul3A_28 = arith.muli %add3A, %mul3A_27 : i32
    %dma_start3A = arith.constant 0 : i32
    %dma_start3A_29 = tpu.memref_slice %arg3[%mul3A_28, %dma_start3A] : memref<5120x128xi32, #tpu.memory_space<hbm>> -> memref<16x128xi32, #tpu.memory_space<hbm>>
    %dma_start3A_30 = arith.constant 0 : i32
    %dma_start3A_31 = tpu.memref_slice %arg3[%mul3A_28, %dma_start3A_30] : memref<5120x128xi32, #tpu.memory_space<hbm>> -> memref<16x128xi32, #tpu.memory_space<hbm>>
    tpu.enqueue_dma source(%dma_start3A_31 : memref<16x128xi32, #tpu.memory_space<hbm>>) target(%arg6 : memref<16x128xi32, #tpu.memory_space<vmem>>) target_semaphore(%arg11 : memref<!tpu.dma_semaphore, #tpu.memory_space<semaphore_mem>>)
    %mul3A_32 = arith.constant 160 : i32
    %mul3A_33 = arith.muli %arg1, %mul3A_32 : i32
    %dma_start3A_34 = arith.constant 0 : i32
    %dma_start3A_35 = tpu.memref_slice %arg4[%mul3A_33, %dma_start3A_34] : memref<2560x128xi32, #tpu.memory_space<hbm>> -> memref<16x128xi32, #tpu.memory_space<hbm>>
    %dma_start3A_36 = arith.constant 0 : i32
    %dma_start3A_37 = tpu.memref_slice %arg4[%mul3A_33, %dma_start3A_36] : memref<2560x128xi32, #tpu.memory_space<hbm>> -> memref<16x128xi32, #tpu.memory_space<hbm>>
    tpu.enqueue_dma source(%dma_start3A_37 : memref<16x128xi32, #tpu.memory_space<hbm>>) target(%arg7 : memref<16x128xi32, #tpu.memory_space<vmem>>) target_semaphore(%arg11 : memref<!tpu.dma_semaphore, #tpu.memory_space<semaphore_mem>>)
    %scan3A_38 = arith.constant 0 : i32
    %scan3A_39 = arith.constant 0 : i32
    %scan3A_40 = arith.constant 10 : i32
    %scan3A_41 = arith.addi %scan3A_39, %scan3A_40 : i32
    %scan3A_42 = arith.constant 1 : i32
    %scan3A_43 = scf.for %scan3A_112 = %scan3A_39 to %scan3A_41 step %scan3A_42 iter_args(%scan3A_113 = %scan3A_38) -> (i32)  : i32 {
      %dma_wait3A_114 = arith.constant 0 : i32
      %dma_wait3A_115 = arith.constant 0 : i32
      %dma_wait3A_116 = tpu.memref_slice %arg3[%dma_wait3A_114, %dma_wait3A_115] : memref<5120x128xi32, #tpu.memory_space<hbm>> -> memref<16x128xi32, #tpu.memory_space<hbm>>
      %dma_wait3A_117 = arith.constant 0 : i32
      %dma_wait3A_118 = arith.constant 0 : i32
      %dma_wait3A_119 = tpu.memref_slice %arg3[%dma_wait3A_117, %dma_wait3A_118] : memref<5120x128xi32, #tpu.memory_space<hbm>> -> memref<16x128xi32, #tpu.memory_space<hbm>>
      tpu.wait_dma2 semaphore(%arg11 : memref<!tpu.dma_semaphore, #tpu.memory_space<semaphore_mem>>) src(%dma_wait3A_119 : memref<16x128xi32, #tpu.memory_space<hbm>>) dst(%arg6 : memref<16x128xi32, #tpu.memory_space<vmem>>)
      %dma_wait3A_120 = arith.constant 0 : i32
      %dma_wait3A_121 = arith.constant 0 : i32
      %dma_wait3A_122 = tpu.memref_slice %arg4[%dma_wait3A_120, %dma_wait3A_121] : memref<2560x128xi32, #tpu.memory_space<hbm>> -> memref<16x128xi32, #tpu.memory_space<hbm>>
      %dma_wait3A_123 = arith.constant 0 : i32
      %dma_wait3A_124 = arith.constant 0 : i32
      %dma_wait3A_125 = tpu.memref_slice %arg4[%dma_wait3A_123, %dma_wait3A_124] : memref<2560x128xi32, #tpu.memory_space<hbm>> -> memref<16x128xi32, #tpu.memory_space<hbm>>
      tpu.wait_dma2 semaphore(%arg11 : memref<!tpu.dma_semaphore, #tpu.memory_space<semaphore_mem>>) src(%dma_wait3A_125 : memref<16x128xi32, #tpu.memory_space<hbm>>) dst(%arg7 : memref<16x128xi32, #tpu.memory_space<vmem>>)
      %add3A_126 = arith.constant 1 : i32
      %add3A_127 = arith.addi %scan3A_112, %add3A_126 : i32
      %rem3A = arith.constant 10 : i32
      %rem3A_128 = arith.remsi %add3A_127, %rem3A : i32
      %dma_start3A_129 = arith.constant 0 : i32
      %dma_start3A_130 = arith.constant 0 : i32
      %dma_start3A_131 = tpu.memref_slice %arg6[%dma_start3A_129, %dma_start3A_130] : memref<16x128xi32, #tpu.memory_space<vmem>> -> memref<1x128xi32, #tpu.memory_space<vmem>>
      %dma_start3A_132 = tpu.memref_squeeze %dma_start3A_131 : memref<1x128xi32, #tpu.memory_space<vmem>> -> memref<128xi32, #tpu.memory_space<vmem>>
      %dma_start3A_133 = arith.constant 0 : i32
      %dma_start3A_134 = arith.constant 0 : i32
      %dma_start3A_135 = tpu.memref_slice %arg2[%dma_start3A_133, %dma_start3A_134] : memref<20480x128xf32, #tpu.memory_space<hbm>> -> memref<20480x128xf32, #tpu.memory_space<hbm>>
      tpu.enqueue_indirect_dma source(%dma_start3A_135 : memref<20480x128xf32, #tpu.memory_space<hbm>>) target(%arg8 : memref<128x128xf32, #tpu.memory_space<vmem>>) offsets(%dma_start3A_132 : memref<128xi32, #tpu.memory_space<vmem>>) semaphore(%arg12 : memref<!tpu.dma_semaphore, #tpu.memory_space<semaphore_mem>>)
      %dma_start3A_136 = arith.constant 1 : i32
      %dma_start3A_137 = arith.constant 0 : i32
      %dma_start3A_138 = tpu.memref_slice %arg6[%dma_start3A_136, %dma_start3A_137] : memref<16x128xi32, #tpu.memory_space<vmem>> -> memref<1x128xi32, #tpu.memory_space<vmem>>
      %dma_start3A_139 = tpu.memref_squeeze %dma_start3A_138 : memref<1x128xi32, #tpu.memory_space<vmem>> -> memref<128xi32, #tpu.memory_space<vmem>>
      %dma_start3A_140 = arith.constant 0 : i32
      %dma_start3A_141 = arith.constant 0 : i32
      %dma_start3A_142 = tpu.memref_slice %arg2[%dma_start3A_140, %dma_start3A_141] : memref<20480x128xf32, #tpu.memory_space<hbm>> -> memref<20480x128xf32, #tpu.memory_space<hbm>>
      tpu.enqueue_indirect_dma source(%dma_start3A_142 : memref<20480x128xf32, #tpu.memory_space<hbm>>) target(%arg9 : memref<128x128xf32, #tpu.memory_space<vmem>>) offsets(%dma_start3A_139 : memref<128xi32, #tpu.memory_space<vmem>>) semaphore(%arg13 : memref<!tpu.dma_semaphore, #tpu.memory_space<semaphore_mem>>)
      %dma_wait3A_143 = arith.constant 0 : i32
      %dma_wait3A_144 = arith.constant 0 : i32
      %dma_wait3A_145 = tpu.memref_slice %arg6[%dma_wait3A_143, %dma_wait3A_144] : memref<16x128xi32, #tpu.memory_space<vmem>> -> memref<1x128xi32, #tpu.memory_space<vmem>>
      %dma_wait3A_146 = tpu.memref_squeeze %dma_wait3A_145 : memref<1x128xi32, #tpu.memory_space<vmem>> -> memref<128xi32, #tpu.memory_space<vmem>>
      %dma_wait3A_147 = arith.constant 0 : i32
      %dma_wait3A_148 = arith.constant 0 : i32
      %dma_wait3A_149 = tpu.memref_slice %arg2[%dma_wait3A_147, %dma_wait3A_148] : memref<20480x128xf32, #tpu.memory_space<hbm>> -> memref<20480x128xf32, #tpu.memory_space<hbm>>
      tpu.wait_indirect_dma semaphore(%arg12 : memref<!tpu.dma_semaphore, #tpu.memory_space<semaphore_mem>>) src(%dma_wait3A_149 : memref<20480x128xf32, #tpu.memory_space<hbm>>) dst(%arg8 : memref<128x128xf32, #tpu.memory_space<vmem>>)
      %dma_start3A_150 = arith.constant 0 : i32
      %dma_start3A_151 = arith.constant 0 : i32
      %dma_start3A_152 = tpu.memref_slice %arg7[%dma_start3A_150, %dma_start3A_151] : memref<16x128xi32, #tpu.memory_space<vmem>> -> memref<1x128xi32, #tpu.memory_space<vmem>>
      %dma_start3A_153 = tpu.memref_squeeze %dma_start3A_152 : memref<1x128xi32, #tpu.memory_space<vmem>> -> memref<128xi32, #tpu.memory_space<vmem>>
      %dma_start3A_154 = arith.constant 0 : i32
      %dma_start3A_155 = arith.constant 0 : i32
      %dma_start3A_156 = tpu.memref_slice %arg10[%dma_start3A_154, %dma_start3A_155] : memref<10240x128xf32, #tpu.memory_space<vmem_shared>> -> memref<10240x128xf32, #tpu.memory_space<vmem_shared>>
      tpu.enqueue_indirect_dma source(%arg8 : memref<128x128xf32, #tpu.memory_space<vmem>>) target(%dma_start3A_156 : memref<10240x128xf32, #tpu.memory_space<vmem_shared>>) offsets(%dma_start3A_153 : memref<128xi32, #tpu.memory_space<vmem>>) semaphore(%arg14 : memref<!tpu.dma_semaphore, #tpu.memory_space<semaphore_mem>>) {add = true}
      %dma_wait3A_157 = arith.constant 0 : i32
      %dma_wait3A_158 = arith.constant 0 : i32
      %dma_wait3A_159 = tpu.memref_slice %arg7[%dma_wait3A_157, %dma_wait3A_158] : memref<16x128xi32, #tpu.memory_space<vmem>> -> memref<1x128xi32, #tpu.memory_space<vmem>>
      %dma_wait3A_160 = tpu.memref_squeeze %dma_wait3A_159 : memref<1x128xi32, #tpu.memory_space<vmem>> -> memref<128xi32, #tpu.memory_space<vmem>>
      %dma_wait3A_161 = arith.constant 0 : i32
      %dma_wait3A_162 = arith.constant 0 : i32
      %dma_wait3A_163 = tpu.memref_slice %arg10[%dma_wait3A_161, %dma_wait3A_162] : memref<10240x128xf32, #tpu.memory_space<vmem_shared>> -> memref<10240x128xf32, #tpu.memory_space<vmem_shared>>
      tpu.wait_indirect_dma semaphore(%arg14 : memref<!tpu.dma_semaphore, #tpu.memory_space<semaphore_mem>>) src(%arg8 : memref<128x128xf32, #tpu.memory_space<vmem>>) dst(%dma_wait3A_163 : memref<10240x128xf32, #tpu.memory_space<vmem_shared>>)
      %dma_start3A_164 = arith.constant 2 : i32
      %dma_start3A_165 = arith.constant 0 : i32
      %dma_start3A_166 = tpu.memref_slice %arg6[%dma_start3A_164, %dma_start3A_165] : memref<16x128xi32, #tpu.memory_space<vmem>> -> memref<1x128xi32, #tpu.memory_space<vmem>>
      %dma_start3A_167 = tpu.memref_squeeze %dma_start3A_166 : memref<1x128xi32, #tpu.memory_space<vmem>> -> memref<128xi32, #tpu.memory_space<vmem>>
      %dma_start3A_168 = arith.constant 0 : i32
      %dma_start3A_169 = arith.constant 0 : i32
      %dma_start3A_170 = tpu.memref_slice %arg2[%dma_start3A_168, %dma_start3A_169] : memref<20480x128xf32, #tpu.memory_space<hbm>> -> memref<20480x128xf32, #tpu.memory_space<hbm>>
      tpu.enqueue_indirect_dma source(%dma_start3A_170 : memref<20480x128xf32, #tpu.memory_space<hbm>>) target(%arg8 : memref<128x128xf32, #tpu.memory_space<vmem>>) offsets(%dma_start3A_167 : memref<128xi32, #tpu.memory_space<vmem>>) semaphore(%arg12 : memref<!tpu.dma_semaphore, #tpu.memory_space<semaphore_mem>>)
      %dma_wait3A_171 = arith.constant 1 : i32
      %dma_wait3A_172 = arith.constant 0 : i32
      %dma_wait3A_173 = tpu.memref_slice %arg6[%dma_wait3A_171, %dma_wait3A_172] : memref<16x128xi32, #tpu.memory_space<vmem>> -> memref<1x128xi32, #tpu.memory_space<vmem>>
      %dma_wait3A_174 = tpu.memref_squeeze %dma_wait3A_173 : memref<1x128xi32, #tpu.memory_space<vmem>> -> memref<128xi32, #tpu.memory_space<vmem>>
      %dma_wait3A_175 = arith.constant 0 : i32
      %dma_wait3A_176 = arith.constant 0 : i32
      %dma_wait3A_177 = tpu.memref_slice %arg2[%dma_wait3A_175, %dma_wait3A_176] : memref<20480x128xf32, #tpu.memory_space<hbm>> -> memref<20480x128xf32, #tpu.memory_space<hbm>>
      tpu.wait_indirect_dma semaphore(%arg13 : memref<!tpu.dma_semaphore, #tpu.memory_space<semaphore_mem>>) src(%dma_wait3A_177 : memref<20480x128xf32, #tpu.memory_space<hbm>>) dst(%arg9 : memref<128x128xf32, #tpu.memory_space<vmem>>)
      %dma_start3A_178 = arith.constant 1 : i32
      %dma_start3A_179 = arith.constant 0 : i32
      %dma_start3A_180 = tpu.memref_slice %arg7[%dma_start3A_178, %dma_start3A_179] : memref<16x128xi32, #tpu.memory_space<vmem>> -> memref<1x128xi32, #tpu.memory_space<vmem>>
      %dma_start3A_181 = tpu.memref_squeeze %dma_start3A_180 : memref<1x128xi32, #tpu.memory_space<vmem>> -> memref<128xi32, #tpu.memory_space<vmem>>
      %dma_start3A_182 = arith.constant 0 : i32
      %dma_start3A_183 = arith.constant 0 : i32
      %dma_start3A_184 = tpu.memref_slice %arg10[%dma_start3A_182, %dma_start3A_183] : memref<10240x128xf32, #tpu.memory_space<vmem_shared>> -> memref<10240x128xf32, #tpu.memory_space<vmem_shared>>
      tpu.enqueue_indirect_dma source(%arg9 : memref<128x128xf32, #tpu.memory_space<vmem>>) target(%dma_start3A_184 : memref<10240x128xf32, #tpu.memory_space<vmem_shared>>) offsets(%dma_start3A_181 : memref<128xi32, #tpu.memory_space<vmem>>) semaphore(%arg15 : memref<!tpu.dma_semaphore, #tpu.memory_space<semaphore_mem>>) {add = true}
      %dma_wait3A_185 = arith.constant 1 : i32
      %dma_wait3A_186 = arith.constant 0 : i32
      %dma_wait3A_187 = tpu.memref_slice %arg7[%dma_wait3A_185, %dma_wait3A_186] : memref<16x128xi32, #tpu.memory_space<vmem>> -> memref<1x128xi32, #tpu.memory_space<vmem>>
      %dma_wait3A_188 = tpu.memref_squeeze %dma_wait3A_187 : memref<1x128xi32, #tpu.memory_space<vmem>> -> memref<128xi32, #tpu.memory_space<vmem>>
      %dma_wait3A_189 = arith.constant 0 : i32
      %dma_wait3A_190 = arith.constant 0 : i32
      %dma_wait3A_191 = tpu.memref_slice %arg10[%dma_wait3A_189, %dma_wait3A_190] : memref<10240x128xf32, #tpu.memory_space<vmem_shared>> -> memref<10240x128xf32, #tpu.memory_space<vmem_shared>>
      tpu.wait_indirect_dma semaphore(%arg15 : memref<!tpu.dma_semaphore, #tpu.memory_space<semaphore_mem>>) src(%arg9 : memref<128x128xf32, #tpu.memory_space<vmem>>) dst(%dma_wait3A_191 : memref<10240x128xf32, #tpu.memory_space<vmem_shared>>)
      %dma_start3A_192 = arith.constant 3 : i32
      %dma_start3A_193 = arith.constant 0 : i32
      %dma_start3A_194 = tpu.memref_slice %arg6[%dma_start3A_192, %dma_start3A_193] : memref<16x128xi32, #tpu.memory_space<vmem>> -> memref<1x128xi32, #tpu.memory_space<vmem>>
      %dma_start3A_195 = tpu.memref_squeeze %dma_start3A_194 : memref<1x128xi32, #tpu.memory_space<vmem>> -> memref<128xi32, #tpu.memory_space<vmem>>
      %dma_start3A_196 = arith.constant 0 : i32
      %dma_start3A_197 = arith.constant 0 : i32
      %dma_start3A_198 = tpu.memref_slice %arg2[%dma_start3A_196, %dma_start3A_197] : memref<20480x128xf32, #tpu.memory_space<hbm>> -> memref<20480x128xf32, #tpu.memory_space<hbm>>
      tpu.enqueue_indirect_dma source(%dma_start3A_198 : memref<20480x128xf32, #tpu.memory_space<hbm>>) target(%arg9 : memref<128x128xf32, #tpu.memory_space<vmem>>) offsets(%dma_start3A_195 : memref<128xi32, #tpu.memory_space<vmem>>) semaphore(%arg13 : memref<!tpu.dma_semaphore, #tpu.memory_space<semaphore_mem>>)
      %dma_wait3A_199 = arith.constant 2 : i32
      %dma_wait3A_200 = arith.constant 0 : i32
      %dma_wait3A_201 = tpu.memref_slice %arg6[%dma_wait3A_199, %dma_wait3A_200] : memref<16x128xi32, #tpu.memory_space<vmem>> -> memref<1x128xi32, #tpu.memory_space<vmem>>
      %dma_wait3A_202 = tpu.memref_squeeze %dma_wait3A_201 : memref<1x128xi32, #tpu.memory_space<vmem>> -> memref<128xi32, #tpu.memory_space<vmem>>
      %dma_wait3A_203 = arith.constant 0 : i32
      %dma_wait3A_204 = arith.constant 0 : i32
      %dma_wait3A_205 = tpu.memref_slice %arg2[%dma_wait3A_203, %dma_wait3A_204] : memref<20480x128xf32, #tpu.memory_space<hbm>> -> memref<20480x128xf32, #tpu.memory_space<hbm>>
      tpu.wait_indirect_dma semaphore(%arg12 : memref<!tpu.dma_semaphore, #tpu.memory_space<semaphore_mem>>) src(%dma_wait3A_205 : memref<20480x128xf32, #tpu.memory_space<hbm>>) dst(%arg8 : memref<128x128xf32, #tpu.memory_space<vmem>>)
      %dma_start3A_206 = arith.constant 2 : i32
      %dma_start3A_207 = arith.constant 0 : i32
      %dma_start3A_208 = tpu.memref_slice %arg7[%dma_start3A_206, %dma_start3A_207] : memref<16x128xi32, #tpu.memory_space<vmem>> -> memref<1x128xi32, #tpu.memory_space<vmem>>
      %dma_start3A_209 = tpu.memref_squeeze %dma_start3A_208 : memref<1x128xi32, #tpu.memory_space<vmem>> -> memref<128xi32, #tpu.memory_space<vmem>>
      %dma_start3A_210 = arith.constant 0 : i32
      %dma_start3A_211 = arith.constant 0 : i32
      %dma_start3A_212 = tpu.memref_slice %arg10[%dma_start3A_210, %dma_start3A_211] : memref<10240x128xf32, #tpu.memory_space<vmem_shared>> -> memref<10240x128xf32, #tpu.memory_space<vmem_shared>>
      tpu.enqueue_indirect_dma source(%arg8 : memref<128x128xf32, #tpu.memory_space<vmem>>) target(%dma_start3A_212 : memref<10240x128xf32, #tpu.memory_space<vmem_shared>>) offsets(%dma_start3A_209 : memref<128xi32, #tpu.memory_space<vmem>>) semaphore(%arg14 : memref<!tpu.dma_semaphore, #tpu.memory_space<semaphore_mem>>) {add = true}
      %dma_wait3A_213 = arith.constant 2 : i32
      %dma_wait3A_214 = arith.constant 0 : i32
      %dma_wait3A_215 = tpu.memref_slice %arg7[%dma_wait3A_213, %dma_wait3A_214] : memref<16x128xi32, #tpu.memory_space<vmem>> -> memref<1x128xi32, #tpu.memory_space<vmem>>
      %dma_wait3A_216 = tpu.memref_squeeze %dma_wait3A_215 : memref<1x128xi32, #tpu.memory_space<vmem>> -> memref<128xi32, #tpu.memory_space<vmem>>
      %dma_wait3A_217 = arith.constant 0 : i32
      %dma_wait3A_218 = arith.constant 0 : i32
      %dma_wait3A_219 = tpu.memref_slice %arg10[%dma_wait3A_217, %dma_wait3A_218] : memref<10240x128xf32, #tpu.memory_space<vmem_shared>> -> memref<10240x128xf32, #tpu.memory_space<vmem_shared>>
      tpu.wait_indirect_dma semaphore(%arg14 : memref<!tpu.dma_semaphore, #tpu.memory_space<semaphore_mem>>) src(%arg8 : memref<128x128xf32, #tpu.memory_space<vmem>>) dst(%dma_wait3A_219 : memref<10240x128xf32, #tpu.memory_space<vmem_shared>>)
      %dma_start3A_220 = arith.constant 4 : i32
      %dma_start3A_221 = arith.constant 0 : i32
      %dma_start3A_222 = tpu.memref_slice %arg6[%dma_start3A_220, %dma_start3A_221] : memref<16x128xi32, #tpu.memory_space<vmem>> -> memref<1x128xi32, #tpu.memory_space<vmem>>
      %dma_start3A_223 = tpu.memref_squeeze %dma_start3A_222 : memref<1x128xi32, #tpu.memory_space<vmem>> -> memref<128xi32, #tpu.memory_space<vmem>>
      %dma_start3A_224 = arith.constant 0 : i32
      %dma_start3A_225 = arith.constant 0 : i32
      %dma_start3A_226 = tpu.memref_slice %arg2[%dma_start3A_224, %dma_start3A_225] : memref<20480x128xf32, #tpu.memory_space<hbm>> -> memref<20480x128xf32, #tpu.memory_space<hbm>>
      tpu.enqueue_indirect_dma source(%dma_start3A_226 : memref<20480x128xf32, #tpu.memory_space<hbm>>) target(%arg8 : memref<128x128xf32, #tpu.memory_space<vmem>>) offsets(%dma_start3A_223 : memref<128xi32, #tpu.memory_space<vmem>>) semaphore(%arg12 : memref<!tpu.dma_semaphore, #tpu.memory_space<semaphore_mem>>)
      %dma_wait3A_227 = arith.constant 3 : i32
      %dma_wait3A_228 = arith.constant 0 : i32
      %dma_wait3A_229 = tpu.memref_slice %arg6[%dma_wait3A_227, %dma_wait3A_228] : memref<16x128xi32, #tpu.memory_space<vmem>> -> memref<1x128xi32, #tpu.memory_space<vmem>>
      %dma_wait3A_230 = tpu.memref_squeeze %dma_wait3A_229 : memref<1x128xi32, #tpu.memory_space<vmem>> -> memref<128xi32, #tpu.memory_space<vmem>>
      %dma_wait3A_231 = arith.constant 0 : i32
      %dma_wait3A_232 = arith.constant 0 : i32
      %dma_wait3A_233 = tpu.memref_slice %arg2[%dma_wait3A_231, %dma_wait3A_232] : memref<20480x128xf32, #tpu.memory_space<hbm>> -> memref<20480x128xf32, #tpu.memory_space<hbm>>
      tpu.wait_indirect_dma semaphore(%arg13 : memref<!tpu.dma_semaphore, #tpu.memory_space<semaphore_mem>>) src(%dma_wait3A_233 : memref<20480x128xf32, #tpu.memory_space<hbm>>) dst(%arg9 : memref<128x128xf32, #tpu.memory_space<vmem>>)
      %dma_start3A_234 = arith.constant 3 : i32
      %dma_start3A_235 = arith.constant 0 : i32
      %dma_start3A_236 = tpu.memref_slice %arg7[%dma_start3A_234, %dma_start3A_235] : memref<16x128xi32, #tpu.memory_space<vmem>> -> memref<1x128xi32, #tpu.memory_space<vmem>>
      %dma_start3A_237 = tpu.memref_squeeze %dma_start3A_236 : memref<1x128xi32, #tpu.memory_space<vmem>> -> memref<128xi32, #tpu.memory_space<vmem>>
      %dma_start3A_238 = arith.constant 0 : i32
      %dma_start3A_239 = arith.constant 0 : i32
      %dma_start3A_240 = tpu.memref_slice %arg10[%dma_start3A_238, %dma_start3A_239] : memref<10240x128xf32, #tpu.memory_space<vmem_shared>> -> memref<10240x128xf32, #tpu.memory_space<vmem_shared>>
      tpu.enqueue_indirect_dma source(%arg9 : memref<128x128xf32, #tpu.memory_space<vmem>>) target(%dma_start3A_240 : memref<10240x128xf32, #tpu.memory_space<vmem_shared>>) offsets(%dma_start3A_237 : memref<128xi32, #tpu.memory_space<vmem>>) semaphore(%arg15 : memref<!tpu.dma_semaphore, #tpu.memory_space<semaphore_mem>>) {add = true}
      %dma_wait3A_241 = arith.constant 3 : i32
      %dma_wait3A_242 = arith.constant 0 : i32
      %dma_wait3A_243 = tpu.memref_slice %arg7[%dma_wait3A_241, %dma_wait3A_242] : memref<16x128xi32, #tpu.memory_space<vmem>> -> memref<1x128xi32, #tpu.memory_space<vmem>>
      %dma_wait3A_244 = tpu.memref_squeeze %dma_wait3A_243 : memref<1x128xi32, #tpu.memory_space<vmem>> -> memref<128xi32, #tpu.memory_space<vmem>>
      %dma_wait3A_245 = arith.constant 0 : i32
      %dma_wait3A_246 = arith.constant 0 : i32
      %dma_wait3A_247 = tpu.memref_slice %arg10[%dma_wait3A_245, %dma_wait3A_246] : memref<10240x128xf32, #tpu.memory_space<vmem_shared>> -> memref<10240x128xf32, #tpu.memory_space<vmem_shared>>
      tpu.wait_indirect_dma semaphore(%arg15 : memref<!tpu.dma_semaphore, #tpu.memory_space<semaphore_mem>>) src(%arg9 : memref<128x128xf32, #tpu.memory_space<vmem>>) dst(%dma_wait3A_247 : memref<10240x128xf32, #tpu.memory_space<vmem_shared>>)
      %dma_start3A_248 = arith.constant 5 : i32
      %dma_start3A_249 = arith.constant 0 : i32
      %dma_start3A_250 = tpu.memref_slice %arg6[%dma_start3A_248, %dma_start3A_249] : memref<16x128xi32, #tpu.memory_space<vmem>> -> memref<1x128xi32, #tpu.memory_space<vmem>>
      %dma_start3A_251 = tpu.memref_squeeze %dma_start3A_250 : memref<1x128xi32, #tpu.memory_space<vmem>> -> memref<128xi32, #tpu.memory_space<vmem>>
      %dma_start3A_252 = arith.constant 0 : i32
      %dma_start3A_253 = arith.constant 0 : i32
      %dma_start3A_254 = tpu.memref_slice %arg2[%dma_start3A_252, %dma_start3A_253] : memref<20480x128xf32, #tpu.memory_space<hbm>> -> memref<20480x128xf32, #tpu.memory_space<hbm>>
      tpu.enqueue_indirect_dma source(%dma_start3A_254 : memref<20480x128xf32, #tpu.memory_space<hbm>>) target(%arg9 : memref<128x128xf32, #tpu.memory_space<vmem>>) offsets(%dma_start3A_251 : memref<128xi32, #tpu.memory_space<vmem>>) semaphore(%arg13 : memref<!tpu.dma_semaphore, #tpu.memory_space<semaphore_mem>>)
      %dma_wait3A_255 = arith.constant 4 : i32
      %dma_wait3A_256 = arith.constant 0 : i32
      %dma_wait3A_257 = tpu.memref_slice %arg6[%dma_wait3A_255, %dma_wait3A_256] : memref<16x128xi32, #tpu.memory_space<vmem>> -> memref<1x128xi32, #tpu.memory_space<vmem>>
      %dma_wait3A_258 = tpu.memref_squeeze %dma_wait3A_257 : memref<1x128xi32, #tpu.memory_space<vmem>> -> memref<128xi32, #tpu.memory_space<vmem>>
      %dma_wait3A_259 = arith.constant 0 : i32
      %dma_wait3A_260 = arith.constant 0 : i32
      %dma_wait3A_261 = tpu.memref_slice %arg2[%dma_wait3A_259, %dma_wait3A_260] : memref<20480x128xf32, #tpu.memory_space<hbm>> -> memref<20480x128xf32, #tpu.memory_space<hbm>>
      tpu.wait_indirect_dma semaphore(%arg12 : memref<!tpu.dma_semaphore, #tpu.memory_space<semaphore_mem>>) src(%dma_wait3A_261 : memref<20480x128xf32, #tpu.memory_space<hbm>>) dst(%arg8 : memref<128x128xf32, #tpu.memory_space<vmem>>)
      %dma_start3A_262 = arith.constant 4 : i32
      %dma_start3A_263 = arith.constant 0 : i32
      %dma_start3A_264 = tpu.memref_slice %arg7[%dma_start3A_262, %dma_start3A_263] : memref<16x128xi32, #tpu.memory_space<vmem>> -> memref<1x128xi32, #tpu.memory_space<vmem>>
      %dma_start3A_265 = tpu.memref_squeeze %dma_start3A_264 : memref<1x128xi32, #tpu.memory_space<vmem>> -> memref<128xi32, #tpu.memory_space<vmem>>
      %dma_start3A_266 = arith.constant 0 : i32
      %dma_start3A_267 = arith.constant 0 : i32
      %dma_start3A_268 = tpu.memref_slice %arg10[%dma_start3A_266, %dma_start3A_267] : memref<10240x128xf32, #tpu.memory_space<vmem_shared>> -> memref<10240x128xf32, #tpu.memory_space<vmem_shared>>
      tpu.enqueue_indirect_dma source(%arg8 : memref<128x128xf32, #tpu.memory_space<vmem>>) target(%dma_start3A_268 : memref<10240x128xf32, #tpu.memory_space<vmem_shared>>) offsets(%dma_start3A_265 : memref<128xi32, #tpu.memory_space<vmem>>) semaphore(%arg14 : memref<!tpu.dma_semaphore, #tpu.memory_space<semaphore_mem>>) {add = true}
      %dma_wait3A_269 = arith.constant 4 : i32
      %dma_wait3A_270 = arith.constant 0 : i32
      %dma_wait3A_271 = tpu.memref_slice %arg7[%dma_wait3A_269, %dma_wait3A_270] : memref<16x128xi32, #tpu.memory_space<vmem>> -> memref<1x128xi32, #tpu.memory_space<vmem>>
      %dma_wait3A_272 = tpu.memref_squeeze %dma_wait3A_271 : memref<1x128xi32, #tpu.memory_space<vmem>> -> memref<128xi32, #tpu.memory_space<vmem>>
      %dma_wait3A_273 = arith.constant 0 : i32
      %dma_wait3A_274 = arith.constant 0 : i32
      %dma_wait3A_275 = tpu.memref_slice %arg10[%dma_wait3A_273, %dma_wait3A_274] : memref<10240x128xf32, #tpu.memory_space<vmem_shared>> -> memref<10240x128xf32, #tpu.memory_space<vmem_shared>>
      tpu.wait_indirect_dma semaphore(%arg14 : memref<!tpu.dma_semaphore, #tpu.memory_space<semaphore_mem>>) src(%arg8 : memref<128x128xf32, #tpu.memory_space<vmem>>) dst(%dma_wait3A_275 : memref<10240x128xf32, #tpu.memory_space<vmem_shared>>)
      %dma_start3A_276 = arith.constant 6 : i32
      %dma_start3A_277 = arith.constant 0 : i32
      %dma_start3A_278 = tpu.memref_slice %arg6[%dma_start3A_276, %dma_start3A_277] : memref<16x128xi32, #tpu.memory_space<vmem>> -> memref<1x128xi32, #tpu.memory_space<vmem>>
      %dma_start3A_279 = tpu.memref_squeeze %dma_start3A_278 : memref<1x128xi32, #tpu.memory_space<vmem>> -> memref<128xi32, #tpu.memory_space<vmem>>
      %dma_start3A_280 = arith.constant 0 : i32
      %dma_start3A_281 = arith.constant 0 : i32
      %dma_start3A_282 = tpu.memref_slice %arg2[%dma_start3A_280, %dma_start3A_281] : memref<20480x128xf32, #tpu.memory_space<hbm>> -> memref<20480x128xf32, #tpu.memory_space<hbm>>
      tpu.enqueue_indirect_dma source(%dma_start3A_282 : memref<20480x128xf32, #tpu.memory_space<hbm>>) target(%arg8 : memref<128x128xf32, #tpu.memory_space<vmem>>) offsets(%dma_start3A_279 : memref<128xi32, #tpu.memory_space<vmem>>) semaphore(%arg12 : memref<!tpu.dma_semaphore, #tpu.memory_space<semaphore_mem>>)
      %dma_wait3A_283 = arith.constant 5 : i32
      %dma_wait3A_284 = arith.constant 0 : i32
      %dma_wait3A_285 = tpu.memref_slice %arg6[%dma_wait3A_283, %dma_wait3A_284] : memref<16x128xi32, #tpu.memory_space<vmem>> -> memref<1x128xi32, #tpu.memory_space<vmem>>
      %dma_wait3A_286 = tpu.memref_squeeze %dma_wait3A_285 : memref<1x128xi32, #tpu.memory_space<vmem>> -> memref<128xi32, #tpu.memory_space<vmem>>
      %dma_wait3A_287 = arith.constant 0 : i32
      %dma_wait3A_288 = arith.constant 0 : i32
      %dma_wait3A_289 = tpu.memref_slice %arg2[%dma_wait3A_287, %dma_wait3A_288] : memref<20480x128xf32, #tpu.memory_space<hbm>> -> memref<20480x128xf32, #tpu.memory_space<hbm>>
      tpu.wait_indirect_dma semaphore(%arg13 : memref<!tpu.dma_semaphore, #tpu.memory_space<semaphore_mem>>) src(%dma_wait3A_289 : memref<20480x128xf32, #tpu.memory_space<hbm>>) dst(%arg9 : memref<128x128xf32, #tpu.memory_space<vmem>>)
      %dma_start3A_290 = arith.constant 5 : i32
      %dma_start3A_291 = arith.constant 0 : i32
      %dma_start3A_292 = tpu.memref_slice %arg7[%dma_start3A_290, %dma_start3A_291] : memref<16x128xi32, #tpu.memory_space<vmem>> -> memref<1x128xi32, #tpu.memory_space<vmem>>
      %dma_start3A_293 = tpu.memref_squeeze %dma_start3A_292 : memref<1x128xi32, #tpu.memory_space<vmem>> -> memref<128xi32, #tpu.memory_space<vmem>>
      %dma_start3A_294 = arith.constant 0 : i32
      %dma_start3A_295 = arith.constant 0 : i32
      %dma_start3A_296 = tpu.memref_slice %arg10[%dma_start3A_294, %dma_start3A_295] : memref<10240x128xf32, #tpu.memory_space<vmem_shared>> -> memref<10240x128xf32, #tpu.memory_space<vmem_shared>>
      tpu.enqueue_indirect_dma source(%arg9 : memref<128x128xf32, #tpu.memory_space<vmem>>) target(%dma_start3A_296 : memref<10240x128xf32, #tpu.memory_space<vmem_shared>>) offsets(%dma_start3A_293 : memref<128xi32, #tpu.memory_space<vmem>>) semaphore(%arg15 : memref<!tpu.dma_semaphore, #tpu.memory_space<semaphore_mem>>) {add = true}
      %dma_wait3A_297 = arith.constant 5 : i32
      %dma_wait3A_298 = arith.constant 0 : i32
      %dma_wait3A_299 = tpu.memref_slice %arg7[%dma_wait3A_297, %dma_wait3A_298] : memref<16x128xi32, #tpu.memory_space<vmem>> -> memref<1x128xi32, #tpu.memory_space<vmem>>
      %dma_wait3A_300 = tpu.memref_squeeze %dma_wait3A_299 : memref<1x128xi32, #tpu.memory_space<vmem>> -> memref<128xi32, #tpu.memory_space<vmem>>
      %dma_wait3A_301 = arith.constant 0 : i32
      %dma_wait3A_302 = arith.constant 0 : i32
      %dma_wait3A_303 = tpu.memref_slice %arg10[%dma_wait3A_301, %dma_wait3A_302] : memref<10240x128xf32, #tpu.memory_space<vmem_shared>> -> memref<10240x128xf32, #tpu.memory_space<vmem_shared>>
      tpu.wait_indirect_dma semaphore(%arg15 : memref<!tpu.dma_semaphore, #tpu.memory_space<semaphore_mem>>) src(%arg9 : memref<128x128xf32, #tpu.memory_space<vmem>>) dst(%dma_wait3A_303 : memref<10240x128xf32, #tpu.memory_space<vmem_shared>>)
      %dma_start3A_304 = arith.constant 7 : i32
      %dma_start3A_305 = arith.constant 0 : i32
      %dma_start3A_306 = tpu.memref_slice %arg6[%dma_start3A_304, %dma_start3A_305] : memref<16x128xi32, #tpu.memory_space<vmem>> -> memref<1x128xi32, #tpu.memory_space<vmem>>
      %dma_start3A_307 = tpu.memref_squeeze %dma_start3A_306 : memref<1x128xi32, #tpu.memory_space<vmem>> -> memref<128xi32, #tpu.memory_space<vmem>>
      %dma_start3A_308 = arith.constant 0 : i32
      %dma_start3A_309 = arith.constant 0 : i32
      %dma_start3A_310 = tpu.memref_slice %arg2[%dma_start3A_308, %dma_start3A_309] : memref<20480x128xf32, #tpu.memory_space<hbm>> -> memref<20480x128xf32, #tpu.memory_space<hbm>>
      tpu.enqueue_indirect_dma source(%dma_start3A_310 : memref<20480x128xf32, #tpu.memory_space<hbm>>) target(%arg9 : memref<128x128xf32, #tpu.memory_space<vmem>>) offsets(%dma_start3A_307 : memref<128xi32, #tpu.memory_space<vmem>>) semaphore(%arg13 : memref<!tpu.dma_semaphore, #tpu.memory_space<semaphore_mem>>)
      %dma_wait3A_311 = arith.constant 6 : i32
      %dma_wait3A_312 = arith.constant 0 : i32
      %dma_wait3A_313 = tpu.memref_slice %arg6[%dma_wait3A_311, %dma_wait3A_312] : memref<16x128xi32, #tpu.memory_space<vmem>> -> memref<1x128xi32, #tpu.memory_space<vmem>>
      %dma_wait3A_314 = tpu.memref_squeeze %dma_wait3A_313 : memref<1x128xi32, #tpu.memory_space<vmem>> -> memref<128xi32, #tpu.memory_space<vmem>>
      %dma_wait3A_315 = arith.constant 0 : i32
      %dma_wait3A_316 = arith.constant 0 : i32
      %dma_wait3A_317 = tpu.memref_slice %arg2[%dma_wait3A_315, %dma_wait3A_316] : memref<20480x128xf32, #tpu.memory_space<hbm>> -> memref<20480x128xf32, #tpu.memory_space<hbm>>
      tpu.wait_indirect_dma semaphore(%arg12 : memref<!tpu.dma_semaphore, #tpu.memory_space<semaphore_mem>>) src(%dma_wait3A_317 : memref<20480x128xf32, #tpu.memory_space<hbm>>) dst(%arg8 : memref<128x128xf32, #tpu.memory_space<vmem>>)
      %dma_start3A_318 = arith.constant 6 : i32
      %dma_start3A_319 = arith.constant 0 : i32
      %dma_start3A_320 = tpu.memref_slice %arg7[%dma_start3A_318, %dma_start3A_319] : memref<16x128xi32, #tpu.memory_space<vmem>> -> memref<1x128xi32, #tpu.memory_space<vmem>>
      %dma_start3A_321 = tpu.memref_squeeze %dma_start3A_320 : memref<1x128xi32, #tpu.memory_space<vmem>> -> memref<128xi32, #tpu.memory_space<vmem>>
      %dma_start3A_322 = arith.constant 0 : i32
      %dma_start3A_323 = arith.constant 0 : i32
      %dma_start3A_324 = tpu.memref_slice %arg10[%dma_start3A_322, %dma_start3A_323] : memref<10240x128xf32, #tpu.memory_space<vmem_shared>> -> memref<10240x128xf32, #tpu.memory_space<vmem_shared>>
      tpu.enqueue_indirect_dma source(%arg8 : memref<128x128xf32, #tpu.memory_space<vmem>>) target(%dma_start3A_324 : memref<10240x128xf32, #tpu.memory_space<vmem_shared>>) offsets(%dma_start3A_321 : memref<128xi32, #tpu.memory_space<vmem>>) semaphore(%arg14 : memref<!tpu.dma_semaphore, #tpu.memory_space<semaphore_mem>>) {add = true}
      %dma_wait3A_325 = arith.constant 6 : i32
      %dma_wait3A_326 = arith.constant 0 : i32
      %dma_wait3A_327 = tpu.memref_slice %arg7[%dma_wait3A_325, %dma_wait3A_326] : memref<16x128xi32, #tpu.memory_space<vmem>> -> memref<1x128xi32, #tpu.memory_space<vmem>>
      %dma_wait3A_328 = tpu.memref_squeeze %dma_wait3A_327 : memref<1x128xi32, #tpu.memory_space<vmem>> -> memref<128xi32, #tpu.memory_space<vmem>>
      %dma_wait3A_329 = arith.constant 0 : i32
      %dma_wait3A_330 = arith.constant 0 : i32
      %dma_wait3A_331 = tpu.memref_slice %arg10[%dma_wait3A_329, %dma_wait3A_330] : memref<10240x128xf32, #tpu.memory_space<vmem_shared>> -> memref<10240x128xf32, #tpu.memory_space<vmem_shared>>
      tpu.wait_indirect_dma semaphore(%arg14 : memref<!tpu.dma_semaphore, #tpu.memory_space<semaphore_mem>>) src(%arg8 : memref<128x128xf32, #tpu.memory_space<vmem>>) dst(%dma_wait3A_331 : memref<10240x128xf32, #tpu.memory_space<vmem_shared>>)
      %dma_start3A_332 = arith.constant 8 : i32
      %dma_start3A_333 = arith.constant 0 : i32
      %dma_start3A_334 = tpu.memref_slice %arg6[%dma_start3A_332, %dma_start3A_333] : memref<16x128xi32, #tpu.memory_space<vmem>> -> memref<1x128xi32, #tpu.memory_space<vmem>>
      %dma_start3A_335 = tpu.memref_squeeze %dma_start3A_334 : memref<1x128xi32, #tpu.memory_space<vmem>> -> memref<128xi32, #tpu.memory_space<vmem>>
      %dma_start3A_336 = arith.constant 0 : i32
      %dma_start3A_337 = arith.constant 0 : i32
      %dma_start3A_338 = tpu.memref_slice %arg2[%dma_start3A_336, %dma_start3A_337] : memref<20480x128xf32, #tpu.memory_space<hbm>> -> memref<20480x128xf32, #tpu.memory_space<hbm>>
      tpu.enqueue_indirect_dma source(%dma_start3A_338 : memref<20480x128xf32, #tpu.memory_space<hbm>>) target(%arg8 : memref<128x128xf32, #tpu.memory_space<vmem>>) offsets(%dma_start3A_335 : memref<128xi32, #tpu.memory_space<vmem>>) semaphore(%arg12 : memref<!tpu.dma_semaphore, #tpu.memory_space<semaphore_mem>>)
      %dma_wait3A_339 = arith.constant 7 : i32
      %dma_wait3A_340 = arith.constant 0 : i32
      %dma_wait3A_341 = tpu.memref_slice %arg6[%dma_wait3A_339, %dma_wait3A_340] : memref<16x128xi32, #tpu.memory_space<vmem>> -> memref<1x128xi32, #tpu.memory_space<vmem>>
      %dma_wait3A_342 = tpu.memref_squeeze %dma_wait3A_341 : memref<1x128xi32, #tpu.memory_space<vmem>> -> memref<128xi32, #tpu.memory_space<vmem>>
      %dma_wait3A_343 = arith.constant 0 : i32
      %dma_wait3A_344 = arith.constant 0 : i32
      %dma_wait3A_345 = tpu.memref_slice %arg2[%dma_wait3A_343, %dma_wait3A_344] : memref<20480x128xf32, #tpu.memory_space<hbm>> -> memref<20480x128xf32, #tpu.memory_space<hbm>>
      tpu.wait_indirect_dma semaphore(%arg13 : memref<!tpu.dma_semaphore, #tpu.memory_space<semaphore_mem>>) src(%dma_wait3A_345 : memref<20480x128xf32, #tpu.memory_space<hbm>>) dst(%arg9 : memref<128x128xf32, #tpu.memory_space<vmem>>)
      %dma_start3A_346 = arith.constant 7 : i32
      %dma_start3A_347 = arith.constant 0 : i32
      %dma_start3A_348 = tpu.memref_slice %arg7[%dma_start3A_346, %dma_start3A_347] : memref<16x128xi32, #tpu.memory_space<vmem>> -> memref<1x128xi32, #tpu.memory_space<vmem>>
      %dma_start3A_349 = tpu.memref_squeeze %dma_start3A_348 : memref<1x128xi32, #tpu.memory_space<vmem>> -> memref<128xi32, #tpu.memory_space<vmem>>
      %dma_start3A_350 = arith.constant 0 : i32
      %dma_start3A_351 = arith.constant 0 : i32
      %dma_start3A_352 = tpu.memref_slice %arg10[%dma_start3A_350, %dma_start3A_351] : memref<10240x128xf32, #tpu.memory_space<vmem_shared>> -> memref<10240x128xf32, #tpu.memory_space<vmem_shared>>
      tpu.enqueue_indirect_dma source(%arg9 : memref<128x128xf32, #tpu.memory_space<vmem>>) target(%dma_start3A_352 : memref<10240x128xf32, #tpu.memory_space<vmem_shared>>) offsets(%dma_start3A_349 : memref<128xi32, #tpu.memory_space<vmem>>) semaphore(%arg15 : memref<!tpu.dma_semaphore, #tpu.memory_space<semaphore_mem>>) {add = true}
      %dma_wait3A_353 = arith.constant 7 : i32
      %dma_wait3A_354 = arith.constant 0 : i32
      %dma_wait3A_355 = tpu.memref_slice %arg7[%dma_wait3A_353, %dma_wait3A_354] : memref<16x128xi32, #tpu.memory_space<vmem>> -> memref<1x128xi32, #tpu.memory_space<vmem>>
      %dma_wait3A_356 = tpu.memref_squeeze %dma_wait3A_355 : memref<1x128xi32, #tpu.memory_space<vmem>> -> memref<128xi32, #tpu.memory_space<vmem>>
      %dma_wait3A_357 = arith.constant 0 : i32
      %dma_wait3A_358 = arith.constant 0 : i32
      %dma_wait3A_359 = tpu.memref_slice %arg10[%dma_wait3A_357, %dma_wait3A_358] : memref<10240x128xf32, #tpu.memory_space<vmem_shared>> -> memref<10240x128xf32, #tpu.memory_space<vmem_shared>>
      tpu.wait_indirect_dma semaphore(%arg15 : memref<!tpu.dma_semaphore, #tpu.memory_space<semaphore_mem>>) src(%arg9 : memref<128x128xf32, #tpu.memory_space<vmem>>) dst(%dma_wait3A_359 : memref<10240x128xf32, #tpu.memory_space<vmem_shared>>)
      %dma_start3A_360 = arith.constant 9 : i32
      %dma_start3A_361 = arith.constant 0 : i32
      %dma_start3A_362 = tpu.memref_slice %arg6[%dma_start3A_360, %dma_start3A_361] : memref<16x128xi32, #tpu.memory_space<vmem>> -> memref<1x128xi32, #tpu.memory_space<vmem>>
      %dma_start3A_363 = tpu.memref_squeeze %dma_start3A_362 : memref<1x128xi32, #tpu.memory_space<vmem>> -> memref<128xi32, #tpu.memory_space<vmem>>
      %dma_start3A_364 = arith.constant 0 : i32
      %dma_start3A_365 = arith.constant 0 : i32
      %dma_start3A_366 = tpu.memref_slice %arg2[%dma_start3A_364, %dma_start3A_365] : memref<20480x128xf32, #tpu.memory_space<hbm>> -> memref<20480x128xf32, #tpu.memory_space<hbm>>
      tpu.enqueue_indirect_dma source(%dma_start3A_366 : memref<20480x128xf32, #tpu.memory_space<hbm>>) target(%arg9 : memref<128x128xf32, #tpu.memory_space<vmem>>) offsets(%dma_start3A_363 : memref<128xi32, #tpu.memory_space<vmem>>) semaphore(%arg13 : memref<!tpu.dma_semaphore, #tpu.memory_space<semaphore_mem>>)
      %dma_wait3A_367 = arith.constant 8 : i32
      %dma_wait3A_368 = arith.constant 0 : i32
      %dma_wait3A_369 = tpu.memref_slice %arg6[%dma_wait3A_367, %dma_wait3A_368] : memref<16x128xi32, #tpu.memory_space<vmem>> -> memref<1x128xi32, #tpu.memory_space<vmem>>
      %dma_wait3A_370 = tpu.memref_squeeze %dma_wait3A_369 : memref<1x128xi32, #tpu.memory_space<vmem>> -> memref<128xi32, #tpu.memory_space<vmem>>
      %dma_wait3A_371 = arith.constant 0 : i32
      %dma_wait3A_372 = arith.constant 0 : i32
      %dma_wait3A_373 = tpu.memref_slice %arg2[%dma_wait3A_371, %dma_wait3A_372] : memref<20480x128xf32, #tpu.memory_space<hbm>> -> memref<20480x128xf32, #tpu.memory_space<hbm>>
      tpu.wait_indirect_dma semaphore(%arg12 : memref<!tpu.dma_semaphore, #tpu.memory_space<semaphore_mem>>) src(%dma_wait3A_373 : memref<20480x128xf32, #tpu.memory_space<hbm>>) dst(%arg8 : memref<128x128xf32, #tpu.memory_space<vmem>>)
      %dma_start3A_374 = arith.constant 8 : i32
      %dma_start3A_375 = arith.constant 0 : i32
      %dma_start3A_376 = tpu.memref_slice %arg7[%dma_start3A_374, %dma_start3A_375] : memref<16x128xi32, #tpu.memory_space<vmem>> -> memref<1x128xi32, #tpu.memory_space<vmem>>
      %dma_start3A_377 = tpu.memref_squeeze %dma_start3A_376 : memref<1x128xi32, #tpu.memory_space<vmem>> -> memref<128xi32, #tpu.memory_space<vmem>>
      %dma_start3A_378 = arith.constant 0 : i32
      %dma_start3A_379 = arith.constant 0 : i32
      %dma_start3A_380 = tpu.memref_slice %arg10[%dma_start3A_378, %dma_start3A_379] : memref<10240x128xf32, #tpu.memory_space<vmem_shared>> -> memref<10240x128xf32, #tpu.memory_space<vmem_shared>>
      tpu.enqueue_indirect_dma source(%arg8 : memref<128x128xf32, #tpu.memory_space<vmem>>) target(%dma_start3A_380 : memref<10240x128xf32, #tpu.memory_space<vmem_shared>>) offsets(%dma_start3A_377 : memref<128xi32, #tpu.memory_space<vmem>>) semaphore(%arg14 : memref<!tpu.dma_semaphore, #tpu.memory_space<semaphore_mem>>) {add = true}
      %dma_wait3A_381 = arith.constant 8 : i32
      %dma_wait3A_382 = arith.constant 0 : i32
      %dma_wait3A_383 = tpu.memref_slice %arg7[%dma_wait3A_381, %dma_wait3A_382] : memref<16x128xi32, #tpu.memory_space<vmem>> -> memref<1x128xi32, #tpu.memory_space<vmem>>
      %dma_wait3A_384 = tpu.memref_squeeze %dma_wait3A_383 : memref<1x128xi32, #tpu.memory_space<vmem>> -> memref<128xi32, #tpu.memory_space<vmem>>
      %dma_wait3A_385 = arith.constant 0 : i32
      %dma_wait3A_386 = arith.constant 0 : i32
      %dma_wait3A_387 = tpu.memref_slice %arg10[%dma_wait3A_385, %dma_wait3A_386] : memref<10240x128xf32, #tpu.memory_space<vmem_shared>> -> memref<10240x128xf32, #tpu.memory_space<vmem_shared>>
      tpu.wait_indirect_dma semaphore(%arg14 : memref<!tpu.dma_semaphore, #tpu.memory_space<semaphore_mem>>) src(%arg8 : memref<128x128xf32, #tpu.memory_space<vmem>>) dst(%dma_wait3A_387 : memref<10240x128xf32, #tpu.memory_space<vmem_shared>>)
      %dma_start3A_388 = arith.constant 10 : i32
      %dma_start3A_389 = arith.constant 0 : i32
      %dma_start3A_390 = tpu.memref_slice %arg6[%dma_start3A_388, %dma_start3A_389] : memref<16x128xi32, #tpu.memory_space<vmem>> -> memref<1x128xi32, #tpu.memory_space<vmem>>
      %dma_start3A_391 = tpu.memref_squeeze %dma_start3A_390 : memref<1x128xi32, #tpu.memory_space<vmem>> -> memref<128xi32, #tpu.memory_space<vmem>>
      %dma_start3A_392 = arith.constant 0 : i32
      %dma_start3A_393 = arith.constant 0 : i32
      %dma_start3A_394 = tpu.memref_slice %arg2[%dma_start3A_392, %dma_start3A_393] : memref<20480x128xf32, #tpu.memory_space<hbm>> -> memref<20480x128xf32, #tpu.memory_space<hbm>>
      tpu.enqueue_indirect_dma source(%dma_start3A_394 : memref<20480x128xf32, #tpu.memory_space<hbm>>) target(%arg8 : memref<128x128xf32, #tpu.memory_space<vmem>>) offsets(%dma_start3A_391 : memref<128xi32, #tpu.memory_space<vmem>>) semaphore(%arg12 : memref<!tpu.dma_semaphore, #tpu.memory_space<semaphore_mem>>)
      %dma_wait3A_395 = arith.constant 9 : i32
      %dma_wait3A_396 = arith.constant 0 : i32
      %dma_wait3A_397 = tpu.memref_slice %arg6[%dma_wait3A_395, %dma_wait3A_396] : memref<16x128xi32, #tpu.memory_space<vmem>> -> memref<1x128xi32, #tpu.memory_space<vmem>>
      %dma_wait3A_398 = tpu.memref_squeeze %dma_wait3A_397 : memref<1x128xi32, #tpu.memory_space<vmem>> -> memref<128xi32, #tpu.memory_space<vmem>>
      %dma_wait3A_399 = arith.constant 0 : i32
      %dma_wait3A_400 = arith.constant 0 : i32
      %dma_wait3A_401 = tpu.memref_slice %arg2[%dma_wait3A_399, %dma_wait3A_400] : memref<20480x128xf32, #tpu.memory_space<hbm>> -> memref<20480x128xf32, #tpu.memory_space<hbm>>
      tpu.wait_indirect_dma semaphore(%arg13 : memref<!tpu.dma_semaphore, #tpu.memory_space<semaphore_mem>>) src(%dma_wait3A_401 : memref<20480x128xf32, #tpu.memory_space<hbm>>) dst(%arg9 : memref<128x128xf32, #tpu.memory_space<vmem>>)
      %dma_start3A_402 = arith.constant 9 : i32
      %dma_start3A_403 = arith.constant 0 : i32
      %dma_start3A_404 = tpu.memref_slice %arg7[%dma_start3A_402, %dma_start3A_403] : memref<16x128xi32, #tpu.memory_space<vmem>> -> memref<1x128xi32, #tpu.memory_space<vmem>>
      %dma_start3A_405 = tpu.memref_squeeze %dma_start3A_404 : memref<1x128xi32, #tpu.memory_space<vmem>> -> memref<128xi32, #tpu.memory_space<vmem>>
      %dma_start3A_406 = arith.constant 0 : i32
      %dma_start3A_407 = arith.constant 0 : i32
      %dma_start3A_408 = tpu.memref_slice %arg10[%dma_start3A_406, %dma_start3A_407] : memref<10240x128xf32, #tpu.memory_space<vmem_shared>> -> memref<10240x128xf32, #tpu.memory_space<vmem_shared>>
      tpu.enqueue_indirect_dma source(%arg9 : memref<128x128xf32, #tpu.memory_space<vmem>>) target(%dma_start3A_408 : memref<10240x128xf32, #tpu.memory_space<vmem_shared>>) offsets(%dma_start3A_405 : memref<128xi32, #tpu.memory_space<vmem>>) semaphore(%arg15 : memref<!tpu.dma_semaphore, #tpu.memory_space<semaphore_mem>>) {add = true}
      %dma_wait3A_409 = arith.constant 9 : i32
      %dma_wait3A_410 = arith.constant 0 : i32
      %dma_wait3A_411 = tpu.memref_slice %arg7[%dma_wait3A_409, %dma_wait3A_410] : memref<16x128xi32, #tpu.memory_space<vmem>> -> memref<1x128xi32, #tpu.memory_space<vmem>>
      %dma_wait3A_412 = tpu.memref_squeeze %dma_wait3A_411 : memref<1x128xi32, #tpu.memory_space<vmem>> -> memref<128xi32, #tpu.memory_space<vmem>>
      %dma_wait3A_413 = arith.constant 0 : i32
      %dma_wait3A_414 = arith.constant 0 : i32
      %dma_wait3A_415 = tpu.memref_slice %arg10[%dma_wait3A_413, %dma_wait3A_414] : memref<10240x128xf32, #tpu.memory_space<vmem_shared>> -> memref<10240x128xf32, #tpu.memory_space<vmem_shared>>
      tpu.wait_indirect_dma semaphore(%arg15 : memref<!tpu.dma_semaphore, #tpu.memory_space<semaphore_mem>>) src(%arg9 : memref<128x128xf32, #tpu.memory_space<vmem>>) dst(%dma_wait3A_415 : memref<10240x128xf32, #tpu.memory_space<vmem_shared>>)
      %dma_start3A_416 = arith.constant 11 : i32
      %dma_start3A_417 = arith.constant 0 : i32
      %dma_start3A_418 = tpu.memref_slice %arg6[%dma_start3A_416, %dma_start3A_417] : memref<16x128xi32, #tpu.memory_space<vmem>> -> memref<1x128xi32, #tpu.memory_space<vmem>>
      %dma_start3A_419 = tpu.memref_squeeze %dma_start3A_418 : memref<1x128xi32, #tpu.memory_space<vmem>> -> memref<128xi32, #tpu.memory_space<vmem>>
      %dma_start3A_420 = arith.constant 0 : i32
      %dma_start3A_421 = arith.constant 0 : i32
      %dma_start3A_422 = tpu.memref_slice %arg2[%dma_start3A_420, %dma_start3A_421] : memref<20480x128xf32, #tpu.memory_space<hbm>> -> memref<20480x128xf32, #tpu.memory_space<hbm>>
      tpu.enqueue_indirect_dma source(%dma_start3A_422 : memref<20480x128xf32, #tpu.memory_space<hbm>>) target(%arg9 : memref<128x128xf32, #tpu.memory_space<vmem>>) offsets(%dma_start3A_419 : memref<128xi32, #tpu.memory_space<vmem>>) semaphore(%arg13 : memref<!tpu.dma_semaphore, #tpu.memory_space<semaphore_mem>>)
      %dma_wait3A_423 = arith.constant 10 : i32
      %dma_wait3A_424 = arith.constant 0 : i32
      %dma_wait3A_425 = tpu.memref_slice %arg6[%dma_wait3A_423, %dma_wait3A_424] : memref<16x128xi32, #tpu.memory_space<vmem>> -> memref<1x128xi32, #tpu.memory_space<vmem>>
      %dma_wait3A_426 = tpu.memref_squeeze %dma_wait3A_425 : memref<1x128xi32, #tpu.memory_space<vmem>> -> memref<128xi32, #tpu.memory_space<vmem>>
      %dma_wait3A_427 = arith.constant 0 : i32
      %dma_wait3A_428 = arith.constant 0 : i32
      %dma_wait3A_429 = tpu.memref_slice %arg2[%dma_wait3A_427, %dma_wait3A_428] : memref<20480x128xf32, #tpu.memory_space<hbm>> -> memref<20480x128xf32, #tpu.memory_space<hbm>>
      tpu.wait_indirect_dma semaphore(%arg12 : memref<!tpu.dma_semaphore, #tpu.memory_space<semaphore_mem>>) src(%dma_wait3A_429 : memref<20480x128xf32, #tpu.memory_space<hbm>>) dst(%arg8 : memref<128x128xf32, #tpu.memory_space<vmem>>)
      %dma_start3A_430 = arith.constant 10 : i32
      %dma_start3A_431 = arith.constant 0 : i32
      %dma_start3A_432 = tpu.memref_slice %arg7[%dma_start3A_430, %dma_start3A_431] : memref<16x128xi32, #tpu.memory_space<vmem>> -> memref<1x128xi32, #tpu.memory_space<vmem>>
      %dma_start3A_433 = tpu.memref_squeeze %dma_start3A_432 : memref<1x128xi32, #tpu.memory_space<vmem>> -> memref<128xi32, #tpu.memory_space<vmem>>
      %dma_start3A_434 = arith.constant 0 : i32
      %dma_start3A_435 = arith.constant 0 : i32
      %dma_start3A_436 = tpu.memref_slice %arg10[%dma_start3A_434, %dma_start3A_435] : memref<10240x128xf32, #tpu.memory_space<vmem_shared>> -> memref<10240x128xf32, #tpu.memory_space<vmem_shared>>
      tpu.enqueue_indirect_dma source(%arg8 : memref<128x128xf32, #tpu.memory_space<vmem>>) target(%dma_start3A_436 : memref<10240x128xf32, #tpu.memory_space<vmem_shared>>) offsets(%dma_start3A_433 : memref<128xi32, #tpu.memory_space<vmem>>) semaphore(%arg14 : memref<!tpu.dma_semaphore, #tpu.memory_space<semaphore_mem>>) {add = true}
      %dma_wait3A_437 = arith.constant 10 : i32
      %dma_wait3A_438 = arith.constant 0 : i32
      %dma_wait3A_439 = tpu.memref_slice %arg7[%dma_wait3A_437, %dma_wait3A_438] : memref<16x128xi32, #tpu.memory_space<vmem>> -> memref<1x128xi32, #tpu.memory_space<vmem>>
      %dma_wait3A_440 = tpu.memref_squeeze %dma_wait3A_439 : memref<1x128xi32, #tpu.memory_space<vmem>> -> memref<128xi32, #tpu.memory_space<vmem>>
      %dma_wait3A_441 = arith.constant 0 : i32
      %dma_wait3A_442 = arith.constant 0 : i32
      %dma_wait3A_443 = tpu.memref_slice %arg10[%dma_wait3A_441, %dma_wait3A_442] : memref<10240x128xf32, #tpu.memory_space<vmem_shared>> -> memref<10240x128xf32, #tpu.memory_space<vmem_shared>>
      tpu.wait_indirect_dma semaphore(%arg14 : memref<!tpu.dma_semaphore, #tpu.memory_space<semaphore_mem>>) src(%arg8 : memref<128x128xf32, #tpu.memory_space<vmem>>) dst(%dma_wait3A_443 : memref<10240x128xf32, #tpu.memory_space<vmem_shared>>)
      %dma_start3A_444 = arith.constant 12 : i32
      %dma_start3A_445 = arith.constant 0 : i32
      %dma_start3A_446 = tpu.memref_slice %arg6[%dma_start3A_444, %dma_start3A_445] : memref<16x128xi32, #tpu.memory_space<vmem>> -> memref<1x128xi32, #tpu.memory_space<vmem>>
      %dma_start3A_447 = tpu.memref_squeeze %dma_start3A_446 : memref<1x128xi32, #tpu.memory_space<vmem>> -> memref<128xi32, #tpu.memory_space<vmem>>
      %dma_start3A_448 = arith.constant 0 : i32
      %dma_start3A_449 = arith.constant 0 : i32
      %dma_start3A_450 = tpu.memref_slice %arg2[%dma_start3A_448, %dma_start3A_449] : memref<20480x128xf32, #tpu.memory_space<hbm>> -> memref<20480x128xf32, #tpu.memory_space<hbm>>
      tpu.enqueue_indirect_dma source(%dma_start3A_450 : memref<20480x128xf32, #tpu.memory_space<hbm>>) target(%arg8 : memref<128x128xf32, #tpu.memory_space<vmem>>) offsets(%dma_start3A_447 : memref<128xi32, #tpu.memory_space<vmem>>) semaphore(%arg12 : memref<!tpu.dma_semaphore, #tpu.memory_space<semaphore_mem>>)
      %dma_wait3A_451 = arith.constant 11 : i32
      %dma_wait3A_452 = arith.constant 0 : i32
      %dma_wait3A_453 = tpu.memref_slice %arg6[%dma_wait3A_451, %dma_wait3A_452] : memref<16x128xi32, #tpu.memory_space<vmem>> -> memref<1x128xi32, #tpu.memory_space<vmem>>
      %dma_wait3A_454 = tpu.memref_squeeze %dma_wait3A_453 : memref<1x128xi32, #tpu.memory_space<vmem>> -> memref<128xi32, #tpu.memory_space<vmem>>
      %dma_wait3A_455 = arith.constant 0 : i32
      %dma_wait3A_456 = arith.constant 0 : i32
      %dma_wait3A_457 = tpu.memref_slice %arg2[%dma_wait3A_455, %dma_wait3A_456] : memref<20480x128xf32, #tpu.memory_space<hbm>> -> memref<20480x128xf32, #tpu.memory_space<hbm>>
      tpu.wait_indirect_dma semaphore(%arg13 : memref<!tpu.dma_semaphore, #tpu.memory_space<semaphore_mem>>) src(%dma_wait3A_457 : memref<20480x128xf32, #tpu.memory_space<hbm>>) dst(%arg9 : memref<128x128xf32, #tpu.memory_space<vmem>>)
      %dma_start3A_458 = arith.constant 11 : i32
      %dma_start3A_459 = arith.constant 0 : i32
      %dma_start3A_460 = tpu.memref_slice %arg7[%dma_start3A_458, %dma_start3A_459] : memref<16x128xi32, #tpu.memory_space<vmem>> -> memref<1x128xi32, #tpu.memory_space<vmem>>
      %dma_start3A_461 = tpu.memref_squeeze %dma_start3A_460 : memref<1x128xi32, #tpu.memory_space<vmem>> -> memref<128xi32, #tpu.memory_space<vmem>>
      %dma_start3A_462 = arith.constant 0 : i32
      %dma_start3A_463 = arith.constant 0 : i32
      %dma_start3A_464 = tpu.memref_slice %arg10[%dma_start3A_462, %dma_start3A_463] : memref<10240x128xf32, #tpu.memory_space<vmem_shared>> -> memref<10240x128xf32, #tpu.memory_space<vmem_shared>>
      tpu.enqueue_indirect_dma source(%arg9 : memref<128x128xf32, #tpu.memory_space<vmem>>) target(%dma_start3A_464 : memref<10240x128xf32, #tpu.memory_space<vmem_shared>>) offsets(%dma_start3A_461 : memref<128xi32, #tpu.memory_space<vmem>>) semaphore(%arg15 : memref<!tpu.dma_semaphore, #tpu.memory_space<semaphore_mem>>) {add = true}
      %dma_wait3A_465 = arith.constant 11 : i32
      %dma_wait3A_466 = arith.constant 0 : i32
      %dma_wait3A_467 = tpu.memref_slice %arg7[%dma_wait3A_465, %dma_wait3A_466] : memref<16x128xi32, #tpu.memory_space<vmem>> -> memref<1x128xi32, #tpu.memory_space<vmem>>
      %dma_wait3A_468 = tpu.memref_squeeze %dma_wait3A_467 : memref<1x128xi32, #tpu.memory_space<vmem>> -> memref<128xi32, #tpu.memory_space<vmem>>
      %dma_wait3A_469 = arith.constant 0 : i32
      %dma_wait3A_470 = arith.constant 0 : i32
      %dma_wait3A_471 = tpu.memref_slice %arg10[%dma_wait3A_469, %dma_wait3A_470] : memref<10240x128xf32, #tpu.memory_space<vmem_shared>> -> memref<10240x128xf32, #tpu.memory_space<vmem_shared>>
      tpu.wait_indirect_dma semaphore(%arg15 : memref<!tpu.dma_semaphore, #tpu.memory_space<semaphore_mem>>) src(%arg9 : memref<128x128xf32, #tpu.memory_space<vmem>>) dst(%dma_wait3A_471 : memref<10240x128xf32, #tpu.memory_space<vmem_shared>>)
      %dma_start3A_472 = arith.constant 13 : i32
      %dma_start3A_473 = arith.constant 0 : i32
      %dma_start3A_474 = tpu.memref_slice %arg6[%dma_start3A_472, %dma_start3A_473] : memref<16x128xi32, #tpu.memory_space<vmem>> -> memref<1x128xi32, #tpu.memory_space<vmem>>
      %dma_start3A_475 = tpu.memref_squeeze %dma_start3A_474 : memref<1x128xi32, #tpu.memory_space<vmem>> -> memref<128xi32, #tpu.memory_space<vmem>>
      %dma_start3A_476 = arith.constant 0 : i32
      %dma_start3A_477 = arith.constant 0 : i32
      %dma_start3A_478 = tpu.memref_slice %arg2[%dma_start3A_476, %dma_start3A_477] : memref<20480x128xf32, #tpu.memory_space<hbm>> -> memref<20480x128xf32, #tpu.memory_space<hbm>>
      tpu.enqueue_indirect_dma source(%dma_start3A_478 : memref<20480x128xf32, #tpu.memory_space<hbm>>) target(%arg9 : memref<128x128xf32, #tpu.memory_space<vmem>>) offsets(%dma_start3A_475 : memref<128xi32, #tpu.memory_space<vmem>>) semaphore(%arg13 : memref<!tpu.dma_semaphore, #tpu.memory_space<semaphore_mem>>)
      %dma_wait3A_479 = arith.constant 12 : i32
      %dma_wait3A_480 = arith.constant 0 : i32
      %dma_wait3A_481 = tpu.memref_slice %arg6[%dma_wait3A_479, %dma_wait3A_480] : memref<16x128xi32, #tpu.memory_space<vmem>> -> memref<1x128xi32, #tpu.memory_space<vmem>>
      %dma_wait3A_482 = tpu.memref_squeeze %dma_wait3A_481 : memref<1x128xi32, #tpu.memory_space<vmem>> -> memref<128xi32, #tpu.memory_space<vmem>>
      %dma_wait3A_483 = arith.constant 0 : i32
      %dma_wait3A_484 = arith.constant 0 : i32
      %dma_wait3A_485 = tpu.memref_slice %arg2[%dma_wait3A_483, %dma_wait3A_484] : memref<20480x128xf32, #tpu.memory_space<hbm>> -> memref<20480x128xf32, #tpu.memory_space<hbm>>
      tpu.wait_indirect_dma semaphore(%arg12 : memref<!tpu.dma_semaphore, #tpu.memory_space<semaphore_mem>>) src(%dma_wait3A_485 : memref<20480x128xf32, #tpu.memory_space<hbm>>) dst(%arg8 : memref<128x128xf32, #tpu.memory_space<vmem>>)
      %dma_start3A_486 = arith.constant 12 : i32
      %dma_start3A_487 = arith.constant 0 : i32
      %dma_start3A_488 = tpu.memref_slice %arg7[%dma_start3A_486, %dma_start3A_487] : memref<16x128xi32, #tpu.memory_space<vmem>> -> memref<1x128xi32, #tpu.memory_space<vmem>>
      %dma_start3A_489 = tpu.memref_squeeze %dma_start3A_488 : memref<1x128xi32, #tpu.memory_space<vmem>> -> memref<128xi32, #tpu.memory_space<vmem>>
      %dma_start3A_490 = arith.constant 0 : i32
      %dma_start3A_491 = arith.constant 0 : i32
      %dma_start3A_492 = tpu.memref_slice %arg10[%dma_start3A_490, %dma_start3A_491] : memref<10240x128xf32, #tpu.memory_space<vmem_shared>> -> memref<10240x128xf32, #tpu.memory_space<vmem_shared>>
      tpu.enqueue_indirect_dma source(%arg8 : memref<128x128xf32, #tpu.memory_space<vmem>>) target(%dma_start3A_492 : memref<10240x128xf32, #tpu.memory_space<vmem_shared>>) offsets(%dma_start3A_489 : memref<128xi32, #tpu.memory_space<vmem>>) semaphore(%arg14 : memref<!tpu.dma_semaphore, #tpu.memory_space<semaphore_mem>>) {add = true}
      %dma_wait3A_493 = arith.constant 12 : i32
      %dma_wait3A_494 = arith.constant 0 : i32
      %dma_wait3A_495 = tpu.memref_slice %arg7[%dma_wait3A_493, %dma_wait3A_494] : memref<16x128xi32, #tpu.memory_space<vmem>> -> memref<1x128xi32, #tpu.memory_space<vmem>>
      %dma_wait3A_496 = tpu.memref_squeeze %dma_wait3A_495 : memref<1x128xi32, #tpu.memory_space<vmem>> -> memref<128xi32, #tpu.memory_space<vmem>>
      %dma_wait3A_497 = arith.constant 0 : i32
      %dma_wait3A_498 = arith.constant 0 : i32
      %dma_wait3A_499 = tpu.memref_slice %arg10[%dma_wait3A_497, %dma_wait3A_498] : memref<10240x128xf32, #tpu.memory_space<vmem_shared>> -> memref<10240x128xf32, #tpu.memory_space<vmem_shared>>
      tpu.wait_indirect_dma semaphore(%arg14 : memref<!tpu.dma_semaphore, #tpu.memory_space<semaphore_mem>>) src(%arg8 : memref<128x128xf32, #tpu.memory_space<vmem>>) dst(%dma_wait3A_499 : memref<10240x128xf32, #tpu.memory_space<vmem_shared>>)
      %dma_start3A_500 = arith.constant 14 : i32
      %dma_start3A_501 = arith.constant 0 : i32
      %dma_start3A_502 = tpu.memref_slice %arg6[%dma_start3A_500, %dma_start3A_501] : memref<16x128xi32, #tpu.memory_space<vmem>> -> memref<1x128xi32, #tpu.memory_space<vmem>>
      %dma_start3A_503 = tpu.memref_squeeze %dma_start3A_502 : memref<1x128xi32, #tpu.memory_space<vmem>> -> memref<128xi32, #tpu.memory_space<vmem>>
      %dma_start3A_504 = arith.constant 0 : i32
      %dma_start3A_505 = arith.constant 0 : i32
      %dma_start3A_506 = tpu.memref_slice %arg2[%dma_start3A_504, %dma_start3A_505] : memref<20480x128xf32, #tpu.memory_space<hbm>> -> memref<20480x128xf32, #tpu.memory_space<hbm>>
      tpu.enqueue_indirect_dma source(%dma_start3A_506 : memref<20480x128xf32, #tpu.memory_space<hbm>>) target(%arg8 : memref<128x128xf32, #tpu.memory_space<vmem>>) offsets(%dma_start3A_503 : memref<128xi32, #tpu.memory_space<vmem>>) semaphore(%arg12 : memref<!tpu.dma_semaphore, #tpu.memory_space<semaphore_mem>>)
      %dma_wait3A_507 = arith.constant 13 : i32
      %dma_wait3A_508 = arith.constant 0 : i32
      %dma_wait3A_509 = tpu.memref_slice %arg6[%dma_wait3A_507, %dma_wait3A_508] : memref<16x128xi32, #tpu.memory_space<vmem>> -> memref<1x128xi32, #tpu.memory_space<vmem>>
      %dma_wait3A_510 = tpu.memref_squeeze %dma_wait3A_509 : memref<1x128xi32, #tpu.memory_space<vmem>> -> memref<128xi32, #tpu.memory_space<vmem>>
      %dma_wait3A_511 = arith.constant 0 : i32
      %dma_wait3A_512 = arith.constant 0 : i32
      %dma_wait3A_513 = tpu.memref_slice %arg2[%dma_wait3A_511, %dma_wait3A_512] : memref<20480x128xf32, #tpu.memory_space<hbm>> -> memref<20480x128xf32, #tpu.memory_space<hbm>>
      tpu.wait_indirect_dma semaphore(%arg13 : memref<!tpu.dma_semaphore, #tpu.memory_space<semaphore_mem>>) src(%dma_wait3A_513 : memref<20480x128xf32, #tpu.memory_space<hbm>>) dst(%arg9 : memref<128x128xf32, #tpu.memory_space<vmem>>)
      %dma_start3A_514 = arith.constant 13 : i32
      %dma_start3A_515 = arith.constant 0 : i32
      %dma_start3A_516 = tpu.memref_slice %arg7[%dma_start3A_514, %dma_start3A_515] : memref<16x128xi32, #tpu.memory_space<vmem>> -> memref<1x128xi32, #tpu.memory_space<vmem>>
      %dma_start3A_517 = tpu.memref_squeeze %dma_start3A_516 : memref<1x128xi32, #tpu.memory_space<vmem>> -> memref<128xi32, #tpu.memory_space<vmem>>
      %dma_start3A_518 = arith.constant 0 : i32
      %dma_start3A_519 = arith.constant 0 : i32
      %dma_start3A_520 = tpu.memref_slice %arg10[%dma_start3A_518, %dma_start3A_519] : memref<10240x128xf32, #tpu.memory_space<vmem_shared>> -> memref<10240x128xf32, #tpu.memory_space<vmem_shared>>
      tpu.enqueue_indirect_dma source(%arg9 : memref<128x128xf32, #tpu.memory_space<vmem>>) target(%dma_start3A_520 : memref<10240x128xf32, #tpu.memory_space<vmem_shared>>) offsets(%dma_start3A_517 : memref<128xi32, #tpu.memory_space<vmem>>) semaphore(%arg15 : memref<!tpu.dma_semaphore, #tpu.memory_space<semaphore_mem>>) {add = true}
      %dma_wait3A_521 = arith.constant 13 : i32
      %dma_wait3A_522 = arith.constant 0 : i32
      %dma_wait3A_523 = tpu.memref_slice %arg7[%dma_wait3A_521, %dma_wait3A_522] : memref<16x128xi32, #tpu.memory_space<vmem>> -> memref<1x128xi32, #tpu.memory_space<vmem>>
      %dma_wait3A_524 = tpu.memref_squeeze %dma_wait3A_523 : memref<1x128xi32, #tpu.memory_space<vmem>> -> memref<128xi32, #tpu.memory_space<vmem>>
      %dma_wait3A_525 = arith.constant 0 : i32
      %dma_wait3A_526 = arith.constant 0 : i32
      %dma_wait3A_527 = tpu.memref_slice %arg10[%dma_wait3A_525, %dma_wait3A_526] : memref<10240x128xf32, #tpu.memory_space<vmem_shared>> -> memref<10240x128xf32, #tpu.memory_space<vmem_shared>>
      tpu.wait_indirect_dma semaphore(%arg15 : memref<!tpu.dma_semaphore, #tpu.memory_space<semaphore_mem>>) src(%arg9 : memref<128x128xf32, #tpu.memory_space<vmem>>) dst(%dma_wait3A_527 : memref<10240x128xf32, #tpu.memory_space<vmem_shared>>)
      %dma_start3A_528 = arith.constant 15 : i32
      %dma_start3A_529 = arith.constant 0 : i32
      %dma_start3A_530 = tpu.memref_slice %arg6[%dma_start3A_528, %dma_start3A_529] : memref<16x128xi32, #tpu.memory_space<vmem>> -> memref<1x128xi32, #tpu.memory_space<vmem>>
      %dma_start3A_531 = tpu.memref_squeeze %dma_start3A_530 : memref<1x128xi32, #tpu.memory_space<vmem>> -> memref<128xi32, #tpu.memory_space<vmem>>
      %dma_start3A_532 = arith.constant 0 : i32
      %dma_start3A_533 = arith.constant 0 : i32
      %dma_start3A_534 = tpu.memref_slice %arg2[%dma_start3A_532, %dma_start3A_533] : memref<20480x128xf32, #tpu.memory_space<hbm>> -> memref<20480x128xf32, #tpu.memory_space<hbm>>
      tpu.enqueue_indirect_dma source(%dma_start3A_534 : memref<20480x128xf32, #tpu.memory_space<hbm>>) target(%arg9 : memref<128x128xf32, #tpu.memory_space<vmem>>) offsets(%dma_start3A_531 : memref<128xi32, #tpu.memory_space<vmem>>) semaphore(%arg13 : memref<!tpu.dma_semaphore, #tpu.memory_space<semaphore_mem>>)
      %dma_wait3A_535 = arith.constant 14 : i32
      %dma_wait3A_536 = arith.constant 0 : i32
      %dma_wait3A_537 = tpu.memref_slice %arg6[%dma_wait3A_535, %dma_wait3A_536] : memref<16x128xi32, #tpu.memory_space<vmem>> -> memref<1x128xi32, #tpu.memory_space<vmem>>
      %dma_wait3A_538 = tpu.memref_squeeze %dma_wait3A_537 : memref<1x128xi32, #tpu.memory_space<vmem>> -> memref<128xi32, #tpu.memory_space<vmem>>
      %dma_wait3A_539 = arith.constant 0 : i32
      %dma_wait3A_540 = arith.constant 0 : i32
      %dma_wait3A_541 = tpu.memref_slice %arg2[%dma_wait3A_539, %dma_wait3A_540] : memref<20480x128xf32, #tpu.memory_space<hbm>> -> memref<20480x128xf32, #tpu.memory_space<hbm>>
      tpu.wait_indirect_dma semaphore(%arg12 : memref<!tpu.dma_semaphore, #tpu.memory_space<semaphore_mem>>) src(%dma_wait3A_541 : memref<20480x128xf32, #tpu.memory_space<hbm>>) dst(%arg8 : memref<128x128xf32, #tpu.memory_space<vmem>>)
      %dma_start3A_542 = arith.constant 14 : i32
      %dma_start3A_543 = arith.constant 0 : i32
      %dma_start3A_544 = tpu.memref_slice %arg7[%dma_start3A_542, %dma_start3A_543] : memref<16x128xi32, #tpu.memory_space<vmem>> -> memref<1x128xi32, #tpu.memory_space<vmem>>
      %dma_start3A_545 = tpu.memref_squeeze %dma_start3A_544 : memref<1x128xi32, #tpu.memory_space<vmem>> -> memref<128xi32, #tpu.memory_space<vmem>>
      %dma_start3A_546 = arith.constant 0 : i32
      %dma_start3A_547 = arith.constant 0 : i32
      %dma_start3A_548 = tpu.memref_slice %arg10[%dma_start3A_546, %dma_start3A_547] : memref<10240x128xf32, #tpu.memory_space<vmem_shared>> -> memref<10240x128xf32, #tpu.memory_space<vmem_shared>>
      tpu.enqueue_indirect_dma source(%arg8 : memref<128x128xf32, #tpu.memory_space<vmem>>) target(%dma_start3A_548 : memref<10240x128xf32, #tpu.memory_space<vmem_shared>>) offsets(%dma_start3A_545 : memref<128xi32, #tpu.memory_space<vmem>>) semaphore(%arg14 : memref<!tpu.dma_semaphore, #tpu.memory_space<semaphore_mem>>) {add = true}
      %dma_wait3A_549 = arith.constant 15 : i32
      %dma_wait3A_550 = arith.constant 0 : i32
      %dma_wait3A_551 = tpu.memref_slice %arg6[%dma_wait3A_549, %dma_wait3A_550] : memref<16x128xi32, #tpu.memory_space<vmem>> -> memref<1x128xi32, #tpu.memory_space<vmem>>
      %dma_wait3A_552 = tpu.memref_squeeze %dma_wait3A_551 : memref<1x128xi32, #tpu.memory_space<vmem>> -> memref<128xi32, #tpu.memory_space<vmem>>
      %dma_wait3A_553 = arith.constant 0 : i32
      %dma_wait3A_554 = arith.constant 0 : i32
      %dma_wait3A_555 = tpu.memref_slice %arg2[%dma_wait3A_553, %dma_wait3A_554] : memref<20480x128xf32, #tpu.memory_space<hbm>> -> memref<20480x128xf32, #tpu.memory_space<hbm>>
      tpu.wait_indirect_dma semaphore(%arg13 : memref<!tpu.dma_semaphore, #tpu.memory_space<semaphore_mem>>) src(%dma_wait3A_555 : memref<20480x128xf32, #tpu.memory_space<hbm>>) dst(%arg9 : memref<128x128xf32, #tpu.memory_space<vmem>>)
      %mul3A_556 = arith.constant 160 : i32
      %mul3A_557 = arith.muli %add3A, %mul3A_556 : i32
      %mul3A_558 = arith.constant 16 : i32
      %mul3A_559 = arith.muli %rem3A_128, %mul3A_558 : i32
      %add3A_560 = arith.addi %mul3A_557, %mul3A_559 : i32
      %dma_start3A_561 = arith.constant 0 : i32
      %dma_start3A_562 = tpu.memref_slice %arg3[%add3A_560, %dma_start3A_561] : memref<5120x128xi32, #tpu.memory_space<hbm>> -> memref<16x128xi32, #tpu.memory_space<hbm>>
      %dma_start3A_563 = arith.constant 0 : i32
      %dma_start3A_564 = tpu.memref_slice %arg3[%add3A_560, %dma_start3A_563] : memref<5120x128xi32, #tpu.memory_space<hbm>> -> memref<16x128xi32, #tpu.memory_space<hbm>>
      tpu.enqueue_dma source(%dma_start3A_564 : memref<16x128xi32, #tpu.memory_space<hbm>>) target(%arg6 : memref<16x128xi32, #tpu.memory_space<vmem>>) target_semaphore(%arg11 : memref<!tpu.dma_semaphore, #tpu.memory_space<semaphore_mem>>)
      %dma_start3A_565 = arith.constant 15 : i32
      %dma_start3A_566 = arith.constant 0 : i32
      %dma_start3A_567 = tpu.memref_slice %arg7[%dma_start3A_565, %dma_start3A_566] : memref<16x128xi32, #tpu.memory_space<vmem>> -> memref<1x128xi32, #tpu.memory_space<vmem>>
      %dma_start3A_568 = tpu.memref_squeeze %dma_start3A_567 : memref<1x128xi32, #tpu.memory_space<vmem>> -> memref<128xi32, #tpu.memory_space<vmem>>
      %dma_start3A_569 = arith.constant 0 : i32
      %dma_start3A_570 = arith.constant 0 : i32
      %dma_start3A_571 = tpu.memref_slice %arg10[%dma_start3A_569, %dma_start3A_570] : memref<10240x128xf32, #tpu.memory_space<vmem_shared>> -> memref<10240x128xf32, #tpu.memory_space<vmem_shared>>
      tpu.enqueue_indirect_dma source(%arg9 : memref<128x128xf32, #tpu.memory_space<vmem>>) target(%dma_start3A_571 : memref<10240x128xf32, #tpu.memory_space<vmem_shared>>) offsets(%dma_start3A_568 : memref<128xi32, #tpu.memory_space<vmem>>) semaphore(%arg15 : memref<!tpu.dma_semaphore, #tpu.memory_space<semaphore_mem>>) {add = true}
      %dma_wait3A_572 = arith.constant 14 : i32
      %dma_wait3A_573 = arith.constant 0 : i32
      %dma_wait3A_574 = tpu.memref_slice %arg7[%dma_wait3A_572, %dma_wait3A_573] : memref<16x128xi32, #tpu.memory_space<vmem>> -> memref<1x128xi32, #tpu.memory_space<vmem>>
      %dma_wait3A_575 = tpu.memref_squeeze %dma_wait3A_574 : memref<1x128xi32, #tpu.memory_space<vmem>> -> memref<128xi32, #tpu.memory_space<vmem>>
      %dma_wait3A_576 = arith.constant 0 : i32
      %dma_wait3A_577 = arith.constant 0 : i32
      %dma_wait3A_578 = tpu.memref_slice %arg10[%dma_wait3A_576, %dma_wait3A_577] : memref<10240x128xf32, #tpu.memory_space<vmem_shared>> -> memref<10240x128xf32, #tpu.memory_space<vmem_shared>>
      tpu.wait_indirect_dma semaphore(%arg14 : memref<!tpu.dma_semaphore, #tpu.memory_space<semaphore_mem>>) src(%arg8 : memref<128x128xf32, #tpu.memory_space<vmem>>) dst(%dma_wait3A_578 : memref<10240x128xf32, #tpu.memory_space<vmem_shared>>)
      %dma_wait3A_579 = arith.constant 15 : i32
      %dma_wait3A_580 = arith.constant 0 : i32
      %dma_wait3A_581 = tpu.memref_slice %arg7[%dma_wait3A_579, %dma_wait3A_580] : memref<16x128xi32, #tpu.memory_space<vmem>> -> memref<1x128xi32, #tpu.memory_space<vmem>>
      %dma_wait3A_582 = tpu.memref_squeeze %dma_wait3A_581 : memref<1x128xi32, #tpu.memory_space<vmem>> -> memref<128xi32, #tpu.memory_space<vmem>>
      %dma_wait3A_583 = arith.constant 0 : i32
      %dma_wait3A_584 = arith.constant 0 : i32
      %dma_wait3A_585 = tpu.memref_slice %arg10[%dma_wait3A_583, %dma_wait3A_584] : memref<10240x128xf32, #tpu.memory_space<vmem_shared>> -> memref<10240x128xf32, #tpu.memory_space<vmem_shared>>
      tpu.wait_indirect_dma semaphore(%arg15 : memref<!tpu.dma_semaphore, #tpu.memory_space<semaphore_mem>>) src(%arg9 : memref<128x128xf32, #tpu.memory_space<vmem>>) dst(%dma_wait3A_585 : memref<10240x128xf32, #tpu.memory_space<vmem_shared>>)
      %mul3A_586 = arith.constant 160 : i32
      %mul3A_587 = arith.muli %arg1, %mul3A_586 : i32
      %mul3A_588 = arith.constant 16 : i32
      %mul3A_589 = arith.muli %rem3A_128, %mul3A_588 : i32
      %add3A_590 = arith.addi %mul3A_587, %mul3A_589 : i32
      %dma_start3A_591 = arith.constant 0 : i32
      %dma_start3A_592 = tpu.memref_slice %arg4[%add3A_590, %dma_start3A_591] : memref<2560x128xi32, #tpu.memory_space<hbm>> -> memref<16x128xi32, #tpu.memory_space<hbm>>
      %dma_start3A_593 = arith.constant 0 : i32
      %dma_start3A_594 = tpu.memref_slice %arg4[%add3A_590, %dma_start3A_593] : memref<2560x128xi32, #tpu.memory_space<hbm>> -> memref<16x128xi32, #tpu.memory_space<hbm>>
      tpu.enqueue_dma source(%dma_start3A_594 : memref<16x128xi32, #tpu.memory_space<hbm>>) target(%arg7 : memref<16x128xi32, #tpu.memory_space<vmem>>) target_semaphore(%arg11 : memref<!tpu.dma_semaphore, #tpu.memory_space<semaphore_mem>>)
      %scan3A_595 = arith.constant 0 : i32
      scf.yield %scan3A_595 : i32
    }
    %scan3A_44 = arith.constant 10 : i32
    %dma_wait3A = arith.constant 0 : i32
    %dma_wait3A_45 = arith.constant 0 : i32
    %dma_wait3A_46 = tpu.memref_slice %arg3[%dma_wait3A, %dma_wait3A_45] : memref<5120x128xi32, #tpu.memory_space<hbm>> -> memref<16x128xi32, #tpu.memory_space<hbm>>
    %dma_wait3A_47 = arith.constant 0 : i32
    %dma_wait3A_48 = arith.constant 0 : i32
    %dma_wait3A_49 = tpu.memref_slice %arg3[%dma_wait3A_47, %dma_wait3A_48] : memref<5120x128xi32, #tpu.memory_space<hbm>> -> memref<16x128xi32, #tpu.memory_space<hbm>>
    tpu.wait_dma2 semaphore(%arg11 : memref<!tpu.dma_semaphore, #tpu.memory_space<semaphore_mem>>) src(%dma_wait3A_49 : memref<16x128xi32, #tpu.memory_space<hbm>>) dst(%arg6 : memref<16x128xi32, #tpu.memory_space<vmem>>)
    %dma_wait3A_50 = arith.constant 0 : i32
    %dma_wait3A_51 = arith.constant 0 : i32
    %dma_wait3A_52 = tpu.memref_slice %arg4[%dma_wait3A_50, %dma_wait3A_51] : memref<2560x128xi32, #tpu.memory_space<hbm>> -> memref<16x128xi32, #tpu.memory_space<hbm>>
    %dma_wait3A_53 = arith.constant 0 : i32
    %dma_wait3A_54 = arith.constant 0 : i32
    %dma_wait3A_55 = tpu.memref_slice %arg4[%dma_wait3A_53, %dma_wait3A_54] : memref<2560x128xi32, #tpu.memory_space<hbm>> -> memref<16x128xi32, #tpu.memory_space<hbm>>
    tpu.wait_dma2 semaphore(%arg11 : memref<!tpu.dma_semaphore, #tpu.memory_space<semaphore_mem>>) src(%dma_wait3A_55 : memref<16x128xi32, #tpu.memory_space<hbm>>) dst(%arg7 : memref<16x128xi32, #tpu.memory_space<vmem>>)
    %barrier3A_56 = arith.constant 0 : index
    tpu.barrier barrier_id(%barrier3A_56)
    %mul3A_57 = arith.constant 640 : i32
    %mul3A_58 = arith.muli %arg1, %mul3A_57 : i32
    %add3A_59 = arith.constant 0 : i32
    %add3A_60 = arith.addi %mul3A_58, %add3A_59 : i32
    %mul3A_61 = arith.constant 10240 : i32
    %mul3A_62 = arith.muli %arg0, %mul3A_61 : i32
    %mul3A_63 = arith.constant 640 : i32
    %mul3A_64 = arith.muli %arg1, %mul3A_63 : i32
    %add3A_65 = arith.addi %mul3A_62, %mul3A_64 : i32
    %add3A_66 = arith.constant 0 : i32
    %add3A_67 = arith.addi %add3A_65, %add3A_66 : i32
    "tpu.region"() ({
      %run_scoped3A = tpu.sem_alloc : memref<!tpu.dma_semaphore, #tpu.memory_space<semaphore_mem>>
      %dma_start3A_112 = arith.constant 0 : i32
      %dma_start3A_113 = tpu.memref_slice %arg5[%add3A_67, %dma_start3A_112] : memref<20480x128xf32, #tpu.memory_space<hbm>> -> memref<128x128xf32, #tpu.memory_space<hbm>>
      %dma_start3A_114 = arith.constant 0 : i32
      %dma_start3A_115 = tpu.memref_slice %arg10[%add3A_60, %dma_start3A_114] : memref<10240x128xf32, #tpu.memory_space<vmem_shared>> -> memref<128x128xf32, #tpu.memory_space<vmem_shared>>
      tpu.enqueue_dma source(%dma_start3A_115 : memref<128x128xf32, #tpu.memory_space<vmem_shared>>) target(%dma_start3A_113 : memref<128x128xf32, #tpu.memory_space<hbm>>) target_semaphore(%run_scoped3A : memref<!tpu.dma_semaphore, #tpu.memory_space<semaphore_mem>>)
      %dma_wait3A_116 = arith.constant 0 : i32
      %dma_wait3A_117 = tpu.memref_slice %arg5[%add3A_67, %dma_wait3A_116] : memref<20480x128xf32, #tpu.memory_space<hbm>> -> memref<128x128xf32, #tpu.memory_space<hbm>>
      %dma_wait3A_118 = arith.constant 0 : i32
      %dma_wait3A_119 = tpu.memref_slice %arg10[%add3A_60, %dma_wait3A_118] : memref<10240x128xf32, #tpu.memory_space<vmem_shared>> -> memref<128x128xf32, #tpu.memory_space<vmem_shared>>
      tpu.wait_dma2 semaphore(%run_scoped3A : memref<!tpu.dma_semaphore, #tpu.memory_space<semaphore_mem>>) src(%dma_wait3A_119 : memref<128x128xf32, #tpu.memory_space<vmem_shared>>) dst(%dma_wait3A_117 : memref<128x128xf32, #tpu.memory_space<hbm>>)
      tpu.yield
    }) : () -> ()
    %mul3A_68 = arith.constant 640 : i32
    %mul3A_69 = arith.muli %arg1, %mul3A_68 : i32
    %add3A_70 = arith.constant 128 : i32
    %add3A_71 = arith.addi %mul3A_69, %add3A_70 : i32
    %mul3A_72 = arith.constant 10240 : i32
    %mul3A_73 = arith.muli %arg0, %mul3A_72 : i32
    %mul3A_74 = arith.constant 640 : i32
    %mul3A_75 = arith.muli %arg1, %mul3A_74 : i32
    %add3A_76 = arith.addi %mul3A_73, %mul3A_75 : i32
    %add3A_77 = arith.constant 128 : i32
    %add3A_78 = arith.addi %add3A_76, %add3A_77 : i32
    "tpu.region"() ({
      %run_scoped3A = tpu.sem_alloc : memref<!tpu.dma_semaphore, #tpu.memory_space<semaphore_mem>>
      %dma_start3A_112 = arith.constant 0 : i32
      %dma_start3A_113 = tpu.memref_slice %arg5[%add3A_78, %dma_start3A_112] : memref<20480x128xf32, #tpu.memory_space<hbm>> -> memref<128x128xf32, #tpu.memory_space<hbm>>
      %dma_start3A_114 = arith.constant 0 : i32
      %dma_start3A_115 = tpu.memref_slice %arg10[%add3A_71, %dma_start3A_114] : memref<10240x128xf32, #tpu.memory_space<vmem_shared>> -> memref<128x128xf32, #tpu.memory_space<vmem_shared>>
      tpu.enqueue_dma source(%dma_start3A_115 : memref<128x128xf32, #tpu.memory_space<vmem_shared>>) target(%dma_start3A_113 : memref<128x128xf32, #tpu.memory_space<hbm>>) target_semaphore(%run_scoped3A : memref<!tpu.dma_semaphore, #tpu.memory_space<semaphore_mem>>)
      %dma_wait3A_116 = arith.constant 0 : i32
      %dma_wait3A_117 = tpu.memref_slice %arg5[%add3A_78, %dma_wait3A_116] : memref<20480x128xf32, #tpu.memory_space<hbm>> -> memref<128x128xf32, #tpu.memory_space<hbm>>
      %dma_wait3A_118 = arith.constant 0 : i32
      %dma_wait3A_119 = tpu.memref_slice %arg10[%add3A_71, %dma_wait3A_118] : memref<10240x128xf32, #tpu.memory_space<vmem_shared>> -> memref<128x128xf32, #tpu.memory_space<vmem_shared>>
      tpu.wait_dma2 semaphore(%run_scoped3A : memref<!tpu.dma_semaphore, #tpu.memory_space<semaphore_mem>>) src(%dma_wait3A_119 : memref<128x128xf32, #tpu.memory_space<vmem_shared>>) dst(%dma_wait3A_117 : memref<128x128xf32, #tpu.memory_space<hbm>>)
      tpu.yield
    }) : () -> ()
    %mul3A_79 = arith.constant 640 : i32
    %mul3A_80 = arith.muli %arg1, %mul3A_79 : i32
    %add3A_81 = arith.constant 256 : i32
    %add3A_82 = arith.addi %mul3A_80, %add3A_81 : i32
    %mul3A_83 = arith.constant 10240 : i32
    %mul3A_84 = arith.muli %arg0, %mul3A_83 : i32
    %mul3A_85 = arith.constant 640 : i32
    %mul3A_86 = arith.muli %arg1, %mul3A_85 : i32
    %add3A_87 = arith.addi %mul3A_84, %mul3A_86 : i32
    %add3A_88 = arith.constant 256 : i32
    %add3A_89 = arith.addi %add3A_87, %add3A_88 : i32
    "tpu.region"() ({
      %run_scoped3A = tpu.sem_alloc : memref<!tpu.dma_semaphore, #tpu.memory_space<semaphore_mem>>
      %dma_start3A_112 = arith.constant 0 : i32
      %dma_start3A_113 = tpu.memref_slice %arg5[%add3A_89, %dma_start3A_112] : memref<20480x128xf32, #tpu.memory_space<hbm>> -> memref<128x128xf32, #tpu.memory_space<hbm>>
      %dma_start3A_114 = arith.constant 0 : i32
      %dma_start3A_115 = tpu.memref_slice %arg10[%add3A_82, %dma_start3A_114] : memref<10240x128xf32, #tpu.memory_space<vmem_shared>> -> memref<128x128xf32, #tpu.memory_space<vmem_shared>>
      tpu.enqueue_dma source(%dma_start3A_115 : memref<128x128xf32, #tpu.memory_space<vmem_shared>>) target(%dma_start3A_113 : memref<128x128xf32, #tpu.memory_space<hbm>>) target_semaphore(%run_scoped3A : memref<!tpu.dma_semaphore, #tpu.memory_space<semaphore_mem>>)
      %dma_wait3A_116 = arith.constant 0 : i32
      %dma_wait3A_117 = tpu.memref_slice %arg5[%add3A_89, %dma_wait3A_116] : memref<20480x128xf32, #tpu.memory_space<hbm>> -> memref<128x128xf32, #tpu.memory_space<hbm>>
      %dma_wait3A_118 = arith.constant 0 : i32
      %dma_wait3A_119 = tpu.memref_slice %arg10[%add3A_82, %dma_wait3A_118] : memref<10240x128xf32, #tpu.memory_space<vmem_shared>> -> memref<128x128xf32, #tpu.memory_space<vmem_shared>>
      tpu.wait_dma2 semaphore(%run_scoped3A : memref<!tpu.dma_semaphore, #tpu.memory_space<semaphore_mem>>) src(%dma_wait3A_119 : memref<128x128xf32, #tpu.memory_space<vmem_shared>>) dst(%dma_wait3A_117 : memref<128x128xf32, #tpu.memory_space<hbm>>)
      tpu.yield
    }) : () -> ()
    %mul3A_90 = arith.constant 640 : i32
    %mul3A_91 = arith.muli %arg1, %mul3A_90 : i32
    %add3A_92 = arith.constant 384 : i32
    %add3A_93 = arith.addi %mul3A_91, %add3A_92 : i32
    %mul3A_94 = arith.constant 10240 : i32
    %mul3A_95 = arith.muli %arg0, %mul3A_94 : i32
    %mul3A_96 = arith.constant 640 : i32
    %mul3A_97 = arith.muli %arg1, %mul3A_96 : i32
    %add3A_98 = arith.addi %mul3A_95, %mul3A_97 : i32
    %add3A_99 = arith.constant 384 : i32
    %add3A_100 = arith.addi %add3A_98, %add3A_99 : i32
    "tpu.region"() ({
      %run_scoped3A = tpu.sem_alloc : memref<!tpu.dma_semaphore, #tpu.memory_space<semaphore_mem>>
      %dma_start3A_112 = arith.constant 0 : i32
      %dma_start3A_113 = tpu.memref_slice %arg5[%add3A_100, %dma_start3A_112] : memref<20480x128xf32, #tpu.memory_space<hbm>> -> memref<128x128xf32, #tpu.memory_space<hbm>>
      %dma_start3A_114 = arith.constant 0 : i32
      %dma_start3A_115 = tpu.memref_slice %arg10[%add3A_93, %dma_start3A_114] : memref<10240x128xf32, #tpu.memory_space<vmem_shared>> -> memref<128x128xf32, #tpu.memory_space<vmem_shared>>
      tpu.enqueue_dma source(%dma_start3A_115 : memref<128x128xf32, #tpu.memory_space<vmem_shared>>) target(%dma_start3A_113 : memref<128x128xf32, #tpu.memory_space<hbm>>) target_semaphore(%run_scoped3A : memref<!tpu.dma_semaphore, #tpu.memory_space<semaphore_mem>>)
      %dma_wait3A_116 = arith.constant 0 : i32
      %dma_wait3A_117 = tpu.memref_slice %arg5[%add3A_100, %dma_wait3A_116] : memref<20480x128xf32, #tpu.memory_space<hbm>> -> memref<128x128xf32, #tpu.memory_space<hbm>>
      %dma_wait3A_118 = arith.constant 0 : i32
      %dma_wait3A_119 = tpu.memref_slice %arg10[%add3A_93, %dma_wait3A_118] : memref<10240x128xf32, #tpu.memory_space<vmem_shared>> -> memref<128x128xf32, #tpu.memory_space<vmem_shared>>
      tpu.wait_dma2 semaphore(%run_scoped3A : memref<!tpu.dma_semaphore, #tpu.memory_space<semaphore_mem>>) src(%dma_wait3A_119 : memref<128x128xf32, #tpu.memory_space<vmem_shared>>) dst(%dma_wait3A_117 : memref<128x128xf32, #tpu.memory_space<hbm>>)
      tpu.yield
    }) : () -> ()
    %mul3A_101 = arith.constant 640 : i32
    %mul3A_102 = arith.muli %arg1, %mul3A_101 : i32
    %add3A_103 = arith.constant 512 : i32
    %add3A_104 = arith.addi %mul3A_102, %add3A_103 : i32
    %mul3A_105 = arith.constant 10240 : i32
    %mul3A_106 = arith.muli %arg0, %mul3A_105 : i32
    %mul3A_107 = arith.constant 640 : i32
    %mul3A_108 = arith.muli %arg1, %mul3A_107 : i32
    %add3A_109 = arith.addi %mul3A_106, %mul3A_108 : i32
    %add3A_110 = arith.constant 512 : i32
    %add3A_111 = arith.addi %add3A_109, %add3A_110 : i32
    "tpu.region"() ({
      %run_scoped3A = tpu.sem_alloc : memref<!tpu.dma_semaphore, #tpu.memory_space<semaphore_mem>>
      %dma_start3A_112 = arith.constant 0 : i32
      %dma_start3A_113 = tpu.memref_slice %arg5[%add3A_111, %dma_start3A_112] : memref<20480x128xf32, #tpu.memory_space<hbm>> -> memref<128x128xf32, #tpu.memory_space<hbm>>
      %dma_start3A_114 = arith.constant 0 : i32
      %dma_start3A_115 = tpu.memref_slice %arg10[%add3A_104, %dma_start3A_114] : memref<10240x128xf32, #tpu.memory_space<vmem_shared>> -> memref<128x128xf32, #tpu.memory_space<vmem_shared>>
      tpu.enqueue_dma source(%dma_start3A_115 : memref<128x128xf32, #tpu.memory_space<vmem_shared>>) target(%dma_start3A_113 : memref<128x128xf32, #tpu.memory_space<hbm>>) target_semaphore(%run_scoped3A : memref<!tpu.dma_semaphore, #tpu.memory_space<semaphore_mem>>)
      %dma_wait3A_116 = arith.constant 0 : i32
      %dma_wait3A_117 = tpu.memref_slice %arg5[%add3A_111, %dma_wait3A_116] : memref<20480x128xf32, #tpu.memory_space<hbm>> -> memref<128x128xf32, #tpu.memory_space<hbm>>
      %dma_wait3A_118 = arith.constant 0 : i32
      %dma_wait3A_119 = tpu.memref_slice %arg10[%add3A_104, %dma_wait3A_118] : memref<10240x128xf32, #tpu.memory_space<vmem_shared>> -> memref<128x128xf32, #tpu.memory_space<vmem_shared>>
      tpu.wait_dma2 semaphore(%run_scoped3A : memref<!tpu.dma_semaphore, #tpu.memory_space<semaphore_mem>>) src(%dma_wait3A_119 : memref<128x128xf32, #tpu.memory_space<vmem_shared>>) dst(%dma_wait3A_117 : memref<128x128xf32, #tpu.memory_space<hbm>>)
      tpu.yield
    }) : () -> ()
    return
  }
}

#map = affine_map<(d0, d1) -> (0, 0)>
module attributes {stable_mosaic.version = 14 : i64} {
  func.func @sc_aggregate(%arg0: i32, %arg1: i32, %arg2: memref<20480x128xf32, #tpu.memory_space<hbm>>, %arg3: memref<5120x128xi32, #tpu.memory_space<hbm>>, %arg4: memref<2560x128xi32, #tpu.memory_space<hbm>>, %arg5: memref<20480x128xf32, #tpu.memory_space<hbm>>, %arg6: memref<16x128xi32, #tpu.memory_space<vmem>>, %arg7: memref<16x128xi32, #tpu.memory_space<vmem>>, %arg8: memref<128x128xf32, #tpu.memory_space<vmem>>, %arg9: memref<128x128xf32, #tpu.memory_space<vmem>>, %arg10: memref<10240x128xf32, #tpu.memory_space<vmem_shared>>, %arg11: memref<!tpu.dma_semaphore, #tpu.memory_space<semaphore_mem>>, %arg12: memref<!tpu.dma_semaphore, #tpu.memory_space<semaphore_mem>>, %arg13: memref<!tpu.dma_semaphore, #tpu.memory_space<semaphore_mem>>, %arg14: memref<!tpu.dma_semaphore, #tpu.memory_space<semaphore_mem>>, %arg15: memref<!tpu.dma_semaphore, #tpu.memory_space<semaphore_mem>>) attributes {dimension_semantics = [#tpu.dimension_semantics<core_parallel>, #tpu.dimension_semantics<subcore_parallel>], iteration_bounds = array<i64: 2, 16>, scalar_prefetch = 0 : i64, scratch_operands = 10 : i64, tpu.core_type = #tpu.core_type<sc_vector_subcore>, window_params = [{transform_indices = #map}, {transform_indices = #map}, {transform_indices = #map}, {transform_indices = #map}]} {
    %mul3A = arith.constant 16 : i32
    %mul3A_0 = arith.muli %arg0, %mul3A : i32
    %add3A = arith.addi %mul3A_0, %arg1 : i32
    %scan3A = arith.constant 0 : i32
    %scan3A_1 = arith.constant 0 : i32
    %scan3A_2 = arith.constant 1024 : i32
    %scan3A_3 = arith.addi %scan3A_1, %scan3A_2 : i32
    %scan3A_4 = arith.constant 1 : i32
    %scan3A_5 = scf.for %scan3A_112 = %scan3A_1 to %scan3A_3 step %scan3A_4 iter_args(%scan3A_113 = %scan3A) -> (i32)  : i32 {
      %broadcast_in_dim3A = arith.constant 0.000000e+00 : f32
      %broadcast_in_dim3A_114 = vector.broadcast %broadcast_in_dim3A : f32 to vector<16xf32>
      %jit3A = arith.constant 8 : i32
      %div3A = arith.divsi %scan3A_112, %jit3A : i32
      %sign3A = arith.constant 0 : i32
      %sign3A_115 = arith.cmpi sgt, %scan3A_112, %sign3A : i32
      %sign3A_116 = arith.extui %sign3A_115 : i1 to i32
      %sign3A_117 = arith.constant 0 : i32
      %sign3A_118 = arith.cmpi slt, %scan3A_112, %sign3A_117 : i32
      %sign3A_119 = arith.extui %sign3A_118 : i1 to i32
      %sign3A_120 = arith.subi %sign3A_116, %sign3A_119 : i32
      %sign3A_121 = arith.constant 0 : i32
      %sign3A_122 = arith.cmpi sgt, %jit3A, %sign3A_121 : i32
      %sign3A_123 = arith.extui %sign3A_122 : i1 to i32
      %sign3A_124 = arith.constant 0 : i32
      %sign3A_125 = arith.cmpi slt, %jit3A, %sign3A_124 : i32
      %sign3A_126 = arith.extui %sign3A_125 : i1 to i32
      %sign3A_127 = arith.subi %sign3A_123, %sign3A_126 : i32
      %ne3A = arith.cmpi ne, %sign3A_120, %sign3A_127 : i32
      %rem3A = arith.remsi %scan3A_112, %jit3A : i32
      %ne3A_128 = arith.constant 0 : i32
      %ne3A_129 = arith.cmpi ne, %rem3A, %ne3A_128 : i32
      %and3A = arith.andi %ne3A, %ne3A_129 : i1
      %sub3A = arith.constant 1 : i32
      %sub3A_130 = arith.subi %div3A, %sub3A : i32
      %select_n3A = arith.select %and3A, %sub3A_130, %div3A : i32
      %jit3A_131 = arith.constant 8 : i32
      %eq3A = arith.constant 0 : i32
      %eq3A_132 = arith.cmpi eq, %jit3A_131, %eq3A : i32
      %jit3A_133 = arith.constant 1 : i32
      %select_n3A_134 = arith.select %eq3A_132, %jit3A_133, %jit3A_131 : i32
      %rem3A_135 = arith.remsi %scan3A_112, %select_n3A_134 : i32
      %ne3A_136 = arith.constant 0 : i32
      %ne3A_137 = arith.cmpi ne, %rem3A_135, %ne3A_136 : i32
      %lt3A = arith.constant 0 : i32
      %lt3A_138 = arith.cmpi slt, %rem3A_135, %lt3A : i32
      %lt3A_139 = arith.constant 0 : i32
      %lt3A_140 = arith.cmpi slt, %select_n3A_134, %lt3A_139 : i32
      %ne3A_141 = arith.xori %lt3A_138, %lt3A_140 : i1
      %and3A_142 = arith.andi %ne3A_141, %ne3A_137 : i1
      %add3A_143 = arith.addi %rem3A_135, %select_n3A_134 : i32
      %select_n3A_144 = arith.select %and3A_142, %add3A_143, %rem3A_135 : i32
      %mul3A_145 = arith.constant 16 : i32
      %mul3A_146 = arith.muli %select_n3A_144, %mul3A_145 : i32
      %swap3A = arith.index_cast %select_n3A : i32 to index
      %swap3A_147 = arith.index_cast %mul3A_146 : i32 to index
      %swap3A_148 = tpu.vector_load %arg8[%swap3A, %swap3A_147] {strides = array<i32>} : memref<128x128xf32, #tpu.memory_space<vmem>>, vector<1x16xf32>,
      %swap3A_149 = vector.shape_cast %swap3A_148 : vector<1x16xf32> to vector<16xf32>
      %swap3A_150 = vector.shape_cast %broadcast_in_dim3A_114 : vector<16xf32> to vector<1x16xf32>
      tpu.vector_store %arg8[%swap3A, %swap3A_147], %swap3A_150 {strides = array<i32>} : memref<128x128xf32, #tpu.memory_space<vmem>>, vector<1x16xf32>,
      %scan3A_151 = arith.constant 0 : i32
      scf.yield %scan3A_151 : i32
    }
    %scan3A_6 = arith.constant 1024 : i32
    %mul3A_7 = arith.constant 640 : i32
    %mul3A_8 = arith.muli %arg1, %mul3A_7 : i32
    %add3A_9 = arith.constant 0 : i32
    %add3A_10 = arith.addi %mul3A_8, %add3A_9 : i32
    "tpu.region"() ({
      %run_scoped3A = tpu.sem_alloc : memref<!tpu.dma_semaphore, #tpu.memory_space<semaphore_mem>>
      %dma_start3A_112 = arith.constant 0 : i32
      %dma_start3A_113 = tpu.memref_slice %arg10[%add3A_10, %dma_start3A_112] : memref<10240x128xf32, #tpu.memory_space<vmem_shared>> -> memref<128x128xf32, #tpu.memory_space<vmem_shared>>
      %dma_start3A_114 = arith.constant 0 : i32
      %dma_start3A_115 = tpu.memref_slice %arg10[%add3A_10, %dma_start3A_114] : memref<10240x128xf32, #tpu.memory_space<vmem_shared>> -> memref<128x128xf32, #tpu.memory_space<vmem_shared>>
      tpu.enqueue_dma source(%arg8 : memref<128x128xf32, #tpu.memory_space<vmem>>) target(%dma_start3A_115 : memref<128x128xf32, #tpu.memory_space<vmem_shared>>) target_semaphore(%run_scoped3A : memref<!tpu.dma_semaphore, #tpu.memory_space<semaphore_mem>>)
      %dma_wait3A_116 = arith.constant 0 : i32
      %dma_wait3A_117 = tpu.memref_slice %arg10[%add3A_10, %dma_wait3A_116] : memref<10240x128xf32, #tpu.memory_space<vmem_shared>> -> memref<128x128xf32, #tpu.memory_space<vmem_shared>>
      %dma_wait3A_118 = arith.constant 0 : i32
      %dma_wait3A_119 = tpu.memref_slice %arg10[%add3A_10, %dma_wait3A_118] : memref<10240x128xf32, #tpu.memory_space<vmem_shared>> -> memref<128x128xf32, #tpu.memory_space<vmem_shared>>
      tpu.wait_dma2 semaphore(%run_scoped3A : memref<!tpu.dma_semaphore, #tpu.memory_space<semaphore_mem>>) src(%arg8 : memref<128x128xf32, #tpu.memory_space<vmem>>) dst(%dma_wait3A_119 : memref<128x128xf32, #tpu.memory_space<vmem_shared>>)
      tpu.yield
    }) : () -> ()
    %mul3A_11 = arith.constant 640 : i32
    %mul3A_12 = arith.muli %arg1, %mul3A_11 : i32
    %add3A_13 = arith.constant 128 : i32
    %add3A_14 = arith.addi %mul3A_12, %add3A_13 : i32
    "tpu.region"() ({
      %run_scoped3A = tpu.sem_alloc : memref<!tpu.dma_semaphore, #tpu.memory_space<semaphore_mem>>
      %dma_start3A_112 = arith.constant 0 : i32
      %dma_start3A_113 = tpu.memref_slice %arg10[%add3A_14, %dma_start3A_112] : memref<10240x128xf32, #tpu.memory_space<vmem_shared>> -> memref<128x128xf32, #tpu.memory_space<vmem_shared>>
      %dma_start3A_114 = arith.constant 0 : i32
      %dma_start3A_115 = tpu.memref_slice %arg10[%add3A_14, %dma_start3A_114] : memref<10240x128xf32, #tpu.memory_space<vmem_shared>> -> memref<128x128xf32, #tpu.memory_space<vmem_shared>>
      tpu.enqueue_dma source(%arg8 : memref<128x128xf32, #tpu.memory_space<vmem>>) target(%dma_start3A_115 : memref<128x128xf32, #tpu.memory_space<vmem_shared>>) target_semaphore(%run_scoped3A : memref<!tpu.dma_semaphore, #tpu.memory_space<semaphore_mem>>)
      %dma_wait3A_116 = arith.constant 0 : i32
      %dma_wait3A_117 = tpu.memref_slice %arg10[%add3A_14, %dma_wait3A_116] : memref<10240x128xf32, #tpu.memory_space<vmem_shared>> -> memref<128x128xf32, #tpu.memory_space<vmem_shared>>
      %dma_wait3A_118 = arith.constant 0 : i32
      %dma_wait3A_119 = tpu.memref_slice %arg10[%add3A_14, %dma_wait3A_118] : memref<10240x128xf32, #tpu.memory_space<vmem_shared>> -> memref<128x128xf32, #tpu.memory_space<vmem_shared>>
      tpu.wait_dma2 semaphore(%run_scoped3A : memref<!tpu.dma_semaphore, #tpu.memory_space<semaphore_mem>>) src(%arg8 : memref<128x128xf32, #tpu.memory_space<vmem>>) dst(%dma_wait3A_119 : memref<128x128xf32, #tpu.memory_space<vmem_shared>>)
      tpu.yield
    }) : () -> ()
    %mul3A_15 = arith.constant 640 : i32
    %mul3A_16 = arith.muli %arg1, %mul3A_15 : i32
    %add3A_17 = arith.constant 256 : i32
    %add3A_18 = arith.addi %mul3A_16, %add3A_17 : i32
    "tpu.region"() ({
      %run_scoped3A = tpu.sem_alloc : memref<!tpu.dma_semaphore, #tpu.memory_space<semaphore_mem>>
      %dma_start3A_112 = arith.constant 0 : i32
      %dma_start3A_113 = tpu.memref_slice %arg10[%add3A_18, %dma_start3A_112] : memref<10240x128xf32, #tpu.memory_space<vmem_shared>> -> memref<128x128xf32, #tpu.memory_space<vmem_shared>>
      %dma_start3A_114 = arith.constant 0 : i32
      %dma_start3A_115 = tpu.memref_slice %arg10[%add3A_18, %dma_start3A_114] : memref<10240x128xf32, #tpu.memory_space<vmem_shared>> -> memref<128x128xf32, #tpu.memory_space<vmem_shared>>
      tpu.enqueue_dma source(%arg8 : memref<128x128xf32, #tpu.memory_space<vmem>>) target(%dma_start3A_115 : memref<128x128xf32, #tpu.memory_space<vmem_shared>>) target_semaphore(%run_scoped3A : memref<!tpu.dma_semaphore, #tpu.memory_space<semaphore_mem>>)
      %dma_wait3A_116 = arith.constant 0 : i32
      %dma_wait3A_117 = tpu.memref_slice %arg10[%add3A_18, %dma_wait3A_116] : memref<10240x128xf32, #tpu.memory_space<vmem_shared>> -> memref<128x128xf32, #tpu.memory_space<vmem_shared>>
      %dma_wait3A_118 = arith.constant 0 : i32
      %dma_wait3A_119 = tpu.memref_slice %arg10[%add3A_18, %dma_wait3A_118] : memref<10240x128xf32, #tpu.memory_space<vmem_shared>> -> memref<128x128xf32, #tpu.memory_space<vmem_shared>>
      tpu.wait_dma2 semaphore(%run_scoped3A : memref<!tpu.dma_semaphore, #tpu.memory_space<semaphore_mem>>) src(%arg8 : memref<128x128xf32, #tpu.memory_space<vmem>>) dst(%dma_wait3A_119 : memref<128x128xf32, #tpu.memory_space<vmem_shared>>)
      tpu.yield
    }) : () -> ()
    %mul3A_19 = arith.constant 640 : i32
    %mul3A_20 = arith.muli %arg1, %mul3A_19 : i32
    %add3A_21 = arith.constant 384 : i32
    %add3A_22 = arith.addi %mul3A_20, %add3A_21 : i32
    "tpu.region"() ({
      %run_scoped3A = tpu.sem_alloc : memref<!tpu.dma_semaphore, #tpu.memory_space<semaphore_mem>>
      %dma_start3A_112 = arith.constant 0 : i32
      %dma_start3A_113 = tpu.memref_slice %arg10[%add3A_22, %dma_start3A_112] : memref<10240x128xf32, #tpu.memory_space<vmem_shared>> -> memref<128x128xf32, #tpu.memory_space<vmem_shared>>
      %dma_start3A_114 = arith.constant 0 : i32
      %dma_start3A_115 = tpu.memref_slice %arg10[%add3A_22, %dma_start3A_114] : memref<10240x128xf32, #tpu.memory_space<vmem_shared>> -> memref<128x128xf32, #tpu.memory_space<vmem_shared>>
      tpu.enqueue_dma source(%arg8 : memref<128x128xf32, #tpu.memory_space<vmem>>) target(%dma_start3A_115 : memref<128x128xf32, #tpu.memory_space<vmem_shared>>) target_semaphore(%run_scoped3A : memref<!tpu.dma_semaphore, #tpu.memory_space<semaphore_mem>>)
      %dma_wait3A_116 = arith.constant 0 : i32
      %dma_wait3A_117 = tpu.memref_slice %arg10[%add3A_22, %dma_wait3A_116] : memref<10240x128xf32, #tpu.memory_space<vmem_shared>> -> memref<128x128xf32, #tpu.memory_space<vmem_shared>>
      %dma_wait3A_118 = arith.constant 0 : i32
      %dma_wait3A_119 = tpu.memref_slice %arg10[%add3A_22, %dma_wait3A_118] : memref<10240x128xf32, #tpu.memory_space<vmem_shared>> -> memref<128x128xf32, #tpu.memory_space<vmem_shared>>
      tpu.wait_dma2 semaphore(%run_scoped3A : memref<!tpu.dma_semaphore, #tpu.memory_space<semaphore_mem>>) src(%arg8 : memref<128x128xf32, #tpu.memory_space<vmem>>) dst(%dma_wait3A_119 : memref<128x128xf32, #tpu.memory_space<vmem_shared>>)
      tpu.yield
    }) : () -> ()
    %mul3A_23 = arith.constant 640 : i32
    %mul3A_24 = arith.muli %arg1, %mul3A_23 : i32
    %add3A_25 = arith.constant 512 : i32
    %add3A_26 = arith.addi %mul3A_24, %add3A_25 : i32
    "tpu.region"() ({
      %run_scoped3A = tpu.sem_alloc : memref<!tpu.dma_semaphore, #tpu.memory_space<semaphore_mem>>
      %dma_start3A_112 = arith.constant 0 : i32
      %dma_start3A_113 = tpu.memref_slice %arg10[%add3A_26, %dma_start3A_112] : memref<10240x128xf32, #tpu.memory_space<vmem_shared>> -> memref<128x128xf32, #tpu.memory_space<vmem_shared>>
      %dma_start3A_114 = arith.constant 0 : i32
      %dma_start3A_115 = tpu.memref_slice %arg10[%add3A_26, %dma_start3A_114] : memref<10240x128xf32, #tpu.memory_space<vmem_shared>> -> memref<128x128xf32, #tpu.memory_space<vmem_shared>>
      tpu.enqueue_dma source(%arg8 : memref<128x128xf32, #tpu.memory_space<vmem>>) target(%dma_start3A_115 : memref<128x128xf32, #tpu.memory_space<vmem_shared>>) target_semaphore(%run_scoped3A : memref<!tpu.dma_semaphore, #tpu.memory_space<semaphore_mem>>)
      %dma_wait3A_116 = arith.constant 0 : i32
      %dma_wait3A_117 = tpu.memref_slice %arg10[%add3A_26, %dma_wait3A_116] : memref<10240x128xf32, #tpu.memory_space<vmem_shared>> -> memref<128x128xf32, #tpu.memory_space<vmem_shared>>
      %dma_wait3A_118 = arith.constant 0 : i32
      %dma_wait3A_119 = tpu.memref_slice %arg10[%add3A_26, %dma_wait3A_118] : memref<10240x128xf32, #tpu.memory_space<vmem_shared>> -> memref<128x128xf32, #tpu.memory_space<vmem_shared>>
      tpu.wait_dma2 semaphore(%run_scoped3A : memref<!tpu.dma_semaphore, #tpu.memory_space<semaphore_mem>>) src(%arg8 : memref<128x128xf32, #tpu.memory_space<vmem>>) dst(%dma_wait3A_119 : memref<128x128xf32, #tpu.memory_space<vmem_shared>>)
      tpu.yield
    }) : () -> ()
    %barrier3A = arith.constant 0 : index
    tpu.barrier barrier_id(%barrier3A)
    %mul3A_27 = arith.constant 160 : i32
    %mul3A_28 = arith.muli %add3A, %mul3A_27 : i32
    %dma_start3A = arith.constant 0 : i32
    %dma_start3A_29 = tpu.memref_slice %arg3[%mul3A_28, %dma_start3A] : memref<5120x128xi32, #tpu.memory_space<hbm>> -> memref<16x128xi32, #tpu.memory_space<hbm>>
    %dma_start3A_30 = arith.constant 0 : i32
    %dma_start3A_31 = tpu.memref_slice %arg3[%mul3A_28, %dma_start3A_30] : memref<5120x128xi32, #tpu.memory_space<hbm>> -> memref<16x128xi32, #tpu.memory_space<hbm>>
    tpu.enqueue_dma source(%dma_start3A_31 : memref<16x128xi32, #tpu.memory_space<hbm>>) target(%arg6 : memref<16x128xi32, #tpu.memory_space<vmem>>) target_semaphore(%arg11 : memref<!tpu.dma_semaphore, #tpu.memory_space<semaphore_mem>>)
    %mul3A_32 = arith.constant 160 : i32
    %mul3A_33 = arith.muli %arg1, %mul3A_32 : i32
    %dma_start3A_34 = arith.constant 0 : i32
    %dma_start3A_35 = tpu.memref_slice %arg4[%mul3A_33, %dma_start3A_34] : memref<2560x128xi32, #tpu.memory_space<hbm>> -> memref<16x128xi32, #tpu.memory_space<hbm>>
    %dma_start3A_36 = arith.constant 0 : i32
    %dma_start3A_37 = tpu.memref_slice %arg4[%mul3A_33, %dma_start3A_36] : memref<2560x128xi32, #tpu.memory_space<hbm>> -> memref<16x128xi32, #tpu.memory_space<hbm>>
    tpu.enqueue_dma source(%dma_start3A_37 : memref<16x128xi32, #tpu.memory_space<hbm>>) target(%arg7 : memref<16x128xi32, #tpu.memory_space<vmem>>) target_semaphore(%arg11 : memref<!tpu.dma_semaphore, #tpu.memory_space<semaphore_mem>>)
    %scan3A_38 = arith.constant 0 : i32
    %scan3A_39 = arith.constant 0 : i32
    %scan3A_40 = arith.constant 10 : i32
    %scan3A_41 = arith.addi %scan3A_39, %scan3A_40 : i32
    %scan3A_42 = arith.constant 1 : i32
    %scan3A_43 = scf.for %scan3A_112 = %scan3A_39 to %scan3A_41 step %scan3A_42 iter_args(%scan3A_113 = %scan3A_38) -> (i32)  : i32 {
      %dma_wait3A_114 = arith.constant 0 : i32
      %dma_wait3A_115 = arith.constant 0 : i32
      %dma_wait3A_116 = tpu.memref_slice %arg3[%dma_wait3A_114, %dma_wait3A_115] : memref<5120x128xi32, #tpu.memory_space<hbm>> -> memref<16x128xi32, #tpu.memory_space<hbm>>
      %dma_wait3A_117 = arith.constant 0 : i32
      %dma_wait3A_118 = arith.constant 0 : i32
      %dma_wait3A_119 = tpu.memref_slice %arg3[%dma_wait3A_117, %dma_wait3A_118] : memref<5120x128xi32, #tpu.memory_space<hbm>> -> memref<16x128xi32, #tpu.memory_space<hbm>>
      tpu.wait_dma2 semaphore(%arg11 : memref<!tpu.dma_semaphore, #tpu.memory_space<semaphore_mem>>) src(%dma_wait3A_119 : memref<16x128xi32, #tpu.memory_space<hbm>>) dst(%arg6 : memref<16x128xi32, #tpu.memory_space<vmem>>)
      %dma_wait3A_120 = arith.constant 0 : i32
      %dma_wait3A_121 = arith.constant 0 : i32
      %dma_wait3A_122 = tpu.memref_slice %arg4[%dma_wait3A_120, %dma_wait3A_121] : memref<2560x128xi32, #tpu.memory_space<hbm>> -> memref<16x128xi32, #tpu.memory_space<hbm>>
      %dma_wait3A_123 = arith.constant 0 : i32
      %dma_wait3A_124 = arith.constant 0 : i32
      %dma_wait3A_125 = tpu.memref_slice %arg4[%dma_wait3A_123, %dma_wait3A_124] : memref<2560x128xi32, #tpu.memory_space<hbm>> -> memref<16x128xi32, #tpu.memory_space<hbm>>
      tpu.wait_dma2 semaphore(%arg11 : memref<!tpu.dma_semaphore, #tpu.memory_space<semaphore_mem>>) src(%dma_wait3A_125 : memref<16x128xi32, #tpu.memory_space<hbm>>) dst(%arg7 : memref<16x128xi32, #tpu.memory_space<vmem>>)
      %add3A_126 = arith.constant 1 : i32
      %add3A_127 = arith.addi %scan3A_112, %add3A_126 : i32
      %rem3A = arith.constant 10 : i32
      %rem3A_128 = arith.remsi %add3A_127, %rem3A : i32
      %dma_start3A_129 = arith.constant 0 : i32
      %dma_start3A_130 = arith.constant 0 : i32
      %dma_start3A_131 = tpu.memref_slice %arg6[%dma_start3A_129, %dma_start3A_130] : memref<16x128xi32, #tpu.memory_space<vmem>> -> memref<1x128xi32, #tpu.memory_space<vmem>>
      %dma_start3A_132 = tpu.memref_squeeze %dma_start3A_131 : memref<1x128xi32, #tpu.memory_space<vmem>> -> memref<128xi32, #tpu.memory_space<vmem>>
      %dma_start3A_133 = arith.constant 0 : i32
      %dma_start3A_134 = arith.constant 0 : i32
      %dma_start3A_135 = tpu.memref_slice %arg2[%dma_start3A_133, %dma_start3A_134] : memref<20480x128xf32, #tpu.memory_space<hbm>> -> memref<20480x128xf32, #tpu.memory_space<hbm>>
      tpu.enqueue_indirect_dma source(%dma_start3A_135 : memref<20480x128xf32, #tpu.memory_space<hbm>>) target(%arg8 : memref<128x128xf32, #tpu.memory_space<vmem>>) offsets(%dma_start3A_132 : memref<128xi32, #tpu.memory_space<vmem>>) semaphore(%arg12 : memref<!tpu.dma_semaphore, #tpu.memory_space<semaphore_mem>>)
      %dma_start3A_136 = arith.constant 1 : i32
      %dma_start3A_137 = arith.constant 0 : i32
      %dma_start3A_138 = tpu.memref_slice %arg6[%dma_start3A_136, %dma_start3A_137] : memref<16x128xi32, #tpu.memory_space<vmem>> -> memref<1x128xi32, #tpu.memory_space<vmem>>
      %dma_start3A_139 = tpu.memref_squeeze %dma_start3A_138 : memref<1x128xi32, #tpu.memory_space<vmem>> -> memref<128xi32, #tpu.memory_space<vmem>>
      %dma_start3A_140 = arith.constant 0 : i32
      %dma_start3A_141 = arith.constant 0 : i32
      %dma_start3A_142 = tpu.memref_slice %arg2[%dma_start3A_140, %dma_start3A_141] : memref<20480x128xf32, #tpu.memory_space<hbm>> -> memref<20480x128xf32, #tpu.memory_space<hbm>>
      tpu.enqueue_indirect_dma source(%dma_start3A_142 : memref<20480x128xf32, #tpu.memory_space<hbm>>) target(%arg9 : memref<128x128xf32, #tpu.memory_space<vmem>>) offsets(%dma_start3A_139 : memref<128xi32, #tpu.memory_space<vmem>>) semaphore(%arg13 : memref<!tpu.dma_semaphore, #tpu.memory_space<semaphore_mem>>)
      %dma_wait3A_143 = arith.constant 0 : i32
      %dma_wait3A_144 = arith.constant 0 : i32
      %dma_wait3A_145 = tpu.memref_slice %arg6[%dma_wait3A_143, %dma_wait3A_144] : memref<16x128xi32, #tpu.memory_space<vmem>> -> memref<1x128xi32, #tpu.memory_space<vmem>>
      %dma_wait3A_146 = tpu.memref_squeeze %dma_wait3A_145 : memref<1x128xi32, #tpu.memory_space<vmem>> -> memref<128xi32, #tpu.memory_space<vmem>>
      %dma_wait3A_147 = arith.constant 0 : i32
      %dma_wait3A_148 = arith.constant 0 : i32
      %dma_wait3A_149 = tpu.memref_slice %arg2[%dma_wait3A_147, %dma_wait3A_148] : memref<20480x128xf32, #tpu.memory_space<hbm>> -> memref<20480x128xf32, #tpu.memory_space<hbm>>
      tpu.wait_indirect_dma semaphore(%arg12 : memref<!tpu.dma_semaphore, #tpu.memory_space<semaphore_mem>>) src(%dma_wait3A_149 : memref<20480x128xf32, #tpu.memory_space<hbm>>) dst(%arg8 : memref<128x128xf32, #tpu.memory_space<vmem>>)
      %dma_start3A_150 = arith.constant 0 : i32
      %dma_start3A_151 = arith.constant 0 : i32
      %dma_start3A_152 = tpu.memref_slice %arg7[%dma_start3A_150, %dma_start3A_151] : memref<16x128xi32, #tpu.memory_space<vmem>> -> memref<1x128xi32, #tpu.memory_space<vmem>>
      %dma_start3A_153 = tpu.memref_squeeze %dma_start3A_152 : memref<1x128xi32, #tpu.memory_space<vmem>> -> memref<128xi32, #tpu.memory_space<vmem>>
      %dma_start3A_154 = arith.constant 0 : i32
      %dma_start3A_155 = arith.constant 0 : i32
      %dma_start3A_156 = tpu.memref_slice %arg10[%dma_start3A_154, %dma_start3A_155] : memref<10240x128xf32, #tpu.memory_space<vmem_shared>> -> memref<10240x128xf32, #tpu.memory_space<vmem_shared>>
      tpu.enqueue_indirect_dma source(%arg8 : memref<128x128xf32, #tpu.memory_space<vmem>>) target(%dma_start3A_156 : memref<10240x128xf32, #tpu.memory_space<vmem_shared>>) offsets(%dma_start3A_153 : memref<128xi32, #tpu.memory_space<vmem>>) semaphore(%arg14 : memref<!tpu.dma_semaphore, #tpu.memory_space<semaphore_mem>>) {add = true}
      %dma_wait3A_157 = arith.constant 0 : i32
      %dma_wait3A_158 = arith.constant 0 : i32
      %dma_wait3A_159 = tpu.memref_slice %arg7[%dma_wait3A_157, %dma_wait3A_158] : memref<16x128xi32, #tpu.memory_space<vmem>> -> memref<1x128xi32, #tpu.memory_space<vmem>>
      %dma_wait3A_160 = tpu.memref_squeeze %dma_wait3A_159 : memref<1x128xi32, #tpu.memory_space<vmem>> -> memref<128xi32, #tpu.memory_space<vmem>>
      %dma_wait3A_161 = arith.constant 0 : i32
      %dma_wait3A_162 = arith.constant 0 : i32
      %dma_wait3A_163 = tpu.memref_slice %arg10[%dma_wait3A_161, %dma_wait3A_162] : memref<10240x128xf32, #tpu.memory_space<vmem_shared>> -> memref<10240x128xf32, #tpu.memory_space<vmem_shared>>
      tpu.wait_indirect_dma semaphore(%arg14 : memref<!tpu.dma_semaphore, #tpu.memory_space<semaphore_mem>>) src(%arg8 : memref<128x128xf32, #tpu.memory_space<vmem>>) dst(%dma_wait3A_163 : memref<10240x128xf32, #tpu.memory_space<vmem_shared>>)
      %dma_start3A_164 = arith.constant 2 : i32
      %dma_start3A_165 = arith.constant 0 : i32
      %dma_start3A_166 = tpu.memref_slice %arg6[%dma_start3A_164, %dma_start3A_165] : memref<16x128xi32, #tpu.memory_space<vmem>> -> memref<1x128xi32, #tpu.memory_space<vmem>>
      %dma_start3A_167 = tpu.memref_squeeze %dma_start3A_166 : memref<1x128xi32, #tpu.memory_space<vmem>> -> memref<128xi32, #tpu.memory_space<vmem>>
      %dma_start3A_168 = arith.constant 0 : i32
      %dma_start3A_169 = arith.constant 0 : i32
      %dma_start3A_170 = tpu.memref_slice %arg2[%dma_start3A_168, %dma_start3A_169] : memref<20480x128xf32, #tpu.memory_space<hbm>> -> memref<20480x128xf32, #tpu.memory_space<hbm>>
      tpu.enqueue_indirect_dma source(%dma_start3A_170 : memref<20480x128xf32, #tpu.memory_space<hbm>>) target(%arg8 : memref<128x128xf32, #tpu.memory_space<vmem>>) offsets(%dma_start3A_167 : memref<128xi32, #tpu.memory_space<vmem>>) semaphore(%arg12 : memref<!tpu.dma_semaphore, #tpu.memory_space<semaphore_mem>>)
      %dma_wait3A_171 = arith.constant 1 : i32
      %dma_wait3A_172 = arith.constant 0 : i32
      %dma_wait3A_173 = tpu.memref_slice %arg6[%dma_wait3A_171, %dma_wait3A_172] : memref<16x128xi32, #tpu.memory_space<vmem>> -> memref<1x128xi32, #tpu.memory_space<vmem>>
      %dma_wait3A_174 = tpu.memref_squeeze %dma_wait3A_173 : memref<1x128xi32, #tpu.memory_space<vmem>> -> memref<128xi32, #tpu.memory_space<vmem>>
      %dma_wait3A_175 = arith.constant 0 : i32
      %dma_wait3A_176 = arith.constant 0 : i32
      %dma_wait3A_177 = tpu.memref_slice %arg2[%dma_wait3A_175, %dma_wait3A_176] : memref<20480x128xf32, #tpu.memory_space<hbm>> -> memref<20480x128xf32, #tpu.memory_space<hbm>>
      tpu.wait_indirect_dma semaphore(%arg13 : memref<!tpu.dma_semaphore, #tpu.memory_space<semaphore_mem>>) src(%dma_wait3A_177 : memref<20480x128xf32, #tpu.memory_space<hbm>>) dst(%arg9 : memref<128x128xf32, #tpu.memory_space<vmem>>)
      %dma_start3A_178 = arith.constant 1 : i32
      %dma_start3A_179 = arith.constant 0 : i32
      %dma_start3A_180 = tpu.memref_slice %arg7[%dma_start3A_178, %dma_start3A_179] : memref<16x128xi32, #tpu.memory_space<vmem>> -> memref<1x128xi32, #tpu.memory_space<vmem>>
      %dma_start3A_181 = tpu.memref_squeeze %dma_start3A_180 : memref<1x128xi32, #tpu.memory_space<vmem>> -> memref<128xi32, #tpu.memory_space<vmem>>
      %dma_start3A_182 = arith.constant 0 : i32
      %dma_start3A_183 = arith.constant 0 : i32
      %dma_start3A_184 = tpu.memref_slice %arg10[%dma_start3A_182, %dma_start3A_183] : memref<10240x128xf32, #tpu.memory_space<vmem_shared>> -> memref<10240x128xf32, #tpu.memory_space<vmem_shared>>
      tpu.enqueue_indirect_dma source(%arg9 : memref<128x128xf32, #tpu.memory_space<vmem>>) target(%dma_start3A_184 : memref<10240x128xf32, #tpu.memory_space<vmem_shared>>) offsets(%dma_start3A_181 : memref<128xi32, #tpu.memory_space<vmem>>) semaphore(%arg15 : memref<!tpu.dma_semaphore, #tpu.memory_space<semaphore_mem>>) {add = true}
      %dma_wait3A_185 = arith.constant 1 : i32
      %dma_wait3A_186 = arith.constant 0 : i32
      %dma_wait3A_187 = tpu.memref_slice %arg7[%dma_wait3A_185, %dma_wait3A_186] : memref<16x128xi32, #tpu.memory_space<vmem>> -> memref<1x128xi32, #tpu.memory_space<vmem>>
      %dma_wait3A_188 = tpu.memref_squeeze %dma_wait3A_187 : memref<1x128xi32, #tpu.memory_space<vmem>> -> memref<128xi32, #tpu.memory_space<vmem>>
      %dma_wait3A_189 = arith.constant 0 : i32
      %dma_wait3A_190 = arith.constant 0 : i32
      %dma_wait3A_191 = tpu.memref_slice %arg10[%dma_wait3A_189, %dma_wait3A_190] : memref<10240x128xf32, #tpu.memory_space<vmem_shared>> -> memref<10240x128xf32, #tpu.memory_space<vmem_shared>>
      tpu.wait_indirect_dma semaphore(%arg15 : memref<!tpu.dma_semaphore, #tpu.memory_space<semaphore_mem>>) src(%arg9 : memref<128x128xf32, #tpu.memory_space<vmem>>) dst(%dma_wait3A_191 : memref<10240x128xf32, #tpu.memory_space<vmem_shared>>)
      %dma_start3A_192 = arith.constant 3 : i32
      %dma_start3A_193 = arith.constant 0 : i32
      %dma_start3A_194 = tpu.memref_slice %arg6[%dma_start3A_192, %dma_start3A_193] : memref<16x128xi32, #tpu.memory_space<vmem>> -> memref<1x128xi32, #tpu.memory_space<vmem>>
      %dma_start3A_195 = tpu.memref_squeeze %dma_start3A_194 : memref<1x128xi32, #tpu.memory_space<vmem>> -> memref<128xi32, #tpu.memory_space<vmem>>
      %dma_start3A_196 = arith.constant 0 : i32
      %dma_start3A_197 = arith.constant 0 : i32
      %dma_start3A_198 = tpu.memref_slice %arg2[%dma_start3A_196, %dma_start3A_197] : memref<20480x128xf32, #tpu.memory_space<hbm>> -> memref<20480x128xf32, #tpu.memory_space<hbm>>
      tpu.enqueue_indirect_dma source(%dma_start3A_198 : memref<20480x128xf32, #tpu.memory_space<hbm>>) target(%arg9 : memref<128x128xf32, #tpu.memory_space<vmem>>) offsets(%dma_start3A_195 : memref<128xi32, #tpu.memory_space<vmem>>) semaphore(%arg13 : memref<!tpu.dma_semaphore, #tpu.memory_space<semaphore_mem>>)
      %dma_wait3A_199 = arith.constant 2 : i32
      %dma_wait3A_200 = arith.constant 0 : i32
      %dma_wait3A_201 = tpu.memref_slice %arg6[%dma_wait3A_199, %dma_wait3A_200] : memref<16x128xi32, #tpu.memory_space<vmem>> -> memref<1x128xi32, #tpu.memory_space<vmem>>
      %dma_wait3A_202 = tpu.memref_squeeze %dma_wait3A_201 : memref<1x128xi32, #tpu.memory_space<vmem>> -> memref<128xi32, #tpu.memory_space<vmem>>
      %dma_wait3A_203 = arith.constant 0 : i32
      %dma_wait3A_204 = arith.constant 0 : i32
      %dma_wait3A_205 = tpu.memref_slice %arg2[%dma_wait3A_203, %dma_wait3A_204] : memref<20480x128xf32, #tpu.memory_space<hbm>> -> memref<20480x128xf32, #tpu.memory_space<hbm>>
      tpu.wait_indirect_dma semaphore(%arg12 : memref<!tpu.dma_semaphore, #tpu.memory_space<semaphore_mem>>) src(%dma_wait3A_205 : memref<20480x128xf32, #tpu.memory_space<hbm>>) dst(%arg8 : memref<128x128xf32, #tpu.memory_space<vmem>>)
      %dma_start3A_206 = arith.constant 2 : i32
      %dma_start3A_207 = arith.constant 0 : i32
      %dma_start3A_208 = tpu.memref_slice %arg7[%dma_start3A_206, %dma_start3A_207] : memref<16x128xi32, #tpu.memory_space<vmem>> -> memref<1x128xi32, #tpu.memory_space<vmem>>
      %dma_start3A_209 = tpu.memref_squeeze %dma_start3A_208 : memref<1x128xi32, #tpu.memory_space<vmem>> -> memref<128xi32, #tpu.memory_space<vmem>>
      %dma_start3A_210 = arith.constant 0 : i32
      %dma_start3A_211 = arith.constant 0 : i32
      %dma_start3A_212 = tpu.memref_slice %arg10[%dma_start3A_210, %dma_start3A_211] : memref<10240x128xf32, #tpu.memory_space<vmem_shared>> -> memref<10240x128xf32, #tpu.memory_space<vmem_shared>>
      tpu.enqueue_indirect_dma source(%arg8 : memref<128x128xf32, #tpu.memory_space<vmem>>) target(%dma_start3A_212 : memref<10240x128xf32, #tpu.memory_space<vmem_shared>>) offsets(%dma_start3A_209 : memref<128xi32, #tpu.memory_space<vmem>>) semaphore(%arg14 : memref<!tpu.dma_semaphore, #tpu.memory_space<semaphore_mem>>) {add = true}
      %dma_wait3A_213 = arith.constant 2 : i32
      %dma_wait3A_214 = arith.constant 0 : i32
      %dma_wait3A_215 = tpu.memref_slice %arg7[%dma_wait3A_213, %dma_wait3A_214] : memref<16x128xi32, #tpu.memory_space<vmem>> -> memref<1x128xi32, #tpu.memory_space<vmem>>
      %dma_wait3A_216 = tpu.memref_squeeze %dma_wait3A_215 : memref<1x128xi32, #tpu.memory_space<vmem>> -> memref<128xi32, #tpu.memory_space<vmem>>
      %dma_wait3A_217 = arith.constant 0 : i32
      %dma_wait3A_218 = arith.constant 0 : i32
      %dma_wait3A_219 = tpu.memref_slice %arg10[%dma_wait3A_217, %dma_wait3A_218] : memref<10240x128xf32, #tpu.memory_space<vmem_shared>> -> memref<10240x128xf32, #tpu.memory_space<vmem_shared>>
      tpu.wait_indirect_dma semaphore(%arg14 : memref<!tpu.dma_semaphore, #tpu.memory_space<semaphore_mem>>) src(%arg8 : memref<128x128xf32, #tpu.memory_space<vmem>>) dst(%dma_wait3A_219 : memref<10240x128xf32, #tpu.memory_space<vmem_shared>>)
      %dma_start3A_220 = arith.constant 4 : i32
      %dma_start3A_221 = arith.constant 0 : i32
      %dma_start3A_222 = tpu.memref_slice %arg6[%dma_start3A_220, %dma_start3A_221] : memref<16x128xi32, #tpu.memory_space<vmem>> -> memref<1x128xi32, #tpu.memory_space<vmem>>
      %dma_start3A_223 = tpu.memref_squeeze %dma_start3A_222 : memref<1x128xi32, #tpu.memory_space<vmem>> -> memref<128xi32, #tpu.memory_space<vmem>>
      %dma_start3A_224 = arith.constant 0 : i32
      %dma_start3A_225 = arith.constant 0 : i32
      %dma_start3A_226 = tpu.memref_slice %arg2[%dma_start3A_224, %dma_start3A_225] : memref<20480x128xf32, #tpu.memory_space<hbm>> -> memref<20480x128xf32, #tpu.memory_space<hbm>>
      tpu.enqueue_indirect_dma source(%dma_start3A_226 : memref<20480x128xf32, #tpu.memory_space<hbm>>) target(%arg8 : memref<128x128xf32, #tpu.memory_space<vmem>>) offsets(%dma_start3A_223 : memref<128xi32, #tpu.memory_space<vmem>>) semaphore(%arg12 : memref<!tpu.dma_semaphore, #tpu.memory_space<semaphore_mem>>)
      %dma_wait3A_227 = arith.constant 3 : i32
      %dma_wait3A_228 = arith.constant 0 : i32
      %dma_wait3A_229 = tpu.memref_slice %arg6[%dma_wait3A_227, %dma_wait3A_228] : memref<16x128xi32, #tpu.memory_space<vmem>> -> memref<1x128xi32, #tpu.memory_space<vmem>>
      %dma_wait3A_230 = tpu.memref_squeeze %dma_wait3A_229 : memref<1x128xi32, #tpu.memory_space<vmem>> -> memref<128xi32, #tpu.memory_space<vmem>>
      %dma_wait3A_231 = arith.constant 0 : i32
      %dma_wait3A_232 = arith.constant 0 : i32
      %dma_wait3A_233 = tpu.memref_slice %arg2[%dma_wait3A_231, %dma_wait3A_232] : memref<20480x128xf32, #tpu.memory_space<hbm>> -> memref<20480x128xf32, #tpu.memory_space<hbm>>
      tpu.wait_indirect_dma semaphore(%arg13 : memref<!tpu.dma_semaphore, #tpu.memory_space<semaphore_mem>>) src(%dma_wait3A_233 : memref<20480x128xf32, #tpu.memory_space<hbm>>) dst(%arg9 : memref<128x128xf32, #tpu.memory_space<vmem>>)
      %dma_start3A_234 = arith.constant 3 : i32
      %dma_start3A_235 = arith.constant 0 : i32
      %dma_start3A_236 = tpu.memref_slice %arg7[%dma_start3A_234, %dma_start3A_235] : memref<16x128xi32, #tpu.memory_space<vmem>> -> memref<1x128xi32, #tpu.memory_space<vmem>>
      %dma_start3A_237 = tpu.memref_squeeze %dma_start3A_236 : memref<1x128xi32, #tpu.memory_space<vmem>> -> memref<128xi32, #tpu.memory_space<vmem>>
      %dma_start3A_238 = arith.constant 0 : i32
      %dma_start3A_239 = arith.constant 0 : i32
      %dma_start3A_240 = tpu.memref_slice %arg10[%dma_start3A_238, %dma_start3A_239] : memref<10240x128xf32, #tpu.memory_space<vmem_shared>> -> memref<10240x128xf32, #tpu.memory_space<vmem_shared>>
      tpu.enqueue_indirect_dma source(%arg9 : memref<128x128xf32, #tpu.memory_space<vmem>>) target(%dma_start3A_240 : memref<10240x128xf32, #tpu.memory_space<vmem_shared>>) offsets(%dma_start3A_237 : memref<128xi32, #tpu.memory_space<vmem>>) semaphore(%arg15 : memref<!tpu.dma_semaphore, #tpu.memory_space<semaphore_mem>>) {add = true}
      %dma_wait3A_241 = arith.constant 3 : i32
      %dma_wait3A_242 = arith.constant 0 : i32
      %dma_wait3A_243 = tpu.memref_slice %arg7[%dma_wait3A_241, %dma_wait3A_242] : memref<16x128xi32, #tpu.memory_space<vmem>> -> memref<1x128xi32, #tpu.memory_space<vmem>>
      %dma_wait3A_244 = tpu.memref_squeeze %dma_wait3A_243 : memref<1x128xi32, #tpu.memory_space<vmem>> -> memref<128xi32, #tpu.memory_space<vmem>>
      %dma_wait3A_245 = arith.constant 0 : i32
      %dma_wait3A_246 = arith.constant 0 : i32
      %dma_wait3A_247 = tpu.memref_slice %arg10[%dma_wait3A_245, %dma_wait3A_246] : memref<10240x128xf32, #tpu.memory_space<vmem_shared>> -> memref<10240x128xf32, #tpu.memory_space<vmem_shared>>
      tpu.wait_indirect_dma semaphore(%arg15 : memref<!tpu.dma_semaphore, #tpu.memory_space<semaphore_mem>>) src(%arg9 : memref<128x128xf32, #tpu.memory_space<vmem>>) dst(%dma_wait3A_247 : memref<10240x128xf32, #tpu.memory_space<vmem_shared>>)
      %dma_start3A_248 = arith.constant 5 : i32
      %dma_start3A_249 = arith.constant 0 : i32
      %dma_start3A_250 = tpu.memref_slice %arg6[%dma_start3A_248, %dma_start3A_249] : memref<16x128xi32, #tpu.memory_space<vmem>> -> memref<1x128xi32, #tpu.memory_space<vmem>>
      %dma_start3A_251 = tpu.memref_squeeze %dma_start3A_250 : memref<1x128xi32, #tpu.memory_space<vmem>> -> memref<128xi32, #tpu.memory_space<vmem>>
      %dma_start3A_252 = arith.constant 0 : i32
      %dma_start3A_253 = arith.constant 0 : i32
      %dma_start3A_254 = tpu.memref_slice %arg2[%dma_start3A_252, %dma_start3A_253] : memref<20480x128xf32, #tpu.memory_space<hbm>> -> memref<20480x128xf32, #tpu.memory_space<hbm>>
      tpu.enqueue_indirect_dma source(%dma_start3A_254 : memref<20480x128xf32, #tpu.memory_space<hbm>>) target(%arg9 : memref<128x128xf32, #tpu.memory_space<vmem>>) offsets(%dma_start3A_251 : memref<128xi32, #tpu.memory_space<vmem>>) semaphore(%arg13 : memref<!tpu.dma_semaphore, #tpu.memory_space<semaphore_mem>>)
      %dma_wait3A_255 = arith.constant 4 : i32
      %dma_wait3A_256 = arith.constant 0 : i32
      %dma_wait3A_257 = tpu.memref_slice %arg6[%dma_wait3A_255, %dma_wait3A_256] : memref<16x128xi32, #tpu.memory_space<vmem>> -> memref<1x128xi32, #tpu.memory_space<vmem>>
      %dma_wait3A_258 = tpu.memref_squeeze %dma_wait3A_257 : memref<1x128xi32, #tpu.memory_space<vmem>> -> memref<128xi32, #tpu.memory_space<vmem>>
      %dma_wait3A_259 = arith.constant 0 : i32
      %dma_wait3A_260 = arith.constant 0 : i32
      %dma_wait3A_261 = tpu.memref_slice %arg2[%dma_wait3A_259, %dma_wait3A_260] : memref<20480x128xf32, #tpu.memory_space<hbm>> -> memref<20480x128xf32, #tpu.memory_space<hbm>>
      tpu.wait_indirect_dma semaphore(%arg12 : memref<!tpu.dma_semaphore, #tpu.memory_space<semaphore_mem>>) src(%dma_wait3A_261 : memref<20480x128xf32, #tpu.memory_space<hbm>>) dst(%arg8 : memref<128x128xf32, #tpu.memory_space<vmem>>)
      %dma_start3A_262 = arith.constant 4 : i32
      %dma_start3A_263 = arith.constant 0 : i32
      %dma_start3A_264 = tpu.memref_slice %arg7[%dma_start3A_262, %dma_start3A_263] : memref<16x128xi32, #tpu.memory_space<vmem>> -> memref<1x128xi32, #tpu.memory_space<vmem>>
      %dma_start3A_265 = tpu.memref_squeeze %dma_start3A_264 : memref<1x128xi32, #tpu.memory_space<vmem>> -> memref<128xi32, #tpu.memory_space<vmem>>
      %dma_start3A_266 = arith.constant 0 : i32
      %dma_start3A_267 = arith.constant 0 : i32
      %dma_start3A_268 = tpu.memref_slice %arg10[%dma_start3A_266, %dma_start3A_267] : memref<10240x128xf32, #tpu.memory_space<vmem_shared>> -> memref<10240x128xf32, #tpu.memory_space<vmem_shared>>
      tpu.enqueue_indirect_dma source(%arg8 : memref<128x128xf32, #tpu.memory_space<vmem>>) target(%dma_start3A_268 : memref<10240x128xf32, #tpu.memory_space<vmem_shared>>) offsets(%dma_start3A_265 : memref<128xi32, #tpu.memory_space<vmem>>) semaphore(%arg14 : memref<!tpu.dma_semaphore, #tpu.memory_space<semaphore_mem>>) {add = true}
      %dma_wait3A_269 = arith.constant 4 : i32
      %dma_wait3A_270 = arith.constant 0 : i32
      %dma_wait3A_271 = tpu.memref_slice %arg7[%dma_wait3A_269, %dma_wait3A_270] : memref<16x128xi32, #tpu.memory_space<vmem>> -> memref<1x128xi32, #tpu.memory_space<vmem>>
      %dma_wait3A_272 = tpu.memref_squeeze %dma_wait3A_271 : memref<1x128xi32, #tpu.memory_space<vmem>> -> memref<128xi32, #tpu.memory_space<vmem>>
      %dma_wait3A_273 = arith.constant 0 : i32
      %dma_wait3A_274 = arith.constant 0 : i32
      %dma_wait3A_275 = tpu.memref_slice %arg10[%dma_wait3A_273, %dma_wait3A_274] : memref<10240x128xf32, #tpu.memory_space<vmem_shared>> -> memref<10240x128xf32, #tpu.memory_space<vmem_shared>>
      tpu.wait_indirect_dma semaphore(%arg14 : memref<!tpu.dma_semaphore, #tpu.memory_space<semaphore_mem>>) src(%arg8 : memref<128x128xf32, #tpu.memory_space<vmem>>) dst(%dma_wait3A_275 : memref<10240x128xf32, #tpu.memory_space<vmem_shared>>)
      %dma_start3A_276 = arith.constant 6 : i32
      %dma_start3A_277 = arith.constant 0 : i32
      %dma_start3A_278 = tpu.memref_slice %arg6[%dma_start3A_276, %dma_start3A_277] : memref<16x128xi32, #tpu.memory_space<vmem>> -> memref<1x128xi32, #tpu.memory_space<vmem>>
      %dma_start3A_279 = tpu.memref_squeeze %dma_start3A_278 : memref<1x128xi32, #tpu.memory_space<vmem>> -> memref<128xi32, #tpu.memory_space<vmem>>
      %dma_start3A_280 = arith.constant 0 : i32
      %dma_start3A_281 = arith.constant 0 : i32
      %dma_start3A_282 = tpu.memref_slice %arg2[%dma_start3A_280, %dma_start3A_281] : memref<20480x128xf32, #tpu.memory_space<hbm>> -> memref<20480x128xf32, #tpu.memory_space<hbm>>
      tpu.enqueue_indirect_dma source(%dma_start3A_282 : memref<20480x128xf32, #tpu.memory_space<hbm>>) target(%arg8 : memref<128x128xf32, #tpu.memory_space<vmem>>) offsets(%dma_start3A_279 : memref<128xi32, #tpu.memory_space<vmem>>) semaphore(%arg12 : memref<!tpu.dma_semaphore, #tpu.memory_space<semaphore_mem>>)
      %dma_wait3A_283 = arith.constant 5 : i32
      %dma_wait3A_284 = arith.constant 0 : i32
      %dma_wait3A_285 = tpu.memref_slice %arg6[%dma_wait3A_283, %dma_wait3A_284] : memref<16x128xi32, #tpu.memory_space<vmem>> -> memref<1x128xi32, #tpu.memory_space<vmem>>
      %dma_wait3A_286 = tpu.memref_squeeze %dma_wait3A_285 : memref<1x128xi32, #tpu.memory_space<vmem>> -> memref<128xi32, #tpu.memory_space<vmem>>
      %dma_wait3A_287 = arith.constant 0 : i32
      %dma_wait3A_288 = arith.constant 0 : i32
      %dma_wait3A_289 = tpu.memref_slice %arg2[%dma_wait3A_287, %dma_wait3A_288] : memref<20480x128xf32, #tpu.memory_space<hbm>> -> memref<20480x128xf32, #tpu.memory_space<hbm>>
      tpu.wait_indirect_dma semaphore(%arg13 : memref<!tpu.dma_semaphore, #tpu.memory_space<semaphore_mem>>) src(%dma_wait3A_289 : memref<20480x128xf32, #tpu.memory_space<hbm>>) dst(%arg9 : memref<128x128xf32, #tpu.memory_space<vmem>>)
      %dma_start3A_290 = arith.constant 5 : i32
      %dma_start3A_291 = arith.constant 0 : i32
      %dma_start3A_292 = tpu.memref_slice %arg7[%dma_start3A_290, %dma_start3A_291] : memref<16x128xi32, #tpu.memory_space<vmem>> -> memref<1x128xi32, #tpu.memory_space<vmem>>
      %dma_start3A_293 = tpu.memref_squeeze %dma_start3A_292 : memref<1x128xi32, #tpu.memory_space<vmem>> -> memref<128xi32, #tpu.memory_space<vmem>>
      %dma_start3A_294 = arith.constant 0 : i32
      %dma_start3A_295 = arith.constant 0 : i32
      %dma_start3A_296 = tpu.memref_slice %arg10[%dma_start3A_294, %dma_start3A_295] : memref<10240x128xf32, #tpu.memory_space<vmem_shared>> -> memref<10240x128xf32, #tpu.memory_space<vmem_shared>>
      tpu.enqueue_indirect_dma source(%arg9 : memref<128x128xf32, #tpu.memory_space<vmem>>) target(%dma_start3A_296 : memref<10240x128xf32, #tpu.memory_space<vmem_shared>>) offsets(%dma_start3A_293 : memref<128xi32, #tpu.memory_space<vmem>>) semaphore(%arg15 : memref<!tpu.dma_semaphore, #tpu.memory_space<semaphore_mem>>) {add = true}
      %dma_wait3A_297 = arith.constant 5 : i32
      %dma_wait3A_298 = arith.constant 0 : i32
      %dma_wait3A_299 = tpu.memref_slice %arg7[%dma_wait3A_297, %dma_wait3A_298] : memref<16x128xi32, #tpu.memory_space<vmem>> -> memref<1x128xi32, #tpu.memory_space<vmem>>
      %dma_wait3A_300 = tpu.memref_squeeze %dma_wait3A_299 : memref<1x128xi32, #tpu.memory_space<vmem>> -> memref<128xi32, #tpu.memory_space<vmem>>
      %dma_wait3A_301 = arith.constant 0 : i32
      %dma_wait3A_302 = arith.constant 0 : i32
      %dma_wait3A_303 = tpu.memref_slice %arg10[%dma_wait3A_301, %dma_wait3A_302] : memref<10240x128xf32, #tpu.memory_space<vmem_shared>> -> memref<10240x128xf32, #tpu.memory_space<vmem_shared>>
      tpu.wait_indirect_dma semaphore(%arg15 : memref<!tpu.dma_semaphore, #tpu.memory_space<semaphore_mem>>) src(%arg9 : memref<128x128xf32, #tpu.memory_space<vmem>>) dst(%dma_wait3A_303 : memref<10240x128xf32, #tpu.memory_space<vmem_shared>>)
      %dma_start3A_304 = arith.constant 7 : i32
      %dma_start3A_305 = arith.constant 0 : i32
      %dma_start3A_306 = tpu.memref_slice %arg6[%dma_start3A_304, %dma_start3A_305] : memref<16x128xi32, #tpu.memory_space<vmem>> -> memref<1x128xi32, #tpu.memory_space<vmem>>
      %dma_start3A_307 = tpu.memref_squeeze %dma_start3A_306 : memref<1x128xi32, #tpu.memory_space<vmem>> -> memref<128xi32, #tpu.memory_space<vmem>>
      %dma_start3A_308 = arith.constant 0 : i32
      %dma_start3A_309 = arith.constant 0 : i32
      %dma_start3A_310 = tpu.memref_slice %arg2[%dma_start3A_308, %dma_start3A_309] : memref<20480x128xf32, #tpu.memory_space<hbm>> -> memref<20480x128xf32, #tpu.memory_space<hbm>>
      tpu.enqueue_indirect_dma source(%dma_start3A_310 : memref<20480x128xf32, #tpu.memory_space<hbm>>) target(%arg9 : memref<128x128xf32, #tpu.memory_space<vmem>>) offsets(%dma_start3A_307 : memref<128xi32, #tpu.memory_space<vmem>>) semaphore(%arg13 : memref<!tpu.dma_semaphore, #tpu.memory_space<semaphore_mem>>)
      %dma_wait3A_311 = arith.constant 6 : i32
      %dma_wait3A_312 = arith.constant 0 : i32
      %dma_wait3A_313 = tpu.memref_slice %arg6[%dma_wait3A_311, %dma_wait3A_312] : memref<16x128xi32, #tpu.memory_space<vmem>> -> memref<1x128xi32, #tpu.memory_space<vmem>>
      %dma_wait3A_314 = tpu.memref_squeeze %dma_wait3A_313 : memref<1x128xi32, #tpu.memory_space<vmem>> -> memref<128xi32, #tpu.memory_space<vmem>>
      %dma_wait3A_315 = arith.constant 0 : i32
      %dma_wait3A_316 = arith.constant 0 : i32
      %dma_wait3A_317 = tpu.memref_slice %arg2[%dma_wait3A_315, %dma_wait3A_316] : memref<20480x128xf32, #tpu.memory_space<hbm>> -> memref<20480x128xf32, #tpu.memory_space<hbm>>
      tpu.wait_indirect_dma semaphore(%arg12 : memref<!tpu.dma_semaphore, #tpu.memory_space<semaphore_mem>>) src(%dma_wait3A_317 : memref<20480x128xf32, #tpu.memory_space<hbm>>) dst(%arg8 : memref<128x128xf32, #tpu.memory_space<vmem>>)
      %dma_start3A_318 = arith.constant 6 : i32
      %dma_start3A_319 = arith.constant 0 : i32
      %dma_start3A_320 = tpu.memref_slice %arg7[%dma_start3A_318, %dma_start3A_319] : memref<16x128xi32, #tpu.memory_space<vmem>> -> memref<1x128xi32, #tpu.memory_space<vmem>>
      %dma_start3A_321 = tpu.memref_squeeze %dma_start3A_320 : memref<1x128xi32, #tpu.memory_space<vmem>> -> memref<128xi32, #tpu.memory_space<vmem>>
      %dma_start3A_322 = arith.constant 0 : i32
      %dma_start3A_323 = arith.constant 0 : i32
      %dma_start3A_324 = tpu.memref_slice %arg10[%dma_start3A_322, %dma_start3A_323] : memref<10240x128xf32, #tpu.memory_space<vmem_shared>> -> memref<10240x128xf32, #tpu.memory_space<vmem_shared>>
      tpu.enqueue_indirect_dma source(%arg8 : memref<128x128xf32, #tpu.memory_space<vmem>>) target(%dma_start3A_324 : memref<10240x128xf32, #tpu.memory_space<vmem_shared>>) offsets(%dma_start3A_321 : memref<128xi32, #tpu.memory_space<vmem>>) semaphore(%arg14 : memref<!tpu.dma_semaphore, #tpu.memory_space<semaphore_mem>>) {add = true}
      %dma_wait3A_325 = arith.constant 6 : i32
      %dma_wait3A_326 = arith.constant 0 : i32
      %dma_wait3A_327 = tpu.memref_slice %arg7[%dma_wait3A_325, %dma_wait3A_326] : memref<16x128xi32, #tpu.memory_space<vmem>> -> memref<1x128xi32, #tpu.memory_space<vmem>>
      %dma_wait3A_328 = tpu.memref_squeeze %dma_wait3A_327 : memref<1x128xi32, #tpu.memory_space<vmem>> -> memref<128xi32, #tpu.memory_space<vmem>>
      %dma_wait3A_329 = arith.constant 0 : i32
      %dma_wait3A_330 = arith.constant 0 : i32
      %dma_wait3A_331 = tpu.memref_slice %arg10[%dma_wait3A_329, %dma_wait3A_330] : memref<10240x128xf32, #tpu.memory_space<vmem_shared>> -> memref<10240x128xf32, #tpu.memory_space<vmem_shared>>
      tpu.wait_indirect_dma semaphore(%arg14 : memref<!tpu.dma_semaphore, #tpu.memory_space<semaphore_mem>>) src(%arg8 : memref<128x128xf32, #tpu.memory_space<vmem>>) dst(%dma_wait3A_331 : memref<10240x128xf32, #tpu.memory_space<vmem_shared>>)
      %dma_start3A_332 = arith.constant 8 : i32
      %dma_start3A_333 = arith.constant 0 : i32
      %dma_start3A_334 = tpu.memref_slice %arg6[%dma_start3A_332, %dma_start3A_333] : memref<16x128xi32, #tpu.memory_space<vmem>> -> memref<1x128xi32, #tpu.memory_space<vmem>>
      %dma_start3A_335 = tpu.memref_squeeze %dma_start3A_334 : memref<1x128xi32, #tpu.memory_space<vmem>> -> memref<128xi32, #tpu.memory_space<vmem>>
      %dma_start3A_336 = arith.constant 0 : i32
      %dma_start3A_337 = arith.constant 0 : i32
      %dma_start3A_338 = tpu.memref_slice %arg2[%dma_start3A_336, %dma_start3A_337] : memref<20480x128xf32, #tpu.memory_space<hbm>> -> memref<20480x128xf32, #tpu.memory_space<hbm>>
      tpu.enqueue_indirect_dma source(%dma_start3A_338 : memref<20480x128xf32, #tpu.memory_space<hbm>>) target(%arg8 : memref<128x128xf32, #tpu.memory_space<vmem>>) offsets(%dma_start3A_335 : memref<128xi32, #tpu.memory_space<vmem>>) semaphore(%arg12 : memref<!tpu.dma_semaphore, #tpu.memory_space<semaphore_mem>>)
      %dma_wait3A_339 = arith.constant 7 : i32
      %dma_wait3A_340 = arith.constant 0 : i32
      %dma_wait3A_341 = tpu.memref_slice %arg6[%dma_wait3A_339, %dma_wait3A_340] : memref<16x128xi32, #tpu.memory_space<vmem>> -> memref<1x128xi32, #tpu.memory_space<vmem>>
      %dma_wait3A_342 = tpu.memref_squeeze %dma_wait3A_341 : memref<1x128xi32, #tpu.memory_space<vmem>> -> memref<128xi32, #tpu.memory_space<vmem>>
      %dma_wait3A_343 = arith.constant 0 : i32
      %dma_wait3A_344 = arith.constant 0 : i32
      %dma_wait3A_345 = tpu.memref_slice %arg2[%dma_wait3A_343, %dma_wait3A_344] : memref<20480x128xf32, #tpu.memory_space<hbm>> -> memref<20480x128xf32, #tpu.memory_space<hbm>>
      tpu.wait_indirect_dma semaphore(%arg13 : memref<!tpu.dma_semaphore, #tpu.memory_space<semaphore_mem>>) src(%dma_wait3A_345 : memref<20480x128xf32, #tpu.memory_space<hbm>>) dst(%arg9 : memref<128x128xf32, #tpu.memory_space<vmem>>)
      %dma_start3A_346 = arith.constant 7 : i32
      %dma_start3A_347 = arith.constant 0 : i32
      %dma_start3A_348 = tpu.memref_slice %arg7[%dma_start3A_346, %dma_start3A_347] : memref<16x128xi32, #tpu.memory_space<vmem>> -> memref<1x128xi32, #tpu.memory_space<vmem>>
      %dma_start3A_349 = tpu.memref_squeeze %dma_start3A_348 : memref<1x128xi32, #tpu.memory_space<vmem>> -> memref<128xi32, #tpu.memory_space<vmem>>
      %dma_start3A_350 = arith.constant 0 : i32
      %dma_start3A_351 = arith.constant 0 : i32
      %dma_start3A_352 = tpu.memref_slice %arg10[%dma_start3A_350, %dma_start3A_351] : memref<10240x128xf32, #tpu.memory_space<vmem_shared>> -> memref<10240x128xf32, #tpu.memory_space<vmem_shared>>
      tpu.enqueue_indirect_dma source(%arg9 : memref<128x128xf32, #tpu.memory_space<vmem>>) target(%dma_start3A_352 : memref<10240x128xf32, #tpu.memory_space<vmem_shared>>) offsets(%dma_start3A_349 : memref<128xi32, #tpu.memory_space<vmem>>) semaphore(%arg15 : memref<!tpu.dma_semaphore, #tpu.memory_space<semaphore_mem>>) {add = true}
      %dma_wait3A_353 = arith.constant 7 : i32
      %dma_wait3A_354 = arith.constant 0 : i32
      %dma_wait3A_355 = tpu.memref_slice %arg7[%dma_wait3A_353, %dma_wait3A_354] : memref<16x128xi32, #tpu.memory_space<vmem>> -> memref<1x128xi32, #tpu.memory_space<vmem>>
      %dma_wait3A_356 = tpu.memref_squeeze %dma_wait3A_355 : memref<1x128xi32, #tpu.memory_space<vmem>> -> memref<128xi32, #tpu.memory_space<vmem>>
      %dma_wait3A_357 = arith.constant 0 : i32
      %dma_wait3A_358 = arith.constant 0 : i32
      %dma_wait3A_359 = tpu.memref_slice %arg10[%dma_wait3A_357, %dma_wait3A_358] : memref<10240x128xf32, #tpu.memory_space<vmem_shared>> -> memref<10240x128xf32, #tpu.memory_space<vmem_shared>>
      tpu.wait_indirect_dma semaphore(%arg15 : memref<!tpu.dma_semaphore, #tpu.memory_space<semaphore_mem>>) src(%arg9 : memref<128x128xf32, #tpu.memory_space<vmem>>) dst(%dma_wait3A_359 : memref<10240x128xf32, #tpu.memory_space<vmem_shared>>)
      %dma_start3A_360 = arith.constant 9 : i32
      %dma_start3A_361 = arith.constant 0 : i32
      %dma_start3A_362 = tpu.memref_slice %arg6[%dma_start3A_360, %dma_start3A_361] : memref<16x128xi32, #tpu.memory_space<vmem>> -> memref<1x128xi32, #tpu.memory_space<vmem>>
      %dma_start3A_363 = tpu.memref_squeeze %dma_start3A_362 : memref<1x128xi32, #tpu.memory_space<vmem>> -> memref<128xi32, #tpu.memory_space<vmem>>
      %dma_start3A_364 = arith.constant 0 : i32
      %dma_start3A_365 = arith.constant 0 : i32
      %dma_start3A_366 = tpu.memref_slice %arg2[%dma_start3A_364, %dma_start3A_365] : memref<20480x128xf32, #tpu.memory_space<hbm>> -> memref<20480x128xf32, #tpu.memory_space<hbm>>
      tpu.enqueue_indirect_dma source(%dma_start3A_366 : memref<20480x128xf32, #tpu.memory_space<hbm>>) target(%arg9 : memref<128x128xf32, #tpu.memory_space<vmem>>) offsets(%dma_start3A_363 : memref<128xi32, #tpu.memory_space<vmem>>) semaphore(%arg13 : memref<!tpu.dma_semaphore, #tpu.memory_space<semaphore_mem>>)
      %dma_wait3A_367 = arith.constant 8 : i32
      %dma_wait3A_368 = arith.constant 0 : i32
      %dma_wait3A_369 = tpu.memref_slice %arg6[%dma_wait3A_367, %dma_wait3A_368] : memref<16x128xi32, #tpu.memory_space<vmem>> -> memref<1x128xi32, #tpu.memory_space<vmem>>
      %dma_wait3A_370 = tpu.memref_squeeze %dma_wait3A_369 : memref<1x128xi32, #tpu.memory_space<vmem>> -> memref<128xi32, #tpu.memory_space<vmem>>
      %dma_wait3A_371 = arith.constant 0 : i32
      %dma_wait3A_372 = arith.constant 0 : i32
      %dma_wait3A_373 = tpu.memref_slice %arg2[%dma_wait3A_371, %dma_wait3A_372] : memref<20480x128xf32, #tpu.memory_space<hbm>> -> memref<20480x128xf32, #tpu.memory_space<hbm>>
      tpu.wait_indirect_dma semaphore(%arg12 : memref<!tpu.dma_semaphore, #tpu.memory_space<semaphore_mem>>) src(%dma_wait3A_373 : memref<20480x128xf32, #tpu.memory_space<hbm>>) dst(%arg8 : memref<128x128xf32, #tpu.memory_space<vmem>>)
      %dma_start3A_374 = arith.constant 8 : i32
      %dma_start3A_375 = arith.constant 0 : i32
      %dma_start3A_376 = tpu.memref_slice %arg7[%dma_start3A_374, %dma_start3A_375] : memref<16x128xi32, #tpu.memory_space<vmem>> -> memref<1x128xi32, #tpu.memory_space<vmem>>
      %dma_start3A_377 = tpu.memref_squeeze %dma_start3A_376 : memref<1x128xi32, #tpu.memory_space<vmem>> -> memref<128xi32, #tpu.memory_space<vmem>>
      %dma_start3A_378 = arith.constant 0 : i32
      %dma_start3A_379 = arith.constant 0 : i32
      %dma_start3A_380 = tpu.memref_slice %arg10[%dma_start3A_378, %dma_start3A_379] : memref<10240x128xf32, #tpu.memory_space<vmem_shared>> -> memref<10240x128xf32, #tpu.memory_space<vmem_shared>>
      tpu.enqueue_indirect_dma source(%arg8 : memref<128x128xf32, #tpu.memory_space<vmem>>) target(%dma_start3A_380 : memref<10240x128xf32, #tpu.memory_space<vmem_shared>>) offsets(%dma_start3A_377 : memref<128xi32, #tpu.memory_space<vmem>>) semaphore(%arg14 : memref<!tpu.dma_semaphore, #tpu.memory_space<semaphore_mem>>) {add = true}
      %dma_wait3A_381 = arith.constant 8 : i32
      %dma_wait3A_382 = arith.constant 0 : i32
      %dma_wait3A_383 = tpu.memref_slice %arg7[%dma_wait3A_381, %dma_wait3A_382] : memref<16x128xi32, #tpu.memory_space<vmem>> -> memref<1x128xi32, #tpu.memory_space<vmem>>
      %dma_wait3A_384 = tpu.memref_squeeze %dma_wait3A_383 : memref<1x128xi32, #tpu.memory_space<vmem>> -> memref<128xi32, #tpu.memory_space<vmem>>
      %dma_wait3A_385 = arith.constant 0 : i32
      %dma_wait3A_386 = arith.constant 0 : i32
      %dma_wait3A_387 = tpu.memref_slice %arg10[%dma_wait3A_385, %dma_wait3A_386] : memref<10240x128xf32, #tpu.memory_space<vmem_shared>> -> memref<10240x128xf32, #tpu.memory_space<vmem_shared>>
      tpu.wait_indirect_dma semaphore(%arg14 : memref<!tpu.dma_semaphore, #tpu.memory_space<semaphore_mem>>) src(%arg8 : memref<128x128xf32, #tpu.memory_space<vmem>>) dst(%dma_wait3A_387 : memref<10240x128xf32, #tpu.memory_space<vmem_shared>>)
      %dma_start3A_388 = arith.constant 10 : i32
      %dma_start3A_389 = arith.constant 0 : i32
      %dma_start3A_390 = tpu.memref_slice %arg6[%dma_start3A_388, %dma_start3A_389] : memref<16x128xi32, #tpu.memory_space<vmem>> -> memref<1x128xi32, #tpu.memory_space<vmem>>
      %dma_start3A_391 = tpu.memref_squeeze %dma_start3A_390 : memref<1x128xi32, #tpu.memory_space<vmem>> -> memref<128xi32, #tpu.memory_space<vmem>>
      %dma_start3A_392 = arith.constant 0 : i32
      %dma_start3A_393 = arith.constant 0 : i32
      %dma_start3A_394 = tpu.memref_slice %arg2[%dma_start3A_392, %dma_start3A_393] : memref<20480x128xf32, #tpu.memory_space<hbm>> -> memref<20480x128xf32, #tpu.memory_space<hbm>>
      tpu.enqueue_indirect_dma source(%dma_start3A_394 : memref<20480x128xf32, #tpu.memory_space<hbm>>) target(%arg8 : memref<128x128xf32, #tpu.memory_space<vmem>>) offsets(%dma_start3A_391 : memref<128xi32, #tpu.memory_space<vmem>>) semaphore(%arg12 : memref<!tpu.dma_semaphore, #tpu.memory_space<semaphore_mem>>)
      %dma_wait3A_395 = arith.constant 9 : i32
      %dma_wait3A_396 = arith.constant 0 : i32
      %dma_wait3A_397 = tpu.memref_slice %arg6[%dma_wait3A_395, %dma_wait3A_396] : memref<16x128xi32, #tpu.memory_space<vmem>> -> memref<1x128xi32, #tpu.memory_space<vmem>>
      %dma_wait3A_398 = tpu.memref_squeeze %dma_wait3A_397 : memref<1x128xi32, #tpu.memory_space<vmem>> -> memref<128xi32, #tpu.memory_space<vmem>>
      %dma_wait3A_399 = arith.constant 0 : i32
      %dma_wait3A_400 = arith.constant 0 : i32
      %dma_wait3A_401 = tpu.memref_slice %arg2[%dma_wait3A_399, %dma_wait3A_400] : memref<20480x128xf32, #tpu.memory_space<hbm>> -> memref<20480x128xf32, #tpu.memory_space<hbm>>
      tpu.wait_indirect_dma semaphore(%arg13 : memref<!tpu.dma_semaphore, #tpu.memory_space<semaphore_mem>>) src(%dma_wait3A_401 : memref<20480x128xf32, #tpu.memory_space<hbm>>) dst(%arg9 : memref<128x128xf32, #tpu.memory_space<vmem>>)
      %dma_start3A_402 = arith.constant 9 : i32
      %dma_start3A_403 = arith.constant 0 : i32
      %dma_start3A_404 = tpu.memref_slice %arg7[%dma_start3A_402, %dma_start3A_403] : memref<16x128xi32, #tpu.memory_space<vmem>> -> memref<1x128xi32, #tpu.memory_space<vmem>>
      %dma_start3A_405 = tpu.memref_squeeze %dma_start3A_404 : memref<1x128xi32, #tpu.memory_space<vmem>> -> memref<128xi32, #tpu.memory_space<vmem>>
      %dma_start3A_406 = arith.constant 0 : i32
      %dma_start3A_407 = arith.constant 0 : i32
      %dma_start3A_408 = tpu.memref_slice %arg10[%dma_start3A_406, %dma_start3A_407] : memref<10240x128xf32, #tpu.memory_space<vmem_shared>> -> memref<10240x128xf32, #tpu.memory_space<vmem_shared>>
      tpu.enqueue_indirect_dma source(%arg9 : memref<128x128xf32, #tpu.memory_space<vmem>>) target(%dma_start3A_408 : memref<10240x128xf32, #tpu.memory_space<vmem_shared>>) offsets(%dma_start3A_405 : memref<128xi32, #tpu.memory_space<vmem>>) semaphore(%arg15 : memref<!tpu.dma_semaphore, #tpu.memory_space<semaphore_mem>>) {add = true}
      %dma_wait3A_409 = arith.constant 9 : i32
      %dma_wait3A_410 = arith.constant 0 : i32
      %dma_wait3A_411 = tpu.memref_slice %arg7[%dma_wait3A_409, %dma_wait3A_410] : memref<16x128xi32, #tpu.memory_space<vmem>> -> memref<1x128xi32, #tpu.memory_space<vmem>>
      %dma_wait3A_412 = tpu.memref_squeeze %dma_wait3A_411 : memref<1x128xi32, #tpu.memory_space<vmem>> -> memref<128xi32, #tpu.memory_space<vmem>>
      %dma_wait3A_413 = arith.constant 0 : i32
      %dma_wait3A_414 = arith.constant 0 : i32
      %dma_wait3A_415 = tpu.memref_slice %arg10[%dma_wait3A_413, %dma_wait3A_414] : memref<10240x128xf32, #tpu.memory_space<vmem_shared>> -> memref<10240x128xf32, #tpu.memory_space<vmem_shared>>
      tpu.wait_indirect_dma semaphore(%arg15 : memref<!tpu.dma_semaphore, #tpu.memory_space<semaphore_mem>>) src(%arg9 : memref<128x128xf32, #tpu.memory_space<vmem>>) dst(%dma_wait3A_415 : memref<10240x128xf32, #tpu.memory_space<vmem_shared>>)
      %dma_start3A_416 = arith.constant 11 : i32
      %dma_start3A_417 = arith.constant 0 : i32
      %dma_start3A_418 = tpu.memref_slice %arg6[%dma_start3A_416, %dma_start3A_417] : memref<16x128xi32, #tpu.memory_space<vmem>> -> memref<1x128xi32, #tpu.memory_space<vmem>>
      %dma_start3A_419 = tpu.memref_squeeze %dma_start3A_418 : memref<1x128xi32, #tpu.memory_space<vmem>> -> memref<128xi32, #tpu.memory_space<vmem>>
      %dma_start3A_420 = arith.constant 0 : i32
      %dma_start3A_421 = arith.constant 0 : i32
      %dma_start3A_422 = tpu.memref_slice %arg2[%dma_start3A_420, %dma_start3A_421] : memref<20480x128xf32, #tpu.memory_space<hbm>> -> memref<20480x128xf32, #tpu.memory_space<hbm>>
      tpu.enqueue_indirect_dma source(%dma_start3A_422 : memref<20480x128xf32, #tpu.memory_space<hbm>>) target(%arg9 : memref<128x128xf32, #tpu.memory_space<vmem>>) offsets(%dma_start3A_419 : memref<128xi32, #tpu.memory_space<vmem>>) semaphore(%arg13 : memref<!tpu.dma_semaphore, #tpu.memory_space<semaphore_mem>>)
      %dma_wait3A_423 = arith.constant 10 : i32
      %dma_wait3A_424 = arith.constant 0 : i32
      %dma_wait3A_425 = tpu.memref_slice %arg6[%dma_wait3A_423, %dma_wait3A_424] : memref<16x128xi32, #tpu.memory_space<vmem>> -> memref<1x128xi32, #tpu.memory_space<vmem>>
      %dma_wait3A_426 = tpu.memref_squeeze %dma_wait3A_425 : memref<1x128xi32, #tpu.memory_space<vmem>> -> memref<128xi32, #tpu.memory_space<vmem>>
      %dma_wait3A_427 = arith.constant 0 : i32
      %dma_wait3A_428 = arith.constant 0 : i32
      %dma_wait3A_429 = tpu.memref_slice %arg2[%dma_wait3A_427, %dma_wait3A_428] : memref<20480x128xf32, #tpu.memory_space<hbm>> -> memref<20480x128xf32, #tpu.memory_space<hbm>>
      tpu.wait_indirect_dma semaphore(%arg12 : memref<!tpu.dma_semaphore, #tpu.memory_space<semaphore_mem>>) src(%dma_wait3A_429 : memref<20480x128xf32, #tpu.memory_space<hbm>>) dst(%arg8 : memref<128x128xf32, #tpu.memory_space<vmem>>)
      %dma_start3A_430 = arith.constant 10 : i32
      %dma_start3A_431 = arith.constant 0 : i32
      %dma_start3A_432 = tpu.memref_slice %arg7[%dma_start3A_430, %dma_start3A_431] : memref<16x128xi32, #tpu.memory_space<vmem>> -> memref<1x128xi32, #tpu.memory_space<vmem>>
      %dma_start3A_433 = tpu.memref_squeeze %dma_start3A_432 : memref<1x128xi32, #tpu.memory_space<vmem>> -> memref<128xi32, #tpu.memory_space<vmem>>
      %dma_start3A_434 = arith.constant 0 : i32
      %dma_start3A_435 = arith.constant 0 : i32
      %dma_start3A_436 = tpu.memref_slice %arg10[%dma_start3A_434, %dma_start3A_435] : memref<10240x128xf32, #tpu.memory_space<vmem_shared>> -> memref<10240x128xf32, #tpu.memory_space<vmem_shared>>
      tpu.enqueue_indirect_dma source(%arg8 : memref<128x128xf32, #tpu.memory_space<vmem>>) target(%dma_start3A_436 : memref<10240x128xf32, #tpu.memory_space<vmem_shared>>) offsets(%dma_start3A_433 : memref<128xi32, #tpu.memory_space<vmem>>) semaphore(%arg14 : memref<!tpu.dma_semaphore, #tpu.memory_space<semaphore_mem>>) {add = true}
      %dma_wait3A_437 = arith.constant 10 : i32
      %dma_wait3A_438 = arith.constant 0 : i32
      %dma_wait3A_439 = tpu.memref_slice %arg7[%dma_wait3A_437, %dma_wait3A_438] : memref<16x128xi32, #tpu.memory_space<vmem>> -> memref<1x128xi32, #tpu.memory_space<vmem>>
      %dma_wait3A_440 = tpu.memref_squeeze %dma_wait3A_439 : memref<1x128xi32, #tpu.memory_space<vmem>> -> memref<128xi32, #tpu.memory_space<vmem>>
      %dma_wait3A_441 = arith.constant 0 : i32
      %dma_wait3A_442 = arith.constant 0 : i32
      %dma_wait3A_443 = tpu.memref_slice %arg10[%dma_wait3A_441, %dma_wait3A_442] : memref<10240x128xf32, #tpu.memory_space<vmem_shared>> -> memref<10240x128xf32, #tpu.memory_space<vmem_shared>>
      tpu.wait_indirect_dma semaphore(%arg14 : memref<!tpu.dma_semaphore, #tpu.memory_space<semaphore_mem>>) src(%arg8 : memref<128x128xf32, #tpu.memory_space<vmem>>) dst(%dma_wait3A_443 : memref<10240x128xf32, #tpu.memory_space<vmem_shared>>)
      %dma_start3A_444 = arith.constant 12 : i32
      %dma_start3A_445 = arith.constant 0 : i32
      %dma_start3A_446 = tpu.memref_slice %arg6[%dma_start3A_444, %dma_start3A_445] : memref<16x128xi32, #tpu.memory_space<vmem>> -> memref<1x128xi32, #tpu.memory_space<vmem>>
      %dma_start3A_447 = tpu.memref_squeeze %dma_start3A_446 : memref<1x128xi32, #tpu.memory_space<vmem>> -> memref<128xi32, #tpu.memory_space<vmem>>
      %dma_start3A_448 = arith.constant 0 : i32
      %dma_start3A_449 = arith.constant 0 : i32
      %dma_start3A_450 = tpu.memref_slice %arg2[%dma_start3A_448, %dma_start3A_449] : memref<20480x128xf32, #tpu.memory_space<hbm>> -> memref<20480x128xf32, #tpu.memory_space<hbm>>
      tpu.enqueue_indirect_dma source(%dma_start3A_450 : memref<20480x128xf32, #tpu.memory_space<hbm>>) target(%arg8 : memref<128x128xf32, #tpu.memory_space<vmem>>) offsets(%dma_start3A_447 : memref<128xi32, #tpu.memory_space<vmem>>) semaphore(%arg12 : memref<!tpu.dma_semaphore, #tpu.memory_space<semaphore_mem>>)
      %dma_wait3A_451 = arith.constant 11 : i32
      %dma_wait3A_452 = arith.constant 0 : i32
      %dma_wait3A_453 = tpu.memref_slice %arg6[%dma_wait3A_451, %dma_wait3A_452] : memref<16x128xi32, #tpu.memory_space<vmem>> -> memref<1x128xi32, #tpu.memory_space<vmem>>
      %dma_wait3A_454 = tpu.memref_squeeze %dma_wait3A_453 : memref<1x128xi32, #tpu.memory_space<vmem>> -> memref<128xi32, #tpu.memory_space<vmem>>
      %dma_wait3A_455 = arith.constant 0 : i32
      %dma_wait3A_456 = arith.constant 0 : i32
      %dma_wait3A_457 = tpu.memref_slice %arg2[%dma_wait3A_455, %dma_wait3A_456] : memref<20480x128xf32, #tpu.memory_space<hbm>> -> memref<20480x128xf32, #tpu.memory_space<hbm>>
      tpu.wait_indirect_dma semaphore(%arg13 : memref<!tpu.dma_semaphore, #tpu.memory_space<semaphore_mem>>) src(%dma_wait3A_457 : memref<20480x128xf32, #tpu.memory_space<hbm>>) dst(%arg9 : memref<128x128xf32, #tpu.memory_space<vmem>>)
      %dma_start3A_458 = arith.constant 11 : i32
      %dma_start3A_459 = arith.constant 0 : i32
      %dma_start3A_460 = tpu.memref_slice %arg7[%dma_start3A_458, %dma_start3A_459] : memref<16x128xi32, #tpu.memory_space<vmem>> -> memref<1x128xi32, #tpu.memory_space<vmem>>
      %dma_start3A_461 = tpu.memref_squeeze %dma_start3A_460 : memref<1x128xi32, #tpu.memory_space<vmem>> -> memref<128xi32, #tpu.memory_space<vmem>>
      %dma_start3A_462 = arith.constant 0 : i32
      %dma_start3A_463 = arith.constant 0 : i32
      %dma_start3A_464 = tpu.memref_slice %arg10[%dma_start3A_462, %dma_start3A_463] : memref<10240x128xf32, #tpu.memory_space<vmem_shared>> -> memref<10240x128xf32, #tpu.memory_space<vmem_shared>>
      tpu.enqueue_indirect_dma source(%arg9 : memref<128x128xf32, #tpu.memory_space<vmem>>) target(%dma_start3A_464 : memref<10240x128xf32, #tpu.memory_space<vmem_shared>>) offsets(%dma_start3A_461 : memref<128xi32, #tpu.memory_space<vmem>>) semaphore(%arg15 : memref<!tpu.dma_semaphore, #tpu.memory_space<semaphore_mem>>) {add = true}
      %dma_wait3A_465 = arith.constant 11 : i32
      %dma_wait3A_466 = arith.constant 0 : i32
      %dma_wait3A_467 = tpu.memref_slice %arg7[%dma_wait3A_465, %dma_wait3A_466] : memref<16x128xi32, #tpu.memory_space<vmem>> -> memref<1x128xi32, #tpu.memory_space<vmem>>
      %dma_wait3A_468 = tpu.memref_squeeze %dma_wait3A_467 : memref<1x128xi32, #tpu.memory_space<vmem>> -> memref<128xi32, #tpu.memory_space<vmem>>
      %dma_wait3A_469 = arith.constant 0 : i32
      %dma_wait3A_470 = arith.constant 0 : i32
      %dma_wait3A_471 = tpu.memref_slice %arg10[%dma_wait3A_469, %dma_wait3A_470] : memref<10240x128xf32, #tpu.memory_space<vmem_shared>> -> memref<10240x128xf32, #tpu.memory_space<vmem_shared>>
      tpu.wait_indirect_dma semaphore(%arg15 : memref<!tpu.dma_semaphore, #tpu.memory_space<semaphore_mem>>) src(%arg9 : memref<128x128xf32, #tpu.memory_space<vmem>>) dst(%dma_wait3A_471 : memref<10240x128xf32, #tpu.memory_space<vmem_shared>>)
      %dma_start3A_472 = arith.constant 13 : i32
      %dma_start3A_473 = arith.constant 0 : i32
      %dma_start3A_474 = tpu.memref_slice %arg6[%dma_start3A_472, %dma_start3A_473] : memref<16x128xi32, #tpu.memory_space<vmem>> -> memref<1x128xi32, #tpu.memory_space<vmem>>
      %dma_start3A_475 = tpu.memref_squeeze %dma_start3A_474 : memref<1x128xi32, #tpu.memory_space<vmem>> -> memref<128xi32, #tpu.memory_space<vmem>>
      %dma_start3A_476 = arith.constant 0 : i32
      %dma_start3A_477 = arith.constant 0 : i32
      %dma_start3A_478 = tpu.memref_slice %arg2[%dma_start3A_476, %dma_start3A_477] : memref<20480x128xf32, #tpu.memory_space<hbm>> -> memref<20480x128xf32, #tpu.memory_space<hbm>>
      tpu.enqueue_indirect_dma source(%dma_start3A_478 : memref<20480x128xf32, #tpu.memory_space<hbm>>) target(%arg9 : memref<128x128xf32, #tpu.memory_space<vmem>>) offsets(%dma_start3A_475 : memref<128xi32, #tpu.memory_space<vmem>>) semaphore(%arg13 : memref<!tpu.dma_semaphore, #tpu.memory_space<semaphore_mem>>)
      %dma_wait3A_479 = arith.constant 12 : i32
      %dma_wait3A_480 = arith.constant 0 : i32
      %dma_wait3A_481 = tpu.memref_slice %arg6[%dma_wait3A_479, %dma_wait3A_480] : memref<16x128xi32, #tpu.memory_space<vmem>> -> memref<1x128xi32, #tpu.memory_space<vmem>>
      %dma_wait3A_482 = tpu.memref_squeeze %dma_wait3A_481 : memref<1x128xi32, #tpu.memory_space<vmem>> -> memref<128xi32, #tpu.memory_space<vmem>>
      %dma_wait3A_483 = arith.constant 0 : i32
      %dma_wait3A_484 = arith.constant 0 : i32
      %dma_wait3A_485 = tpu.memref_slice %arg2[%dma_wait3A_483, %dma_wait3A_484] : memref<20480x128xf32, #tpu.memory_space<hbm>> -> memref<20480x128xf32, #tpu.memory_space<hbm>>
      tpu.wait_indirect_dma semaphore(%arg12 : memref<!tpu.dma_semaphore, #tpu.memory_space<semaphore_mem>>) src(%dma_wait3A_485 : memref<20480x128xf32, #tpu.memory_space<hbm>>) dst(%arg8 : memref<128x128xf32, #tpu.memory_space<vmem>>)
      %dma_start3A_486 = arith.constant 12 : i32
      %dma_start3A_487 = arith.constant 0 : i32
      %dma_start3A_488 = tpu.memref_slice %arg7[%dma_start3A_486, %dma_start3A_487] : memref<16x128xi32, #tpu.memory_space<vmem>> -> memref<1x128xi32, #tpu.memory_space<vmem>>
      %dma_start3A_489 = tpu.memref_squeeze %dma_start3A_488 : memref<1x128xi32, #tpu.memory_space<vmem>> -> memref<128xi32, #tpu.memory_space<vmem>>
      %dma_start3A_490 = arith.constant 0 : i32
      %dma_start3A_491 = arith.constant 0 : i32
      %dma_start3A_492 = tpu.memref_slice %arg10[%dma_start3A_490, %dma_start3A_491] : memref<10240x128xf32, #tpu.memory_space<vmem_shared>> -> memref<10240x128xf32, #tpu.memory_space<vmem_shared>>
      tpu.enqueue_indirect_dma source(%arg8 : memref<128x128xf32, #tpu.memory_space<vmem>>) target(%dma_start3A_492 : memref<10240x128xf32, #tpu.memory_space<vmem_shared>>) offsets(%dma_start3A_489 : memref<128xi32, #tpu.memory_space<vmem>>) semaphore(%arg14 : memref<!tpu.dma_semaphore, #tpu.memory_space<semaphore_mem>>) {add = true}
      %dma_wait3A_493 = arith.constant 12 : i32
      %dma_wait3A_494 = arith.constant 0 : i32
      %dma_wait3A_495 = tpu.memref_slice %arg7[%dma_wait3A_493, %dma_wait3A_494] : memref<16x128xi32, #tpu.memory_space<vmem>> -> memref<1x128xi32, #tpu.memory_space<vmem>>
      %dma_wait3A_496 = tpu.memref_squeeze %dma_wait3A_495 : memref<1x128xi32, #tpu.memory_space<vmem>> -> memref<128xi32, #tpu.memory_space<vmem>>
      %dma_wait3A_497 = arith.constant 0 : i32
      %dma_wait3A_498 = arith.constant 0 : i32
      %dma_wait3A_499 = tpu.memref_slice %arg10[%dma_wait3A_497, %dma_wait3A_498] : memref<10240x128xf32, #tpu.memory_space<vmem_shared>> -> memref<10240x128xf32, #tpu.memory_space<vmem_shared>>
      tpu.wait_indirect_dma semaphore(%arg14 : memref<!tpu.dma_semaphore, #tpu.memory_space<semaphore_mem>>) src(%arg8 : memref<128x128xf32, #tpu.memory_space<vmem>>) dst(%dma_wait3A_499 : memref<10240x128xf32, #tpu.memory_space<vmem_shared>>)
      %dma_start3A_500 = arith.constant 14 : i32
      %dma_start3A_501 = arith.constant 0 : i32
      %dma_start3A_502 = tpu.memref_slice %arg6[%dma_start3A_500, %dma_start3A_501] : memref<16x128xi32, #tpu.memory_space<vmem>> -> memref<1x128xi32, #tpu.memory_space<vmem>>
      %dma_start3A_503 = tpu.memref_squeeze %dma_start3A_502 : memref<1x128xi32, #tpu.memory_space<vmem>> -> memref<128xi32, #tpu.memory_space<vmem>>
      %dma_start3A_504 = arith.constant 0 : i32
      %dma_start3A_505 = arith.constant 0 : i32
      %dma_start3A_506 = tpu.memref_slice %arg2[%dma_start3A_504, %dma_start3A_505] : memref<20480x128xf32, #tpu.memory_space<hbm>> -> memref<20480x128xf32, #tpu.memory_space<hbm>>
      tpu.enqueue_indirect_dma source(%dma_start3A_506 : memref<20480x128xf32, #tpu.memory_space<hbm>>) target(%arg8 : memref<128x128xf32, #tpu.memory_space<vmem>>) offsets(%dma_start3A_503 : memref<128xi32, #tpu.memory_space<vmem>>) semaphore(%arg12 : memref<!tpu.dma_semaphore, #tpu.memory_space<semaphore_mem>>)
      %dma_wait3A_507 = arith.constant 13 : i32
      %dma_wait3A_508 = arith.constant 0 : i32
      %dma_wait3A_509 = tpu.memref_slice %arg6[%dma_wait3A_507, %dma_wait3A_508] : memref<16x128xi32, #tpu.memory_space<vmem>> -> memref<1x128xi32, #tpu.memory_space<vmem>>
      %dma_wait3A_510 = tpu.memref_squeeze %dma_wait3A_509 : memref<1x128xi32, #tpu.memory_space<vmem>> -> memref<128xi32, #tpu.memory_space<vmem>>
      %dma_wait3A_511 = arith.constant 0 : i32
      %dma_wait3A_512 = arith.constant 0 : i32
      %dma_wait3A_513 = tpu.memref_slice %arg2[%dma_wait3A_511, %dma_wait3A_512] : memref<20480x128xf32, #tpu.memory_space<hbm>> -> memref<20480x128xf32, #tpu.memory_space<hbm>>
      tpu.wait_indirect_dma semaphore(%arg13 : memref<!tpu.dma_semaphore, #tpu.memory_space<semaphore_mem>>) src(%dma_wait3A_513 : memref<20480x128xf32, #tpu.memory_space<hbm>>) dst(%arg9 : memref<128x128xf32, #tpu.memory_space<vmem>>)
      %dma_start3A_514 = arith.constant 13 : i32
      %dma_start3A_515 = arith.constant 0 : i32
      %dma_start3A_516 = tpu.memref_slice %arg7[%dma_start3A_514, %dma_start3A_515] : memref<16x128xi32, #tpu.memory_space<vmem>> -> memref<1x128xi32, #tpu.memory_space<vmem>>
      %dma_start3A_517 = tpu.memref_squeeze %dma_start3A_516 : memref<1x128xi32, #tpu.memory_space<vmem>> -> memref<128xi32, #tpu.memory_space<vmem>>
      %dma_start3A_518 = arith.constant 0 : i32
      %dma_start3A_519 = arith.constant 0 : i32
      %dma_start3A_520 = tpu.memref_slice %arg10[%dma_start3A_518, %dma_start3A_519] : memref<10240x128xf32, #tpu.memory_space<vmem_shared>> -> memref<10240x128xf32, #tpu.memory_space<vmem_shared>>
      tpu.enqueue_indirect_dma source(%arg9 : memref<128x128xf32, #tpu.memory_space<vmem>>) target(%dma_start3A_520 : memref<10240x128xf32, #tpu.memory_space<vmem_shared>>) offsets(%dma_start3A_517 : memref<128xi32, #tpu.memory_space<vmem>>) semaphore(%arg15 : memref<!tpu.dma_semaphore, #tpu.memory_space<semaphore_mem>>) {add = true}
      %dma_wait3A_521 = arith.constant 13 : i32
      %dma_wait3A_522 = arith.constant 0 : i32
      %dma_wait3A_523 = tpu.memref_slice %arg7[%dma_wait3A_521, %dma_wait3A_522] : memref<16x128xi32, #tpu.memory_space<vmem>> -> memref<1x128xi32, #tpu.memory_space<vmem>>
      %dma_wait3A_524 = tpu.memref_squeeze %dma_wait3A_523 : memref<1x128xi32, #tpu.memory_space<vmem>> -> memref<128xi32, #tpu.memory_space<vmem>>
      %dma_wait3A_525 = arith.constant 0 : i32
      %dma_wait3A_526 = arith.constant 0 : i32
      %dma_wait3A_527 = tpu.memref_slice %arg10[%dma_wait3A_525, %dma_wait3A_526] : memref<10240x128xf32, #tpu.memory_space<vmem_shared>> -> memref<10240x128xf32, #tpu.memory_space<vmem_shared>>
      tpu.wait_indirect_dma semaphore(%arg15 : memref<!tpu.dma_semaphore, #tpu.memory_space<semaphore_mem>>) src(%arg9 : memref<128x128xf32, #tpu.memory_space<vmem>>) dst(%dma_wait3A_527 : memref<10240x128xf32, #tpu.memory_space<vmem_shared>>)
      %dma_start3A_528 = arith.constant 15 : i32
      %dma_start3A_529 = arith.constant 0 : i32
      %dma_start3A_530 = tpu.memref_slice %arg6[%dma_start3A_528, %dma_start3A_529] : memref<16x128xi32, #tpu.memory_space<vmem>> -> memref<1x128xi32, #tpu.memory_space<vmem>>
      %dma_start3A_531 = tpu.memref_squeeze %dma_start3A_530 : memref<1x128xi32, #tpu.memory_space<vmem>> -> memref<128xi32, #tpu.memory_space<vmem>>
      %dma_start3A_532 = arith.constant 0 : i32
      %dma_start3A_533 = arith.constant 0 : i32
      %dma_start3A_534 = tpu.memref_slice %arg2[%dma_start3A_532, %dma_start3A_533] : memref<20480x128xf32, #tpu.memory_space<hbm>> -> memref<20480x128xf32, #tpu.memory_space<hbm>>
      tpu.enqueue_indirect_dma source(%dma_start3A_534 : memref<20480x128xf32, #tpu.memory_space<hbm>>) target(%arg9 : memref<128x128xf32, #tpu.memory_space<vmem>>) offsets(%dma_start3A_531 : memref<128xi32, #tpu.memory_space<vmem>>) semaphore(%arg13 : memref<!tpu.dma_semaphore, #tpu.memory_space<semaphore_mem>>)
      %dma_wait3A_535 = arith.constant 14 : i32
      %dma_wait3A_536 = arith.constant 0 : i32
      %dma_wait3A_537 = tpu.memref_slice %arg6[%dma_wait3A_535, %dma_wait3A_536] : memref<16x128xi32, #tpu.memory_space<vmem>> -> memref<1x128xi32, #tpu.memory_space<vmem>>
      %dma_wait3A_538 = tpu.memref_squeeze %dma_wait3A_537 : memref<1x128xi32, #tpu.memory_space<vmem>> -> memref<128xi32, #tpu.memory_space<vmem>>
      %dma_wait3A_539 = arith.constant 0 : i32
      %dma_wait3A_540 = arith.constant 0 : i32
      %dma_wait3A_541 = tpu.memref_slice %arg2[%dma_wait3A_539, %dma_wait3A_540] : memref<20480x128xf32, #tpu.memory_space<hbm>> -> memref<20480x128xf32, #tpu.memory_space<hbm>>
      tpu.wait_indirect_dma semaphore(%arg12 : memref<!tpu.dma_semaphore, #tpu.memory_space<semaphore_mem>>) src(%dma_wait3A_541 : memref<20480x128xf32, #tpu.memory_space<hbm>>) dst(%arg8 : memref<128x128xf32, #tpu.memory_space<vmem>>)
      %dma_start3A_542 = arith.constant 14 : i32
      %dma_start3A_543 = arith.constant 0 : i32
      %dma_start3A_544 = tpu.memref_slice %arg7[%dma_start3A_542, %dma_start3A_543] : memref<16x128xi32, #tpu.memory_space<vmem>> -> memref<1x128xi32, #tpu.memory_space<vmem>>
      %dma_start3A_545 = tpu.memref_squeeze %dma_start3A_544 : memref<1x128xi32, #tpu.memory_space<vmem>> -> memref<128xi32, #tpu.memory_space<vmem>>
      %dma_start3A_546 = arith.constant 0 : i32
      %dma_start3A_547 = arith.constant 0 : i32
      %dma_start3A_548 = tpu.memref_slice %arg10[%dma_start3A_546, %dma_start3A_547] : memref<10240x128xf32, #tpu.memory_space<vmem_shared>> -> memref<10240x128xf32, #tpu.memory_space<vmem_shared>>
      tpu.enqueue_indirect_dma source(%arg8 : memref<128x128xf32, #tpu.memory_space<vmem>>) target(%dma_start3A_548 : memref<10240x128xf32, #tpu.memory_space<vmem_shared>>) offsets(%dma_start3A_545 : memref<128xi32, #tpu.memory_space<vmem>>) semaphore(%arg14 : memref<!tpu.dma_semaphore, #tpu.memory_space<semaphore_mem>>) {add = true}
      %dma_wait3A_549 = arith.constant 15 : i32
      %dma_wait3A_550 = arith.constant 0 : i32
      %dma_wait3A_551 = tpu.memref_slice %arg6[%dma_wait3A_549, %dma_wait3A_550] : memref<16x128xi32, #tpu.memory_space<vmem>> -> memref<1x128xi32, #tpu.memory_space<vmem>>
      %dma_wait3A_552 = tpu.memref_squeeze %dma_wait3A_551 : memref<1x128xi32, #tpu.memory_space<vmem>> -> memref<128xi32, #tpu.memory_space<vmem>>
      %dma_wait3A_553 = arith.constant 0 : i32
      %dma_wait3A_554 = arith.constant 0 : i32
      %dma_wait3A_555 = tpu.memref_slice %arg2[%dma_wait3A_553, %dma_wait3A_554] : memref<20480x128xf32, #tpu.memory_space<hbm>> -> memref<20480x128xf32, #tpu.memory_space<hbm>>
      tpu.wait_indirect_dma semaphore(%arg13 : memref<!tpu.dma_semaphore, #tpu.memory_space<semaphore_mem>>) src(%dma_wait3A_555 : memref<20480x128xf32, #tpu.memory_space<hbm>>) dst(%arg9 : memref<128x128xf32, #tpu.memory_space<vmem>>)
      %mul3A_556 = arith.constant 160 : i32
      %mul3A_557 = arith.muli %add3A, %mul3A_556 : i32
      %mul3A_558 = arith.constant 16 : i32
      %mul3A_559 = arith.muli %rem3A_128, %mul3A_558 : i32
      %add3A_560 = arith.addi %mul3A_557, %mul3A_559 : i32
      %dma_start3A_561 = arith.constant 0 : i32
      %dma_start3A_562 = tpu.memref_slice %arg3[%add3A_560, %dma_start3A_561] : memref<5120x128xi32, #tpu.memory_space<hbm>> -> memref<16x128xi32, #tpu.memory_space<hbm>>
      %dma_start3A_563 = arith.constant 0 : i32
      %dma_start3A_564 = tpu.memref_slice %arg3[%add3A_560, %dma_start3A_563] : memref<5120x128xi32, #tpu.memory_space<hbm>> -> memref<16x128xi32, #tpu.memory_space<hbm>>
      tpu.enqueue_dma source(%dma_start3A_564 : memref<16x128xi32, #tpu.memory_space<hbm>>) target(%arg6 : memref<16x128xi32, #tpu.memory_space<vmem>>) target_semaphore(%arg11 : memref<!tpu.dma_semaphore, #tpu.memory_space<semaphore_mem>>)
      %dma_start3A_565 = arith.constant 15 : i32
      %dma_start3A_566 = arith.constant 0 : i32
      %dma_start3A_567 = tpu.memref_slice %arg7[%dma_start3A_565, %dma_start3A_566] : memref<16x128xi32, #tpu.memory_space<vmem>> -> memref<1x128xi32, #tpu.memory_space<vmem>>
      %dma_start3A_568 = tpu.memref_squeeze %dma_start3A_567 : memref<1x128xi32, #tpu.memory_space<vmem>> -> memref<128xi32, #tpu.memory_space<vmem>>
      %dma_start3A_569 = arith.constant 0 : i32
      %dma_start3A_570 = arith.constant 0 : i32
      %dma_start3A_571 = tpu.memref_slice %arg10[%dma_start3A_569, %dma_start3A_570] : memref<10240x128xf32, #tpu.memory_space<vmem_shared>> -> memref<10240x128xf32, #tpu.memory_space<vmem_shared>>
      tpu.enqueue_indirect_dma source(%arg9 : memref<128x128xf32, #tpu.memory_space<vmem>>) target(%dma_start3A_571 : memref<10240x128xf32, #tpu.memory_space<vmem_shared>>) offsets(%dma_start3A_568 : memref<128xi32, #tpu.memory_space<vmem>>) semaphore(%arg15 : memref<!tpu.dma_semaphore, #tpu.memory_space<semaphore_mem>>) {add = true}
      %dma_wait3A_572 = arith.constant 14 : i32
      %dma_wait3A_573 = arith.constant 0 : i32
      %dma_wait3A_574 = tpu.memref_slice %arg7[%dma_wait3A_572, %dma_wait3A_573] : memref<16x128xi32, #tpu.memory_space<vmem>> -> memref<1x128xi32, #tpu.memory_space<vmem>>
      %dma_wait3A_575 = tpu.memref_squeeze %dma_wait3A_574 : memref<1x128xi32, #tpu.memory_space<vmem>> -> memref<128xi32, #tpu.memory_space<vmem>>
      %dma_wait3A_576 = arith.constant 0 : i32
      %dma_wait3A_577 = arith.constant 0 : i32
      %dma_wait3A_578 = tpu.memref_slice %arg10[%dma_wait3A_576, %dma_wait3A_577] : memref<10240x128xf32, #tpu.memory_space<vmem_shared>> -> memref<10240x128xf32, #tpu.memory_space<vmem_shared>>
      tpu.wait_indirect_dma semaphore(%arg14 : memref<!tpu.dma_semaphore, #tpu.memory_space<semaphore_mem>>) src(%arg8 : memref<128x128xf32, #tpu.memory_space<vmem>>) dst(%dma_wait3A_578 : memref<10240x128xf32, #tpu.memory_space<vmem_shared>>)
      %dma_wait3A_579 = arith.constant 15 : i32
      %dma_wait3A_580 = arith.constant 0 : i32
      %dma_wait3A_581 = tpu.memref_slice %arg7[%dma_wait3A_579, %dma_wait3A_580] : memref<16x128xi32, #tpu.memory_space<vmem>> -> memref<1x128xi32, #tpu.memory_space<vmem>>
      %dma_wait3A_582 = tpu.memref_squeeze %dma_wait3A_581 : memref<1x128xi32, #tpu.memory_space<vmem>> -> memref<128xi32, #tpu.memory_space<vmem>>
      %dma_wait3A_583 = arith.constant 0 : i32
      %dma_wait3A_584 = arith.constant 0 : i32
      %dma_wait3A_585 = tpu.memref_slice %arg10[%dma_wait3A_583, %dma_wait3A_584] : memref<10240x128xf32, #tpu.memory_space<vmem_shared>> -> memref<10240x128xf32, #tpu.memory_space<vmem_shared>>
      tpu.wait_indirect_dma semaphore(%arg15 : memref<!tpu.dma_semaphore, #tpu.memory_space<semaphore_mem>>) src(%arg9 : memref<128x128xf32, #tpu.memory_space<vmem>>) dst(%dma_wait3A_585 : memref<10240x128xf32, #tpu.memory_space<vmem_shared>>)
      %mul3A_586 = arith.constant 160 : i32
      %mul3A_587 = arith.muli %arg1, %mul3A_586 : i32
      %mul3A_588 = arith.constant 16 : i32
      %mul3A_589 = arith.muli %rem3A_128, %mul3A_588 : i32
      %add3A_590 = arith.addi %mul3A_587, %mul3A_589 : i32
      %dma_start3A_591 = arith.constant 0 : i32
      %dma_start3A_592 = tpu.memref_slice %arg4[%add3A_590, %dma_start3A_591] : memref<2560x128xi32, #tpu.memory_space<hbm>> -> memref<16x128xi32, #tpu.memory_space<hbm>>
      %dma_start3A_593 = arith.constant 0 : i32
      %dma_start3A_594 = tpu.memref_slice %arg4[%add3A_590, %dma_start3A_593] : memref<2560x128xi32, #tpu.memory_space<hbm>> -> memref<16x128xi32, #tpu.memory_space<hbm>>
      tpu.enqueue_dma source(%dma_start3A_594 : memref<16x128xi32, #tpu.memory_space<hbm>>) target(%arg7 : memref<16x128xi32, #tpu.memory_space<vmem>>) target_semaphore(%arg11 : memref<!tpu.dma_semaphore, #tpu.memory_space<semaphore_mem>>)
      %scan3A_595 = arith.constant 0 : i32
      scf.yield %scan3A_595 : i32
    }
    %scan3A_44 = arith.constant 10 : i32
    %dma_wait3A = arith.constant 0 : i32
    %dma_wait3A_45 = arith.constant 0 : i32
    %dma_wait3A_46 = tpu.memref_slice %arg3[%dma_wait3A, %dma_wait3A_45] : memref<5120x128xi32, #tpu.memory_space<hbm>> -> memref<16x128xi32, #tpu.memory_space<hbm>>
    %dma_wait3A_47 = arith.constant 0 : i32
    %dma_wait3A_48 = arith.constant 0 : i32
    %dma_wait3A_49 = tpu.memref_slice %arg3[%dma_wait3A_47, %dma_wait3A_48] : memref<5120x128xi32, #tpu.memory_space<hbm>> -> memref<16x128xi32, #tpu.memory_space<hbm>>
    tpu.wait_dma2 semaphore(%arg11 : memref<!tpu.dma_semaphore, #tpu.memory_space<semaphore_mem>>) src(%dma_wait3A_49 : memref<16x128xi32, #tpu.memory_space<hbm>>) dst(%arg6 : memref<16x128xi32, #tpu.memory_space<vmem>>)
    %dma_wait3A_50 = arith.constant 0 : i32
    %dma_wait3A_51 = arith.constant 0 : i32
    %dma_wait3A_52 = tpu.memref_slice %arg4[%dma_wait3A_50, %dma_wait3A_51] : memref<2560x128xi32, #tpu.memory_space<hbm>> -> memref<16x128xi32, #tpu.memory_space<hbm>>
    %dma_wait3A_53 = arith.constant 0 : i32
    %dma_wait3A_54 = arith.constant 0 : i32
    %dma_wait3A_55 = tpu.memref_slice %arg4[%dma_wait3A_53, %dma_wait3A_54] : memref<2560x128xi32, #tpu.memory_space<hbm>> -> memref<16x128xi32, #tpu.memory_space<hbm>>
    tpu.wait_dma2 semaphore(%arg11 : memref<!tpu.dma_semaphore, #tpu.memory_space<semaphore_mem>>) src(%dma_wait3A_55 : memref<16x128xi32, #tpu.memory_space<hbm>>) dst(%arg7 : memref<16x128xi32, #tpu.memory_space<vmem>>)
    %barrier3A_56 = arith.constant 0 : index
    tpu.barrier barrier_id(%barrier3A_56)
    %mul3A_57 = arith.constant 640 : i32
    %mul3A_58 = arith.muli %arg1, %mul3A_57 : i32
    %add3A_59 = arith.constant 0 : i32
    %add3A_60 = arith.addi %mul3A_58, %add3A_59 : i32
    %mul3A_61 = arith.constant 10240 : i32
    %mul3A_62 = arith.muli %arg0, %mul3A_61 : i32
    %mul3A_63 = arith.constant 640 : i32
    %mul3A_64 = arith.muli %arg1, %mul3A_63 : i32
    %add3A_65 = arith.addi %mul3A_62, %mul3A_64 : i32
    %add3A_66 = arith.constant 0 : i32
    %add3A_67 = arith.addi %add3A_65, %add3A_66 : i32
    "tpu.region"() ({
      %run_scoped3A = tpu.sem_alloc : memref<!tpu.dma_semaphore, #tpu.memory_space<semaphore_mem>>
      %dma_start3A_112 = arith.constant 0 : i32
      %dma_start3A_113 = tpu.memref_slice %arg5[%add3A_67, %dma_start3A_112] : memref<20480x128xf32, #tpu.memory_space<hbm>> -> memref<128x128xf32, #tpu.memory_space<hbm>>
      %dma_start3A_114 = arith.constant 0 : i32
      %dma_start3A_115 = tpu.memref_slice %arg10[%add3A_60, %dma_start3A_114] : memref<10240x128xf32, #tpu.memory_space<vmem_shared>> -> memref<128x128xf32, #tpu.memory_space<vmem_shared>>
      tpu.enqueue_dma source(%dma_start3A_115 : memref<128x128xf32, #tpu.memory_space<vmem_shared>>) target(%dma_start3A_113 : memref<128x128xf32, #tpu.memory_space<hbm>>) target_semaphore(%run_scoped3A : memref<!tpu.dma_semaphore, #tpu.memory_space<semaphore_mem>>)
      %dma_wait3A_116 = arith.constant 0 : i32
      %dma_wait3A_117 = tpu.memref_slice %arg5[%add3A_67, %dma_wait3A_116] : memref<20480x128xf32, #tpu.memory_space<hbm>> -> memref<128x128xf32, #tpu.memory_space<hbm>>
      %dma_wait3A_118 = arith.constant 0 : i32
      %dma_wait3A_119 = tpu.memref_slice %arg10[%add3A_60, %dma_wait3A_118] : memref<10240x128xf32, #tpu.memory_space<vmem_shared>> -> memref<128x128xf32, #tpu.memory_space<vmem_shared>>
      tpu.wait_dma2 semaphore(%run_scoped3A : memref<!tpu.dma_semaphore, #tpu.memory_space<semaphore_mem>>) src(%dma_wait3A_119 : memref<128x128xf32, #tpu.memory_space<vmem_shared>>) dst(%dma_wait3A_117 : memref<128x128xf32, #tpu.memory_space<hbm>>)
      tpu.yield
    }) : () -> ()
    %mul3A_68 = arith.constant 640 : i32
    %mul3A_69 = arith.muli %arg1, %mul3A_68 : i32
    %add3A_70 = arith.constant 128 : i32
    %add3A_71 = arith.addi %mul3A_69, %add3A_70 : i32
    %mul3A_72 = arith.constant 10240 : i32
    %mul3A_73 = arith.muli %arg0, %mul3A_72 : i32
    %mul3A_74 = arith.constant 640 : i32
    %mul3A_75 = arith.muli %arg1, %mul3A_74 : i32
    %add3A_76 = arith.addi %mul3A_73, %mul3A_75 : i32
    %add3A_77 = arith.constant 128 : i32
    %add3A_78 = arith.addi %add3A_76, %add3A_77 : i32
    "tpu.region"() ({
      %run_scoped3A = tpu.sem_alloc : memref<!tpu.dma_semaphore, #tpu.memory_space<semaphore_mem>>
      %dma_start3A_112 = arith.constant 0 : i32
      %dma_start3A_113 = tpu.memref_slice %arg5[%add3A_78, %dma_start3A_112] : memref<20480x128xf32, #tpu.memory_space<hbm>> -> memref<128x128xf32, #tpu.memory_space<hbm>>
      %dma_start3A_114 = arith.constant 0 : i32
      %dma_start3A_115 = tpu.memref_slice %arg10[%add3A_71, %dma_start3A_114] : memref<10240x128xf32, #tpu.memory_space<vmem_shared>> -> memref<128x128xf32, #tpu.memory_space<vmem_shared>>
      tpu.enqueue_dma source(%dma_start3A_115 : memref<128x128xf32, #tpu.memory_space<vmem_shared>>) target(%dma_start3A_113 : memref<128x128xf32, #tpu.memory_space<hbm>>) target_semaphore(%run_scoped3A : memref<!tpu.dma_semaphore, #tpu.memory_space<semaphore_mem>>)
      %dma_wait3A_116 = arith.constant 0 : i32
      %dma_wait3A_117 = tpu.memref_slice %arg5[%add3A_78, %dma_wait3A_116] : memref<20480x128xf32, #tpu.memory_space<hbm>> -> memref<128x128xf32, #tpu.memory_space<hbm>>
      %dma_wait3A_118 = arith.constant 0 : i32
      %dma_wait3A_119 = tpu.memref_slice %arg10[%add3A_71, %dma_wait3A_118] : memref<10240x128xf32, #tpu.memory_space<vmem_shared>> -> memref<128x128xf32, #tpu.memory_space<vmem_shared>>
      tpu.wait_dma2 semaphore(%run_scoped3A : memref<!tpu.dma_semaphore, #tpu.memory_space<semaphore_mem>>) src(%dma_wait3A_119 : memref<128x128xf32, #tpu.memory_space<vmem_shared>>) dst(%dma_wait3A_117 : memref<128x128xf32, #tpu.memory_space<hbm>>)
      tpu.yield
    }) : () -> ()
    %mul3A_79 = arith.constant 640 : i32
    %mul3A_80 = arith.muli %arg1, %mul3A_79 : i32
    %add3A_81 = arith.constant 256 : i32
    %add3A_82 = arith.addi %mul3A_80, %add3A_81 : i32
    %mul3A_83 = arith.constant 10240 : i32
    %mul3A_84 = arith.muli %arg0, %mul3A_83 : i32
    %mul3A_85 = arith.constant 640 : i32
    %mul3A_86 = arith.muli %arg1, %mul3A_85 : i32
    %add3A_87 = arith.addi %mul3A_84, %mul3A_86 : i32
    %add3A_88 = arith.constant 256 : i32
    %add3A_89 = arith.addi %add3A_87, %add3A_88 : i32
    "tpu.region"() ({
      %run_scoped3A = tpu.sem_alloc : memref<!tpu.dma_semaphore, #tpu.memory_space<semaphore_mem>>
      %dma_start3A_112 = arith.constant 0 : i32
      %dma_start3A_113 = tpu.memref_slice %arg5[%add3A_89, %dma_start3A_112] : memref<20480x128xf32, #tpu.memory_space<hbm>> -> memref<128x128xf32, #tpu.memory_space<hbm>>
      %dma_start3A_114 = arith.constant 0 : i32
      %dma_start3A_115 = tpu.memref_slice %arg10[%add3A_82, %dma_start3A_114] : memref<10240x128xf32, #tpu.memory_space<vmem_shared>> -> memref<128x128xf32, #tpu.memory_space<vmem_shared>>
      tpu.enqueue_dma source(%dma_start3A_115 : memref<128x128xf32, #tpu.memory_space<vmem_shared>>) target(%dma_start3A_113 : memref<128x128xf32, #tpu.memory_space<hbm>>) target_semaphore(%run_scoped3A : memref<!tpu.dma_semaphore, #tpu.memory_space<semaphore_mem>>)
      %dma_wait3A_116 = arith.constant 0 : i32
      %dma_wait3A_117 = tpu.memref_slice %arg5[%add3A_89, %dma_wait3A_116] : memref<20480x128xf32, #tpu.memory_space<hbm>> -> memref<128x128xf32, #tpu.memory_space<hbm>>
      %dma_wait3A_118 = arith.constant 0 : i32
      %dma_wait3A_119 = tpu.memref_slice %arg10[%add3A_82, %dma_wait3A_118] : memref<10240x128xf32, #tpu.memory_space<vmem_shared>> -> memref<128x128xf32, #tpu.memory_space<vmem_shared>>
      tpu.wait_dma2 semaphore(%run_scoped3A : memref<!tpu.dma_semaphore, #tpu.memory_space<semaphore_mem>>) src(%dma_wait3A_119 : memref<128x128xf32, #tpu.memory_space<vmem_shared>>) dst(%dma_wait3A_117 : memref<128x128xf32, #tpu.memory_space<hbm>>)
      tpu.yield
    }) : () -> ()
    %mul3A_90 = arith.constant 640 : i32
    %mul3A_91 = arith.muli %arg1, %mul3A_90 : i32
    %add3A_92 = arith.constant 384 : i32
    %add3A_93 = arith.addi %mul3A_91, %add3A_92 : i32
    %mul3A_94 = arith.constant 10240 : i32
    %mul3A_95 = arith.muli %arg0, %mul3A_94 : i32
    %mul3A_96 = arith.constant 640 : i32
    %mul3A_97 = arith.muli %arg1, %mul3A_96 : i32
    %add3A_98 = arith.addi %mul3A_95, %mul3A_97 : i32
    %add3A_99 = arith.constant 384 : i32
    %add3A_100 = arith.addi %add3A_98, %add3A_99 : i32
    "tpu.region"() ({
      %run_scoped3A = tpu.sem_alloc : memref<!tpu.dma_semaphore, #tpu.memory_space<semaphore_mem>>
      %dma_start3A_112 = arith.constant 0 : i32
      %dma_start3A_113 = tpu.memref_slice %arg5[%add3A_100, %dma_start3A_112] : memref<20480x128xf32, #tpu.memory_space<hbm>> -> memref<128x128xf32, #tpu.memory_space<hbm>>
      %dma_start3A_114 = arith.constant 0 : i32
      %dma_start3A_115 = tpu.memref_slice %arg10[%add3A_93, %dma_start3A_114] : memref<10240x128xf32, #tpu.memory_space<vmem_shared>> -> memref<128x128xf32, #tpu.memory_space<vmem_shared>>
      tpu.enqueue_dma source(%dma_start3A_115 : memref<128x128xf32, #tpu.memory_space<vmem_shared>>) target(%dma_start3A_113 : memref<128x128xf32, #tpu.memory_space<hbm>>) target_semaphore(%run_scoped3A : memref<!tpu.dma_semaphore, #tpu.memory_space<semaphore_mem>>)
      %dma_wait3A_116 = arith.constant 0 : i32
      %dma_wait3A_117 = tpu.memref_slice %arg5[%add3A_100, %dma_wait3A_116] : memref<20480x128xf32, #tpu.memory_space<hbm>> -> memref<128x128xf32, #tpu.memory_space<hbm>>
      %dma_wait3A_118 = arith.constant 0 : i32
      %dma_wait3A_119 = tpu.memref_slice %arg10[%add3A_93, %dma_wait3A_118] : memref<10240x128xf32, #tpu.memory_space<vmem_shared>> -> memref<128x128xf32, #tpu.memory_space<vmem_shared>>
      tpu.wait_dma2 semaphore(%run_scoped3A : memref<!tpu.dma_semaphore, #tpu.memory_space<semaphore_mem>>) src(%dma_wait3A_119 : memref<128x128xf32, #tpu.memory_space<vmem_shared>>) dst(%dma_wait3A_117 : memref<128x128xf32, #tpu.memory_space<hbm>>)
      tpu.yield
    }) : () -> ()
    %mul3A_101 = arith.constant 640 : i32
    %mul3A_102 = arith.muli %arg1, %mul3A_101 : i32
    %add3A_103 = arith.constant 512 : i32
    %add3A_104 = arith.addi %mul3A_102, %add3A_103 : i32
    %mul3A_105 = arith.constant 10240 : i32
    %mul3A_106 = arith.muli %arg0, %mul3A_105 : i32
    %mul3A_107 = arith.constant 640 : i32
    %mul3A_108 = arith.muli %arg1, %mul3A_107 : i32
    %add3A_109 = arith.addi %mul3A_106, %mul3A_108 : i32
    %add3A_110 = arith.constant 512 : i32
    %add3A_111 = arith.addi %add3A_109, %add3A_110 : i32
    "tpu.region"() ({
      %run_scoped3A = tpu.sem_alloc : memref<!tpu.dma_semaphore, #tpu.memory_space<semaphore_mem>>
      %dma_start3A_112 = arith.constant 0 : i32
      %dma_start3A_113 = tpu.memref_slice %arg5[%add3A_111, %dma_start3A_112] : memref<20480x128xf32, #tpu.memory_space<hbm>> -> memref<128x128xf32, #tpu.memory_space<hbm>>
      %dma_start3A_114 = arith.constant 0 : i32
      %dma_start3A_115 = tpu.memref_slice %arg10[%add3A_104, %dma_start3A_114] : memref<10240x128xf32, #tpu.memory_space<vmem_shared>> -> memref<128x128xf32, #tpu.memory_space<vmem_shared>>
      tpu.enqueue_dma source(%dma_start3A_115 : memref<128x128xf32, #tpu.memory_space<vmem_shared>>) target(%dma_start3A_113 : memref<128x128xf32, #tpu.memory_space<hbm>>) target_semaphore(%run_scoped3A : memref<!tpu.dma_semaphore, #tpu.memory_space<semaphore_mem>>)
      %dma_wait3A_116 = arith.constant 0 : i32
      %dma_wait3A_117 = tpu.memref_slice %arg5[%add3A_111, %dma_wait3A_116] : memref<20480x128xf32, #tpu.memory_space<hbm>> -> memref<128x128xf32, #tpu.memory_space<hbm>>
      %dma_wait3A_118 = arith.constant 0 : i32
      %dma_wait3A_119 = tpu.memref_slice %arg10[%add3A_104, %dma_wait3A_118] : memref<10240x128xf32, #tpu.memory_space<vmem_shared>> -> memref<128x128xf32, #tpu.memory_space<vmem_shared>>
      tpu.wait_dma2 semaphore(%run_scoped3A : memref<!tpu.dma_semaphore, #tpu.memory_space<semaphore_mem>>) src(%dma_wait3A_119 : memref<128x128xf32, #tpu.memory_space<vmem_shared>>) dst(%dma_wait3A_117 : memref<128x128xf32, #tpu.memory_space<hbm>>)
      tpu.yield
    }) : () -> ()
    return
  }
}

module attributes {stable_mosaic.version = 14 : i64} {
  func.func @_tc1_body(%arg0: i32, %arg1: memref<256x128xf32, #tpu.memory_space<vmem>>, %arg2: memref<128x256xf32, #tpu.memory_space<vmem>>, %arg3: memref<2x256x128xf32, #tpu.memory_space<vmem>>, %arg4: memref<2x256x128xf32, #tpu.memory_space<vmem>>) attributes {dimension_semantics = [#tpu.dimension_semantics<arbitrary>], iteration_bounds = array<i64: 40>, scalar_prefetch = 0 : i64, scratch_operands = 0 : i64, tpu.core_type = #tpu.core_type<tc>, window_params = [{transform_indices = @transform_0, window_bounds = array<i64: 256, 128>}, {pipeline_mode = #tpu.pipeline_mode<synchronous>, transform_indices = @transform_1, window_bounds = array<i64: 128, 256>}, {transform_indices = @transform_2, window_bounds = array<i64: 2, 256, 128>}, {transform_indices = @transform_3, window_bounds = array<i64: 2, 256, 128>}]} {
    %get3A = arith.constant 0 : index
    %get3A_0 = arith.constant 0 : index
    %get3A_1 = vector.load %arg1[%get3A, %get3A_0] : memref<256x128xf32, #tpu.memory_space<vmem>>, vector<256x128xf32>
    %get3A_2 = arith.constant 0 : index
    %get3A_3 = arith.constant 0 : index
    %get3A_4 = vector.load %arg2[%get3A_2, %get3A_3] : memref<128x256xf32, #tpu.memory_space<vmem>>, vector<128x256xf32>
    %dot_general3A = arith.constant dense<0.000000e+00> : vector<256x256xf32>
    %dot_general3A_5 = tpu.matmul %get3A_1, %get3A_4, %dot_general3A {dimension_numbers = #tpu.dot_dimension_numbers<[1], [0], [0], [1], [0, 0, 1, 1], [], []>, transpose_lhs_hint = false} : vector<256x128xf32>, vector<128x256xf32>, vector<256x256xf32> -> vector<256x256xf32>
    %get3A_6 = arith.constant 0 : index
    %get3A_7 = arith.constant 0 : index
    %get3A_8 = arith.constant 0 : index
    %get3A_9 = vector.load %arg3[%get3A_6, %get3A_7, %get3A_8] : memref<2x256x128xf32, #tpu.memory_space<vmem>>, vector<1x256x128xf32>
    %get3A_10 = vector.shape_cast %get3A_9 : vector<1x256x128xf32> to vector<256x128xf32>
    %get3A_11 = arith.constant 1 : index
    %get3A_12 = arith.constant 0 : index
    %get3A_13 = arith.constant 0 : index
    %get3A_14 = vector.load %arg3[%get3A_11, %get3A_12, %get3A_13] : memref<2x256x128xf32, #tpu.memory_space<vmem>>, vector<1x256x128xf32>
    %get3A_15 = vector.shape_cast %get3A_14 : vector<1x256x128xf32> to vector<256x128xf32>
    %add3A = arith.addf %get3A_10, %get3A_15 : vector<256x128xf32>
    %add3A_16 = arith.constant 1.000000e+00 : f32
    %add3A_17 = vector.broadcast %add3A_16 : f32 to vector<256x128xf32>
    %add3A_18 = arith.addf %add3A, %add3A_17 : vector<256x128xf32>
    %rsqrt3A = math.rsqrt %add3A_18 : vector<256x128xf32>
    %slice3A = vector.extract_strided_slice %rsqrt3A {offsets = [0, 0], sizes = [256, 1], strides = [1, 1]} : vector<256x128xf32> to vector<256x1xf32>
    %mul3A = vector.broadcast %slice3A : vector<256x1xf32> to vector<256x256xf32>
    %mul3A_19 = arith.mulf %dot_general3A_5, %mul3A : vector<256x256xf32>
    %slice3A_20 = vector.extract_strided_slice %mul3A_19 {offsets = [0, 0], sizes = [256, 128], strides = [1, 1]} : vector<256x256xf32> to vector<256x128xf32>
    %swap3A = arith.constant 0 : index
    %swap3A_21 = arith.constant 0 : index
    %swap3A_22 = arith.constant 0 : index
    %swap3A_23 = vector.load %arg4[%swap3A, %swap3A_21, %swap3A_22] : memref<2x256x128xf32, #tpu.memory_space<vmem>>, vector<1x256x128xf32>
    %swap3A_24 = vector.shape_cast %swap3A_23 : vector<1x256x128xf32> to vector<256x128xf32>
    %swap3A_25 = vector.shape_cast %slice3A_20 : vector<256x128xf32> to vector<1x256x128xf32>
    tpu.vector_store %arg4[%swap3A, %swap3A_21, %swap3A_22], %swap3A_25 {strides = array<i32>} : memref<2x256x128xf32, #tpu.memory_space<vmem>>, vector<1x256x128xf32>,
    %slice3A_26 = vector.extract_strided_slice %mul3A_19 {offsets = [0, 128], sizes = [256, 128], strides = [1, 1]} : vector<256x256xf32> to vector<256x128xf32>
    %swap3A_27 = arith.constant 1 : index
    %swap3A_28 = arith.constant 0 : index
    %swap3A_29 = arith.constant 0 : index
    %swap3A_30 = vector.load %arg4[%swap3A_27, %swap3A_28, %swap3A_29] : memref<2x256x128xf32, #tpu.memory_space<vmem>>, vector<1x256x128xf32>
    %swap3A_31 = vector.shape_cast %swap3A_30 : vector<1x256x128xf32> to vector<256x128xf32>
    %swap3A_32 = vector.shape_cast %slice3A_26 : vector<256x128xf32> to vector<1x256x128xf32>
    tpu.vector_store %arg4[%swap3A_27, %swap3A_28, %swap3A_29], %swap3A_32 {strides = array<i32>} : memref<2x256x128xf32, #tpu.memory_space<vmem>>, vector<1x256x128xf32>,
    return
  }
  func.func @transform_0(%arg0: i32) -> (i32, i32) {
    %c0_i32 = arith.constant 0 : i32
    %c0_i32_0 = arith.constant 0 : i32
    return %arg0, %c0_i32 : i32, i32
  }
  func.func @transform_1(%arg0: i32) -> (i32, i32) {
    %c0_i32 = arith.constant 0 : i32
    %c0_i32_0 = arith.constant 0 : i32
    %c0_i32_1 = arith.constant 0 : i32
    return %c0_i32, %c0_i32_0 : i32, i32
  }
  func.func @transform_2(%arg0: i32) -> (i32, i32, i32) {
    %c0_i32 = arith.constant 0 : i32
    %c0_i32_0 = arith.constant 0 : i32
    %c0_i32_1 = arith.constant 0 : i32
    return %c0_i32, %arg0, %c0_i32_0 : i32, i32, i32
  }
  func.func @transform_3(%arg0: i32) -> (i32, i32, i32) {
    %c0_i32 = arith.constant 0 : i32
    %c0_i32_0 = arith.constant 0 : i32
    %c0_i32_1 = arith.constant 0 : i32
    return %c0_i32, %arg0, %c0_i32_0 : i32, i32, i32
  }
}

module attributes {stable_mosaic.version = 14 : i64} {
  func.func @_tc2_body(%arg0: i32, %arg1: memref<2x256x128xf32, #tpu.memory_space<vmem>>, %arg2: memref<2x256x128xf32, #tpu.memory_space<vmem>>, %arg3: memref<2x256x128xf32, #tpu.memory_space<vmem>>, %arg4: memref<256x256xf32, #tpu.memory_space<vmem>>, %arg5: memref<1x256xf32, #tpu.memory_space<vmem>>, %arg6: memref<2x256x128xf32, #tpu.memory_space<vmem>>) attributes {dimension_semantics = [#tpu.dimension_semantics<arbitrary>], iteration_bounds = array<i64: 40>, scalar_prefetch = 0 : i64, scratch_operands = 0 : i64, tpu.core_type = #tpu.core_type<tc>, window_params = [{transform_indices = @transform_0, window_bounds = array<i64: 2, 256, 128>}, {transform_indices = @transform_1, window_bounds = array<i64: 2, 256, 128>}, {transform_indices = @transform_2, window_bounds = array<i64: 2, 256, 128>}, {pipeline_mode = #tpu.pipeline_mode<synchronous>, transform_indices = @transform_3, window_bounds = array<i64: 256, 256>}, {pipeline_mode = #tpu.pipeline_mode<synchronous>, transform_indices = @transform_4, window_bounds = array<i64: 1, 256>}, {transform_indices = @transform_5, window_bounds = array<i64: 2, 256, 128>}]} {
    %get3A = arith.constant 0 : index
    %get3A_0 = arith.constant 0 : index
    %get3A_1 = arith.constant 0 : index
    %get3A_2 = vector.load %arg1[%get3A, %get3A_0, %get3A_1] : memref<2x256x128xf32, #tpu.memory_space<vmem>>, vector<1x256x128xf32>
    %get3A_3 = vector.shape_cast %get3A_2 : vector<1x256x128xf32> to vector<256x128xf32>
    %get3A_4 = arith.constant 0 : index
    %get3A_5 = arith.constant 0 : index
    %get3A_6 = arith.constant 0 : index
    %get3A_7 = vector.load %arg2[%get3A_4, %get3A_5, %get3A_6] : memref<2x256x128xf32, #tpu.memory_space<vmem>>, vector<1x256x128xf32>
    %get3A_8 = vector.shape_cast %get3A_7 : vector<1x256x128xf32> to vector<256x128xf32>
    %add3A = arith.addf %get3A_3, %get3A_8 : vector<256x128xf32>
    %get3A_9 = arith.constant 1 : index
    %get3A_10 = arith.constant 0 : index
    %get3A_11 = arith.constant 0 : index
    %get3A_12 = vector.load %arg1[%get3A_9, %get3A_10, %get3A_11] : memref<2x256x128xf32, #tpu.memory_space<vmem>>, vector<1x256x128xf32>
    %get3A_13 = vector.shape_cast %get3A_12 : vector<1x256x128xf32> to vector<256x128xf32>
    %get3A_14 = arith.constant 1 : index
    %get3A_15 = arith.constant 0 : index
    %get3A_16 = arith.constant 0 : index
    %get3A_17 = vector.load %arg2[%get3A_14, %get3A_15, %get3A_16] : memref<2x256x128xf32, #tpu.memory_space<vmem>>, vector<1x256x128xf32>
    %get3A_18 = vector.shape_cast %get3A_17 : vector<1x256x128xf32> to vector<256x128xf32>
    %add3A_19 = arith.addf %get3A_13, %get3A_18 : vector<256x128xf32>
    %concatenate3A = tpu.concatenate %add3A, %add3A_19 in 1 : vector<256x128xf32>, vector<256x128xf32> -> vector<256x256xf32>
    %get3A_20 = arith.constant 0 : index
    %get3A_21 = arith.constant 0 : index
    %get3A_22 = arith.constant 0 : index
    %get3A_23 = vector.load %arg3[%get3A_20, %get3A_21, %get3A_22] : memref<2x256x128xf32, #tpu.memory_space<vmem>>, vector<1x256x128xf32>
    %get3A_24 = vector.shape_cast %get3A_23 : vector<1x256x128xf32> to vector<256x128xf32>
    %get3A_25 = arith.constant 1 : index
    %get3A_26 = arith.constant 0 : index
    %get3A_27 = arith.constant 0 : index
    %get3A_28 = vector.load %arg3[%get3A_25, %get3A_26, %get3A_27] : memref<2x256x128xf32, #tpu.memory_space<vmem>>, vector<1x256x128xf32>
    %get3A_29 = vector.shape_cast %get3A_28 : vector<1x256x128xf32> to vector<256x128xf32>
    %add3A_30 = arith.addf %get3A_24, %get3A_29 : vector<256x128xf32>
    %add3A_31 = arith.constant 1.000000e+00 : f32
    %add3A_32 = vector.broadcast %add3A_31 : f32 to vector<256x128xf32>
    %add3A_33 = arith.addf %add3A_30, %add3A_32 : vector<256x128xf32>
    %rsqrt3A = math.rsqrt %add3A_33 : vector<256x128xf32>
    %slice3A = vector.extract_strided_slice %rsqrt3A {offsets = [0, 0], sizes = [256, 1], strides = [1, 1]} : vector<256x128xf32> to vector<256x1xf32>
    %mul3A = vector.broadcast %slice3A : vector<256x1xf32> to vector<256x256xf32>
    %mul3A_34 = arith.mulf %concatenate3A, %mul3A : vector<256x256xf32>
    %get3A_35 = arith.constant 0 : index
    %get3A_36 = arith.constant 0 : index
    %get3A_37 = vector.load %arg5[%get3A_35, %get3A_36] : memref<1x256xf32, #tpu.memory_space<vmem>>, vector<1x256xf32>
    %add3A_38 = vector.broadcast %get3A_37 : vector<1x256xf32> to vector<256x256xf32>
    %add3A_39 = arith.addf %mul3A_34, %add3A_38 : vector<256x256xf32>
    %max3A = arith.constant 0.000000e+00 : f32
    %max3A_40 = vector.broadcast %max3A : f32 to vector<256x256xf32>
    %max3A_41 = arith.maximumf %add3A_39, %max3A_40 : vector<256x256xf32>
    %get3A_42 = arith.constant 0 : index
    %get3A_43 = arith.constant 0 : index
    %get3A_44 = vector.load %arg4[%get3A_42, %get3A_43] : memref<256x256xf32, #tpu.memory_space<vmem>>, vector<256x256xf32>
    %dot_general3A = arith.constant dense<0.000000e+00> : vector<256x256xf32>
    %dot_general3A_45 = tpu.matmul %max3A_41, %get3A_44, %dot_general3A {dimension_numbers = #tpu.dot_dimension_numbers<[1], [0], [0], [1], [0, 0, 1, 1], [], []>, transpose_lhs_hint = false} : vector<256x256xf32>, vector<256x256xf32>, vector<256x256xf32> -> vector<256x256xf32>
    %mul3A_46 = vector.broadcast %slice3A : vector<256x1xf32> to vector<256x256xf32>
    %mul3A_47 = arith.mulf %dot_general3A_45, %mul3A_46 : vector<256x256xf32>
    %slice3A_48 = vector.extract_strided_slice %mul3A_47 {offsets = [0, 0], sizes = [256, 128], strides = [1, 1]} : vector<256x256xf32> to vector<256x128xf32>
    %swap3A = arith.constant 0 : index
    %swap3A_49 = arith.constant 0 : index
    %swap3A_50 = arith.constant 0 : index
    %swap3A_51 = vector.load %arg6[%swap3A, %swap3A_49, %swap3A_50] : memref<2x256x128xf32, #tpu.memory_space<vmem>>, vector<1x256x128xf32>
    %swap3A_52 = vector.shape_cast %swap3A_51 : vector<1x256x128xf32> to vector<256x128xf32>
    %swap3A_53 = vector.shape_cast %slice3A_48 : vector<256x128xf32> to vector<1x256x128xf32>
    tpu.vector_store %arg6[%swap3A, %swap3A_49, %swap3A_50], %swap3A_53 {strides = array<i32>} : memref<2x256x128xf32, #tpu.memory_space<vmem>>, vector<1x256x128xf32>,
    %slice3A_54 = vector.extract_strided_slice %mul3A_47 {offsets = [0, 128], sizes = [256, 128], strides = [1, 1]} : vector<256x256xf32> to vector<256x128xf32>
    %swap3A_55 = arith.constant 1 : index
    %swap3A_56 = arith.constant 0 : index
    %swap3A_57 = arith.constant 0 : index
    %swap3A_58 = vector.load %arg6[%swap3A_55, %swap3A_56, %swap3A_57] : memref<2x256x128xf32, #tpu.memory_space<vmem>>, vector<1x256x128xf32>
    %swap3A_59 = vector.shape_cast %swap3A_58 : vector<1x256x128xf32> to vector<256x128xf32>
    %swap3A_60 = vector.shape_cast %slice3A_54 : vector<256x128xf32> to vector<1x256x128xf32>
    tpu.vector_store %arg6[%swap3A_55, %swap3A_56, %swap3A_57], %swap3A_60 {strides = array<i32>} : memref<2x256x128xf32, #tpu.memory_space<vmem>>, vector<1x256x128xf32>,
    return
  }
  func.func @transform_0(%arg0: i32) -> (i32, i32, i32) {
    %c0_i32 = arith.constant 0 : i32
    %c0_i32_0 = arith.constant 0 : i32
    %c0_i32_1 = arith.constant 0 : i32
    return %c0_i32, %arg0, %c0_i32_0 : i32, i32, i32
  }
  func.func @transform_1(%arg0: i32) -> (i32, i32, i32) {
    %c0_i32 = arith.constant 0 : i32
    %c0_i32_0 = arith.constant 0 : i32
    %c0_i32_1 = arith.constant 0 : i32
    return %c0_i32, %arg0, %c0_i32_0 : i32, i32, i32
  }
  func.func @transform_2(%arg0: i32) -> (i32, i32, i32) {
    %c0_i32 = arith.constant 0 : i32
    %c0_i32_0 = arith.constant 0 : i32
    %c0_i32_1 = arith.constant 0 : i32
    return %c0_i32, %arg0, %c0_i32_0 : i32, i32, i32
  }
  func.func @transform_3(%arg0: i32) -> (i32, i32) {
    %c0_i32 = arith.constant 0 : i32
    %c0_i32_0 = arith.constant 0 : i32
    %c0_i32_1 = arith.constant 0 : i32
    return %c0_i32, %c0_i32_0 : i32, i32
  }
  func.func @transform_4(%arg0: i32) -> (i32, i32) {
    %c0_i32 = arith.constant 0 : i32
    %c0_i32_0 = arith.constant 0 : i32
    %c0_i32_1 = arith.constant 0 : i32
    return %c0_i32, %c0_i32_0 : i32, i32
  }
  func.func @transform_5(%arg0: i32) -> (i32, i32, i32) {
    %c0_i32 = arith.constant 0 : i32
    %c0_i32_0 = arith.constant 0 : i32
    %c0_i32_1 = arith.constant 0 : i32
    return %c0_i32, %arg0, %c0_i32_0 : i32, i32, i32
  }
}

module attributes {stable_mosaic.version = 14 : i64} {
  func.func @_tc3_body(%arg0: i32, %arg1: memref<2x256x128xf32, #tpu.memory_space<vmem>>, %arg2: memref<2x256x128xf32, #tpu.memory_space<vmem>>, %arg3: memref<2x256x128xf32, #tpu.memory_space<vmem>>, %arg4: memref<1x256xf32, #tpu.memory_space<vmem>>, %arg5: memref<256x128xf32, #tpu.memory_space<vmem>>, %arg6: memref<1x128xf32, #tpu.memory_space<vmem>>, %arg7: memref<256x128xf32, #tpu.memory_space<vmem>>) attributes {dimension_semantics = [#tpu.dimension_semantics<arbitrary>], iteration_bounds = array<i64: 40>, scalar_prefetch = 0 : i64, scratch_operands = 0 : i64, tpu.core_type = #tpu.core_type<tc>, window_params = [{transform_indices = @transform_0, window_bounds = array<i64: 2, 256, 128>}, {transform_indices = @transform_1, window_bounds = array<i64: 2, 256, 128>}, {transform_indices = @transform_2, window_bounds = array<i64: 2, 256, 128>}, {pipeline_mode = #tpu.pipeline_mode<synchronous>, transform_indices = @transform_3, window_bounds = array<i64: 1, 256>}, {pipeline_mode = #tpu.pipeline_mode<synchronous>, transform_indices = @transform_4, window_bounds = array<i64: 256, 128>}, {pipeline_mode = #tpu.pipeline_mode<synchronous>, transform_indices = @transform_5, window_bounds = array<i64: 1, 128>}, {transform_indices = @transform_6, window_bounds = array<i64: 256, 128>}]} {
    %get3A = arith.constant 0 : index
    %get3A_0 = arith.constant 0 : index
    %get3A_1 = arith.constant 0 : index
    %get3A_2 = vector.load %arg1[%get3A, %get3A_0, %get3A_1] : memref<2x256x128xf32, #tpu.memory_space<vmem>>, vector<1x256x128xf32>
    %get3A_3 = vector.shape_cast %get3A_2 : vector<1x256x128xf32> to vector<256x128xf32>
    %get3A_4 = arith.constant 0 : index
    %get3A_5 = arith.constant 0 : index
    %get3A_6 = arith.constant 0 : index
    %get3A_7 = vector.load %arg2[%get3A_4, %get3A_5, %get3A_6] : memref<2x256x128xf32, #tpu.memory_space<vmem>>, vector<1x256x128xf32>
    %get3A_8 = vector.shape_cast %get3A_7 : vector<1x256x128xf32> to vector<256x128xf32>
    %add3A = arith.addf %get3A_3, %get3A_8 : vector<256x128xf32>
    %get3A_9 = arith.constant 1 : index
    %get3A_10 = arith.constant 0 : index
    %get3A_11 = arith.constant 0 : index
    %get3A_12 = vector.load %arg1[%get3A_9, %get3A_10, %get3A_11] : memref<2x256x128xf32, #tpu.memory_space<vmem>>, vector<1x256x128xf32>
    %get3A_13 = vector.shape_cast %get3A_12 : vector<1x256x128xf32> to vector<256x128xf32>
    %get3A_14 = arith.constant 1 : index
    %get3A_15 = arith.constant 0 : index
    %get3A_16 = arith.constant 0 : index
    %get3A_17 = vector.load %arg2[%get3A_14, %get3A_15, %get3A_16] : memref<2x256x128xf32, #tpu.memory_space<vmem>>, vector<1x256x128xf32>
    %get3A_18 = vector.shape_cast %get3A_17 : vector<1x256x128xf32> to vector<256x128xf32>
    %add3A_19 = arith.addf %get3A_13, %get3A_18 : vector<256x128xf32>
    %concatenate3A = tpu.concatenate %add3A, %add3A_19 in 1 : vector<256x128xf32>, vector<256x128xf32> -> vector<256x256xf32>
    %get3A_20 = arith.constant 0 : index
    %get3A_21 = arith.constant 0 : index
    %get3A_22 = arith.constant 0 : index
    %get3A_23 = vector.load %arg3[%get3A_20, %get3A_21, %get3A_22] : memref<2x256x128xf32, #tpu.memory_space<vmem>>, vector<1x256x128xf32>
    %get3A_24 = vector.shape_cast %get3A_23 : vector<1x256x128xf32> to vector<256x128xf32>
    %get3A_25 = arith.constant 1 : index
    %get3A_26 = arith.constant 0 : index
    %get3A_27 = arith.constant 0 : index
    %get3A_28 = vector.load %arg3[%get3A_25, %get3A_26, %get3A_27] : memref<2x256x128xf32, #tpu.memory_space<vmem>>, vector<1x256x128xf32>
    %get3A_29 = vector.shape_cast %get3A_28 : vector<1x256x128xf32> to vector<256x128xf32>
    %add3A_30 = arith.addf %get3A_24, %get3A_29 : vector<256x128xf32>
    %add3A_31 = arith.constant 1.000000e+00 : f32
    %add3A_32 = vector.broadcast %add3A_31 : f32 to vector<256x128xf32>
    %add3A_33 = arith.addf %add3A_30, %add3A_32 : vector<256x128xf32>
    %rsqrt3A = math.rsqrt %add3A_33 : vector<256x128xf32>
    %slice3A = vector.extract_strided_slice %rsqrt3A {offsets = [0, 0], sizes = [256, 1], strides = [1, 1]} : vector<256x128xf32> to vector<256x1xf32>
    %mul3A = vector.broadcast %slice3A : vector<256x1xf32> to vector<256x256xf32>
    %mul3A_34 = arith.mulf %concatenate3A, %mul3A : vector<256x256xf32>
    %get3A_35 = arith.constant 0 : index
    %get3A_36 = arith.constant 0 : index
    %get3A_37 = vector.load %arg4[%get3A_35, %get3A_36] : memref<1x256xf32, #tpu.memory_space<vmem>>, vector<1x256xf32>
    %add3A_38 = vector.broadcast %get3A_37 : vector<1x256xf32> to vector<256x256xf32>
    %add3A_39 = arith.addf %mul3A_34, %add3A_38 : vector<256x256xf32>
    %max3A = arith.constant 0.000000e+00 : f32
    %max3A_40 = vector.broadcast %max3A : f32 to vector<256x256xf32>
    %max3A_41 = arith.maximumf %add3A_39, %max3A_40 : vector<256x256xf32>
    %get3A_42 = arith.constant 0 : index
    %get3A_43 = arith.constant 0 : index
    %get3A_44 = vector.load %arg5[%get3A_42, %get3A_43] : memref<256x128xf32, #tpu.memory_space<vmem>>, vector<256x128xf32>
    %dot_general3A = arith.constant dense<0.000000e+00> : vector<256x128xf32>
    %dot_general3A_45 = tpu.matmul %max3A_41, %get3A_44, %dot_general3A {dimension_numbers = #tpu.dot_dimension_numbers<[1], [0], [0], [1], [0, 0, 1, 1], [], []>, transpose_lhs_hint = false} : vector<256x256xf32>, vector<256x128xf32>, vector<256x128xf32> -> vector<256x128xf32>
    %get3A_46 = arith.constant 0 : index
    %get3A_47 = arith.constant 0 : index
    %get3A_48 = vector.load %arg6[%get3A_46, %get3A_47] : memref<1x128xf32, #tpu.memory_space<vmem>>, vector<1x128xf32>
    %add3A_49 = vector.broadcast %get3A_48 : vector<1x128xf32> to vector<256x128xf32>
    %add3A_50 = arith.addf %dot_general3A_45, %add3A_49 : vector<256x128xf32>
    %swap3A = arith.constant 0 : index
    %swap3A_51 = arith.constant 0 : index
    %swap3A_52 = vector.load %arg7[%swap3A, %swap3A_51] : memref<256x128xf32, #tpu.memory_space<vmem>>, vector<256x128xf32>
    tpu.vector_store %arg7[%swap3A, %swap3A_51], %add3A_50 {strides = array<i32>} : memref<256x128xf32, #tpu.memory_space<vmem>>, vector<256x128xf32>,
    return
  }
  func.func @transform_0(%arg0: i32) -> (i32, i32, i32) {
    %c0_i32 = arith.constant 0 : i32
    %c0_i32_0 = arith.constant 0 : i32
    %c0_i32_1 = arith.constant 0 : i32
    return %c0_i32, %arg0, %c0_i32_0 : i32, i32, i32
  }
  func.func @transform_1(%arg0: i32) -> (i32, i32, i32) {
    %c0_i32 = arith.constant 0 : i32
    %c0_i32_0 = arith.constant 0 : i32
    %c0_i32_1 = arith.constant 0 : i32
    return %c0_i32, %arg0, %c0_i32_0 : i32, i32, i32
  }
  func.func @transform_2(%arg0: i32) -> (i32, i32, i32) {
    %c0_i32 = arith.constant 0 : i32
    %c0_i32_0 = arith.constant 0 : i32
    %c0_i32_1 = arith.constant 0 : i32
    return %c0_i32, %arg0, %c0_i32_0 : i32, i32, i32
  }
  func.func @transform_3(%arg0: i32) -> (i32, i32) {
    %c0_i32 = arith.constant 0 : i32
    %c0_i32_0 = arith.constant 0 : i32
    %c0_i32_1 = arith.constant 0 : i32
    return %c0_i32, %c0_i32_0 : i32, i32
  }
  func.func @transform_4(%arg0: i32) -> (i32, i32) {
    %c0_i32 = arith.constant 0 : i32
    %c0_i32_0 = arith.constant 0 : i32
    %c0_i32_1 = arith.constant 0 : i32
    return %c0_i32, %c0_i32_0 : i32, i32
  }
  func.func @transform_5(%arg0: i32) -> (i32, i32) {
    %c0_i32 = arith.constant 0 : i32
    %c0_i32_0 = arith.constant 0 : i32
    %c0_i32_1 = arith.constant 0 : i32
    return %c0_i32, %c0_i32_0 : i32, i32
  }
  func.func @transform_6(%arg0: i32) -> (i32, i32) {
    %c0_i32 = arith.constant 0 : i32
    %c0_i32_0 = arith.constant 0 : i32
    return %arg0, %c0_i32 : i32, i32
  }
}

</mosaic_0001>

<sc_bundles>
// kernel: kernel.11.cloned.1.call-start
scs
__scs_entry_jumppad:
0x0: {  	(pc) =	sbr.rel $0x88, $3  }
0x1: {  	(tag) =	ssettag $0x0;
	lr =	simm.s32 $0x1  }
0x2: {  	[smem:$0x3F99] =	sst lr;
	_ =	strace $0xD0000000  }
0x3: {  	_ = 	snop  }
0x4: {  	_ = 	snop  }
0x5: {  	_ = 	snop  }
0x6: {  	_ = 	snop  }
0x7: {  	_ = 	snop  }
__scs_overlays_trampoline_lowered:
0x8: {  	[smem:$0x3FA8] =	sst s0  }
0x9: {  	[smem:$0x3FA9] =	sst s1  }
0xa: {  	[smem:$0x3FAA] =	sst s2  }
0xb: {  	[smem:$0x3FAB] =	sst s3  }
0xc: {  	[smem:$0x3FAC] =	sst s4  }
0xd: {  	[smem:$0x3FAD] =	sst s5  }
0xe: {  	[smem:$0x3FAE] =	sst s6  }
0xf: {  	[smem:$0x3FAF] =	sst s7  }
0x10: {  	[smem:$0x3FB0] =	sst s8  }
0x11: {  	[smem:$0x3FB1] =	sst s9;
	s0 =	simm.s32 @!p0 $0x0  }
0x12: {  	s1 =	sld [smem:$0x3F97];
	s0 =	simm.s32 @p0 $0x1  }
0x13: {  	[smem:$0x3FB2] =	sst s0;
	s0 =	simm.s32 @!p1 $0x0  }
0x14: {  	s2 =	sld [smem:$0x3F96];
	s0 =	simm.s32 @p1 $0x1  }
0x15: {  	[smem:$0x3FB3] =	sst s0;
	s0 =	simm.s32 @!p2 $0x0  }
0x16: {  	s3 =	sld [smem:$0x3FDB];
	s0 =	simm.s32 @p2 $0x1  }
0x17: {  	s4 =	simm.s32 $0x1BF5;
	[smem:$0x3FB5] =	sst s0  }
0x18: {  	s0 =	sld [smem:$0x3F98];
	_ =	swait.ge [sflag:s4], $0x0  }
0x19: {  	s7 =	sld [smem:$0x3F99]  }
0x1a: {  	s8 =	sadd.s32 $0xFFFFE003, lr  }
0x1b: {  	s9 =	sadd.s32 $0xFFFFFEF7, lr;
	s5 =	simm.s32 $0xFFFFFFFF;
	p2 =	slt.u32 s8, $0xFFFFF086  }
0x1c: {  	p1 =	slt.u32 s9, $0xF7A;
	s5 =	simm.s32 @!p2 $0x0  }
0x1d: {  	s5 =	simm.s32 @p1 $0x1;
	p0 =	seq.s32 s7, s2  }
0x1e: {  	s7 =	smul.u32 @!p0 $0xF7A, s2;
	p2 =	seq.s32 @!p0 s5, $0x0  }
0x1f: {  	s9 =	smul.u32 $0xF7A, s1;
	s8 =	simm.s32 @!p0 $0x1BF5;
	p2 =	por !p2, p0  }
0x20: {  	[sflag:s8] =	ssyncset.s32 @!p0 $0xFFFFF086;
	s6 =	sadd.s32 @!p0 s3, s7;
	s7 =	simm.s32 @!p0 $0x108  }
0x21: {  	s3 =	sadd.s32 s3, s9;
	s6 =	sadd.s32 @!p0 $0x88, s6;
	s7 =	simm.s32 @p2 $0x1082  }
0x22: {  	[simem:s7], [sflag:s8] =	dma.local @!p0 [hbm:s6], $0xF7A  }
0x23: {  	s9 =	sor.u32 $0xD0000000, s2;
	s6 =	simm.s32 $0x108;
	_ =	swait.ge @!p0 [sflag:s8], $0x0  }
0x24: {  	s3 =	sadd.s32 $0x88, s3;
	s6 =	simm.s32 @!p1 $0x1082;
	[sflag:s4] =	ssyncset.s32 $0xFFFFF086  }
0x25: {  	[simem:s6], [sflag:s4] =	dma.local [hbm:s3], $0xF7A  }
0x26: {  	[smem:$0x3F99] =	sst s1;
	(tag) =	ssettag s2;
	_ =	strace s9  }
0x27: {  	s1 =	sld [smem:$0x3FA9]  }
0x28: {  	s2 =	sld [smem:$0x3FAA]  }
0x29: {  	s4 =	sld [smem:$0x3FAC]  }
0x2a: {  	p0 =	seq.s32 s5, $0x0;
	s5 =	sld [smem:$0x3FAD]  }
0x2b: {  	s6 =	sld [smem:$0x3FAE]  }
0x2c: {  	s7 =	sld [smem:$0x3FAF]  }
0x2d: {  	s3 =	simm.s32 $0x108;
	s8 =	sld [smem:$0x3FB0]  }
0x2e: {  	s3 =	simm.s32 @!p0 $0x1082;
	s9 =	sld [smem:$0x3FB1]  }
0x2f: {  	lr =	sadd.s32 s0, s3;
	s0 =	sld [smem:$0x3FA8]  }
0x30: {  	s3 =	sld [smem:$0x3FAB]  }
0x31: {  	[smem:$0x3FB4] =	sst s10  }
0x32: {  	s10 =	sld [smem:$0x3FB2];
	_ =	sdelay $0x3  }
0x33: {  	p0 =	seq.s32 s10, $0x1;
	s10 =	sld [smem:$0x3FB4];
	_ =	sdelay $0x3  }
0x34: {  	[smem:$0x3FB4] =	sst s10  }
0x35: {  	s10 =	sld [smem:$0x3FB3];
	_ =	sdelay $0x3  }
0x36: {  	p1 =	seq.s32 s10, $0x1;
	s10 =	sld [smem:$0x3FB4];
	_ =	sdelay $0x3  }
0x37: {  	[smem:$0x3FB4] =	sst s10  }
0x38: {  	s10 =	sld [smem:$0x3FB5]  }
0x39: {  	_ = 	snop;
	(pc) =	sbr.ind lr, $3  }
0x3a: {  	_ = 	snop  }
0x3b: {  	_ = 	snop  }
0x3c: {  	p2 =	seq.s32 s10, $0x1;
	s10 =	sld [smem:$0x3FB4]  }
0x3d: {  	_ =	shalt  }
0x3e: {  	_ =	shalt  }
0x3f: {  	_ =	shalt  }
0x40: {  	_ =	shalt  }
0x41: {  	_ =	shalt  }
0x42: {  	_ =	shalt  }
0x43: {  	_ =	shalt  }
0x44: {  	_ =	shalt  }
0x45: {  	_ =	shalt  }
0x46: {  	_ =	shalt  }
0x47: {  	_ =	shalt  }
0x48: {  	_ =	shalt  }
0x49: {  	_ =	shalt  }
0x4a: {  	_ =	shalt  }
0x4b: {  	_ =	shalt  }
0x4c: {  	_ =	shalt  }
0x4d: {  	_ =	shalt  }
0x4e: {  	_ =	shalt  }
0x4f: {  	_ =	shalt  }
0x50: {  	_ =	shalt  }
0x51: {  	_ =	shalt  }
0x52: {  	_ =	shalt  }
0x53: {  	_ =	shalt  }
0x54: {  	_ =	shalt  }
0x55: {  	_ =	shalt  }
0x56: {  	_ =	shalt  }
0x57: {  	_ =	shalt  }
0x58: {  	_ =	shalt  }
0x59: {  	_ =	shalt  }
0x5a: {  	_ =	shalt  }
0x5b: {  	_ =	shalt  }
0x5c: {  	_ =	shalt  }
0x5d: {  	_ =	shalt  }
0x5e: {  	_ =	shalt  }
0x5f: {  	_ =	shalt  }
0x60: {  	_ =	shalt  }
0x61: {  	_ =	shalt  }
0x62: {  	_ =	shalt  }
0x63: {  	_ =	shalt  }
0x64: {  	_ =	shalt  }
0x65: {  	_ =	shalt  }
0x66: {  	_ =	shalt  }
0x67: {  	_ =	shalt  }
0x68: {  	_ =	shalt  }
0x69: {  	_ =	shalt  }
0x6a: {  	_ =	shalt  }
0x6b: {  	_ =	shalt  }
0x6c: {  	_ =	shalt  }
0x6d: {  	_ =	shalt  }
0x6e: {  	_ =	shalt  }
0x6f: {  	_ =	shalt  }
0x70: {  	_ =	shalt  }
0x71: {  	_ =	shalt  }
0x72: {  	_ =	shalt  }
0x73: {  	_ =	shalt  }
0x74: {  	_ =	shalt  }
0x75: {  	_ =	shalt  }
0x76: {  	_ =	shalt  }
0x77: {  	_ =	shalt  }
0x78: {  	_ =	shalt  }
0x79: {  	_ =	shalt  }
0x7a: {  	_ =	shalt  }
0x7b: {  	_ =	shalt  }
0x7c: {  	_ =	shalt  }
0x7d: {  	_ =	shalt  }
0x7e: {  	_ =	shalt  }
0x7f: {  	_ =	shalt  }
0x80: {  	_ =	shalt  }
0x81: {  	_ =	shalt  }
0x82: {  	_ =	shalt  }
0x83: {  	_ =	shalt  }
0x84: {  	_ =	shalt  }
0x85: {  	_ =	shalt  }
0x86: {  	_ =	shalt  }
0x87: {  	_ =	shalt  }
.Lfunc_end0:
.L_simem_size_0:
called_computation.1_lowered:
.L_overlay_start_0:
0x88: {  	s2 =	sld [smem:$0x3FD9]  }
0x89: {  	s3 =	sld [smem:$0x3FFE];
	_ =	sdelay $0x1  }
0x8a: {  	s1 =	srdreg.scid  }
0x8b: {  	s0 =	sand.u32 $0x1, s1  }
0x8c: {  	s17 =	sshll.u32 s0, $0xA;
	s2 =	sadd.s32 s3, s2  }
0x8d: {  	s2 =	sadd.s32 s2, s17  }
0x8e: {  	[smem:$0x3FC0] =	sst s2  }
0x8f: {  	_ = 	snop  }
0x90: {  	s2 =	sld [smem:$0x3FD0];
	(tm) =	ssettm $0x1  }
0x91: {  	s18 =	sld [smem:$0x3FFB];
	_ =	sdelay $0x3  }
0x92: {  	_ =	strace s18  }
0x93: {  	s3 =	sld [smem:$0x3FFC];
	_ =	sdelay $0x3  }
0x94: {  	_ =	strace s3  }
0x95: {  	s3 =	sld [smem:$0x3FFD];
	_ =	sdelay $0x3  }
0x96: {  	_ =	strace s3  }
0x97: {  	_ =	strace $0x8FFFFFFF  }
0x98: {  	s19 =	sld [smem:$0x3FDB];
	_ =	sdelay $0x1  }
0x99: {  	s4 =	simm.s32 $_scs_section_size  }
0x9a: {  	s5 =	simm.s32 $_size__tile_overlayer_lowered;
	s6 =	simm.s32 $_tile_overlayer_lowered  }
0x9b: {  	s22 =	simm.s32 $0x1BFF;
	s21 =	sshll.u32 s6, $0x1;
	s3 =	sadd.s32 s4, s19  }
0x9c: {  	s7 =	simm.s32 $0x0;
	s20 =	sshll.u32 s5, $0x1;
	s5 =	sadd.s32 s21, s3  }
0x9d: {  	[timem:s7], [sflag:s22] =	dma.local [hbm:s5], s20  }
0x9e: {  	_ =	swait.ge [sflag:s22], s20  }
0x9f: {  	s4 =	ssub.s32 $0x0, s20;
	[sflag:s22] =	ssyncset.done $0x0  }
0xa0: {  	[sflag:s22] =	ssyncadd.s32 s4;
	_ =	sdelay $0x1  }
0xa1: {  	s23 =	simm.s32 $0x1B8B  }
0xa2: {  	_ =	swait.ge [sflag:s23], $0x1  }
0xa3: {  	[sflag:s23] =	ssyncset.done $0x0  }
0xa4: {  	s25 =	simm.s32 $0x1B8E;
	s24 =	sld [smem:$0x3FFE];
	[sflag:s23] =	ssyncadd.s32 $0xFFFFFFFF  }
0xa5: {  	s26 =	simm.s32 $execute0_lowered;
	[smem:$0x3FD2] =	sst s25  }
0xa6: {  	s5 =	sshll.u32 s26, $0x1;
	_ =	strace $0x80000049;
	[dreg:$0x1] =	wrdreg $0xFFFFFFFF  }
0xa7: {  	s28 =	simm.s32 $_size_execute0_lowered;
	s3 =	sadd.s32 s3, s5;
	[dreg:$0x0] =	wrdreg $0x0  }
0xa8: {  	s5 =	sshll.u32 s28, $0x1;
	[dreg:$0x2] =	wrdreg s3  }
0xa9: {  	[dreg:$0x3] =	wrdreg s5  }
0xaa: {  	[dreg:$0x4] =	wrdreg $0xC0  }
0xab: {  	_ =	task [dreg:s7], $0x5FFFF  }
0xac: {  	[dreg:$0x1] =	wrdreg $0xFFFFFFFF  }
0xad: {  	[dreg:$0x0] =	wrdreg $0x60  }
0xae: {  	[dreg:$0x2] =	wrdreg s24  }
0xaf: {  	[dreg:$0x3] =	wrdreg s2  }
0xb0: {  	[dreg:$0x4] =	wrdreg $0x90000  }
0xb1: {  	[dreg:$0x5] =	wrdreg $0x9  }
0xb2: {  	_ =	task.clear_ibuf [dreg:s7], $0x6FFFF;
	_ =	strace $0x90000049  }
0xb3: {  	s29 =	simm.s32 $0x9;
	_ =	strace $0x8000004B  }
0xb4: {  	_ =	swait.ge [sflag:s29], $0x1  }
0xb5: {  	[sflag:s29] =	ssyncadd.s32 $0xFFFFFFFF  }
0xb6: {  	_ =	strace $0x9000004B  }
0xb7: {  	_ =	sfence  }
0xb8: {  	s30 =	sld [smem:$0x0];
	_ =	sdelay $0x2  }
0xb9: {  	s31 =	sshll.u32 s1, $0xD;
	s1 =	sshrl.u32 s1, $0x2  }
0xba: {  	s3 =	sand.u32 $0x4000, s31;
	s1 =	sadd.s32 s1, s30  }
0xbb: {  	s0 =	sor.u32 s3, s0;
	s1 =	sshll.u32 s1, $0x11  }
0xbc: {  	s0 =	sor.u32 s1, s0  }
0xbd: {  	s0 =	sadd.s32 $0x8F2B, s0  }
0xbe: {  	[sflag:s0] =	ssyncadd.remote.s32 $0x1  }
0xbf: {  	_ =	sfence.sel $0xFFFF  }
0xc0: {  	[dreg:$0x0] =	wrdreg $0xFFFFFFFF;
	(pc) =	sbr.abs _section_cstart, $3  }
0xc1: {  	[dreg:$0x1] =	wrdreg $0xFFFFFFFF  }
0xc2: {  	_ =	task.clear_ibuf [dreg:s7], $0x2FFFF;
	_ =	strace $0x9FFFFFFF  }
0xc3: {  	(tm) =	ssettm $0x7FFFFFFF  }
tec
execute0_lowered:
.L_overlay_start_1:
0x0: {  	(tag) =	ssettag $0x1  }
0x1: {  	s0 =	rddreg [dreg:$0x0]  }
0x2: {  	s2 =	rddreg [dreg:$0x1]  }
0x3: {  	s3 =	rddreg [dreg:$0x2]  }
0x4: {  	s1 =	srdreg.scid;
	s12 =	stileid.u32  }
0x5: {  	s4 =	simm.s32 $0x0;
	s16 =	simm.s32 $0x100;
	s18 =	simm.s32 $0x880  }
0x6: {  	s20 =	simm.s32 $0x180;
	s21 =	simm.s32 $0x900;
	[smem:$0x7FF] =	sst s4  }
0x7: {  	s22 =	simm.s32 $0x200;
	_ =	strace $0x8000004A;
	[dreg:$0x6] =	wrdreg s16  }
0x8: {  	s23 =	simm.s32 $0x980;
	s24 =	simm.s32 $0x280;
	[dreg:$0x7] =	wrdreg s18  }
0x9: {  	s25 =	simm.s32 $0xA00;
	s26 =	simm.s32 $0x300;
	[dreg:$0x8] =	wrdreg s20  }
0xa: {  	s28 =	simm.s32 $0x4;
	s29 =	simm.s32 $0x3;
	[dreg:$0x9] =	wrdreg s21  }
0xb: {  	s30 =	simm.s32 $0x5;
	s6 =	smul.u32 $0x280, s12;
	[dreg:$0xa] =	wrdreg s22  }
0xc: {  	s31 =	simm.s32 $0x600;
	s15 =	smul.u32 $0xA0, s12;
	[dreg:$0xb] =	wrdreg s23  }
0xd: {  	s1 =	sand.u32 $0x1, s1;
	s11 =	smul.u32 $0x50000, s12;
	[dreg:$0xc] =	wrdreg s24  }
0xe: {  	s5 =	sadd.s32 $0x5C000, s0;
	s7 =	smul.u32 $0x2800, s1;
	[dreg:$0xd] =	wrdreg s25  }
0xf: {  	s8 =	sshll.u32 s1, $0x4;
	s1 =	ssub.s32 $0x2, s1;
	[dreg:$0xe] =	wrdreg s26  }
0x10: {  	s21 =	simm.s32 $0x480;
	s22 =	simm.s32 $0xC00;
	[dreg:$0x5] =	wrdreg s15  }
0x11: {  	s23 =	simm.s32 $0x500;
	s24 =	simm.s32 $0xC80;
	[dreg:$0x14] =	wrdreg s21  }
0x12: {  	s25 =	simm.s32 $0x580;
	s26 =	simm.s32 $0xD00;
	[dreg:$0x15] =	wrdreg s22  }
0x13: {  	s8 =	sor.u32 s12, s8;
	s10 =	sshrl.u32 s1, $0x1;
	[dreg:$0x16] =	wrdreg s23  }
0x14: {  	s17 =	sshrl.u32 s11, $0x2;
	s12 =	smul.u32 $0xA00, s12;
	[dreg:$0x17] =	wrdreg s24  }
0x15: {  	s15 =	simm.s32 $0xB00;
	s21 =	simm.s32 $0x6;
	[dreg:$0x18] =	wrdreg s25  }
0x16: {  	s22 =	simm.s32 $0x800;
	s23 =	simm.s32 $0x1;
	[dreg:$0x19] =	wrdreg s26  }
0x17: {  	s24 =	simm.s32 $0x80;
	s19 =	sadd.s32 s17, s3;
	[dreg:$0x11] =	wrdreg s15  }
0x18: {  	s9 =	smul.u32 $0xA0, s8;
	s17 =	simm.s32 $0x400;
	[dreg:$0x1a] =	wrdreg s19  }
0x19: {  	s7 =	sadd.s32 s6, s7;
	s6 =	sadd.s32 $0x2000, s0;
	[dreg:$0x12] =	wrdreg s17  }
0x1a: {  	s1 =	ssub.s32 s1, s10;
	s13 =	sadd.s32 $0xC000, s19;
	[dreg:$0x4] =	wrdreg s9  }
0x1b: {  	s8 =	smul.u32 $0xA00, s8;
	s12 =	sadd.s32 s6, s12;
	[dreg:$0x1b] =	wrdreg s13  }
0x1c: {  	s7 =	sshll.u32 s7, $0x4;
	s1 =	smax.u32 s1, $0x1;
	[dreg:$0x1e] =	wrdreg s12  }
0x1d: {  	s0 =	sadd.s32 s7, s0;
	s7 =	sadd.s32 $0x10000, s19;
	[smem:$0x7FD] =	sst s1  }
0x1e: {  	s25 =	simm.s32 $0x5000;
	s8 =	sadd.s32 s2, s8;
	[dreg:$0x1c] =	wrdreg s7  }
0x1f: {  	s26 =	simm.s32 $0x2;
	s9 =	simm.s32 $0xA80;
	[dreg:$0x1d] =	wrdreg s8  }
0x20: {  	s10 =	sadd.s32 $0x4000, s19;
	s13 =	simm.s32 $0x380;
	[dreg:$0xf] =	wrdreg s9  }
0x21: {  	s11 =	sadd.s32 $0x8000, s19;
	s19 =	simm.s32 $0xB80;
	[dreg:$0x10] =	wrdreg s13  }
0x22: {  	s15 =	simm.s32 $0x780;
	s14 =	sadd.s32 $0xAC000, s0;
	[dreg:$0x13] =	wrdreg s19  }
0x23: {  	s17 =	simm.s32 $0xF80;
	s16 =	sadd.s32 $0xAC800, s0;
	[dreg:$0x1f] =	wrdreg s14  }
0x24: {  	s1 =	simm.s32 $0x680;
	s18 =	sadd.s32 $0xAD000, s0;
	[smem:$0x7F9] =	sst s16  }
0x25: {  	s12 =	simm.s32 $0xE00;
	s20 =	sadd.s32 $0xAD800, s0;
	[smem:$0x7FA] =	sst s18  }
0x26: {  	s0 =	sadd.s32 $0xAE000, s0;
	s13 =	simm.s32 $0x700;
	[smem:$0x7FB] =	sst s20  }
0x27: {  	[smem:$0x7FC] =	sst s0;
	s20 =	simm.s32 $0x1000;
	s0 =	simm.s32 $0xD80  }
0x28: {  	v0 =	vimm.f32 $0.0e+00;
	s14 =	simm.s32 $0xE80;
	s16 =	simm.s32 $0xF00;
	s18 =	simm.s32 $0x0  }
.LBB2_1:
0x29: {  	s7 =	smov.u32 s11;
	s8 =	sand.u32 $0xFE00, s4  }
0x2a: {  	s11 =	smov.u32 s10;
	s9 =	sand.u32 $0x70, s4;
	s19 =	sshrl.u32 s8, $0x2  }
0x2b: {  	s8 =	simm.s32 $0x40;
	s9 =	sor.u32 s9, s19;
	s19 =	simm.s32 $0x0  }
.LBB2_2:
0x2c: {  	p0 =	sne.s32 s8, $0xFFC0  }
0x2d: {  	[tilespmem:s9+$0x1000] =	vst v0;
	s19 =	sadd.s32 $0x10, s19;
	s9 =	smov.u32 s8;
	s8 =	sadd.s32 $0x40, s8  }
.Ltmp0:
0x2e: {  	(pc) =	sbr.rel @p0 .LBB2_2-.Ltmp0, $4  }
0x2f: {  	_ = 	snop  }
0x30: {  	s9 =	sand.u32 $0xFE00, s9  }
0x31: {  	s10 =	sand.u32 $0x70, s19;
	s9 =	sshrl.u32 s9, $0x2  }
0x32: {  	s9 =	sor.u32 s10, s9  }
0x33: {  	[tilespmem:s9+$0x1000] =	vst v0;
	s8 =	rddreg [dreg:$0x1a]  }
0x34: {  	[spmem:s8] =	stream.linear.scatter [tilespmem:s20], [sflag:$0x6], $0x4000, $0x38;
	[tilespmem:$0x1D000] =	vst v63  }
0x35: {  	_ =	swait.ge [sflag:s21], $0x4000  }
0x36: {  	[sflag:s21] =	ssyncset.done $0x0  }
0x37: {  	[sflag:s21] =	ssyncadd.s32 $0xFFFFC000  }
0x38: {  	[spmem:s11] =	stream.linear.scatter [tilespmem:s20], [sflag:$0x6], $0x4000, $0x38;
	[tilespmem:$0x1D000] =	vst v63  }
0x39: {  	_ =	swait.ge [sflag:s21], $0x4000  }
0x3a: {  	[sflag:s21] =	ssyncset.done $0x0  }
0x3b: {  	[sflag:s21] =	ssyncadd.s32 $0xFFFFC000  }
0x3c: {  	[spmem:s7] =	stream.linear.scatter [tilespmem:s20], [sflag:$0x6], $0x4000, $0x38;
	[tilespmem:$0x1D000] =	vst v63  }
0x3d: {  	_ =	swait.ge [sflag:s21], $0x4000  }
0x3e: {  	[sflag:s21] =	ssyncset.done $0x0  }
0x3f: {  	s8 =	rddreg [dreg:$0x1b];
	[sflag:s21] =	ssyncadd.s32 $0xFFFFC000  }
0x40: {  	[spmem:s8] =	stream.linear.scatter [tilespmem:s20], [sflag:$0x6], $0x4000, $0x38;
	[tilespmem:$0x1D000] =	vst v63  }
0x41: {  	_ =	swait.ge [sflag:s21], $0x4000  }
0x42: {  	[sflag:s21] =	ssyncset.done $0x0  }
0x43: {  	s9 =	rddreg [dreg:$0x1c];
	[sflag:s21] =	ssyncadd.s32 $0xFFFFC000  }
0x44: {  	[spmem:s9] =	stream.linear.scatter [tilespmem:s20], [sflag:$0x6], $0x4000, $0x38;
	[tilespmem:$0x1D000] =	vst v63  }
0x45: {  	_ =	swait.ge [sflag:s21], $0x4000  }
0x46: {  	[sflag:s21] =	ssyncset.done $0x0  }
0x47: {  	[sflag:s21] =	ssyncadd.s32 $0xFFFFC000  }
0x48: {  	[bflag:$0x0] =	sbarrier.arrive $0xFFFF  }
0x49: {  	s19 =	rddreg [dreg:$0x1d]  }
0x4a: {  	[tilespmem:s4], [sflag:$0x1] =	stream.linear.gather [hbm4b:s19+s4], $0x800, $0x38;
	[tilespmem:$0x1D000] =	vst v63  }
0x4b: {  	s8 =	rddreg [dreg:$0x1e]  }
0x4c: {  	[tilespmem:s22], [sflag:$0x1] =	stream.linear.gather [hbm4b:s8+s4], $0x800, $0x38;
	[tilespmem:$0x1D000] =	vst v63  }
0x4d: {  	_ =	swait.ge [sflag:s23], $0x800  }
0x4e: {  	[sflag:s23] =	ssyncset.done $0x0  }
0x4f: {  	[sflag:s23] =	ssyncadd.s32 $0xFFFFF800  }
0x50: {  	_ =	swait.ge [sflag:s23], $0x800  }
0x51: {  	[sflag:s23] =	ssyncset.done $0x0  }
0x52: {  	[sflag:s23] =	ssyncadd.s32 $0xFFFFF800  }
0x53: {  	[tilespmem:s20], [sflag:$0x2] =	stream.indirect.gather [hbm4b:s5+s24], $0x80, s4, s24, $0xb8;
	[tilespmem:$0x1D000] =	vst v63  }
0x54: {  	_ = 	snop  }
0x55: {  	[tilespmem:s25], [sflag:$0x3] =	stream.indirect.gather [hbm4b:s5+s24], $0x80, s24, s24, $0xb8;
	[tilespmem:$0x1D000] =	vst v63  }
0x56: {  	_ =	swait.ge [sflag:s26], $0x4000  }
0x57: {  	[sflag:s26] =	ssyncset.done $0x0  }
0x58: {  	[sflag:s26] =	ssyncadd.s32 $0xFFFFC000  }
0x59: {  	[spmem:s3] =	stream.indirect.scatter.add.f32 [tilespmem:s20], [sflag:$0x4], $0x80, s22, s24, $0xb8;
	[tilespmem:$0x1D000] =	vst v63  }
0x5a: {  	_ =	swait.ge [sflag:s28], $0x4000  }
0x5b: {  	[sflag:s28] =	ssyncset.done $0x0  }
0x5c: {  	s9 =	rddreg [dreg:$0x6];
	[sflag:s28] =	ssyncadd.s32 $0xFFFFC000  }
0x5d: {  	[tilespmem:s20], [sflag:$0x2] =	stream.indirect.gather [hbm4b:s5+s24], $0x80, s9, s24, $0xb8;
	[tilespmem:$0x1D000] =	vst v63  }
0x5e: {  	_ =	swait.ge [sflag:s29], $0x4000  }
0x5f: {  	[sflag:s29] =	ssyncset.done $0x0  }
0x60: {  	s19 =	rddreg [dreg:$0x7];
	[sflag:s29] =	ssyncadd.s32 $0xFFFFC000  }
0x61: {  	[spmem:s3] =	stream.indirect.scatter.add.f32 [tilespmem:s25], [sflag:$0x5], $0x80, s19, s24, $0xb8;
	[tilespmem:$0x1D000] =	vst v63  }
0x62: {  	_ =	swait.ge [sflag:s30], $0x4000  }
0x63: {  	s10 =	smov.u32 s11;
	[sflag:s30] =	ssyncset.done $0x0  }
0x64: {  	s11 =	smov.u32 s7;
	s7 =	rddreg [dreg:$0x8];
	[sflag:s30] =	ssyncadd.s32 $0xFFFFC000  }
0x65: {  	[tilespmem:s25], [sflag:$0x3] =	stream.indirect.gather [hbm4b:s5+s24], $0x80, s7, s24, $0xb8;
	[tilespmem:$0x1D000] =	vst v63  }
0x66: {  	_ =	swait.ge [sflag:s26], $0x4000  }
0x67: {  	[sflag:s26] =	ssyncset.done $0x0  }
0x68: {  	s9 =	rddreg [dreg:$0x9];
	[sflag:s26] =	ssyncadd.s32 $0xFFFFC000  }
0x69: {  	[spmem:s3] =	stream.indirect.scatter.add.f32 [tilespmem:s20], [sflag:$0x4], $0x80, s9, s24, $0xb8;
	[tilespmem:$0x1D000] =	vst v63  }
0x6a: {  	_ =	swait.ge [sflag:s28], $0x4000  }
0x6b: {  	[sflag:s28] =	ssyncset.done $0x0  }
0x6c: {  	s19 =	rddreg [dreg:$0xa];
	[sflag:s28] =	ssyncadd.s32 $0xFFFFC000  }
0x6d: {  	[tilespmem:s20], [sflag:$0x2] =	stream.indirect.gather [hbm4b:s5+s24], $0x80, s19, s24, $0xb8;
	[tilespmem:$0x1D000] =	vst v63  }
0x6e: {  	_ =	swait.ge [sflag:s29], $0x4000  }
0x6f: {  	[sflag:s29] =	ssyncset.done $0x0  }
0x70: {  	s7 =	rddreg [dreg:$0xb];
	[sflag:s29] =	ssyncadd.s32 $0xFFFFC000  }
0x71: {  	[spmem:s3] =	stream.indirect.scatter.add.f32 [tilespmem:s25], [sflag:$0x5], $0x80, s7, s24, $0xb8;
	[tilespmem:$0x1D000] =	vst v63  }
0x72: {  	_ =	swait.ge [sflag:s30], $0x4000  }
0x73: {  	[sflag:s30] =	ssyncset.done $0x0  }
0x74: {  	s9 =	rddreg [dreg:$0xc];
	[sflag:s30] =	ssyncadd.s32 $0xFFFFC000  }
0x75: {  	[tilespmem:s25], [sflag:$0x3] =	stream.indirect.gather [hbm4b:s5+s24], $0x80, s9, s24, $0xb8;
	[tilespmem:$0x1D000] =	vst v63  }
0x76: {  	_ =	swait.ge [sflag:s26], $0x4000  }
0x77: {  	[sflag:s26] =	ssyncset.done $0x0  }
0x78: {  	s19 =	rddreg [dreg:$0xd];
	[sflag:s26] =	ssyncadd.s32 $0xFFFFC000  }
0x79: {  	[spmem:s3] =	stream.indirect.scatter.add.f32 [tilespmem:s20], [sflag:$0x4], $0x80, s19, s24, $0xb8;
	[tilespmem:$0x1D000] =	vst v63  }
0x7a: {  	_ =	swait.ge [sflag:s28], $0x4000  }
0x7b: {  	[sflag:s28] =	ssyncset.done $0x0  }
0x7c: {  	s7 =	rddreg [dreg:$0xe];
	[sflag:s28] =	ssyncadd.s32 $0xFFFFC000  }
0x7d: {  	[tilespmem:s20], [sflag:$0x2] =	stream.indirect.gather [hbm4b:s5+s24], $0x80, s7, s24, $0xb8;
	[tilespmem:$0x1D000] =	vst v63  }
0x7e: {  	_ =	swait.ge [sflag:s29], $0x4000  }
0x7f: {  	[sflag:s29] =	ssyncset.done $0x0  }
0x80: {  	s9 =	rddreg [dreg:$0xf];
	[sflag:s29] =	ssyncadd.s32 $0xFFFFC000  }
0x81: {  	[spmem:s3] =	stream.indirect.scatter.add.f32 [tilespmem:s25], [sflag:$0x5], $0x80, s9, s24, $0xb8;
	[tilespmem:$0x1D000] =	vst v63  }
0x82: {  	_ =	swait.ge [sflag:s30], $0x4000  }
0x83: {  	[sflag:s30] =	ssyncset.done $0x0  }
0x84: {  	s19 =	rddreg [dreg:$0x10];
	[sflag:s30] =	ssyncadd.s32 $0xFFFFC000  }
0x85: {  	[tilespmem:s25], [sflag:$0x3] =	stream.indirect.gather [hbm4b:s5+s24], $0x80, s19, s24, $0xb8;
	[tilespmem:$0x1D000] =	vst v63  }
0x86: {  	_ =	swait.ge [sflag:s26], $0x4000  }
0x87: {  	[sflag:s26] =	ssyncset.done $0x0  }
0x88: {  	s7 =	rddreg [dreg:$0x11];
	[sflag:s26] =	ssyncadd.s32 $0xFFFFC000  }
0x89: {  	[spmem:s3] =	stream.indirect.scatter.add.f32 [tilespmem:s20], [sflag:$0x4], $0x80, s7, s24, $0xb8;
	[tilespmem:$0x1D000] =	vst v63  }
0x8a: {  	_ =	swait.ge [sflag:s28], $0x4000  }
0x8b: {  	[sflag:s28] =	ssyncset.done $0x0  }
0x8c: {  	s9 =	rddreg [dreg:$0x12];
	[sflag:s28] =	ssyncadd.s32 $0xFFFFC000  }
0x8d: {  	[tilespmem:s20], [sflag:$0x2] =	stream.indirect.gather [hbm4b:s5+s24], $0x80, s9, s24, $0xb8;
	[tilespmem:$0x1D000] =	vst v63  }
0x8e: {  	_ =	swait.ge [sflag:s29], $0x4000  }
0x8f: {  	[sflag:s29] =	ssyncset.done $0x0  }
0x90: {  	s19 =	rddreg [dreg:$0x13];
	[sflag:s29] =	ssyncadd.s32 $0xFFFFC000  }
0x91: {  	[spmem:s3] =	stream.indirect.scatter.add.f32 [tilespmem:s25], [sflag:$0x5], $0x80, s19, s24, $0xb8;
	[tilespmem:$0x1D000] =	vst v63  }
0x92: {  	_ =	swait.ge [sflag:s30], $0x4000  }
0x93: {  	[sflag:s30] =	ssyncset.done $0x0  }
0x94: {  	s7 =	rddreg [dreg:$0x14];
	[sflag:s30] =	ssyncadd.s32 $0xFFFFC000  }
0x95: {  	[tilespmem:s25], [sflag:$0x3] =	stream.indirect.gather [hbm4b:s5+s24], $0x80, s7, s24, $0xb8;
	[tilespmem:$0x1D000] =	vst v63  }
0x96: {  	_ =	swait.ge [sflag:s26], $0x4000  }
0x97: {  	[sflag:s26] =	ssyncset.done $0x0  }
0x98: {  	s9 =	rddreg [dreg:$0x15];
	[sflag:s26] =	ssyncadd.s32 $0xFFFFC000  }
0x99: {  	[spmem:s3] =	stream.indirect.scatter.add.f32 [tilespmem:s20], [sflag:$0x4], $0x80, s9, s24, $0xb8;
	[tilespmem:$0x1D000] =	vst v63  }
0x9a: {  	_ =	swait.ge [sflag:s28], $0x4000  }
0x9b: {  	[sflag:s28] =	ssyncset.done $0x0  }
0x9c: {  	s19 =	rddreg [dreg:$0x16];
	[sflag:s28] =	ssyncadd.s32 $0xFFFFC000  }
0x9d: {  	[tilespmem:s20], [sflag:$0x2] =	stream.indirect.gather [hbm4b:s5+s24], $0x80, s19, s24, $0xb8;
	[tilespmem:$0x1D000] =	vst v63  }
0x9e: {  	_ =	swait.ge [sflag:s29], $0x4000  }
0x9f: {  	[sflag:s29] =	ssyncset.done $0x0  }
0xa0: {  	s7 =	rddreg [dreg:$0x17];
	[sflag:s29] =	ssyncadd.s32 $0xFFFFC000  }
0xa1: {  	[spmem:s3] =	stream.indirect.scatter.add.f32 [tilespmem:s25], [sflag:$0x5], $0x80, s7, s24, $0xb8;
	[tilespmem:$0x1D000] =	vst v63  }
0xa2: {  	_ =	swait.ge [sflag:s30], $0x4000  }
0xa3: {  	[sflag:s30] =	ssyncset.done $0x0  }
0xa4: {  	s9 =	rddreg [dreg:$0x18];
	[sflag:s30] =	ssyncadd.s32 $0xFFFFC000  }
0xa5: {  	[tilespmem:s25], [sflag:$0x3] =	stream.indirect.gather [hbm4b:s5+s24], $0x80, s9, s24, $0xb8;
	[tilespmem:$0x1D000] =	vst v63  }
0xa6: {  	_ =	swait.ge [sflag:s26], $0x4000  }
0xa7: {  	[sflag:s26] =	ssyncset.done $0x0  }
0xa8: {  	s19 =	rddreg [dreg:$0x19];
	[sflag:s26] =	ssyncadd.s32 $0xFFFFC000  }
0xa9: {  	[spmem:s3] =	stream.indirect.scatter.add.f32 [tilespmem:s20], [sflag:$0x4], $0x80, s19, s24, $0xb8;
	[tilespmem:$0x1D000] =	vst v63  }
0xaa: {  	_ =	swait.ge [sflag:s28], $0x4000  }
0xab: {  	[sflag:s28] =	ssyncset.done $0x0  }
0xac: {  	[sflag:s28] =	ssyncadd.s32 $0xFFFFC000  }
0xad: {  	[tilespmem:s20], [sflag:$0x2] =	stream.indirect.gather [hbm4b:s5+s24], $0x80, s31, s24, $0xb8;
	[tilespmem:$0x1D000] =	vst v63  }
0xae: {  	_ =	swait.ge [sflag:s29], $0x4000  }
0xaf: {  	[sflag:s29] =	ssyncset.done $0x0  }
0xb0: {  	[sflag:s29] =	ssyncadd.s32 $0xFFFFC000  }
0xb1: {  	[spmem:s3] =	stream.indirect.scatter.add.f32 [tilespmem:s25], [sflag:$0x5], $0x80, s0, s24, $0xb8;
	[tilespmem:$0x1D000] =	vst v63  }
0xb2: {  	_ =	swait.ge [sflag:s30], $0x4000  }
0xb3: {  	[sflag:s30] =	ssyncset.done $0x0  }
0xb4: {  	[sflag:s30] =	ssyncadd.s32 $0xFFFFC000  }
0xb5: {  	[tilespmem:s25], [sflag:$0x3] =	stream.indirect.gather [hbm4b:s5+s24], $0x80, s1, s24, $0xb8;
	[tilespmem:$0x1D000] =	vst v63  }
0xb6: {  	_ =	swait.ge [sflag:s26], $0x4000  }
0xb7: {  	[sflag:s26] =	ssyncset.done $0x0  }
0xb8: {  	[sflag:s26] =	ssyncadd.s32 $0xFFFFC000  }
0xb9: {  	[spmem:s3] =	stream.indirect.scatter.add.f32 [tilespmem:s20], [sflag:$0x4], $0x80, s12, s24, $0xb8;
	[tilespmem:$0x1D000] =	vst v63  }
0xba: {  	_ =	swait.ge [sflag:s28], $0x4000  }
0xbb: {  	[sflag:s28] =	ssyncset.done $0x0  }
0xbc: {  	[sflag:s28] =	ssyncadd.s32 $0xFFFFC000  }
0xbd: {  	[tilespmem:s20], [sflag:$0x2] =	stream.indirect.gather [hbm4b:s5+s24], $0x80, s13, s24, $0xb8;
	[tilespmem:$0x1D000] =	vst v63  }
0xbe: {  	_ =	swait.ge [sflag:s29], $0x4000  }
0xbf: {  	[sflag:s29] =	ssyncset.done $0x0  }
0xc0: {  	[sflag:s29] =	ssyncadd.s32 $0xFFFFC000  }
0xc1: {  	[spmem:s3] =	stream.indirect.scatter.add.f32 [tilespmem:s25], [sflag:$0x5], $0x80, s14, s24, $0xb8;
	[tilespmem:$0x1D000] =	vst v63  }
0xc2: {  	_ =	swait.ge [sflag:s30], $0x4000  }
0xc3: {  	[sflag:s30] =	ssyncset.done $0x0  }
0xc4: {  	[sflag:s30] =	ssyncadd.s32 $0xFFFFC000  }
0xc5: {  	[tilespmem:s25], [sflag:$0x3] =	stream.indirect.gather [hbm4b:s5+s24], $0x80, s15, s24, $0xb8;
	[tilespmem:$0x1D000] =	vst v63  }
0xc6: {  	_ =	swait.ge [sflag:s26], $0x4000  }
0xc7: {  	[sflag:s26] =	ssyncset.done $0x0  }
0xc8: {  	[sflag:s26] =	ssyncadd.s32 $0xFFFFC000  }
0xc9: {  	[spmem:s3] =	stream.indirect.scatter.add.f32 [tilespmem:s20], [sflag:$0x4], $0x80, s16, s24, $0xb8;
	[tilespmem:$0x1D000] =	vst v63  }
0xca: {  	p0 =	por $0x0, $0x0;
	s9 =	simm.s32 $0x10;
	_ =	swait.ge [sflag:s29], $0x4000  }
0xcb: {  	s9 =	simm.s32 @p0 $0x0;
	s7 =	rddreg [dreg:$0x4]  }
0xcc: {  	s8 =	sadd.s32 s7, s9  }
0xcd: {  	[sflag:s29] =	ssyncset.done $0x0;
	s8 =	sshll.u32 s8, $0x4  }
0xce: {  	[sflag:s29] =	ssyncadd.s32 $0xFFFFC000;
	s8 =	sadd.s32 s2, s8  }
0xcf: {  	[tilespmem:s4], [sflag:$0x1] =	stream.linear.gather [hbm4b:s8+s4], $0x800, $0x38;
	[tilespmem:$0x1D000] =	vst v63  }
0xd0: {  	_ = 	snop  }
0xd1: {  	[spmem:s3] =	stream.indirect.scatter.add.f32 [tilespmem:s25], [sflag:$0x5], $0x80, s17, s24, $0xb8;
	[tilespmem:$0x1D000] =	vst v63  }
0xd2: {  	_ =	swait.ge [sflag:s28], $0x4000  }
0xd3: {  	[sflag:s28] =	ssyncset.done $0x0  }
0xd4: {  	[sflag:s28] =	ssyncadd.s32 $0xFFFFC000  }
0xd5: {  	_ =	swait.ge [sflag:s30], $0x4000  }
0xd6: {  	s19 =	rddreg [dreg:$0x5]  }
0xd7: {  	s8 =	sadd.s32 s19, s9  }
0xd8: {  	[sflag:s30] =	ssyncset.done $0x0;
	s8 =	sshll.u32 s8, $0x4  }
0xd9: {  	s19 =	simm.s32 $0x20;
	[sflag:s30] =	ssyncadd.s32 $0xFFFFC000;
	s8 =	sadd.s32 s6, s8  }
.LBB2_4:
0xda: {  	[tilespmem:s22], [sflag:$0x1] =	stream.linear.gather [hbm4b:s8+s4], $0x800, $0x38;
	[tilespmem:$0x1D000] =	vst v63  }
0xdb: {  	_ =	swait.ge [sflag:s23], $0x800  }
0xdc: {  	[sflag:s23] =	ssyncset.done $0x0  }
0xdd: {  	[sflag:s23] =	ssyncadd.s32 $0xFFFFF800  }
0xde: {  	_ =	swait.ge [sflag:s23], $0x800  }
0xdf: {  	[sflag:s23] =	ssyncset.done $0x0  }
0xe0: {  	[sflag:s23] =	ssyncadd.s32 $0xFFFFF800  }
0xe1: {  	[tilespmem:s20], [sflag:$0x2] =	stream.indirect.gather [hbm4b:s5+s24], $0x80, s4, s24, $0xb8;
	[tilespmem:$0x1D000] =	vst v63  }
0xe2: {  	_ = 	snop  }
0xe3: {  	[tilespmem:s25], [sflag:$0x3] =	stream.indirect.gather [hbm4b:s5+s24], $0x80, s24, s24, $0xb8;
	[tilespmem:$0x1D000] =	vst v63  }
0xe4: {  	_ =	swait.ge [sflag:s26], $0x4000  }
0xe5: {  	[sflag:s26] =	ssyncset.done $0x0  }
0xe6: {  	[sflag:s26] =	ssyncadd.s32 $0xFFFFC000  }
0xe7: {  	[spmem:s3] =	stream.indirect.scatter.add.f32 [tilespmem:s20], [sflag:$0x4], $0x80, s22, s24, $0xb8;
	[tilespmem:$0x1D000] =	vst v63  }
0xe8: {  	_ =	swait.ge [sflag:s28], $0x4000  }
0xe9: {  	[sflag:s28] =	ssyncset.done $0x0  }
0xea: {  	s9 =	rddreg [dreg:$0x6];
	[sflag:s28] =	ssyncadd.s32 $0xFFFFC000  }
0xeb: {  	[tilespmem:s20], [sflag:$0x2] =	stream.indirect.gather [hbm4b:s5+s24], $0x80, s9, s24, $0xb8;
	[tilespmem:$0x1D000] =	vst v63  }
0xec: {  	_ =	swait.ge [sflag:s29], $0x4000  }
0xed: {  	[sflag:s29] =	ssyncset.done $0x0  }
0xee: {  	s7 =	rddreg [dreg:$0x7];
	[sflag:s29] =	ssyncadd.s32 $0xFFFFC000  }
0xef: {  	[spmem:s3] =	stream.indirect.scatter.add.f32 [tilespmem:s25], [sflag:$0x5], $0x80, s7, s24, $0xb8;
	[tilespmem:$0x1D000] =	vst v63  }
0xf0: {  	_ =	swait.ge [sflag:s30], $0x4000  }
0xf1: {  	[sflag:s30] =	ssyncset.done $0x0  }
0xf2: {  	s7 =	rddreg [dreg:$0x8];
	[sflag:s30] =	ssyncadd.s32 $0xFFFFC000  }
0xf3: {  	[tilespmem:s25], [sflag:$0x3] =	stream.indirect.gather [hbm4b:s5+s24], $0x80, s7, s24, $0xb8;
	[tilespmem:$0x1D000] =	vst v63  }
0xf4: {  	_ =	swait.ge [sflag:s26], $0x4000  }
0xf5: {  	[sflag:s26] =	ssyncset.done $0x0  }
0xf6: {  	s7 =	rddreg [dreg:$0x9];
	[sflag:s26] =	ssyncadd.s32 $0xFFFFC000  }
0xf7: {  	[spmem:s3] =	stream.indirect.scatter.add.f32 [tilespmem:s20], [sflag:$0x4], $0x80, s7, s24, $0xb8;
	[tilespmem:$0x1D000] =	vst v63  }
0xf8: {  	_ =	swait.ge [sflag:s28], $0x4000  }
0xf9: {  	[sflag:s28] =	ssyncset.done $0x0  }
0xfa: {  	s7 =	rddreg [dreg:$0xa];
	[sflag:s28] =	ssyncadd.s32 $0xFFFFC000  }
0xfb: {  	[tilespmem:s20], [sflag:$0x2] =	stream.indirect.gather [hbm4b:s5+s24], $0x80, s7, s24, $0xb8;
	[tilespmem:$0x1D000] =	vst v63  }
0xfc: {  	_ =	swait.ge [sflag:s29], $0x4000  }
0xfd: {  	[sflag:s29] =	ssyncset.done $0x0  }
0xfe: {  	s7 =	rddreg [dreg:$0xb];
	[sflag:s29] =	ssyncadd.s32 $0xFFFFC000  }
0xff: {  	[spmem:s3] =	stream.indirect.scatter.add.f32 [tilespmem:s25], [sflag:$0x5], $0x80, s7, s24, $0xb8;
	[tilespmem:$0x1D000] =	vst v63  }
0x100: {  	_ =	swait.ge [sflag:s30], $0x4000  }
0x101: {  	[sflag:s30] =	ssyncset.done $0x0  }
0x102: {  	s7 =	rddreg [dreg:$0xc];
	[sflag:s30] =	ssyncadd.s32 $0xFFFFC000  }
0x103: {  	[tilespmem:s25], [sflag:$0x3] =	stream.indirect.gather [hbm4b:s5+s24], $0x80, s7, s24, $0xb8;
	[tilespmem:$0x1D000] =	vst v63  }
0x104: {  	_ =	swait.ge [sflag:s26], $0x4000  }
0x105: {  	[sflag:s26] =	ssyncset.done $0x0  }
0x106: {  	s7 =	rddreg [dreg:$0xd];
	[sflag:s26] =	ssyncadd.s32 $0xFFFFC000  }
0x107: {  	[spmem:s3] =	stream.indirect.scatter.add.f32 [tilespmem:s20], [sflag:$0x4], $0x80, s7, s24, $0xb8;
	[tilespmem:$0x1D000] =	vst v63  }
0x108: {  	_ =	swait.ge [sflag:s28], $0x4000  }
0x109: {  	[sflag:s28] =	ssyncset.done $0x0  }
0x10a: {  	s7 =	rddreg [dreg:$0xe];
	[sflag:s28] =	ssyncadd.s32 $0xFFFFC000  }
0x10b: {  	[tilespmem:s20], [sflag:$0x2] =	stream.indirect.gather [hbm4b:s5+s24], $0x80, s7, s24, $0xb8;
	[tilespmem:$0x1D000] =	vst v63  }
0x10c: {  	_ =	swait.ge [sflag:s29], $0x4000  }
0x10d: {  	[sflag:s29] =	ssyncset.done $0x0  }
0x10e: {  	s7 =	rddreg [dreg:$0xf];
	[sflag:s29] =	ssyncadd.s32 $0xFFFFC000  }
0x10f: {  	[spmem:s3] =	stream.indirect.scatter.add.f32 [tilespmem:s25], [sflag:$0x5], $0x80, s7, s24, $0xb8;
	[tilespmem:$0x1D000] =	vst v63  }
0x110: {  	_ =	swait.ge [sflag:s30], $0x4000  }
0x111: {  	[sflag:s30] =	ssyncset.done $0x0  }
0x112: {  	s7 =	rddreg [dreg:$0x10];
	[sflag:s30] =	ssyncadd.s32 $0xFFFFC000  }
0x113: {  	[tilespmem:s25], [sflag:$0x3] =	stream.indirect.gather [hbm4b:s5+s24], $0x80, s7, s24, $0xb8;
	[tilespmem:$0x1D000] =	vst v63  }
0x114: {  	_ =	swait.ge [sflag:s26], $0x4000  }
0x115: {  	[sflag:s26] =	ssyncset.done $0x0  }
0x116: {  	s7 =	rddreg [dreg:$0x11];
	[sflag:s26] =	ssyncadd.s32 $0xFFFFC000  }
0x117: {  	[spmem:s3] =	stream.indirect.scatter.add.f32 [tilespmem:s20], [sflag:$0x4], $0x80, s7, s24, $0xb8;
	[tilespmem:$0x1D000] =	vst v63  }
0x118: {  	_ =	swait.ge [sflag:s28], $0x4000  }
0x119: {  	[sflag:s28] =	ssyncset.done $0x0  }
0x11a: {  	s7 =	rddreg [dreg:$0x12];
	[sflag:s28] =	ssyncadd.s32 $0xFFFFC000  }
0x11b: {  	[tilespmem:s20], [sflag:$0x2] =	stream.indirect.gather [hbm4b:s5+s24], $0x80, s7, s24, $0xb8;
	[tilespmem:$0x1D000] =	vst v63  }
0x11c: {  	_ =	swait.ge [sflag:s29], $0x4000  }
0x11d: {  	[sflag:s29] =	ssyncset.done $0x0  }
0x11e: {  	s7 =	rddreg [dreg:$0x13];
	[sflag:s29] =	ssyncadd.s32 $0xFFFFC000  }
0x11f: {  	[spmem:s3] =	stream.indirect.scatter.add.f32 [tilespmem:s25], [sflag:$0x5], $0x80, s7, s24, $0xb8;
	[tilespmem:$0x1D000] =	vst v63  }
0x120: {  	_ =	swait.ge [sflag:s30], $0x4000  }
0x121: {  	[sflag:s30] =	ssyncset.done $0x0  }
0x122: {  	s7 =	rddreg [dreg:$0x14];
	[sflag:s30] =	ssyncadd.s32 $0xFFFFC000  }
0x123: {  	[tilespmem:s25], [sflag:$0x3] =	stream.indirect.gather [hbm4b:s5+s24], $0x80, s7, s24, $0xb8;
	[tilespmem:$0x1D000] =	vst v63  }
0x124: {  	_ =	swait.ge [sflag:s26], $0x4000  }
0x125: {  	[sflag:s26] =	ssyncset.done $0x0  }
0x126: {  	s7 =	rddreg [dreg:$0x15];
	[sflag:s26] =	ssyncadd.s32 $0xFFFFC000  }
0x127: {  	[spmem:s3] =	stream.indirect.scatter.add.f32 [tilespmem:s20], [sflag:$0x4], $0x80, s7, s24, $0xb8;
	[tilespmem:$0x1D000] =	vst v63  }
0x128: {  	_ =	swait.ge [sflag:s28], $0x4000  }
0x129: {  	[sflag:s28] =	ssyncset.done $0x0  }
0x12a: {  	s7 =	rddreg [dreg:$0x16];
	[sflag:s28] =	ssyncadd.s32 $0xFFFFC000  }
0x12b: {  	[tilespmem:s20], [sflag:$0x2] =	stream.indirect.gather [hbm4b:s5+s24], $0x80, s7, s24, $0xb8;
	[tilespmem:$0x1D000] =	vst v63  }
0x12c: {  	_ =	swait.ge [sflag:s29], $0x4000  }
0x12d: {  	[sflag:s29] =	ssyncset.done $0x0  }
0x12e: {  	s7 =	rddreg [dreg:$0x17];
	[sflag:s29] =	ssyncadd.s32 $0xFFFFC000  }
0x12f: {  	[spmem:s3] =	stream.indirect.scatter.add.f32 [tilespmem:s25], [sflag:$0x5], $0x80, s7, s24, $0xb8;
	[tilespmem:$0x1D000] =	vst v63  }
0x130: {  	_ =	swait.ge [sflag:s30], $0x4000  }
0x131: {  	[sflag:s30] =	ssyncset.done $0x0  }
0x132: {  	s7 =	rddreg [dreg:$0x18];
	[sflag:s30] =	ssyncadd.s32 $0xFFFFC000  }
0x133: {  	[tilespmem:s25], [sflag:$0x3] =	stream.indirect.gather [hbm4b:s5+s24], $0x80, s7, s24, $0xb8;
	[tilespmem:$0x1D000] =	vst v63  }
0x134: {  	_ =	swait.ge [sflag:s26], $0x4000  }
0x135: {  	[sflag:s26] =	ssyncset.done $0x0  }
0x136: {  	s7 =	rddreg [dreg:$0x19];
	[sflag:s26] =	ssyncadd.s32 $0xFFFFC000  }
0x137: {  	[spmem:s3] =	stream.indirect.scatter.add.f32 [tilespmem:s20], [sflag:$0x4], $0x80, s7, s24, $0xb8;
	[tilespmem:$0x1D000] =	vst v63  }
0x138: {  	_ =	swait.ge [sflag:s28], $0x4000  }
0x139: {  	[sflag:s28] =	ssyncset.done $0x0  }
0x13a: {  	[sflag:s28] =	ssyncadd.s32 $0xFFFFC000  }
0x13b: {  	[tilespmem:s20], [sflag:$0x2] =	stream.indirect.gather [hbm4b:s5+s24], $0x80, s31, s24, $0xb8;
	[tilespmem:$0x1D000] =	vst v63  }
0x13c: {  	_ =	swait.ge [sflag:s29], $0x4000  }
0x13d: {  	[sflag:s29] =	ssyncset.done $0x0  }
0x13e: {  	[sflag:s29] =	ssyncadd.s32 $0xFFFFC000  }
0x13f: {  	[spmem:s3] =	stream.indirect.scatter.add.f32 [tilespmem:s25], [sflag:$0x5], $0x80, s0, s24, $0xb8;
	[tilespmem:$0x1D000] =	vst v63  }
0x140: {  	_ =	swait.ge [sflag:s30], $0x4000  }
0x141: {  	[sflag:s30] =	ssyncset.done $0x0  }
0x142: {  	[sflag:s30] =	ssyncadd.s32 $0xFFFFC000  }
0x143: {  	[tilespmem:s25], [sflag:$0x3] =	stream.indirect.gather [hbm4b:s5+s24], $0x80, s1, s24, $0xb8;
	[tilespmem:$0x1D000] =	vst v63  }
0x144: {  	_ =	swait.ge [sflag:s26], $0x4000  }
0x145: {  	[sflag:s26] =	ssyncset.done $0x0  }
0x146: {  	[sflag:s26] =	ssyncadd.s32 $0xFFFFC000  }
0x147: {  	[spmem:s3] =	stream.indirect.scatter.add.f32 [tilespmem:s20], [sflag:$0x4], $0x80, s12, s24, $0xb8;
	[tilespmem:$0x1D000] =	vst v63  }
0x148: {  	_ =	swait.ge [sflag:s28], $0x4000  }
0x149: {  	[sflag:s28] =	ssyncset.done $0x0  }
0x14a: {  	[sflag:s28] =	ssyncadd.s32 $0xFFFFC000  }
0x14b: {  	[tilespmem:s20], [sflag:$0x2] =	stream.indirect.gather [hbm4b:s5+s24], $0x80, s13, s24, $0xb8;
	[tilespmem:$0x1D000] =	vst v63  }
0x14c: {  	_ =	swait.ge [sflag:s29], $0x4000  }
0x14d: {  	[sflag:s29] =	ssyncset.done $0x0  }
0x14e: {  	[sflag:s29] =	ssyncadd.s32 $0xFFFFC000  }
0x14f: {  	[spmem:s3] =	stream.indirect.scatter.add.f32 [tilespmem:s25], [sflag:$0x5], $0x80, s14, s24, $0xb8;
	[tilespmem:$0x1D000] =	vst v63  }
0x150: {  	_ =	swait.ge [sflag:s30], $0x4000  }
0x151: {  	[sflag:s30] =	ssyncset.done $0x0  }
0x152: {  	[sflag:s30] =	ssyncadd.s32 $0xFFFFC000  }
0x153: {  	[tilespmem:s25], [sflag:$0x3] =	stream.indirect.gather [hbm4b:s5+s24], $0x80, s15, s24, $0xb8;
	[tilespmem:$0x1D000] =	vst v63  }
0x154: {  	_ =	swait.ge [sflag:s26], $0x4000  }
0x155: {  	[sflag:s26] =	ssyncset.done $0x0  }
0x156: {  	s8 =	smov.u32 s19;
	[sflag:s26] =	ssyncadd.s32 $0xFFFFC000  }
0x157: {  	[spmem:s3] =	stream.indirect.scatter.add.f32 [tilespmem:s20], [sflag:$0x4], $0x80, s16, s24, $0xb8;
	[tilespmem:$0x1D000] =	vst v63  }
0x158: {  	p1 =	seq.s32 s8, $0xA0;
	_ =	swait.ge [sflag:s29], $0x4000  }
0x159: {  	s8 =	simm.s32 @p1 $0x0;
	s7 =	rddreg [dreg:$0x4]  }
0x15a: {  	s9 =	sadd.s32 s7, s8  }
0x15b: {  	[sflag:s29] =	ssyncset.done $0x0;
	s9 =	sshll.u32 s9, $0x4  }
0x15c: {  	[sflag:s29] =	ssyncadd.s32 $0xFFFFC000;
	s9 =	sadd.s32 s2, s9  }
0x15d: {  	[tilespmem:s4], [sflag:$0x1] =	stream.linear.gather [hbm4b:s9+s4], $0x800, $0x38;
	[tilespmem:$0x1D000] =	vst v63  }
0x15e: {  	_ = 	snop  }
0x15f: {  	[spmem:s3] =	stream.indirect.scatter.add.f32 [tilespmem:s25], [sflag:$0x5], $0x80, s17, s24, $0xb8;
	[tilespmem:$0x1D000] =	vst v63  }
0x160: {  	_ =	swait.ge [sflag:s28], $0x4000  }
0x161: {  	[sflag:s28] =	ssyncset.done $0x0  }
0x162: {  	p0 =	sne.s32 s19, $0xA0;
	[sflag:s28] =	ssyncadd.s32 $0xFFFFC000  }
.Ltmp1:
0x163: {  	_ =	swait.ge [sflag:s30], $0x4000;
	(pc) =	sbr.rel @p0 .LBB2_4-.Ltmp1, $4  }
0x164: {  	s7 =	rddreg [dreg:$0x5]  }
0x165: {  	s8 =	sadd.s32 s7, s8  }
0x166: {  	[sflag:s30] =	ssyncset.done $0x0;
	s8 =	sshll.u32 s8, $0x4  }
0x167: {  	s19 =	sadd.s32 $0x10, s19;
	[sflag:s30] =	ssyncadd.s32 $0xFFFFC000;
	s8 =	sadd.s32 s6, s8  }
0x168: {  	[tilespmem:s22], [sflag:$0x1] =	stream.linear.gather [hbm4b:s8+s4], $0x800, $0x38;
	[tilespmem:$0x1D000] =	vst v63  }
0x169: {  	_ =	swait.ge [sflag:s23], $0x800  }
0x16a: {  	[sflag:s23] =	ssyncset.done $0x0  }
0x16b: {  	[sflag:s23] =	ssyncadd.s32 $0xFFFFF800  }
0x16c: {  	_ =	swait.ge [sflag:s23], $0x800  }
0x16d: {  	[sflag:s23] =	ssyncset.done $0x0  }
0x16e: {  	[sflag:s23] =	ssyncadd.s32 $0xFFFFF800  }
0x16f: {  	s9 =	stileid.u32;
	[bflag:$0x0] =	sbarrier.arrive $0xFFFF  }
0x170: {  	s8 =	sshll.u32 s9, $0x6;
	s7 =	rddreg [dreg:$0x1a]  }
0x171: {  	s8 =	sor.u32 $0x1C06, s8;
	s19 =	rddreg [dreg:$0x1f];
	s9 =	sshrl.u32 s7, $0x3  }
0x172: {  	[hbm:s19], [sflag:s8] =	dma.local [spmem:s9], $0x800  }
0x173: {  	_ =	swait.ge [sflag:s21], $0x800  }
0x174: {  	s19 =	sld [smem:$0x7F9]  }
0x175: {  	[sflag:s21] =	ssyncset.done $0x0  }
0x176: {  	s7 =	sshrl.u32 s10, $0x3;
	[sflag:s21] =	ssyncadd.s32 $0xFFFFF800  }
0x177: {  	[hbm:s19], [sflag:s8] =	dma.local [spmem:s7], $0x800  }
0x178: {  	_ =	swait.ge [sflag:s21], $0x800  }
0x179: {  	s19 =	sld [smem:$0x7FA]  }
0x17a: {  	[sflag:s21] =	ssyncset.done $0x0  }
0x17b: {  	s7 =	sshrl.u32 s11, $0x3;
	[sflag:s21] =	ssyncadd.s32 $0xFFFFF800  }
0x17c: {  	[hbm:s19], [sflag:s8] =	dma.local [spmem:s7], $0x800  }
0x17d: {  	_ =	swait.ge [sflag:s21], $0x800  }
0x17e: {  	s19 =	rddreg [dreg:$0x1b]  }
0x17f: {  	s7 =	sshrl.u32 s19, $0x3;
	s19 =	sld [smem:$0x7FB]  }
0x180: {  	[sflag:s21] =	ssyncset.done $0x0  }
0x181: {  	[sflag:s21] =	ssyncadd.s32 $0xFFFFF800  }
0x182: {  	[hbm:s19], [sflag:s8] =	dma.local [spmem:s7], $0x800  }
0x183: {  	_ =	swait.ge [sflag:s21], $0x800  }
0x184: {  	s19 =	rddreg [dreg:$0x1c]  }
0x185: {  	s7 =	sshrl.u32 s19, $0x3;
	s19 =	sld [smem:$0x7FC]  }
0x186: {  	[sflag:s21] =	ssyncset.done $0x0  }
0x187: {  	[sflag:s21] =	ssyncadd.s32 $0xFFFFF800  }
0x188: {  	[hbm:s19], [sflag:s8] =	dma.local [spmem:s7], $0x800  }
0x189: {  	_ =	swait.ge [sflag:s21], $0x800  }
0x18a: {  	s19 =	sld [smem:$0x7FD];
	_ =	sdelay $0x1  }
0x18b: {  	s18 =	sadd.s32 $0x1, s18  }
0x18c: {  	p0 =	sne.s32 s18, s19  }
.Ltmp2:
0x18d: {  	_ = 	snop;
	(pc) =	sbr.rel @p0 .LBB2_1-.Ltmp2, $3  }
0x18e: {  	_ =	sdelay $0x1  }
0x18f: {  	[sflag:s21] =	ssyncset.done $0x0  }
0x190: {  	[sflag:s21] =	ssyncadd.s32 $0xFFFFF800  }
0x191: {  	_ =	sfence.sel $0x180000  }
0x192: {  	[bflag:$0x0] =	sbarrier.arrive $0xFFFF  }
0x193: {  	_ =	strace $0x9000004A  }
0x194: {  	s0 =	stileid.u32;
	[bflag:$0x2] =	sbarrier.arrive $0xFFFF  }
0x195: {  	p0 =	sne.s32 s0, $0x0;
	s0 =	rddreg [dreg:$0x3]  }
0x196: {  	s0 =	sadd.s32 @!p0 $0x100000, s0  }
0x197: {  	[sflag:s0] =	ssyncadd.tile.s32 @!p0 $0x1;
	_ =	shalt  }
.Lfunc_end2:
_tile_overlayer_lowered:
.L_overlay_start_2:
0x198: {  	(tag) =	ssettag $0x2  }
0x199: {  	s0 =	rddreg [dreg:$0x0];
	s2 =	stileid.u32  }
0x19a: {  	s1 =	rddreg [dreg:$0x1];
	p0 =	sne.s32 s2, $0x0  }
0x19b: {  	s3 =	rddreg [dreg:$0x2];
	[bflag:$0x3] =	sbarrier.arrive $0xFFFF;
	s2 =	simm.s32 @!p0 $0x1C06  }
0x19c: {  	[timem:s3], [sflag:s2] =	dma.local @!p0 [hbm:s0], s1  }
0x19d: {  	s0 =	simm.s32 @!p0 $0x6  }
0x19e: {  	_ =	swait.ge @!p0 [sflag:s0], s1  }
0x19f: {  	s1 =	ssub.s32 @!p0 $0x0, s1;
	[sflag:s0] =	ssyncset.done @!p0 $0x0  }
0x1a0: {  	[sflag:s0] =	ssyncadd.s32 @!p0 s1  }
0x1a1: {  	[bflag:$0x3] =	sbarrier.arrive $0xFFFF  }
0x1a2: {  	_ =	shalt  }

// kernel: kernel.14.cloned.1.call-start
scs
__scs_entry_jumppad:
0x0: {  	(pc) =	sbr.rel $0x88, $3  }
0x1: {  	(tag) =	ssettag $0x0;
	lr =	simm.s32 $0x1  }
0x2: {  	[smem:$0x3F99] =	sst lr;
	_ =	strace $0xD0000000  }
0x3: {  	_ = 	snop  }
0x4: {  	_ = 	snop  }
0x5: {  	_ = 	snop  }
0x6: {  	_ = 	snop  }
0x7: {  	_ = 	snop  }
__scs_overlays_trampoline_lowered:
0x8: {  	[smem:$0x3FA8] =	sst s0  }
0x9: {  	[smem:$0x3FA9] =	sst s1  }
0xa: {  	[smem:$0x3FAA] =	sst s2  }
0xb: {  	[smem:$0x3FAB] =	sst s3  }
0xc: {  	[smem:$0x3FAC] =	sst s4  }
0xd: {  	[smem:$0x3FAD] =	sst s5  }
0xe: {  	[smem:$0x3FAE] =	sst s6  }
0xf: {  	[smem:$0x3FAF] =	sst s7  }
0x10: {  	[smem:$0x3FB0] =	sst s8  }
0x11: {  	[smem:$0x3FB1] =	sst s9;
	s0 =	simm.s32 @!p0 $0x0  }
0x12: {  	s1 =	sld [smem:$0x3F97];
	s0 =	simm.s32 @p0 $0x1  }
0x13: {  	[smem:$0x3FB2] =	sst s0;
	s0 =	simm.s32 @!p1 $0x0  }
0x14: {  	s2 =	sld [smem:$0x3F96];
	s0 =	simm.s32 @p1 $0x1  }
0x15: {  	[smem:$0x3FB3] =	sst s0;
	s0 =	simm.s32 @!p2 $0x0  }
0x16: {  	s3 =	sld [smem:$0x3FDB];
	s0 =	simm.s32 @p2 $0x1  }
0x17: {  	s4 =	simm.s32 $0x1BF5;
	[smem:$0x3FB5] =	sst s0  }
0x18: {  	s0 =	sld [smem:$0x3F98];
	_ =	swait.ge [sflag:s4], $0x0  }
0x19: {  	s7 =	sld [smem:$0x3F99]  }
0x1a: {  	s8 =	sadd.s32 $0xFFFFE003, lr  }
0x1b: {  	s9 =	sadd.s32 $0xFFFFFEF7, lr;
	s5 =	simm.s32 $0xFFFFFFFF;
	p2 =	slt.u32 s8, $0xFFFFF086  }
0x1c: {  	p1 =	slt.u32 s9, $0xF7A;
	s5 =	simm.s32 @!p2 $0x0  }
0x1d: {  	s5 =	simm.s32 @p1 $0x1;
	p0 =	seq.s32 s7, s2  }
0x1e: {  	s7 =	smul.u32 @!p0 $0xF7A, s2;
	p2 =	seq.s32 @!p0 s5, $0x0  }
0x1f: {  	s9 =	smul.u32 $0xF7A, s1;
	s8 =	simm.s32 @!p0 $0x1BF5;
	p2 =	por !p2, p0  }
0x20: {  	[sflag:s8] =	ssyncset.s32 @!p0 $0xFFFFF086;
	s6 =	sadd.s32 @!p0 s3, s7;
	s7 =	simm.s32 @!p0 $0x108  }
0x21: {  	s3 =	sadd.s32 s3, s9;
	s6 =	sadd.s32 @!p0 $0x88, s6;
	s7 =	simm.s32 @p2 $0x1082  }
0x22: {  	[simem:s7], [sflag:s8] =	dma.local @!p0 [hbm:s6], $0xF7A  }
0x23: {  	s9 =	sor.u32 $0xD0000000, s2;
	s6 =	simm.s32 $0x108;
	_ =	swait.ge @!p0 [sflag:s8], $0x0  }
0x24: {  	s3 =	sadd.s32 $0x88, s3;
	s6 =	simm.s32 @!p1 $0x1082;
	[sflag:s4] =	ssyncset.s32 $0xFFFFF086  }
0x25: {  	[simem:s6], [sflag:s4] =	dma.local [hbm:s3], $0xF7A  }
0x26: {  	[smem:$0x3F99] =	sst s1;
	(tag) =	ssettag s2;
	_ =	strace s9  }
0x27: {  	s1 =	sld [smem:$0x3FA9]  }
0x28: {  	s2 =	sld [smem:$0x3FAA]  }
0x29: {  	s4 =	sld [smem:$0x3FAC]  }
0x2a: {  	p0 =	seq.s32 s5, $0x0;
	s5 =	sld [smem:$0x3FAD]  }
0x2b: {  	s6 =	sld [smem:$0x3FAE]  }
0x2c: {  	s7 =	sld [smem:$0x3FAF]  }
0x2d: {  	s3 =	simm.s32 $0x108;
	s8 =	sld [smem:$0x3FB0]  }
0x2e: {  	s3 =	simm.s32 @!p0 $0x1082;
	s9 =	sld [smem:$0x3FB1]  }
0x2f: {  	lr =	sadd.s32 s0, s3;
	s0 =	sld [smem:$0x3FA8]  }
0x30: {  	s3 =	sld [smem:$0x3FAB]  }
0x31: {  	[smem:$0x3FB4] =	sst s10  }
0x32: {  	s10 =	sld [smem:$0x3FB2];
	_ =	sdelay $0x3  }
0x33: {  	p0 =	seq.s32 s10, $0x1;
	s10 =	sld [smem:$0x3FB4];
	_ =	sdelay $0x3  }
0x34: {  	[smem:$0x3FB4] =	sst s10  }
0x35: {  	s10 =	sld [smem:$0x3FB3];
	_ =	sdelay $0x3  }
0x36: {  	p1 =	seq.s32 s10, $0x1;
	s10 =	sld [smem:$0x3FB4];
	_ =	sdelay $0x3  }
0x37: {  	[smem:$0x3FB4] =	sst s10  }
0x38: {  	s10 =	sld [smem:$0x3FB5]  }
0x39: {  	_ = 	snop;
	(pc) =	sbr.ind lr, $3  }
0x3a: {  	_ = 	snop  }
0x3b: {  	_ = 	snop  }
0x3c: {  	p2 =	seq.s32 s10, $0x1;
	s10 =	sld [smem:$0x3FB4]  }
0x3d: {  	_ =	shalt  }
0x3e: {  	_ =	shalt  }
0x3f: {  	_ =	shalt  }
0x40: {  	_ =	shalt  }
0x41: {  	_ =	shalt  }
0x42: {  	_ =	shalt  }
0x43: {  	_ =	shalt  }
0x44: {  	_ =	shalt  }
0x45: {  	_ =	shalt  }
0x46: {  	_ =	shalt  }
0x47: {  	_ =	shalt  }
0x48: {  	_ =	shalt  }
0x49: {  	_ =	shalt  }
0x4a: {  	_ =	shalt  }
0x4b: {  	_ =	shalt  }
0x4c: {  	_ =	shalt  }
0x4d: {  	_ =	shalt  }
0x4e: {  	_ =	shalt  }
0x4f: {  	_ =	shalt  }
0x50: {  	_ =	shalt  }
0x51: {  	_ =	shalt  }
0x52: {  	_ =	shalt  }
0x53: {  	_ =	shalt  }
0x54: {  	_ =	shalt  }
0x55: {  	_ =	shalt  }
0x56: {  	_ =	shalt  }
0x57: {  	_ =	shalt  }
0x58: {  	_ =	shalt  }
0x59: {  	_ =	shalt  }
0x5a: {  	_ =	shalt  }
0x5b: {  	_ =	shalt  }
0x5c: {  	_ =	shalt  }
0x5d: {  	_ =	shalt  }
0x5e: {  	_ =	shalt  }
0x5f: {  	_ =	shalt  }
0x60: {  	_ =	shalt  }
0x61: {  	_ =	shalt  }
0x62: {  	_ =	shalt  }
0x63: {  	_ =	shalt  }
0x64: {  	_ =	shalt  }
0x65: {  	_ =	shalt  }
0x66: {  	_ =	shalt  }
0x67: {  	_ =	shalt  }
0x68: {  	_ =	shalt  }
0x69: {  	_ =	shalt  }
0x6a: {  	_ =	shalt  }
0x6b: {  	_ =	shalt  }
0x6c: {  	_ =	shalt  }
0x6d: {  	_ =	shalt  }
0x6e: {  	_ =	shalt  }
0x6f: {  	_ =	shalt  }
0x70: {  	_ =	shalt  }
0x71: {  	_ =	shalt  }
0x72: {  	_ =	shalt  }
0x73: {  	_ =	shalt  }
0x74: {  	_ =	shalt  }
0x75: {  	_ =	shalt  }
0x76: {  	_ =	shalt  }
0x77: {  	_ =	shalt  }
0x78: {  	_ =	shalt  }
0x79: {  	_ =	shalt  }
0x7a: {  	_ =	shalt  }
0x7b: {  	_ =	shalt  }
0x7c: {  	_ =	shalt  }
0x7d: {  	_ =	shalt  }
0x7e: {  	_ =	shalt  }
0x7f: {  	_ =	shalt  }
0x80: {  	_ =	shalt  }
0x81: {  	_ =	shalt  }
0x82: {  	_ =	shalt  }
0x83: {  	_ =	shalt  }
0x84: {  	_ =	shalt  }
0x85: {  	_ =	shalt  }
0x86: {  	_ =	shalt  }
0x87: {  	_ =	shalt  }
.Lfunc_end0:
.L_simem_size_0:
called_computation.2_lowered:
.L_overlay_start_0:
0x88: {  	s2 =	sld [smem:$0x3FD9]  }
0x89: {  	s3 =	sld [smem:$0x3FFE];
	_ =	sdelay $0x1  }
0x8a: {  	s1 =	srdreg.scid  }
0x8b: {  	s0 =	sand.u32 $0x1, s1  }
0x8c: {  	s17 =	sshll.u32 s0, $0xA;
	s2 =	sadd.s32 s3, s2  }
0x8d: {  	s2 =	sadd.s32 s2, s17  }
0x8e: {  	[smem:$0x3FC0] =	sst s2  }
0x8f: {  	_ = 	snop  }
0x90: {  	s2 =	sld [smem:$0x3FD0];
	(tm) =	ssettm $0x1  }
0x91: {  	s18 =	sld [smem:$0x3FFB];
	_ =	sdelay $0x3  }
0x92: {  	_ =	strace s18  }
0x93: {  	s3 =	sld [smem:$0x3FFC];
	_ =	sdelay $0x3  }
0x94: {  	_ =	strace s3  }
0x95: {  	s3 =	sld [smem:$0x3FFD];
	_ =	sdelay $0x3  }
0x96: {  	_ =	strace s3  }
0x97: {  	_ =	strace $0x8FFFFFFF  }
0x98: {  	s19 =	sld [smem:$0x3FDB];
	_ =	sdelay $0x1  }
0x99: {  	s4 =	simm.s32 $_scs_section_size  }
0x9a: {  	s5 =	simm.s32 $_size__tile_overlayer_lowered;
	s6 =	simm.s32 $_tile_overlayer_lowered  }
0x9b: {  	s22 =	simm.s32 $0x1BFF;
	s21 =	sshll.u32 s6, $0x1;
	s3 =	sadd.s32 s4, s19  }
0x9c: {  	s7 =	simm.s32 $0x0;
	s20 =	sshll.u32 s5, $0x1;
	s5 =	sadd.s32 s21, s3  }
0x9d: {  	[timem:s7], [sflag:s22] =	dma.local [hbm:s5], s20  }
0x9e: {  	_ =	swait.ge [sflag:s22], s20  }
0x9f: {  	s4 =	ssub.s32 $0x0, s20;
	[sflag:s22] =	ssyncset.done $0x0  }
0xa0: {  	[sflag:s22] =	ssyncadd.s32 s4;
	_ =	sdelay $0x1  }
0xa1: {  	s23 =	simm.s32 $0x1B8B  }
0xa2: {  	_ =	swait.ge [sflag:s23], $0x1  }
0xa3: {  	[sflag:s23] =	ssyncset.done $0x0  }
0xa4: {  	s25 =	simm.s32 $0x1B8E;
	s24 =	sld [smem:$0x3FFE];
	[sflag:s23] =	ssyncadd.s32 $0xFFFFFFFF  }
0xa5: {  	s26 =	simm.s32 $execute0_lowered;
	[smem:$0x3FD2] =	sst s25  }
0xa6: {  	s5 =	sshll.u32 s26, $0x1;
	_ =	strace $0x8000004C;
	[dreg:$0x1] =	wrdreg $0xFFFFFFFF  }
0xa7: {  	s28 =	simm.s32 $_size_execute0_lowered;
	s3 =	sadd.s32 s3, s5;
	[dreg:$0x0] =	wrdreg $0x0  }
0xa8: {  	s5 =	sshll.u32 s28, $0x1;
	[dreg:$0x2] =	wrdreg s3  }
0xa9: {  	[dreg:$0x3] =	wrdreg s5  }
0xaa: {  	[dreg:$0x4] =	wrdreg $0xC0  }
0xab: {  	_ =	task [dreg:s7], $0x5FFFF  }
0xac: {  	[dreg:$0x1] =	wrdreg $0xFFFFFFFF  }
0xad: {  	[dreg:$0x0] =	wrdreg $0x60  }
0xae: {  	[dreg:$0x2] =	wrdreg s24  }
0xaf: {  	[dreg:$0x3] =	wrdreg s2  }
0xb0: {  	[dreg:$0x4] =	wrdreg $0x90000  }
0xb1: {  	[dreg:$0x5] =	wrdreg $0x9  }
0xb2: {  	_ =	task.clear_ibuf [dreg:s7], $0x6FFFF;
	_ =	strace $0x9000004C  }
0xb3: {  	s29 =	simm.s32 $0x9;
	_ =	strace $0x8000004E  }
0xb4: {  	_ =	swait.ge [sflag:s29], $0x1  }
0xb5: {  	[sflag:s29] =	ssyncadd.s32 $0xFFFFFFFF  }
0xb6: {  	_ =	strace $0x9000004E  }
0xb7: {  	_ =	sfence  }
0xb8: {  	s30 =	sld [smem:$0x0];
	_ =	sdelay $0x2  }
0xb9: {  	s31 =	sshll.u32 s1, $0xD;
	s1 =	sshrl.u32 s1, $0x2  }
0xba: {  	s3 =	sand.u32 $0x4000, s31;
	s1 =	sadd.s32 s1, s30  }
0xbb: {  	s0 =	sor.u32 s3, s0;
	s1 =	sshll.u32 s1, $0x11  }
0xbc: {  	s0 =	sor.u32 s1, s0  }
0xbd: {  	s0 =	sadd.s32 $0x8F2B, s0  }
0xbe: {  	[sflag:s0] =	ssyncadd.remote.s32 $0x1  }
0xbf: {  	_ =	sfence.sel $0xFFFF  }
0xc0: {  	[dreg:$0x0] =	wrdreg $0xFFFFFFFF;
	(pc) =	sbr.abs _section_cstart, $3  }
0xc1: {  	[dreg:$0x1] =	wrdreg $0xFFFFFFFF  }
0xc2: {  	_ =	task.clear_ibuf [dreg:s7], $0x2FFFF;
	_ =	strace $0x9FFFFFFF  }
0xc3: {  	(tm) =	ssettm $0x7FFFFFFF  }
tec
execute0_lowered:
.L_overlay_start_1:
0x0: {  	(tag) =	ssettag $0x1  }
0x1: {  	s0 =	rddreg [dreg:$0x0]  }
0x2: {  	s2 =	rddreg [dreg:$0x1]  }
0x3: {  	s3 =	rddreg [dreg:$0x2]  }
0x4: {  	s1 =	srdreg.scid;
	s12 =	stileid.u32  }
0x5: {  	s4 =	simm.s32 $0x0;
	s16 =	simm.s32 $0x100;
	s18 =	simm.s32 $0x880  }
0x6: {  	s20 =	simm.s32 $0x180;
	s21 =	simm.s32 $0x900;
	[smem:$0x7FF] =	sst s4  }
0x7: {  	s22 =	simm.s32 $0x200;
	_ =	strace $0x8000004D;
	[dreg:$0x6] =	wrdreg s16  }
0x8: {  	s23 =	simm.s32 $0x980;
	s24 =	simm.s32 $0x280;
	[dreg:$0x7] =	wrdreg s18  }
0x9: {  	s25 =	simm.s32 $0xA00;
	s26 =	simm.s32 $0x300;
	[dreg:$0x8] =	wrdreg s20  }
0xa: {  	s28 =	simm.s32 $0x4;
	s29 =	simm.s32 $0x3;
	[dreg:$0x9] =	wrdreg s21  }
0xb: {  	s30 =	simm.s32 $0x5;
	s6 =	smul.u32 $0x280, s12;
	[dreg:$0xa] =	wrdreg s22  }
0xc: {  	s31 =	simm.s32 $0x600;
	s15 =	smul.u32 $0xA0, s12;
	[dreg:$0xb] =	wrdreg s23  }
0xd: {  	s1 =	sand.u32 $0x1, s1;
	s11 =	smul.u32 $0x50000, s12;
	[dreg:$0xc] =	wrdreg s24  }
0xe: {  	s5 =	sadd.s32 $0x5C000, s0;
	s7 =	smul.u32 $0x2800, s1;
	[dreg:$0xd] =	wrdreg s25  }
0xf: {  	s8 =	sshll.u32 s1, $0x4;
	s1 =	ssub.s32 $0x2, s1;
	[dreg:$0xe] =	wrdreg s26  }
0x10: {  	s21 =	simm.s32 $0x480;
	s22 =	simm.s32 $0xC00;
	[dreg:$0x5] =	wrdreg s15  }
0x11: {  	s23 =	simm.s32 $0x500;
	s24 =	simm.s32 $0xC80;
	[dreg:$0x14] =	wrdreg s21  }
0x12: {  	s25 =	simm.s32 $0x580;
	s26 =	simm.s32 $0xD00;
	[dreg:$0x15] =	wrdreg s22  }
0x13: {  	s8 =	sor.u32 s12, s8;
	s10 =	sshrl.u32 s1, $0x1;
	[dreg:$0x16] =	wrdreg s23  }
0x14: {  	s17 =	sshrl.u32 s11, $0x2;
	s12 =	smul.u32 $0xA00, s12;
	[dreg:$0x17] =	wrdreg s24  }
0x15: {  	s15 =	simm.s32 $0xB00;
	s21 =	simm.s32 $0x6;
	[dreg:$0x18] =	wrdreg s25  }
0x16: {  	s22 =	simm.s32 $0x800;
	s23 =	simm.s32 $0x1;
	[dreg:$0x19] =	wrdreg s26  }
0x17: {  	s24 =	simm.s32 $0x80;
	s19 =	sadd.s32 s17, s3;
	[dreg:$0x11] =	wrdreg s15  }
0x18: {  	s9 =	smul.u32 $0xA0, s8;
	s17 =	simm.s32 $0x400;
	[dreg:$0x1a] =	wrdreg s19  }
0x19: {  	s7 =	sadd.s32 s6, s7;
	s6 =	sadd.s32 $0x2000, s0;
	[dreg:$0x12] =	wrdreg s17  }
0x1a: {  	s1 =	ssub.s32 s1, s10;
	s13 =	sadd.s32 $0xC000, s19;
	[dreg:$0x4] =	wrdreg s9  }
0x1b: {  	s8 =	smul.u32 $0xA00, s8;
	s12 =	sadd.s32 s6, s12;
	[dreg:$0x1b] =	wrdreg s13  }
0x1c: {  	s7 =	sshll.u32 s7, $0x4;
	s1 =	smax.u32 s1, $0x1;
	[dreg:$0x1e] =	wrdreg s12  }
0x1d: {  	s0 =	sadd.s32 s7, s0;
	s7 =	sadd.s32 $0x10000, s19;
	[smem:$0x7FD] =	sst s1  }
0x1e: {  	s25 =	simm.s32 $0x5000;
	s8 =	sadd.s32 s2, s8;
	[dreg:$0x1c] =	wrdreg s7  }
0x1f: {  	s26 =	simm.s32 $0x2;
	s9 =	simm.s32 $0xA80;
	[dreg:$0x1d] =	wrdreg s8  }
0x20: {  	s10 =	sadd.s32 $0x4000, s19;
	s13 =	simm.s32 $0x380;
	[dreg:$0xf] =	wrdreg s9  }
0x21: {  	s11 =	sadd.s32 $0x8000, s19;
	s19 =	simm.s32 $0xB80;
	[dreg:$0x10] =	wrdreg s13  }
0x22: {  	s15 =	simm.s32 $0x780;
	s14 =	sadd.s32 $0xAC000, s0;
	[dreg:$0x13] =	wrdreg s19  }
0x23: {  	s17 =	simm.s32 $0xF80;
	s16 =	sadd.s32 $0xAC800, s0;
	[dreg:$0x1f] =	wrdreg s14  }
0x24: {  	s1 =	simm.s32 $0x680;
	s18 =	sadd.s32 $0xAD000, s0;
	[smem:$0x7F9] =	sst s16  }
0x25: {  	s12 =	simm.s32 $0xE00;
	s20 =	sadd.s32 $0xAD800, s0;
	[smem:$0x7FA] =	sst s18  }
0x26: {  	s0 =	sadd.s32 $0xAE000, s0;
	s13 =	simm.s32 $0x700;
	[smem:$0x7FB] =	sst s20  }
0x27: {  	[smem:$0x7FC] =	sst s0;
	s20 =	simm.s32 $0x1000;
	s0 =	simm.s32 $0xD80  }
0x28: {  	v0 =	vimm.f32 $0.0e+00;
	s14 =	simm.s32 $0xE80;
	s16 =	simm.s32 $0xF00;
	s18 =	simm.s32 $0x0  }
.LBB2_1:
0x29: {  	s7 =	smov.u32 s11;
	s8 =	sand.u32 $0xFE00, s4  }
0x2a: {  	s11 =	smov.u32 s10;
	s9 =	sand.u32 $0x70, s4;
	s19 =	sshrl.u32 s8, $0x2  }
0x2b: {  	s8 =	simm.s32 $0x40;
	s9 =	sor.u32 s9, s19;
	s19 =	simm.s32 $0x0  }
.LBB2_2:
0x2c: {  	p0 =	sne.s32 s8, $0xFFC0  }
0x2d: {  	[tilespmem:s9+$0x1000] =	vst v0;
	s19 =	sadd.s32 $0x10, s19;
	s9 =	smov.u32 s8;
	s8 =	sadd.s32 $0x40, s8  }
.Ltmp0:
0x2e: {  	(pc) =	sbr.rel @p0 .LBB2_2-.Ltmp0, $4  }
0x2f: {  	_ = 	snop  }
0x30: {  	s9 =	sand.u32 $0xFE00, s9  }
0x31: {  	s10 =	sand.u32 $0x70, s19;
	s9 =	sshrl.u32 s9, $0x2  }
0x32: {  	s9 =	sor.u32 s10, s9  }
0x33: {  	[tilespmem:s9+$0x1000] =	vst v0;
	s8 =	rddreg [dreg:$0x1a]  }
0x34: {  	[spmem:s8] =	stream.linear.scatter [tilespmem:s20], [sflag:$0x6], $0x4000, $0x38;
	[tilespmem:$0x1D000] =	vst v63  }
0x35: {  	_ =	swait.ge [sflag:s21], $0x4000  }
0x36: {  	[sflag:s21] =	ssyncset.done $0x0  }
0x37: {  	[sflag:s21] =	ssyncadd.s32 $0xFFFFC000  }
0x38: {  	[spmem:s11] =	stream.linear.scatter [tilespmem:s20], [sflag:$0x6], $0x4000, $0x38;
	[tilespmem:$0x1D000] =	vst v63  }
0x39: {  	_ =	swait.ge [sflag:s21], $0x4000  }
0x3a: {  	[sflag:s21] =	ssyncset.done $0x0  }
0x3b: {  	[sflag:s21] =	ssyncadd.s32 $0xFFFFC000  }
0x3c: {  	[spmem:s7] =	stream.linear.scatter [tilespmem:s20], [sflag:$0x6], $0x4000, $0x38;
	[tilespmem:$0x1D000] =	vst v63  }
0x3d: {  	_ =	swait.ge [sflag:s21], $0x4000  }
0x3e: {  	[sflag:s21] =	ssyncset.done $0x0  }
0x3f: {  	s8 =	rddreg [dreg:$0x1b];
	[sflag:s21] =	ssyncadd.s32 $0xFFFFC000  }
0x40: {  	[spmem:s8] =	stream.linear.scatter [tilespmem:s20], [sflag:$0x6], $0x4000, $0x38;
	[tilespmem:$0x1D000] =	vst v63  }
0x41: {  	_ =	swait.ge [sflag:s21], $0x4000  }
0x42: {  	[sflag:s21] =	ssyncset.done $0x0  }
0x43: {  	s9 =	rddreg [dreg:$0x1c];
	[sflag:s21] =	ssyncadd.s32 $0xFFFFC000  }
0x44: {  	[spmem:s9] =	stream.linear.scatter [tilespmem:s20], [sflag:$0x6], $0x4000, $0x38;
	[tilespmem:$0x1D000] =	vst v63  }
0x45: {  	_ =	swait.ge [sflag:s21], $0x4000  }
0x46: {  	[sflag:s21] =	ssyncset.done $0x0  }
0x47: {  	[sflag:s21] =	ssyncadd.s32 $0xFFFFC000  }
0x48: {  	[bflag:$0x0] =	sbarrier.arrive $0xFFFF  }
0x49: {  	s19 =	rddreg [dreg:$0x1d]  }
0x4a: {  	[tilespmem:s4], [sflag:$0x1] =	stream.linear.gather [hbm4b:s19+s4], $0x800, $0x38;
	[tilespmem:$0x1D000] =	vst v63  }
0x4b: {  	s8 =	rddreg [dreg:$0x1e]  }
0x4c: {  	[tilespmem:s22], [sflag:$0x1] =	stream.linear.gather [hbm4b:s8+s4], $0x800, $0x38;
	[tilespmem:$0x1D000] =	vst v63  }
0x4d: {  	_ =	swait.ge [sflag:s23], $0x800  }
0x4e: {  	[sflag:s23] =	ssyncset.done $0x0  }
0x4f: {  	[sflag:s23] =	ssyncadd.s32 $0xFFFFF800  }
0x50: {  	_ =	swait.ge [sflag:s23], $0x800  }
0x51: {  	[sflag:s23] =	ssyncset.done $0x0  }
0x52: {  	[sflag:s23] =	ssyncadd.s32 $0xFFFFF800  }
0x53: {  	[tilespmem:s20], [sflag:$0x2] =	stream.indirect.gather [hbm4b:s5+s24], $0x80, s4, s24, $0xb8;
	[tilespmem:$0x1D000] =	vst v63  }
0x54: {  	_ = 	snop  }
0x55: {  	[tilespmem:s25], [sflag:$0x3] =	stream.indirect.gather [hbm4b:s5+s24], $0x80, s24, s24, $0xb8;
	[tilespmem:$0x1D000] =	vst v63  }
0x56: {  	_ =	swait.ge [sflag:s26], $0x4000  }
0x57: {  	[sflag:s26] =	ssyncset.done $0x0  }
0x58: {  	[sflag:s26] =	ssyncadd.s32 $0xFFFFC000  }
0x59: {  	[spmem:s3] =	stream.indirect.scatter.add.f32 [tilespmem:s20], [sflag:$0x4], $0x80, s22, s24, $0xb8;
	[tilespmem:$0x1D000] =	vst v63  }
0x5a: {  	_ =	swait.ge [sflag:s28], $0x4000  }
0x5b: {  	[sflag:s28] =	ssyncset.done $0x0  }
0x5c: {  	s9 =	rddreg [dreg:$0x6];
	[sflag:s28] =	ssyncadd.s32 $0xFFFFC000  }
0x5d: {  	[tilespmem:s20], [sflag:$0x2] =	stream.indirect.gather [hbm4b:s5+s24], $0x80, s9, s24, $0xb8;
	[tilespmem:$0x1D000] =	vst v63  }
0x5e: {  	_ =	swait.ge [sflag:s29], $0x4000  }
0x5f: {  	[sflag:s29] =	ssyncset.done $0x0  }
0x60: {  	s19 =	rddreg [dreg:$0x7];
	[sflag:s29] =	ssyncadd.s32 $0xFFFFC000  }
0x61: {  	[spmem:s3] =	stream.indirect.scatter.add.f32 [tilespmem:s25], [sflag:$0x5], $0x80, s19, s24, $0xb8;
	[tilespmem:$0x1D000] =	vst v63  }
0x62: {  	_ =	swait.ge [sflag:s30], $0x4000  }
0x63: {  	s10 =	smov.u32 s11;
	[sflag:s30] =	ssyncset.done $0x0  }
0x64: {  	s11 =	smov.u32 s7;
	s7 =	rddreg [dreg:$0x8];
	[sflag:s30] =	ssyncadd.s32 $0xFFFFC000  }
0x65: {  	[tilespmem:s25], [sflag:$0x3] =	stream.indirect.gather [hbm4b:s5+s24], $0x80, s7, s24, $0xb8;
	[tilespmem:$0x1D000] =	vst v63  }
0x66: {  	_ =	swait.ge [sflag:s26], $0x4000  }
0x67: {  	[sflag:s26] =	ssyncset.done $0x0  }
0x68: {  	s9 =	rddreg [dreg:$0x9];
	[sflag:s26] =	ssyncadd.s32 $0xFFFFC000  }
0x69: {  	[spmem:s3] =	stream.indirect.scatter.add.f32 [tilespmem:s20], [sflag:$0x4], $0x80, s9, s24, $0xb8;
	[tilespmem:$0x1D000] =	vst v63  }
0x6a: {  	_ =	swait.ge [sflag:s28], $0x4000  }
0x6b: {  	[sflag:s28] =	ssyncset.done $0x0  }
0x6c: {  	s19 =	rddreg [dreg:$0xa];
	[sflag:s28] =	ssyncadd.s32 $0xFFFFC000  }
0x6d: {  	[tilespmem:s20], [sflag:$0x2] =	stream.indirect.gather [hbm4b:s5+s24], $0x80, s19, s24, $0xb8;
	[tilespmem:$0x1D000] =	vst v63  }
0x6e: {  	_ =	swait.ge [sflag:s29], $0x4000  }
0x6f: {  	[sflag:s29] =	ssyncset.done $0x0  }
0x70: {  	s7 =	rddreg [dreg:$0xb];
	[sflag:s29] =	ssyncadd.s32 $0xFFFFC000  }
0x71: {  	[spmem:s3] =	stream.indirect.scatter.add.f32 [tilespmem:s25], [sflag:$0x5], $0x80, s7, s24, $0xb8;
	[tilespmem:$0x1D000] =	vst v63  }
0x72: {  	_ =	swait.ge [sflag:s30], $0x4000  }
0x73: {  	[sflag:s30] =	ssyncset.done $0x0  }
0x74: {  	s9 =	rddreg [dreg:$0xc];
	[sflag:s30] =	ssyncadd.s32 $0xFFFFC000  }
0x75: {  	[tilespmem:s25], [sflag:$0x3] =	stream.indirect.gather [hbm4b:s5+s24], $0x80, s9, s24, $0xb8;
	[tilespmem:$0x1D000] =	vst v63  }
0x76: {  	_ =	swait.ge [sflag:s26], $0x4000  }
0x77: {  	[sflag:s26] =	ssyncset.done $0x0  }
0x78: {  	s19 =	rddreg [dreg:$0xd];
	[sflag:s26] =	ssyncadd.s32 $0xFFFFC000  }
0x79: {  	[spmem:s3] =	stream.indirect.scatter.add.f32 [tilespmem:s20], [sflag:$0x4], $0x80, s19, s24, $0xb8;
	[tilespmem:$0x1D000] =	vst v63  }
0x7a: {  	_ =	swait.ge [sflag:s28], $0x4000  }
0x7b: {  	[sflag:s28] =	ssyncset.done $0x0  }
0x7c: {  	s7 =	rddreg [dreg:$0xe];
	[sflag:s28] =	ssyncadd.s32 $0xFFFFC000  }
0x7d: {  	[tilespmem:s20], [sflag:$0x2] =	stream.indirect.gather [hbm4b:s5+s24], $0x80, s7, s24, $0xb8;
	[tilespmem:$0x1D000] =	vst v63  }
0x7e: {  	_ =	swait.ge [sflag:s29], $0x4000  }
0x7f: {  	[sflag:s29] =	ssyncset.done $0x0  }
0x80: {  	s9 =	rddreg [dreg:$0xf];
	[sflag:s29] =	ssyncadd.s32 $0xFFFFC000  }
0x81: {  	[spmem:s3] =	stream.indirect.scatter.add.f32 [tilespmem:s25], [sflag:$0x5], $0x80, s9, s24, $0xb8;
	[tilespmem:$0x1D000] =	vst v63  }
0x82: {  	_ =	swait.ge [sflag:s30], $0x4000  }
0x83: {  	[sflag:s30] =	ssyncset.done $0x0  }
0x84: {  	s19 =	rddreg [dreg:$0x10];
	[sflag:s30] =	ssyncadd.s32 $0xFFFFC000  }
0x85: {  	[tilespmem:s25], [sflag:$0x3] =	stream.indirect.gather [hbm4b:s5+s24], $0x80, s19, s24, $0xb8;
	[tilespmem:$0x1D000] =	vst v63  }
0x86: {  	_ =	swait.ge [sflag:s26], $0x4000  }
0x87: {  	[sflag:s26] =	ssyncset.done $0x0  }
0x88: {  	s7 =	rddreg [dreg:$0x11];
	[sflag:s26] =	ssyncadd.s32 $0xFFFFC000  }
0x89: {  	[spmem:s3] =	stream.indirect.scatter.add.f32 [tilespmem:s20], [sflag:$0x4], $0x80, s7, s24, $0xb8;
	[tilespmem:$0x1D000] =	vst v63  }
0x8a: {  	_ =	swait.ge [sflag:s28], $0x4000  }
0x8b: {  	[sflag:s28] =	ssyncset.done $0x0  }
0x8c: {  	s9 =	rddreg [dreg:$0x12];
	[sflag:s28] =	ssyncadd.s32 $0xFFFFC000  }
0x8d: {  	[tilespmem:s20], [sflag:$0x2] =	stream.indirect.gather [hbm4b:s5+s24], $0x80, s9, s24, $0xb8;
	[tilespmem:$0x1D000] =	vst v63  }
0x8e: {  	_ =	swait.ge [sflag:s29], $0x4000  }
0x8f: {  	[sflag:s29] =	ssyncset.done $0x0  }
0x90: {  	s19 =	rddreg [dreg:$0x13];
	[sflag:s29] =	ssyncadd.s32 $0xFFFFC000  }
0x91: {  	[spmem:s3] =	stream.indirect.scatter.add.f32 [tilespmem:s25], [sflag:$0x5], $0x80, s19, s24, $0xb8;
	[tilespmem:$0x1D000] =	vst v63  }
0x92: {  	_ =	swait.ge [sflag:s30], $0x4000  }
0x93: {  	[sflag:s30] =	ssyncset.done $0x0  }
0x94: {  	s7 =	rddreg [dreg:$0x14];
	[sflag:s30] =	ssyncadd.s32 $0xFFFFC000  }
0x95: {  	[tilespmem:s25], [sflag:$0x3] =	stream.indirect.gather [hbm4b:s5+s24], $0x80, s7, s24, $0xb8;
	[tilespmem:$0x1D000] =	vst v63  }
0x96: {  	_ =	swait.ge [sflag:s26], $0x4000  }
0x97: {  	[sflag:s26] =	ssyncset.done $0x0  }
0x98: {  	s9 =	rddreg [dreg:$0x15];
	[sflag:s26] =	ssyncadd.s32 $0xFFFFC000  }
0x99: {  	[spmem:s3] =	stream.indirect.scatter.add.f32 [tilespmem:s20], [sflag:$0x4], $0x80, s9, s24, $0xb8;
	[tilespmem:$0x1D000] =	vst v63  }
0x9a: {  	_ =	swait.ge [sflag:s28], $0x4000  }
0x9b: {  	[sflag:s28] =	ssyncset.done $0x0  }
0x9c: {  	s19 =	rddreg [dreg:$0x16];
	[sflag:s28] =	ssyncadd.s32 $0xFFFFC000  }
0x9d: {  	[tilespmem:s20], [sflag:$0x2] =	stream.indirect.gather [hbm4b:s5+s24], $0x80, s19, s24, $0xb8;
	[tilespmem:$0x1D000] =	vst v63  }
0x9e: {  	_ =	swait.ge [sflag:s29], $0x4000  }
0x9f: {  	[sflag:s29] =	ssyncset.done $0x0  }
0xa0: {  	s7 =	rddreg [dreg:$0x17];
	[sflag:s29] =	ssyncadd.s32 $0xFFFFC000  }
0xa1: {  	[spmem:s3] =	stream.indirect.scatter.add.f32 [tilespmem:s25], [sflag:$0x5], $0x80, s7, s24, $0xb8;
	[tilespmem:$0x1D000] =	vst v63  }
0xa2: {  	_ =	swait.ge [sflag:s30], $0x4000  }
0xa3: {  	[sflag:s30] =	ssyncset.done $0x0  }
0xa4: {  	s9 =	rddreg [dreg:$0x18];
	[sflag:s30] =	ssyncadd.s32 $0xFFFFC000  }
0xa5: {  	[tilespmem:s25], [sflag:$0x3] =	stream.indirect.gather [hbm4b:s5+s24], $0x80, s9, s24, $0xb8;
	[tilespmem:$0x1D000] =	vst v63  }
0xa6: {  	_ =	swait.ge [sflag:s26], $0x4000  }
0xa7: {  	[sflag:s26] =	ssyncset.done $0x0  }
0xa8: {  	s19 =	rddreg [dreg:$0x19];
	[sflag:s26] =	ssyncadd.s32 $0xFFFFC000  }
0xa9: {  	[spmem:s3] =	stream.indirect.scatter.add.f32 [tilespmem:s20], [sflag:$0x4], $0x80, s19, s24, $0xb8;
	[tilespmem:$0x1D000] =	vst v63  }
0xaa: {  	_ =	swait.ge [sflag:s28], $0x4000  }
0xab: {  	[sflag:s28] =	ssyncset.done $0x0  }
0xac: {  	[sflag:s28] =	ssyncadd.s32 $0xFFFFC000  }
0xad: {  	[tilespmem:s20], [sflag:$0x2] =	stream.indirect.gather [hbm4b:s5+s24], $0x80, s31, s24, $0xb8;
	[tilespmem:$0x1D000] =	vst v63  }
0xae: {  	_ =	swait.ge [sflag:s29], $0x4000  }
0xaf: {  	[sflag:s29] =	ssyncset.done $0x0  }
0xb0: {  	[sflag:s29] =	ssyncadd.s32 $0xFFFFC000  }
0xb1: {  	[spmem:s3] =	stream.indirect.scatter.add.f32 [tilespmem:s25], [sflag:$0x5], $0x80, s0, s24, $0xb8;
	[tilespmem:$0x1D000] =	vst v63  }
0xb2: {  	_ =	swait.ge [sflag:s30], $0x4000  }
0xb3: {  	[sflag:s30] =	ssyncset.done $0x0  }
0xb4: {  	[sflag:s30] =	ssyncadd.s32 $0xFFFFC000  }
0xb5: {  	[tilespmem:s25], [sflag:$0x3] =	stream.indirect.gather [hbm4b:s5+s24], $0x80, s1, s24, $0xb8;
	[tilespmem:$0x1D000] =	vst v63  }
0xb6: {  	_ =	swait.ge [sflag:s26], $0x4000  }
0xb7: {  	[sflag:s26] =	ssyncset.done $0x0  }
0xb8: {  	[sflag:s26] =	ssyncadd.s32 $0xFFFFC000  }
0xb9: {  	[spmem:s3] =	stream.indirect.scatter.add.f32 [tilespmem:s20], [sflag:$0x4], $0x80, s12, s24, $0xb8;
	[tilespmem:$0x1D000] =	vst v63  }
0xba: {  	_ =	swait.ge [sflag:s28], $0x4000  }
0xbb: {  	[sflag:s28] =	ssyncset.done $0x0  }
0xbc: {  	[sflag:s28] =	ssyncadd.s32 $0xFFFFC000  }
0xbd: {  	[tilespmem:s20], [sflag:$0x2] =	stream.indirect.gather [hbm4b:s5+s24], $0x80, s13, s24, $0xb8;
	[tilespmem:$0x1D000] =	vst v63  }
0xbe: {  	_ =	swait.ge [sflag:s29], $0x4000  }
0xbf: {  	[sflag:s29] =	ssyncset.done $0x0  }
0xc0: {  	[sflag:s29] =	ssyncadd.s32 $0xFFFFC000  }
0xc1: {  	[spmem:s3] =	stream.indirect.scatter.add.f32 [tilespmem:s25], [sflag:$0x5], $0x80, s14, s24, $0xb8;
	[tilespmem:$0x1D000] =	vst v63  }
0xc2: {  	_ =	swait.ge [sflag:s30], $0x4000  }
0xc3: {  	[sflag:s30] =	ssyncset.done $0x0  }
0xc4: {  	[sflag:s30] =	ssyncadd.s32 $0xFFFFC000  }
0xc5: {  	[tilespmem:s25], [sflag:$0x3] =	stream.indirect.gather [hbm4b:s5+s24], $0x80, s15, s24, $0xb8;
	[tilespmem:$0x1D000] =	vst v63  }
0xc6: {  	_ =	swait.ge [sflag:s26], $0x4000  }
0xc7: {  	[sflag:s26] =	ssyncset.done $0x0  }
0xc8: {  	[sflag:s26] =	ssyncadd.s32 $0xFFFFC000  }
0xc9: {  	[spmem:s3] =	stream.indirect.scatter.add.f32 [tilespmem:s20], [sflag:$0x4], $0x80, s16, s24, $0xb8;
	[tilespmem:$0x1D000] =	vst v63  }
0xca: {  	p0 =	por $0x0, $0x0;
	s9 =	simm.s32 $0x10;
	_ =	swait.ge [sflag:s29], $0x4000  }
0xcb: {  	s9 =	simm.s32 @p0 $0x0;
	s7 =	rddreg [dreg:$0x4]  }
0xcc: {  	s8 =	sadd.s32 s7, s9  }
0xcd: {  	[sflag:s29] =	ssyncset.done $0x0;
	s8 =	sshll.u32 s8, $0x4  }
0xce: {  	[sflag:s29] =	ssyncadd.s32 $0xFFFFC000;
	s8 =	sadd.s32 s2, s8  }
0xcf: {  	[tilespmem:s4], [sflag:$0x1] =	stream.linear.gather [hbm4b:s8+s4], $0x800, $0x38;
	[tilespmem:$0x1D000] =	vst v63  }
0xd0: {  	_ = 	snop  }
0xd1: {  	[spmem:s3] =	stream.indirect.scatter.add.f32 [tilespmem:s25], [sflag:$0x5], $0x80, s17, s24, $0xb8;
	[tilespmem:$0x1D000] =	vst v63  }
0xd2: {  	_ =	swait.ge [sflag:s28], $0x4000  }
0xd3: {  	[sflag:s28] =	ssyncset.done $0x0  }
0xd4: {  	[sflag:s28] =	ssyncadd.s32 $0xFFFFC000  }
0xd5: {  	_ =	swait.ge [sflag:s30], $0x4000  }
0xd6: {  	s19 =	rddreg [dreg:$0x5]  }
0xd7: {  	s8 =	sadd.s32 s19, s9  }
0xd8: {  	[sflag:s30] =	ssyncset.done $0x0;
	s8 =	sshll.u32 s8, $0x4  }
0xd9: {  	s19 =	simm.s32 $0x20;
	[sflag:s30] =	ssyncadd.s32 $0xFFFFC000;
	s8 =	sadd.s32 s6, s8  }
.LBB2_4:
0xda: {  	[tilespmem:s22], [sflag:$0x1] =	stream.linear.gather [hbm4b:s8+s4], $0x800, $0x38;
	[tilespmem:$0x1D000] =	vst v63  }
0xdb: {  	_ =	swait.ge [sflag:s23], $0x800  }
0xdc: {  	[sflag:s23] =	ssyncset.done $0x0  }
0xdd: {  	[sflag:s23] =	ssyncadd.s32 $0xFFFFF800  }
0xde: {  	_ =	swait.ge [sflag:s23], $0x800  }
0xdf: {  	[sflag:s23] =	ssyncset.done $0x0  }
0xe0: {  	[sflag:s23] =	ssyncadd.s32 $0xFFFFF800  }
0xe1: {  	[tilespmem:s20], [sflag:$0x2] =	stream.indirect.gather [hbm4b:s5+s24], $0x80, s4, s24, $0xb8;
	[tilespmem:$0x1D000] =	vst v63  }
0xe2: {  	_ = 	snop  }
0xe3: {  	[tilespmem:s25], [sflag:$0x3] =	stream.indirect.gather [hbm4b:s5+s24], $0x80, s24, s24, $0xb8;
	[tilespmem:$0x1D000] =	vst v63  }
0xe4: {  	_ =	swait.ge [sflag:s26], $0x4000  }
0xe5: {  	[sflag:s26] =	ssyncset.done $0x0  }
0xe6: {  	[sflag:s26] =	ssyncadd.s32 $0xFFFFC000  }
0xe7: {  	[spmem:s3] =	stream.indirect.scatter.add.f32 [tilespmem:s20], [sflag:$0x4], $0x80, s22, s24, $0xb8;
	[tilespmem:$0x1D000] =	vst v63  }
0xe8: {  	_ =	swait.ge [sflag:s28], $0x4000  }
0xe9: {  	[sflag:s28] =	ssyncset.done $0x0  }
0xea: {  	s9 =	rddreg [dreg:$0x6];
	[sflag:s28] =	ssyncadd.s32 $0xFFFFC000  }
0xeb: {  	[tilespmem:s20], [sflag:$0x2] =	stream.indirect.gather [hbm4b:s5+s24], $0x80, s9, s24, $0xb8;
	[tilespmem:$0x1D000] =	vst v63  }
0xec: {  	_ =	swait.ge [sflag:s29], $0x4000  }
0xed: {  	[sflag:s29] =	ssyncset.done $0x0  }
0xee: {  	s7 =	rddreg [dreg:$0x7];
	[sflag:s29] =	ssyncadd.s32 $0xFFFFC000  }
0xef: {  	[spmem:s3] =	stream.indirect.scatter.add.f32 [tilespmem:s25], [sflag:$0x5], $0x80, s7, s24, $0xb8;
	[tilespmem:$0x1D000] =	vst v63  }
0xf0: {  	_ =	swait.ge [sflag:s30], $0x4000  }
0xf1: {  	[sflag:s30] =	ssyncset.done $0x0  }
0xf2: {  	s7 =	rddreg [dreg:$0x8];
	[sflag:s30] =	ssyncadd.s32 $0xFFFFC000  }
0xf3: {  	[tilespmem:s25], [sflag:$0x3] =	stream.indirect.gather [hbm4b:s5+s24], $0x80, s7, s24, $0xb8;
	[tilespmem:$0x1D000] =	vst v63  }
0xf4: {  	_ =	swait.ge [sflag:s26], $0x4000  }
0xf5: {  	[sflag:s26] =	ssyncset.done $0x0  }
0xf6: {  	s7 =	rddreg [dreg:$0x9];
	[sflag:s26] =	ssyncadd.s32 $0xFFFFC000  }
0xf7: {  	[spmem:s3] =	stream.indirect.scatter.add.f32 [tilespmem:s20], [sflag:$0x4], $0x80, s7, s24, $0xb8;
	[tilespmem:$0x1D000] =	vst v63  }
0xf8: {  	_ =	swait.ge [sflag:s28], $0x4000  }
0xf9: {  	[sflag:s28] =	ssyncset.done $0x0  }
0xfa: {  	s7 =	rddreg [dreg:$0xa];
	[sflag:s28] =	ssyncadd.s32 $0xFFFFC000  }
0xfb: {  	[tilespmem:s20], [sflag:$0x2] =	stream.indirect.gather [hbm4b:s5+s24], $0x80, s7, s24, $0xb8;
	[tilespmem:$0x1D000] =	vst v63  }
0xfc: {  	_ =	swait.ge [sflag:s29], $0x4000  }
0xfd: {  	[sflag:s29] =	ssyncset.done $0x0  }
0xfe: {  	s7 =	rddreg [dreg:$0xb];
	[sflag:s29] =	ssyncadd.s32 $0xFFFFC000  }
0xff: {  	[spmem:s3] =	stream.indirect.scatter.add.f32 [tilespmem:s25], [sflag:$0x5], $0x80, s7, s24, $0xb8;
	[tilespmem:$0x1D000] =	vst v63  }
0x100: {  	_ =	swait.ge [sflag:s30], $0x4000  }
0x101: {  	[sflag:s30] =	ssyncset.done $0x0  }
0x102: {  	s7 =	rddreg [dreg:$0xc];
	[sflag:s30] =	ssyncadd.s32 $0xFFFFC000  }
0x103: {  	[tilespmem:s25], [sflag:$0x3] =	stream.indirect.gather [hbm4b:s5+s24], $0x80, s7, s24, $0xb8;
	[tilespmem:$0x1D000] =	vst v63  }
0x104: {  	_ =	swait.ge [sflag:s26], $0x4000  }
0x105: {  	[sflag:s26] =	ssyncset.done $0x0  }
0x106: {  	s7 =	rddreg [dreg:$0xd];
	[sflag:s26] =	ssyncadd.s32 $0xFFFFC000  }
0x107: {  	[spmem:s3] =	stream.indirect.scatter.add.f32 [tilespmem:s20], [sflag:$0x4], $0x80, s7, s24, $0xb8;
	[tilespmem:$0x1D000] =	vst v63  }
0x108: {  	_ =	swait.ge [sflag:s28], $0x4000  }
0x109: {  	[sflag:s28] =	ssyncset.done $0x0  }
0x10a: {  	s7 =	rddreg [dreg:$0xe];
	[sflag:s28] =	ssyncadd.s32 $0xFFFFC000  }
0x10b: {  	[tilespmem:s20], [sflag:$0x2] =	stream.indirect.gather [hbm4b:s5+s24], $0x80, s7, s24, $0xb8;
	[tilespmem:$0x1D000] =	vst v63  }
0x10c: {  	_ =	swait.ge [sflag:s29], $0x4000  }
0x10d: {  	[sflag:s29] =	ssyncset.done $0x0  }
0x10e: {  	s7 =	rddreg [dreg:$0xf];
	[sflag:s29] =	ssyncadd.s32 $0xFFFFC000  }
0x10f: {  	[spmem:s3] =	stream.indirect.scatter.add.f32 [tilespmem:s25], [sflag:$0x5], $0x80, s7, s24, $0xb8;
	[tilespmem:$0x1D000] =	vst v63  }
0x110: {  	_ =	swait.ge [sflag:s30], $0x4000  }
0x111: {  	[sflag:s30] =	ssyncset.done $0x0  }
0x112: {  	s7 =	rddreg [dreg:$0x10];
	[sflag:s30] =	ssyncadd.s32 $0xFFFFC000  }
0x113: {  	[tilespmem:s25], [sflag:$0x3] =	stream.indirect.gather [hbm4b:s5+s24], $0x80, s7, s24, $0xb8;
	[tilespmem:$0x1D000] =	vst v63  }
0x114: {  	_ =	swait.ge [sflag:s26], $0x4000  }
0x115: {  	[sflag:s26] =	ssyncset.done $0x0  }
0x116: {  	s7 =	rddreg [dreg:$0x11];
	[sflag:s26] =	ssyncadd.s32 $0xFFFFC000  }
0x117: {  	[spmem:s3] =	stream.indirect.scatter.add.f32 [tilespmem:s20], [sflag:$0x4], $0x80, s7, s24, $0xb8;
	[tilespmem:$0x1D000] =	vst v63  }
0x118: {  	_ =	swait.ge [sflag:s28], $0x4000  }
0x119: {  	[sflag:s28] =	ssyncset.done $0x0  }
0x11a: {  	s7 =	rddreg [dreg:$0x12];
	[sflag:s28] =	ssyncadd.s32 $0xFFFFC000  }
0x11b: {  	[tilespmem:s20], [sflag:$0x2] =	stream.indirect.gather [hbm4b:s5+s24], $0x80, s7, s24, $0xb8;
	[tilespmem:$0x1D000] =	vst v63  }
0x11c: {  	_ =	swait.ge [sflag:s29], $0x4000  }
0x11d: {  	[sflag:s29] =	ssyncset.done $0x0  }
0x11e: {  	s7 =	rddreg [dreg:$0x13];
	[sflag:s29] =	ssyncadd.s32 $0xFFFFC000  }
0x11f: {  	[spmem:s3] =	stream.indirect.scatter.add.f32 [tilespmem:s25], [sflag:$0x5], $0x80, s7, s24, $0xb8;
	[tilespmem:$0x1D000] =	vst v63  }
0x120: {  	_ =	swait.ge [sflag:s30], $0x4000  }
0x121: {  	[sflag:s30] =	ssyncset.done $0x0  }
0x122: {  	s7 =	rddreg [dreg:$0x14];
	[sflag:s30] =	ssyncadd.s32 $0xFFFFC000  }
0x123: {  	[tilespmem:s25], [sflag:$0x3] =	stream.indirect.gather [hbm4b:s5+s24], $0x80, s7, s24, $0xb8;
	[tilespmem:$0x1D000] =	vst v63  }
0x124: {  	_ =	swait.ge [sflag:s26], $0x4000  }
0x125: {  	[sflag:s26] =	ssyncset.done $0x0  }
0x126: {  	s7 =	rddreg [dreg:$0x15];
	[sflag:s26] =	ssyncadd.s32 $0xFFFFC000  }
0x127: {  	[spmem:s3] =	stream.indirect.scatter.add.f32 [tilespmem:s20], [sflag:$0x4], $0x80, s7, s24, $0xb8;
	[tilespmem:$0x1D000] =	vst v63  }
0x128: {  	_ =	swait.ge [sflag:s28], $0x4000  }
0x129: {  	[sflag:s28] =	ssyncset.done $0x0  }
0x12a: {  	s7 =	rddreg [dreg:$0x16];
	[sflag:s28] =	ssyncadd.s32 $0xFFFFC000  }
0x12b: {  	[tilespmem:s20], [sflag:$0x2] =	stream.indirect.gather [hbm4b:s5+s24], $0x80, s7, s24, $0xb8;
	[tilespmem:$0x1D000] =	vst v63  }
0x12c: {  	_ =	swait.ge [sflag:s29], $0x4000  }
0x12d: {  	[sflag:s29] =	ssyncset.done $0x0  }
0x12e: {  	s7 =	rddreg [dreg:$0x17];
	[sflag:s29] =	ssyncadd.s32 $0xFFFFC000  }
0x12f: {  	[spmem:s3] =	stream.indirect.scatter.add.f32 [tilespmem:s25], [sflag:$0x5], $0x80, s7, s24, $0xb8;
	[tilespmem:$0x1D000] =	vst v63  }
0x130: {  	_ =	swait.ge [sflag:s30], $0x4000  }
0x131: {  	[sflag:s30] =	ssyncset.done $0x0  }
0x132: {  	s7 =	rddreg [dreg:$0x18];
	[sflag:s30] =	ssyncadd.s32 $0xFFFFC000  }
0x133: {  	[tilespmem:s25], [sflag:$0x3] =	stream.indirect.gather [hbm4b:s5+s24], $0x80, s7, s24, $0xb8;
	[tilespmem:$0x1D000] =	vst v63  }
0x134: {  	_ =	swait.ge [sflag:s26], $0x4000  }
0x135: {  	[sflag:s26] =	ssyncset.done $0x0  }
0x136: {  	s7 =	rddreg [dreg:$0x19];
	[sflag:s26] =	ssyncadd.s32 $0xFFFFC000  }
0x137: {  	[spmem:s3] =	stream.indirect.scatter.add.f32 [tilespmem:s20], [sflag:$0x4], $0x80, s7, s24, $0xb8;
	[tilespmem:$0x1D000] =	vst v63  }
0x138: {  	_ =	swait.ge [sflag:s28], $0x4000  }
0x139: {  	[sflag:s28] =	ssyncset.done $0x0  }
0x13a: {  	[sflag:s28] =	ssyncadd.s32 $0xFFFFC000  }
0x13b: {  	[tilespmem:s20], [sflag:$0x2] =	stream.indirect.gather [hbm4b:s5+s24], $0x80, s31, s24, $0xb8;
	[tilespmem:$0x1D000] =	vst v63  }
0x13c: {  	_ =	swait.ge [sflag:s29], $0x4000  }
0x13d: {  	[sflag:s29] =	ssyncset.done $0x0  }
0x13e: {  	[sflag:s29] =	ssyncadd.s32 $0xFFFFC000  }
0x13f: {  	[spmem:s3] =	stream.indirect.scatter.add.f32 [tilespmem:s25], [sflag:$0x5], $0x80, s0, s24, $0xb8;
	[tilespmem:$0x1D000] =	vst v63  }
0x140: {  	_ =	swait.ge [sflag:s30], $0x4000  }
0x141: {  	[sflag:s30] =	ssyncset.done $0x0  }
0x142: {  	[sflag:s30] =	ssyncadd.s32 $0xFFFFC000  }
0x143: {  	[tilespmem:s25], [sflag:$0x3] =	stream.indirect.gather [hbm4b:s5+s24], $0x80, s1, s24, $0xb8;
	[tilespmem:$0x1D000] =	vst v63  }
0x144: {  	_ =	swait.ge [sflag:s26], $0x4000  }
0x145: {  	[sflag:s26] =	ssyncset.done $0x0  }
0x146: {  	[sflag:s26] =	ssyncadd.s32 $0xFFFFC000  }
0x147: {  	[spmem:s3] =	stream.indirect.scatter.add.f32 [tilespmem:s20], [sflag:$0x4], $0x80, s12, s24, $0xb8;
	[tilespmem:$0x1D000] =	vst v63  }
0x148: {  	_ =	swait.ge [sflag:s28], $0x4000  }
0x149: {  	[sflag:s28] =	ssyncset.done $0x0  }
0x14a: {  	[sflag:s28] =	ssyncadd.s32 $0xFFFFC000  }
0x14b: {  	[tilespmem:s20], [sflag:$0x2] =	stream.indirect.gather [hbm4b:s5+s24], $0x80, s13, s24, $0xb8;
	[tilespmem:$0x1D000] =	vst v63  }
0x14c: {  	_ =	swait.ge [sflag:s29], $0x4000  }
0x14d: {  	[sflag:s29] =	ssyncset.done $0x0  }
0x14e: {  	[sflag:s29] =	ssyncadd.s32 $0xFFFFC000  }
0x14f: {  	[spmem:s3] =	stream.indirect.scatter.add.f32 [tilespmem:s25], [sflag:$0x5], $0x80, s14, s24, $0xb8;
	[tilespmem:$0x1D000] =	vst v63  }
0x150: {  	_ =	swait.ge [sflag:s30], $0x4000  }
0x151: {  	[sflag:s30] =	ssyncset.done $0x0  }
0x152: {  	[sflag:s30] =	ssyncadd.s32 $0xFFFFC000  }
0x153: {  	[tilespmem:s25], [sflag:$0x3] =	stream.indirect.gather [hbm4b:s5+s24], $0x80, s15, s24, $0xb8;
	[tilespmem:$0x1D000] =	vst v63  }
0x154: {  	_ =	swait.ge [sflag:s26], $0x4000  }
0x155: {  	[sflag:s26] =	ssyncset.done $0x0  }
0x156: {  	s8 =	smov.u32 s19;
	[sflag:s26] =	ssyncadd.s32 $0xFFFFC000  }
0x157: {  	[spmem:s3] =	stream.indirect.scatter.add.f32 [tilespmem:s20], [sflag:$0x4], $0x80, s16, s24, $0xb8;
	[tilespmem:$0x1D000] =	vst v63  }
0x158: {  	p1 =	seq.s32 s8, $0xA0;
	_ =	swait.ge [sflag:s29], $0x4000  }
0x159: {  	s8 =	simm.s32 @p1 $0x0;
	s7 =	rddreg [dreg:$0x4]  }
0x15a: {  	s9 =	sadd.s32 s7, s8  }
0x15b: {  	[sflag:s29] =	ssyncset.done $0x0;
	s9 =	sshll.u32 s9, $0x4  }
0x15c: {  	[sflag:s29] =	ssyncadd.s32 $0xFFFFC000;
	s9 =	sadd.s32 s2, s9  }
0x15d: {  	[tilespmem:s4], [sflag:$0x1] =	stream.linear.gather [hbm4b:s9+s4], $0x800, $0x38;
	[tilespmem:$0x1D000] =	vst v63  }
0x15e: {  	_ = 	snop  }
0x15f: {  	[spmem:s3] =	stream.indirect.scatter.add.f32 [tilespmem:s25], [sflag:$0x5], $0x80, s17, s24, $0xb8;
	[tilespmem:$0x1D000] =	vst v63  }
0x160: {  	_ =	swait.ge [sflag:s28], $0x4000  }
0x161: {  	[sflag:s28] =	ssyncset.done $0x0  }
0x162: {  	p0 =	sne.s32 s19, $0xA0;
	[sflag:s28] =	ssyncadd.s32 $0xFFFFC000  }
.Ltmp1:
0x163: {  	_ =	swait.ge [sflag:s30], $0x4000;
	(pc) =	sbr.rel @p0 .LBB2_4-.Ltmp1, $4  }
0x164: {  	s7 =	rddreg [dreg:$0x5]  }
0x165: {  	s8 =	sadd.s32 s7, s8  }
0x166: {  	[sflag:s30] =	ssyncset.done $0x0;
	s8 =	sshll.u32 s8, $0x4  }
0x167: {  	s19 =	sadd.s32 $0x10, s19;
	[sflag:s30] =	ssyncadd.s32 $0xFFFFC000;
	s8 =	sadd.s32 s6, s8  }
0x168: {  	[tilespmem:s22], [sflag:$0x1] =	stream.linear.gather [hbm4b:s8+s4], $0x800, $0x38;
	[tilespmem:$0x1D000] =	vst v63  }
0x169: {  	_ =	swait.ge [sflag:s23], $0x800  }
0x16a: {  	[sflag:s23] =	ssyncset.done $0x0  }
0x16b: {  	[sflag:s23] =	ssyncadd.s32 $0xFFFFF800  }
0x16c: {  	_ =	swait.ge [sflag:s23], $0x800  }
0x16d: {  	[sflag:s23] =	ssyncset.done $0x0  }
0x16e: {  	[sflag:s23] =	ssyncadd.s32 $0xFFFFF800  }
0x16f: {  	s9 =	stileid.u32;
	[bflag:$0x0] =	sbarrier.arrive $0xFFFF  }
0x170: {  	s8 =	sshll.u32 s9, $0x6;
	s7 =	rddreg [dreg:$0x1a]  }
0x171: {  	s8 =	sor.u32 $0x1C06, s8;
	s19 =	rddreg [dreg:$0x1f];
	s9 =	sshrl.u32 s7, $0x3  }
0x172: {  	[hbm:s19], [sflag:s8] =	dma.local [spmem:s9], $0x800  }
0x173: {  	_ =	swait.ge [sflag:s21], $0x800  }
0x174: {  	s19 =	sld [smem:$0x7F9]  }
0x175: {  	[sflag:s21] =	ssyncset.done $0x0  }
0x176: {  	s7 =	sshrl.u32 s10, $0x3;
	[sflag:s21] =	ssyncadd.s32 $0xFFFFF800  }
0x177: {  	[hbm:s19], [sflag:s8] =	dma.local [spmem:s7], $0x800  }
0x178: {  	_ =	swait.ge [sflag:s21], $0x800  }
0x179: {  	s19 =	sld [smem:$0x7FA]  }
0x17a: {  	[sflag:s21] =	ssyncset.done $0x0  }
0x17b: {  	s7 =	sshrl.u32 s11, $0x3;
	[sflag:s21] =	ssyncadd.s32 $0xFFFFF800  }
0x17c: {  	[hbm:s19], [sflag:s8] =	dma.local [spmem:s7], $0x800  }
0x17d: {  	_ =	swait.ge [sflag:s21], $0x800  }
0x17e: {  	s19 =	rddreg [dreg:$0x1b]  }
0x17f: {  	s7 =	sshrl.u32 s19, $0x3;
	s19 =	sld [smem:$0x7FB]  }
0x180: {  	[sflag:s21] =	ssyncset.done $0x0  }
0x181: {  	[sflag:s21] =	ssyncadd.s32 $0xFFFFF800  }
0x182: {  	[hbm:s19], [sflag:s8] =	dma.local [spmem:s7], $0x800  }
0x183: {  	_ =	swait.ge [sflag:s21], $0x800  }
0x184: {  	s19 =	rddreg [dreg:$0x1c]  }
0x185: {  	s7 =	sshrl.u32 s19, $0x3;
	s19 =	sld [smem:$0x7FC]  }
0x186: {  	[sflag:s21] =	ssyncset.done $0x0  }
0x187: {  	[sflag:s21] =	ssyncadd.s32 $0xFFFFF800  }
0x188: {  	[hbm:s19], [sflag:s8] =	dma.local [spmem:s7], $0x800  }
0x189: {  	_ =	swait.ge [sflag:s21], $0x800  }
0x18a: {  	s19 =	sld [smem:$0x7FD];
	_ =	sdelay $0x1  }
0x18b: {  	s18 =	sadd.s32 $0x1, s18  }
0x18c: {  	p0 =	sne.s32 s18, s19  }
.Ltmp2:
0x18d: {  	_ = 	snop;
	(pc) =	sbr.rel @p0 .LBB2_1-.Ltmp2, $3  }
0x18e: {  	_ =	sdelay $0x1  }
0x18f: {  	[sflag:s21] =	ssyncset.done $0x0  }
0x190: {  	[sflag:s21] =	ssyncadd.s32 $0xFFFFF800  }
0x191: {  	_ =	sfence.sel $0x180000  }
0x192: {  	[bflag:$0x0] =	sbarrier.arrive $0xFFFF  }
0x193: {  	_ =	strace $0x9000004D  }
0x194: {  	s0 =	stileid.u32;
	[bflag:$0x2] =	sbarrier.arrive $0xFFFF  }
0x195: {  	p0 =	sne.s32 s0, $0x0;
	s0 =	rddreg [dreg:$0x3]  }
0x196: {  	s0 =	sadd.s32 @!p0 $0x100000, s0  }
0x197: {  	[sflag:s0] =	ssyncadd.tile.s32 @!p0 $0x1;
	_ =	shalt  }
.Lfunc_end2:
_tile_overlayer_lowered:
.L_overlay_start_2:
0x198: {  	(tag) =	ssettag $0x2  }
0x199: {  	s0 =	rddreg [dreg:$0x0];
	s2 =	stileid.u32  }
0x19a: {  	s1 =	rddreg [dreg:$0x1];
	p0 =	sne.s32 s2, $0x0  }
0x19b: {  	s3 =	rddreg [dreg:$0x2];
	[bflag:$0x3] =	sbarrier.arrive $0xFFFF;
	s2 =	simm.s32 @!p0 $0x1C06  }
0x19c: {  	[timem:s3], [sflag:s2] =	dma.local @!p0 [hbm:s0], s1  }
0x19d: {  	s0 =	simm.s32 @!p0 $0x6  }
0x19e: {  	_ =	swait.ge @!p0 [sflag:s0], s1  }
0x19f: {  	s1 =	ssub.s32 @!p0 $0x0, s1;
	[sflag:s0] =	ssyncset.done @!p0 $0x0  }
0x1a0: {  	[sflag:s0] =	ssyncadd.s32 @!p0 s1  }
0x1a1: {  	[bflag:$0x3] =	sbarrier.arrive $0xFFFF  }
0x1a2: {  	_ =	shalt  }

// kernel: kernel.8.cloned.1.call-start
scs
__scs_entry_jumppad:
0x0: {  	(pc) =	sbr.rel $0x88, $3  }
0x1: {  	(tag) =	ssettag $0x0;
	lr =	simm.s32 $0x1  }
0x2: {  	[smem:$0x3F99] =	sst lr;
	_ =	strace $0xD0000000  }
0x3: {  	_ = 	snop  }
0x4: {  	_ = 	snop  }
0x5: {  	_ = 	snop  }
0x6: {  	_ = 	snop  }
0x7: {  	_ = 	snop  }
__scs_overlays_trampoline_lowered:
0x8: {  	[smem:$0x3FA8] =	sst s0  }
0x9: {  	[smem:$0x3FA9] =	sst s1  }
0xa: {  	[smem:$0x3FAA] =	sst s2  }
0xb: {  	[smem:$0x3FAB] =	sst s3  }
0xc: {  	[smem:$0x3FAC] =	sst s4  }
0xd: {  	[smem:$0x3FAD] =	sst s5  }
0xe: {  	[smem:$0x3FAE] =	sst s6  }
0xf: {  	[smem:$0x3FAF] =	sst s7  }
0x10: {  	[smem:$0x3FB0] =	sst s8  }
0x11: {  	[smem:$0x3FB1] =	sst s9;
	s0 =	simm.s32 @!p0 $0x0  }
0x12: {  	s1 =	sld [smem:$0x3F97];
	s0 =	simm.s32 @p0 $0x1  }
0x13: {  	[smem:$0x3FB2] =	sst s0;
	s0 =	simm.s32 @!p1 $0x0  }
0x14: {  	s2 =	sld [smem:$0x3F96];
	s0 =	simm.s32 @p1 $0x1  }
0x15: {  	[smem:$0x3FB3] =	sst s0;
	s0 =	simm.s32 @!p2 $0x0  }
0x16: {  	s3 =	sld [smem:$0x3FDB];
	s0 =	simm.s32 @p2 $0x1  }
0x17: {  	s4 =	simm.s32 $0x1BF5;
	[smem:$0x3FB5] =	sst s0  }
0x18: {  	s0 =	sld [smem:$0x3F98];
	_ =	swait.ge [sflag:s4], $0x0  }
0x19: {  	s7 =	sld [smem:$0x3F99]  }
0x1a: {  	s8 =	sadd.s32 $0xFFFFE003, lr  }
0x1b: {  	s9 =	sadd.s32 $0xFFFFFEF7, lr;
	s5 =	simm.s32 $0xFFFFFFFF;
	p2 =	slt.u32 s8, $0xFFFFF086  }
0x1c: {  	p1 =	slt.u32 s9, $0xF7A;
	s5 =	simm.s32 @!p2 $0x0  }
0x1d: {  	s5 =	simm.s32 @p1 $0x1;
	p0 =	seq.s32 s7, s2  }
0x1e: {  	s7 =	smul.u32 @!p0 $0xF7A, s2;
	p2 =	seq.s32 @!p0 s5, $0x0  }
0x1f: {  	s9 =	smul.u32 $0xF7A, s1;
	s8 =	simm.s32 @!p0 $0x1BF5;
	p2 =	por !p2, p0  }
0x20: {  	[sflag:s8] =	ssyncset.s32 @!p0 $0xFFFFF086;
	s6 =	sadd.s32 @!p0 s3, s7;
	s7 =	simm.s32 @!p0 $0x108  }
0x21: {  	s3 =	sadd.s32 s3, s9;
	s6 =	sadd.s32 @!p0 $0x88, s6;
	s7 =	simm.s32 @p2 $0x1082  }
0x22: {  	[simem:s7], [sflag:s8] =	dma.local @!p0 [hbm:s6], $0xF7A  }
0x23: {  	s9 =	sor.u32 $0xD0000000, s2;
	s6 =	simm.s32 $0x108;
	_ =	swait.ge @!p0 [sflag:s8], $0x0  }
0x24: {  	s3 =	sadd.s32 $0x88, s3;
	s6 =	simm.s32 @!p1 $0x1082;
	[sflag:s4] =	ssyncset.s32 $0xFFFFF086  }
0x25: {  	[simem:s6], [sflag:s4] =	dma.local [hbm:s3], $0xF7A  }
0x26: {  	[smem:$0x3F99] =	sst s1;
	(tag) =	ssettag s2;
	_ =	strace s9  }
0x27: {  	s1 =	sld [smem:$0x3FA9]  }
0x28: {  	s2 =	sld [smem:$0x3FAA]  }
0x29: {  	s4 =	sld [smem:$0x3FAC]  }
0x2a: {  	p0 =	seq.s32 s5, $0x0;
	s5 =	sld [smem:$0x3FAD]  }
0x2b: {  	s6 =	sld [smem:$0x3FAE]  }
0x2c: {  	s7 =	sld [smem:$0x3FAF]  }
0x2d: {  	s3 =	simm.s32 $0x108;
	s8 =	sld [smem:$0x3FB0]  }
0x2e: {  	s3 =	simm.s32 @!p0 $0x1082;
	s9 =	sld [smem:$0x3FB1]  }
0x2f: {  	lr =	sadd.s32 s0, s3;
	s0 =	sld [smem:$0x3FA8]  }
0x30: {  	s3 =	sld [smem:$0x3FAB]  }
0x31: {  	[smem:$0x3FB4] =	sst s10  }
0x32: {  	s10 =	sld [smem:$0x3FB2];
	_ =	sdelay $0x3  }
0x33: {  	p0 =	seq.s32 s10, $0x1;
	s10 =	sld [smem:$0x3FB4];
	_ =	sdelay $0x3  }
0x34: {  	[smem:$0x3FB4] =	sst s10  }
0x35: {  	s10 =	sld [smem:$0x3FB3];
	_ =	sdelay $0x3  }
0x36: {  	p1 =	seq.s32 s10, $0x1;
	s10 =	sld [smem:$0x3FB4];
	_ =	sdelay $0x3  }
0x37: {  	[smem:$0x3FB4] =	sst s10  }
0x38: {  	s10 =	sld [smem:$0x3FB5]  }
0x39: {  	_ = 	snop;
	(pc) =	sbr.ind lr, $3  }
0x3a: {  	_ = 	snop  }
0x3b: {  	_ = 	snop  }
0x3c: {  	p2 =	seq.s32 s10, $0x1;
	s10 =	sld [smem:$0x3FB4]  }
0x3d: {  	_ =	shalt  }
0x3e: {  	_ =	shalt  }
0x3f: {  	_ =	shalt  }
0x40: {  	_ =	shalt  }
0x41: {  	_ =	shalt  }
0x42: {  	_ =	shalt  }
0x43: {  	_ =	shalt  }
0x44: {  	_ =	shalt  }
0x45: {  	_ =	shalt  }
0x46: {  	_ =	shalt  }
0x47: {  	_ =	shalt  }
0x48: {  	_ =	shalt  }
0x49: {  	_ =	shalt  }
0x4a: {  	_ =	shalt  }
0x4b: {  	_ =	shalt  }
0x4c: {  	_ =	shalt  }
0x4d: {  	_ =	shalt  }
0x4e: {  	_ =	shalt  }
0x4f: {  	_ =	shalt  }
0x50: {  	_ =	shalt  }
0x51: {  	_ =	shalt  }
0x52: {  	_ =	shalt  }
0x53: {  	_ =	shalt  }
0x54: {  	_ =	shalt  }
0x55: {  	_ =	shalt  }
0x56: {  	_ =	shalt  }
0x57: {  	_ =	shalt  }
0x58: {  	_ =	shalt  }
0x59: {  	_ =	shalt  }
0x5a: {  	_ =	shalt  }
0x5b: {  	_ =	shalt  }
0x5c: {  	_ =	shalt  }
0x5d: {  	_ =	shalt  }
0x5e: {  	_ =	shalt  }
0x5f: {  	_ =	shalt  }
0x60: {  	_ =	shalt  }
0x61: {  	_ =	shalt  }
0x62: {  	_ =	shalt  }
0x63: {  	_ =	shalt  }
0x64: {  	_ =	shalt  }
0x65: {  	_ =	shalt  }
0x66: {  	_ =	shalt  }
0x67: {  	_ =	shalt  }
0x68: {  	_ =	shalt  }
0x69: {  	_ =	shalt  }
0x6a: {  	_ =	shalt  }
0x6b: {  	_ =	shalt  }
0x6c: {  	_ =	shalt  }
0x6d: {  	_ =	shalt  }
0x6e: {  	_ =	shalt  }
0x6f: {  	_ =	shalt  }
0x70: {  	_ =	shalt  }
0x71: {  	_ =	shalt  }
0x72: {  	_ =	shalt  }
0x73: {  	_ =	shalt  }
0x74: {  	_ =	shalt  }
0x75: {  	_ =	shalt  }
0x76: {  	_ =	shalt  }
0x77: {  	_ =	shalt  }
0x78: {  	_ =	shalt  }
0x79: {  	_ =	shalt  }
0x7a: {  	_ =	shalt  }
0x7b: {  	_ =	shalt  }
0x7c: {  	_ =	shalt  }
0x7d: {  	_ =	shalt  }
0x7e: {  	_ =	shalt  }
0x7f: {  	_ =	shalt  }
0x80: {  	_ =	shalt  }
0x81: {  	_ =	shalt  }
0x82: {  	_ =	shalt  }
0x83: {  	_ =	shalt  }
0x84: {  	_ =	shalt  }
0x85: {  	_ =	shalt  }
0x86: {  	_ =	shalt  }
0x87: {  	_ =	shalt  }
.Lfunc_end0:
.L_simem_size_0:
called_computation_lowered:
.L_overlay_start_0:
0x88: {  	s2 =	sld [smem:$0x3FD9]  }
0x89: {  	s3 =	sld [smem:$0x3FFE];
	_ =	sdelay $0x1  }
0x8a: {  	s1 =	srdreg.scid  }
0x8b: {  	s0 =	sand.u32 $0x1, s1  }
0x8c: {  	s16 =	sshll.u32 s0, $0xA;
	s2 =	sadd.s32 s3, s2  }
0x8d: {  	s2 =	sadd.s32 s2, s16  }
0x8e: {  	[smem:$0x3FC0] =	sst s2  }
0x8f: {  	_ = 	snop  }
0x90: {  	(tm) =	ssettm $0x1  }
0x91: {  	s17 =	sld [smem:$0x3FFB];
	_ =	sdelay $0x3  }
0x92: {  	_ =	strace s17  }
0x93: {  	s2 =	sld [smem:$0x3FFC];
	_ =	sdelay $0x3  }
0x94: {  	_ =	strace s2  }
0x95: {  	s2 =	sld [smem:$0x3FFD];
	_ =	sdelay $0x3  }
0x96: {  	_ =	strace s2  }
0x97: {  	_ =	strace $0x8FFFFFFF  }
0x98: {  	s18 =	sld [smem:$0x3FDB];
	_ =	sdelay $0x1  }
0x99: {  	s19 =	simm.s32 $_scs_section_size  }
0x9a: {  	s4 =	simm.s32 $_size__tile_overlayer_lowered;
	s5 =	simm.s32 $_tile_overlayer_lowered  }
0x9b: {  	s22 =	simm.s32 $0x1BFF;
	s21 =	sshll.u32 s5, $0x1;
	s2 =	sadd.s32 s19, s18  }
0x9c: {  	s6 =	simm.s32 $0x0;
	s20 =	sshll.u32 s4, $0x1;
	s4 =	sadd.s32 s21, s2  }
0x9d: {  	[timem:s6], [sflag:s22] =	dma.local [hbm:s4], s20  }
0x9e: {  	_ =	swait.ge [sflag:s22], s20  }
0x9f: {  	s3 =	ssub.s32 $0x0, s20;
	[sflag:s22] =	ssyncset.done $0x0  }
0xa0: {  	[sflag:s22] =	ssyncadd.s32 s3;
	_ =	sdelay $0x1  }
0xa1: {  	s23 =	simm.s32 $0x1B8B  }
0xa2: {  	_ =	swait.ge [sflag:s23], $0x1  }
0xa3: {  	[sflag:s23] =	ssyncset.done $0x0  }
0xa4: {  	s25 =	simm.s32 $0x1B8E;
	s24 =	sld [smem:$0x3FFE];
	[sflag:s23] =	ssyncadd.s32 $0xFFFFFFFF  }
0xa5: {  	s26 =	simm.s32 $execute0_lowered;
	[smem:$0x3FD2] =	sst s25  }
0xa6: {  	s4 =	sshll.u32 s26, $0x1;
	_ =	strace $0x80000046;
	[dreg:$0x1] =	wrdreg $0xFFFFFFFF  }
0xa7: {  	s28 =	simm.s32 $_size_execute0_lowered;
	s2 =	sadd.s32 s2, s4;
	[dreg:$0x0] =	wrdreg $0x0  }
0xa8: {  	s4 =	sshll.u32 s28, $0x1;
	[dreg:$0x2] =	wrdreg s2  }
0xa9: {  	[dreg:$0x3] =	wrdreg s4  }
0xaa: {  	[dreg:$0x4] =	wrdreg $0xC0  }
0xab: {  	_ =	task [dreg:s6], $0x5FFFF  }
0xac: {  	[dreg:$0x1] =	wrdreg $0xFFFFFFFF  }
0xad: {  	[dreg:$0x0] =	wrdreg $0x60  }
0xae: {  	[dreg:$0x2] =	wrdreg s24  }
0xaf: {  	[dreg:$0x3] =	wrdreg $0x44000  }
0xb0: {  	[dreg:$0x4] =	wrdreg $0x9  }
0xb1: {  	_ =	task.clear_ibuf [dreg:s6], $0x5FFFF;
	_ =	strace $0x90000046  }
0xb2: {  	s29 =	simm.s32 $0x9;
	_ =	strace $0x80000048  }
0xb3: {  	_ =	swait.ge [sflag:s29], $0x1  }
0xb4: {  	[sflag:s29] =	ssyncadd.s32 $0xFFFFFFFF  }
0xb5: {  	_ =	strace $0x90000048  }
0xb6: {  	_ =	sfence  }
0xb7: {  	s30 =	sld [smem:$0x0];
	_ =	sdelay $0x2  }
0xb8: {  	s31 =	sshll.u32 s1, $0xD;
	s1 =	sshrl.u32 s1, $0x2  }
0xb9: {  	s3 =	sand.u32 $0x4000, s31;
	s1 =	sadd.s32 s1, s30  }
0xba: {  	s0 =	sor.u32 s3, s0;
	s1 =	sshll.u32 s1, $0x11  }
0xbb: {  	s0 =	sor.u32 s1, s0  }
0xbc: {  	s0 =	sadd.s32 $0x8F2B, s0  }
0xbd: {  	[sflag:s0] =	ssyncadd.remote.s32 $0x1  }
0xbe: {  	_ =	sfence.sel $0xFFFF  }
0xbf: {  	[dreg:$0x0] =	wrdreg $0xFFFFFFFF;
	(pc) =	sbr.abs _section_cstart, $3  }
0xc0: {  	[dreg:$0x1] =	wrdreg $0xFFFFFFFF  }
0xc1: {  	_ =	task.clear_ibuf [dreg:s6], $0x2FFFF;
	_ =	strace $0x9FFFFFFF  }
0xc2: {  	(tm) =	ssettm $0x7FFFFFFF  }
0xc3: {  	_ =	shalt  }
tec
execute0_lowered:
.L_overlay_start_1:
0x0: {  	(tag) =	ssettag $0x1  }
0x1: {  	s1 =	srdreg.scid;
	s5 =	rddreg [dreg:$0x0]  }
0x2: {  	s0 =	stileid.u32;
	s2 =	rddreg [dreg:$0x1];
	s3 =	simm.s32 $0x0  }
0x3: {  	s16 =	simm.s32 $0x400;
	s17 =	simm.s32 $0x2;
	s18 =	simm.s32 $0x80  }
0x4: {  	s19 =	simm.s32 $0x100;
	s20 =	simm.s32 $0x180;
	s6 =	smul.u32 $0xA0, s0  }
0x5: {  	s21 =	simm.s32 $0x200;
	s22 =	simm.s32 $0x280;
	s8 =	smul.u32 $0x280, s0  }
0x6: {  	s23 =	simm.s32 $0x300;
	s4 =	sand.u32 $0x1, s1;
	s9 =	smul.u32 $0x50000, s0  }
0x7: {  	s24 =	simm.s32 $0x380;
	s1 =	rddreg [dreg:$0x2];
	s7 =	smul.u32 $0x50, s4  }
0x8: {  	s25 =	simm.s32 $0x1;
	[smem:$0x7FF] =	sst s3;
	s26 =	smul.u32 $0x2800, s4  }
0x9: {  	_ =	strace $0x80000047;
	s29 =	ssub.s32 $0x2, s4;
	s30 =	sshrl.u32 s9, $0x2  }
0xa: {  	s31 =	sshrl.u32 s29, $0x1;
	s6 =	sadd.s32 s7, s6;
	s28 =	sadd.s32 s8, s26  }
0xb: {  	s4 =	sadd.s32 s30, s2;
	s14 =	ssub.s32 s29, s31;
	s26 =	simm.s32 $0x0  }
0xc: {  	s6 =	sshll.u32 s6, $0x4;
	s7 =	sadd.s32 $0xC000, s4;
	s8 =	sadd.s32 $0x10000, s4  }
0xd: {  	s14 =	smax.u32 s14, $0x1;
	s15 =	sadd.s32 s6, s5;
	s6 =	sshll.u32 s28, $0x4  }
0xe: {  	s13 =	sadd.s32 s6, s5;
	s5 =	sadd.s32 $0x4000, s4;
	s6 =	sadd.s32 $0x8000, s4  }
0xf: {  	s15 =	sadd.s32 $0x2000, s15;
	s9 =	sadd.s32 $0xC000, s13;
	s10 =	sadd.s32 $0xC800, s13  }
0x10: {  	v0 =	vimm.f32 $0.0e+00;
	v1 =	vimm.f32 $1.000000000e+00;
	s11 =	sadd.s32 $0xD000, s13;
	s12 =	sadd.s32 $0xD800, s13;
	s13 =	sadd.s32 $0xE000, s13  }
.LBB2_1:
0x11: {  	s28 =	sand.u32 $0xFE00, s3  }
0x12: {  	s29 =	sand.u32 $0x70, s3;
	s30 =	sshrl.u32 s28, $0x2  }
0x13: {  	s28 =	simm.s32 $0x40;
	s30 =	sor.u32 s29, s30;
	s29 =	simm.s32 $0x0  }
.LBB2_2:
0x14: {  	p0 =	sne.s32 s28, $0xFFC0  }
0x15: {  	[tilespmem:s30+$0x400] =	vst v0;
	s29 =	sadd.s32 $0x10, s29;
	s30 =	smov.u32 s28;
	s28 =	sadd.s32 $0x40, s28  }
.Ltmp0:
0x16: {  	(pc) =	sbr.rel @p0 .LBB2_2-.Ltmp0, $4  }
0x17: {  	_ = 	snop  }
0x18: {  	s30 =	sand.u32 $0xFE00, s30  }
0x19: {  	s31 =	sand.u32 $0x70, s29;
	s30 =	sshrl.u32 s30, $0x2  }
0x1a: {  	s30 =	sor.u32 s31, s30  }
0x1b: {  	[tilespmem:s30+$0x400] =	vst v0  }
0x1c: {  	[spmem:s4] =	stream.linear.scatter [tilespmem:s16], [sflag:$0x2], $0x4000, $0x38;
	[tilespmem:$0x18400] =	vst v63  }
0x1d: {  	_ =	swait.ge [sflag:s17], $0x4000  }
0x1e: {  	[sflag:s17] =	ssyncset.done $0x0  }
0x1f: {  	[sflag:s17] =	ssyncadd.s32 $0xFFFFC000  }
0x20: {  	[spmem:s5] =	stream.linear.scatter [tilespmem:s16], [sflag:$0x2], $0x4000, $0x38;
	[tilespmem:$0x18400] =	vst v63  }
0x21: {  	_ =	swait.ge [sflag:s17], $0x4000  }
0x22: {  	[sflag:s17] =	ssyncset.done $0x0  }
0x23: {  	[sflag:s17] =	ssyncadd.s32 $0xFFFFC000  }
0x24: {  	[spmem:s6] =	stream.linear.scatter [tilespmem:s16], [sflag:$0x2], $0x4000, $0x38;
	[tilespmem:$0x18400] =	vst v63  }
0x25: {  	_ =	swait.ge [sflag:s17], $0x4000  }
0x26: {  	[sflag:s17] =	ssyncset.done $0x0  }
0x27: {  	[sflag:s17] =	ssyncadd.s32 $0xFFFFC000  }
0x28: {  	[spmem:s7] =	stream.linear.scatter [tilespmem:s16], [sflag:$0x2], $0x4000, $0x38;
	[tilespmem:$0x18400] =	vst v63  }
0x29: {  	_ =	swait.ge [sflag:s17], $0x4000  }
0x2a: {  	[sflag:s17] =	ssyncset.done $0x0  }
0x2b: {  	[sflag:s17] =	ssyncadd.s32 $0xFFFFC000  }
0x2c: {  	[spmem:s8] =	stream.linear.scatter [tilespmem:s16], [sflag:$0x2], $0x4000, $0x38;
	[tilespmem:$0x18400] =	vst v63  }
0x2d: {  	s28 =	simm.s32 $0x0;
	_ =	swait.ge [sflag:s17], $0x4000  }
0x2e: {  	s29 =	sand.u32 $0xFE00, s28;
	[sflag:s17] =	ssyncset.done $0x0  }
0x2f: {  	s30 =	sand.u32 $0x70, s28;
	s31 =	sshrl.u32 s29, $0x2;
	[sflag:s17] =	ssyncadd.s32 $0xFFFFC000  }
0x30: {  	s29 =	simm.s32 $0x40;
	s30 =	sor.u32 s30, s31;
	[bflag:$0x0] =	sbarrier.arrive $0xFFFF  }
.LBB2_4:
0x31: {  	p0 =	sne.s32 s29, $0xFFC0  }
0x32: {  	[tilespmem:s30+$0x400] =	vst v1;
	s28 =	sadd.s32 $0x10, s28;
	s30 =	smov.u32 s29;
	s29 =	sadd.s32 $0x40, s29  }
.Ltmp1:
0x33: {  	(pc) =	sbr.rel @p0 .LBB2_4-.Ltmp1, $4  }
0x34: {  	_ = 	snop  }
0x35: {  	s30 =	sand.u32 $0xFE00, s30  }
0x36: {  	s31 =	sand.u32 $0x70, s28;
	s30 =	sshrl.u32 s30, $0x2  }
0x37: {  	s30 =	sor.u32 s31, s30  }
0x38: {  	[tilespmem:s30+$0x400] =	vst v1;
	s28 =	sadd.s32 $0x0, s15  }
0x39: {  	[tilespmem:s3], [sflag:$0x2] =	stream.linear.gather [hbm4b:s28+s3], $0x400, $0x38;
	[tilespmem:$0x18400] =	vst v63  }
0x3a: {  	_ =	swait.ge [sflag:s17], $0x400  }
0x3b: {  	[sflag:s17] =	ssyncset.done $0x0  }
0x3c: {  	[sflag:s17] =	ssyncadd.s32 $0xFFFFFC00  }
0x3d: {  	[spmem:s2] =	stream.indirect.scatter.add.f32 [tilespmem:s16], [sflag:$0x1], $0x80, s3, s18, $0xb8;
	[tilespmem:$0x18400] =	vst v63  }
0x3e: {  	_ = 	snop  }
0x3f: {  	[spmem:s2] =	stream.indirect.scatter.add.f32 [tilespmem:s16], [sflag:$0x1], $0x80, s18, s18, $0xb8;
	[tilespmem:$0x18400] =	vst v63  }
0x40: {  	_ = 	snop  }
0x41: {  	[spmem:s2] =	stream.indirect.scatter.add.f32 [tilespmem:s16], [sflag:$0x1], $0x80, s19, s18, $0xb8;
	[tilespmem:$0x18400] =	vst v63  }
0x42: {  	_ = 	snop  }
0x43: {  	[spmem:s2] =	stream.indirect.scatter.add.f32 [tilespmem:s16], [sflag:$0x1], $0x80, s20, s18, $0xb8;
	[tilespmem:$0x18400] =	vst v63  }
0x44: {  	_ = 	snop  }
0x45: {  	[spmem:s2] =	stream.indirect.scatter.add.f32 [tilespmem:s16], [sflag:$0x1], $0x80, s21, s18, $0xb8;
	[tilespmem:$0x18400] =	vst v63  }
0x46: {  	_ = 	snop  }
0x47: {  	[spmem:s2] =	stream.indirect.scatter.add.f32 [tilespmem:s16], [sflag:$0x1], $0x80, s22, s18, $0xb8;
	[tilespmem:$0x18400] =	vst v63  }
0x48: {  	_ = 	snop  }
0x49: {  	[spmem:s2] =	stream.indirect.scatter.add.f32 [tilespmem:s16], [sflag:$0x1], $0x80, s23, s18, $0xb8;
	[tilespmem:$0x18400] =	vst v63  }
0x4a: {  	_ = 	snop  }
0x4b: {  	[spmem:s2] =	stream.indirect.scatter.add.f32 [tilespmem:s16], [sflag:$0x1], $0x80, s24, s18, $0xb8;
	[tilespmem:$0x18400] =	vst v63  }
0x4c: {  	_ =	swait.ge [sflag:s25], $0x4000  }
0x4d: {  	[sflag:s25] =	ssyncset.done $0x0  }
0x4e: {  	[sflag:s25] =	ssyncadd.s32 $0xFFFFC000  }
0x4f: {  	_ =	swait.ge [sflag:s25], $0x4000  }
0x50: {  	[sflag:s25] =	ssyncset.done $0x0  }
0x51: {  	[sflag:s25] =	ssyncadd.s32 $0xFFFFC000  }
0x52: {  	_ =	swait.ge [sflag:s25], $0x4000  }
0x53: {  	[sflag:s25] =	ssyncset.done $0x0  }
0x54: {  	[sflag:s25] =	ssyncadd.s32 $0xFFFFC000  }
0x55: {  	_ =	swait.ge [sflag:s25], $0x4000  }
0x56: {  	[sflag:s25] =	ssyncset.done $0x0  }
0x57: {  	[sflag:s25] =	ssyncadd.s32 $0xFFFFC000  }
0x58: {  	_ =	swait.ge [sflag:s25], $0x4000  }
0x59: {  	[sflag:s25] =	ssyncset.done $0x0  }
0x5a: {  	[sflag:s25] =	ssyncadd.s32 $0xFFFFC000  }
0x5b: {  	_ =	swait.ge [sflag:s25], $0x4000  }
0x5c: {  	[sflag:s25] =	ssyncset.done $0x0  }
0x5d: {  	[sflag:s25] =	ssyncadd.s32 $0xFFFFC000  }
0x5e: {  	_ =	swait.ge [sflag:s25], $0x4000  }
0x5f: {  	[sflag:s25] =	ssyncset.done $0x0  }
0x60: {  	[sflag:s25] =	ssyncadd.s32 $0xFFFFC000  }
0x61: {  	_ =	swait.ge [sflag:s25], $0x4000  }
0x62: {  	s30 =	simm.s32 $0x100;
	s28 =	simm.s32 $0x80;
	[sflag:s25] =	ssyncset.done $0x0  }
.LBB2_6:
0x63: {  	s31 =	sadd.s32 s28, s15  }
0x64: {  	[sflag:s25] =	ssyncadd.s32 $0xFFFFC000;
	s28 =	smov.u32 s30;
	s29 =	sadd.s32 $0x80, s30  }
0x65: {  	[tilespmem:s3], [sflag:$0x2] =	stream.linear.gather [hbm4b:s31+s3], $0x400, $0x38;
	[tilespmem:$0x18400] =	vst v63  }
0x66: {  	p0 =	sne.s32 s30, $0x480;
	_ =	swait.ge [sflag:s17], $0x400  }
0x67: {  	[sflag:s17] =	ssyncset.done $0x0  }
0x68: {  	[sflag:s17] =	ssyncadd.s32 $0xFFFFFC00  }
0x69: {  	[spmem:s2] =	stream.indirect.scatter.add.f32 [tilespmem:s16], [sflag:$0x1], $0x80, s3, s18, $0xb8;
	[tilespmem:$0x18400] =	vst v63  }
0x6a: {  	_ = 	snop  }
0x6b: {  	[spmem:s2] =	stream.indirect.scatter.add.f32 [tilespmem:s16], [sflag:$0x1], $0x80, s18, s18, $0xb8;
	[tilespmem:$0x18400] =	vst v63  }
0x6c: {  	_ = 	snop  }
0x6d: {  	[spmem:s2] =	stream.indirect.scatter.add.f32 [tilespmem:s16], [sflag:$0x1], $0x80, s19, s18, $0xb8;
	[tilespmem:$0x18400] =	vst v63  }
0x6e: {  	_ = 	snop  }
0x6f: {  	[spmem:s2] =	stream.indirect.scatter.add.f32 [tilespmem:s16], [sflag:$0x1], $0x80, s20, s18, $0xb8;
	[tilespmem:$0x18400] =	vst v63  }
0x70: {  	_ = 	snop  }
0x71: {  	[spmem:s2] =	stream.indirect.scatter.add.f32 [tilespmem:s16], [sflag:$0x1], $0x80, s21, s18, $0xb8;
	[tilespmem:$0x18400] =	vst v63  }
0x72: {  	_ = 	snop  }
0x73: {  	[spmem:s2] =	stream.indirect.scatter.add.f32 [tilespmem:s16], [sflag:$0x1], $0x80, s22, s18, $0xb8;
	[tilespmem:$0x18400] =	vst v63  }
0x74: {  	_ = 	snop  }
0x75: {  	[spmem:s2] =	stream.indirect.scatter.add.f32 [tilespmem:s16], [sflag:$0x1], $0x80, s23, s18, $0xb8;
	[tilespmem:$0x18400] =	vst v63  }
0x76: {  	_ = 	snop  }
0x77: {  	[spmem:s2] =	stream.indirect.scatter.add.f32 [tilespmem:s16], [sflag:$0x1], $0x80, s24, s18, $0xb8;
	[tilespmem:$0x18400] =	vst v63  }
0x78: {  	_ =	swait.ge [sflag:s25], $0x4000  }
0x79: {  	[sflag:s25] =	ssyncset.done $0x0  }
0x7a: {  	[sflag:s25] =	ssyncadd.s32 $0xFFFFC000  }
0x7b: {  	_ =	swait.ge [sflag:s25], $0x4000  }
0x7c: {  	[sflag:s25] =	ssyncset.done $0x0  }
0x7d: {  	[sflag:s25] =	ssyncadd.s32 $0xFFFFC000  }
0x7e: {  	_ =	swait.ge [sflag:s25], $0x4000  }
0x7f: {  	[sflag:s25] =	ssyncset.done $0x0  }
0x80: {  	[sflag:s25] =	ssyncadd.s32 $0xFFFFC000  }
0x81: {  	_ =	swait.ge [sflag:s25], $0x4000  }
0x82: {  	[sflag:s25] =	ssyncset.done $0x0  }
0x83: {  	[sflag:s25] =	ssyncadd.s32 $0xFFFFC000  }
0x84: {  	_ =	swait.ge [sflag:s25], $0x4000  }
0x85: {  	[sflag:s25] =	ssyncset.done $0x0  }
0x86: {  	[sflag:s25] =	ssyncadd.s32 $0xFFFFC000  }
0x87: {  	_ =	swait.ge [sflag:s25], $0x4000  }
0x88: {  	[sflag:s25] =	ssyncset.done $0x0  }
0x89: {  	[sflag:s25] =	ssyncadd.s32 $0xFFFFC000  }
.Ltmp2:
0x8a: {  	_ =	swait.ge [sflag:s25], $0x4000;
	(pc) =	sbr.rel @p0 .LBB2_6-.Ltmp2, $4  }
0x8b: {  	[sflag:s25] =	ssyncset.done $0x0  }
0x8c: {  	[sflag:s25] =	ssyncadd.s32 $0xFFFFC000  }
0x8d: {  	_ =	swait.ge [sflag:s25], $0x4000  }
0x8e: {  	s30 =	smov.u32 s29;
	[sflag:s25] =	ssyncset.done $0x0  }
0x8f: {  	s28 =	sadd.s32 s28, s15;
	[sflag:s25] =	ssyncadd.s32 $0xFFFFC000  }
0x90: {  	[tilespmem:s3], [sflag:$0x2] =	stream.linear.gather [hbm4b:s28+s3], $0x400, $0x38;
	[tilespmem:$0x18400] =	vst v63  }
0x91: {  	_ =	swait.ge [sflag:s17], $0x400  }
0x92: {  	[sflag:s17] =	ssyncset.done $0x0  }
0x93: {  	[sflag:s17] =	ssyncadd.s32 $0xFFFFFC00  }
0x94: {  	[spmem:s2] =	stream.indirect.scatter.add.f32 [tilespmem:s16], [sflag:$0x1], $0x80, s3, s18, $0xb8;
	[tilespmem:$0x18400] =	vst v63  }
0x95: {  	_ = 	snop  }
0x96: {  	[spmem:s2] =	stream.indirect.scatter.add.f32 [tilespmem:s16], [sflag:$0x1], $0x80, s18, s18, $0xb8;
	[tilespmem:$0x18400] =	vst v63  }
0x97: {  	_ = 	snop  }
0x98: {  	[spmem:s2] =	stream.indirect.scatter.add.f32 [tilespmem:s16], [sflag:$0x1], $0x80, s19, s18, $0xb8;
	[tilespmem:$0x18400] =	vst v63  }
0x99: {  	_ = 	snop  }
0x9a: {  	[spmem:s2] =	stream.indirect.scatter.add.f32 [tilespmem:s16], [sflag:$0x1], $0x80, s20, s18, $0xb8;
	[tilespmem:$0x18400] =	vst v63  }
0x9b: {  	_ = 	snop  }
0x9c: {  	[spmem:s2] =	stream.indirect.scatter.add.f32 [tilespmem:s16], [sflag:$0x1], $0x80, s21, s18, $0xb8;
	[tilespmem:$0x18400] =	vst v63  }
0x9d: {  	_ = 	snop  }
0x9e: {  	[spmem:s2] =	stream.indirect.scatter.add.f32 [tilespmem:s16], [sflag:$0x1], $0x80, s22, s18, $0xb8;
	[tilespmem:$0x18400] =	vst v63  }
0x9f: {  	_ = 	snop  }
0xa0: {  	[spmem:s2] =	stream.indirect.scatter.add.f32 [tilespmem:s16], [sflag:$0x1], $0x80, s23, s18, $0xb8;
	[tilespmem:$0x18400] =	vst v63  }
0xa1: {  	_ = 	snop  }
0xa2: {  	[spmem:s2] =	stream.indirect.scatter.add.f32 [tilespmem:s16], [sflag:$0x1], $0x80, s24, s18, $0xb8;
	[tilespmem:$0x18400] =	vst v63  }
0xa3: {  	_ =	swait.ge [sflag:s25], $0x4000  }
0xa4: {  	[sflag:s25] =	ssyncset.done $0x0  }
0xa5: {  	[sflag:s25] =	ssyncadd.s32 $0xFFFFC000  }
0xa6: {  	_ =	swait.ge [sflag:s25], $0x4000  }
0xa7: {  	[sflag:s25] =	ssyncset.done $0x0  }
0xa8: {  	[sflag:s25] =	ssyncadd.s32 $0xFFFFC000  }
0xa9: {  	_ =	swait.ge [sflag:s25], $0x4000  }
0xaa: {  	[sflag:s25] =	ssyncset.done $0x0  }
0xab: {  	[sflag:s25] =	ssyncadd.s32 $0xFFFFC000  }
0xac: {  	_ =	swait.ge [sflag:s25], $0x4000  }
0xad: {  	[sflag:s25] =	ssyncset.done $0x0  }
0xae: {  	[sflag:s25] =	ssyncadd.s32 $0xFFFFC000  }
0xaf: {  	_ =	swait.ge [sflag:s25], $0x4000  }
0xb0: {  	[sflag:s25] =	ssyncset.done $0x0  }
0xb1: {  	[sflag:s25] =	ssyncadd.s32 $0xFFFFC000  }
0xb2: {  	_ =	swait.ge [sflag:s25], $0x4000  }
0xb3: {  	[sflag:s25] =	ssyncset.done $0x0  }
0xb4: {  	[sflag:s25] =	ssyncadd.s32 $0xFFFFC000  }
0xb5: {  	_ =	swait.ge [sflag:s25], $0x4000  }
0xb6: {  	[sflag:s25] =	ssyncset.done $0x0  }
0xb7: {  	[sflag:s25] =	ssyncadd.s32 $0xFFFFC000  }
0xb8: {  	_ =	swait.ge [sflag:s25], $0x4000  }
0xb9: {  	[sflag:s25] =	ssyncset.done $0x0  }
0xba: {  	s29 =	sshll.u32 s0, $0x6;
	[sflag:s25] =	ssyncadd.s32 $0xFFFFC000  }
0xbb: {  	s28 =	sor.u32 $0x1C02, s29;
	s29 =	sshrl.u32 s4, $0x3;
	[bflag:$0x0] =	sbarrier.arrive $0xFFFF  }
0xbc: {  	[hbm:s9], [sflag:s28] =	dma.local [spmem:s29], $0x800  }
0xbd: {  	_ =	swait.ge [sflag:s17], $0x800  }
0xbe: {  	[sflag:s17] =	ssyncset.done $0x0  }
0xbf: {  	s30 =	sshrl.u32 s5, $0x3;
	[sflag:s17] =	ssyncadd.s32 $0xFFFFF800  }
0xc0: {  	[hbm:s10], [sflag:s28] =	dma.local [spmem:s30], $0x800  }
0xc1: {  	_ =	swait.ge [sflag:s17], $0x800  }
0xc2: {  	[sflag:s17] =	ssyncset.done $0x0  }
0xc3: {  	s31 =	sshrl.u32 s6, $0x3;
	[sflag:s17] =	ssyncadd.s32 $0xFFFFF800  }
0xc4: {  	[hbm:s11], [sflag:s28] =	dma.local [spmem:s31], $0x800  }
0xc5: {  	_ =	swait.ge [sflag:s17], $0x800  }
0xc6: {  	[sflag:s17] =	ssyncset.done $0x0  }
0xc7: {  	s30 =	sshrl.u32 s7, $0x3;
	[sflag:s17] =	ssyncadd.s32 $0xFFFFF800  }
0xc8: {  	[hbm:s12], [sflag:s28] =	dma.local [spmem:s30], $0x800  }
0xc9: {  	s26 =	sadd.s32 $0x1, s26;
	_ =	swait.ge [sflag:s17], $0x800  }
0xca: {  	p0 =	sne.s32 s26, s14;
	[sflag:s17] =	ssyncset.done $0x0  }
.Ltmp3:
0xcb: {  	s31 =	sshrl.u32 s8, $0x3;
	[sflag:s17] =	ssyncadd.s32 $0xFFFFF800;
	(pc) =	sbr.rel @p0 .LBB2_1-.Ltmp3, $4  }
0xcc: {  	[hbm:s13], [sflag:s28] =	dma.local [spmem:s31], $0x800  }
0xcd: {  	_ =	swait.ge [sflag:s17], $0x800  }
0xce: {  	[sflag:s17] =	ssyncset.done $0x0  }
0xcf: {  	[sflag:s17] =	ssyncadd.s32 $0xFFFFF800  }
0xd0: {  	_ =	sfence.sel $0x180000  }
0xd1: {  	[bflag:$0x0] =	sbarrier.arrive $0xFFFF  }
0xd2: {  	p0 =	sne.s32 s0, $0x0;
	_ =	strace $0x90000047  }
0xd3: {  	s0 =	sadd.s32 @!p0 $0x100000, s1;
	[bflag:$0x2] =	sbarrier.arrive $0xFFFF  }
0xd4: {  	[sflag:s0] =	ssyncadd.tile.s32 @!p0 $0x1;
	_ =	shalt  }
.Lfunc_end2:
_tile_overlayer_lowered:
.L_overlay_start_2:
0xd5: {  	(tag) =	ssettag $0x2  }
0xd6: {  	s0 =	rddreg [dreg:$0x0];
	s2 =	stileid.u32  }
0xd7: {  	s1 =	rddreg [dreg:$0x1];
	p0 =	sne.s32 s2, $0x0  }
0xd8: {  	s3 =	rddreg [dreg:$0x2];
	[bflag:$0x3] =	sbarrier.arrive $0xFFFF;
	s2 =	simm.s32 @!p0 $0x1C02  }
0xd9: {  	[timem:s3], [sflag:s2] =	dma.local @!p0 [hbm:s0], s1  }
0xda: {  	s0 =	simm.s32 @!p0 $0x2  }
0xdb: {  	_ =	swait.ge @!p0 [sflag:s0], s1  }
0xdc: {  	s1 =	ssub.s32 @!p0 $0x0, s1;
	[sflag:s0] =	ssyncset.done @!p0 $0x0  }
0xdd: {  	[sflag:s0] =	ssyncadd.s32 @!p0 s1  }
0xde: {  	[bflag:$0x3] =	sbarrier.arrive $0xFFFF  }
0xdf: {  	_ =	shalt  }

</sc_bundles>
